<compile_context>
chip_gen: v7x
topology: tpu7x:2x2x1
jax: 0.10.2.dev20260603
libtpu: 0.0.44.dev20260713+nightly
codegen_flags: <defaults>
</compile_context>

<pallas_src>
import functools

import jax
import jax.numpy as jnp
from jax import lax
from jax.experimental import pallas as pl
from jax.experimental.pallas import tpu as pltpu
from jax.experimental.pallas import tpu_sc as plsc

N = 10000
E = 320000
D = 128
R = 20
B = 20
EPS = 1e-5

NC, NS = 2, 16
NW = NC * NS
EPW = E // NW
G = 80
CH = 128
PH = 2
UN = CH // PH
CPG = UN * G
NPS = 632
NPAD = NPS * NS
PADN = CH * G - EPW


def _transform_body(comp_ref, h_ref, v_ref, y_ref):
    r = pl.program_id(0)
    w = jnp.zeros((D, D), jnp.float32)
    for b in range(B):
        w = w + comp_ref[r, b] * v_ref[b]
    y_ref[...] = jnp.dot(h_ref[...], w, preferred_element_type=jnp.float32)


def _transform(comp, h, v):
    return pl.pallas_call(
        _transform_body,
        grid=(R,),
        in_specs=[
            pl.BlockSpec(memory_space=pltpu.SMEM),
            pl.BlockSpec((N, D), lambda r: (0, 0)),
            pl.BlockSpec((B, D, D), lambda r: (0, 0, 0)),
        ],
        out_specs=pl.BlockSpec((N, D), lambda r: (r, 0)),
        out_shape=jax.ShapeDtypeStruct((R * N, D), jnp.float32),
    )(comp, h, v)


_MESH = plsc.VectorSubcoreMesh(
    core_axis_name="c", subcore_axis_name="s", num_cores=NC, num_subcores=NS
)


@functools.partial(
    pl.kernel,
    out_type=jax.ShapeDtypeStruct((NC, NPAD, D), jnp.float32),
    mesh=_MESH,
    scratch_types=[
        pltpu.VMEM((CPG,), jnp.int32),
        pltpu.VMEM((CPG,), jnp.int32),
        pltpu.VMEM((G, D), jnp.float32),
        pltpu.VMEM((G, D), jnp.float32),
        pltpu.VMEM((G, D), jnp.float32),
        pltpu.VMEM_SHARED((NPAD, D), jnp.float32),
        pltpu.SemaphoreType.DMA,
        pltpu.SemaphoreType.DMA,
        pltpu.SemaphoreType.DMA,
    ],
)
def _scatter_accum(y_hbm, gidx_hbm, dst_hbm, zeros_hbm, out_hbm,
                   idx_v, dst_v, buf_a, buf_b, buf_c, msg_sh,
                   sem_a, sem_b, sem_c):
    cid = lax.axis_index("c")
    sid = lax.axis_index("s")
    wid = sid * NC + cid

    row0 = sid * NPS
    pltpu.sync_copy(zeros_hbm.at[pl.ds(row0, NPS)], msg_sh.at[pl.ds(row0, NPS)])
    plsc.subcore_barrier()

    for p in range(PH):
        pltpu.sync_copy(gidx_hbm.at[pl.ds((wid * PH + p) * CPG, CPG)], idx_v)
        pltpu.sync_copy(dst_hbm.at[pl.ds((wid * PH + p) * CPG, CPG)], dst_v)

        def fire(u, buf, sem):
            off = pl.multiple_of(u * G, G)
            pltpu.async_copy(y_hbm.at[idx_v.at[pl.ds(off, G)]], buf, sem)

        def wait(buf, sem):
            pltpu.make_async_copy(y_hbm.at[idx_v.at[pl.ds(0, G)]], buf, sem
                                  ).wait()

        def scat(u, buf):
            off = pl.multiple_of(u * G, G)
            pltpu.sync_copy(buf, msg_sh.at[dst_v.at[pl.ds(off, G)]], add=True)

        fire(0, buf_a, sem_a)
        fire(1, buf_b, sem_b)

        def body(m, carry):
            u = 3 * m
            fire(u + 2, buf_c, sem_c)
            wait(buf_a, sem_a)
            scat(u, buf_a)
            fire(u + 3, buf_a, sem_a)
            wait(buf_b, sem_b)
            scat(u + 1, buf_b)
            fire(u + 4, buf_b, sem_b)
            wait(buf_c, sem_c)
            scat(u + 2, buf_c)
            return carry

        lax.fori_loop(0, (UN - 4) // 3, body, 0)
        fire(UN - 2, buf_c, sem_c)
        wait(buf_a, sem_a)
        scat(UN - 4, buf_a)
        fire(UN - 1, buf_a, sem_a)
        wait(buf_b, sem_b)
        scat(UN - 3, buf_b)
        wait(buf_c, sem_c)
        scat(UN - 2, buf_c)
        wait(buf_a, sem_a)
        scat(UN - 1, buf_a)

    plsc.subcore_barrier()
    pltpu.sync_copy(msg_sh.at[pl.ds(row0, NPS)],
                    out_hbm.at[cid, pl.ds(row0, NPS)])


def _bn_body(msg_ref, h_ref, loop_ref, bias_ref, gamma_ref, beta_ref, o_ref,
             *, relu):
    z = (msg_ref[0, :N] + msg_ref[1, :N] + bias_ref[...]
         + jnp.dot(h_ref[...], loop_ref[...], preferred_element_type=jnp.float32))
    mu = jnp.mean(z, axis=0, keepdims=True)
    d = z - mu
    var = jnp.mean(d * d, axis=0, keepdims=True)
    o = d * lax.rsqrt(var + EPS) * gamma_ref[...] + beta_ref[...]
    if relu:
        o = jnp.maximum(o, 0.0)
    o_ref[...] = o


def _bn(msg2, h, loop_w, bias, gamma, beta, relu):
    return pl.pallas_call(
        functools.partial(_bn_body, relu=relu),
        out_shape=jax.ShapeDtypeStruct((N, D), jnp.float32),
    )(msg2, h, loop_w, bias.reshape(1, D), gamma.reshape(1, D),
      beta.reshape(1, D))


def kernel(x, edge_index, edge_type,
           V0, comp0, loop0, bias0, gamma0, beta0,
           V1, comp1, loop1, bias1, gamma1, beta1,
           V2, comp2, loop2, bias2, gamma2, beta2):
    src = edge_index[0]
    dst = edge_index[1]
    k = jnp.arange(NW * PADN, dtype=jnp.int32).reshape(NW, PADN)
    gpad = k % (R * N)
    dpad = N + k % (NPAD - N)
    gidx = jnp.concatenate(
        [(edge_type * N + src).reshape(NW, EPW), gpad], axis=1
    ).reshape(NW * CH * G)
    dst2 = jnp.concatenate(
        [dst.reshape(NW, EPW), dpad], axis=1
    ).reshape(NW * CH * G)
    zeros = jnp.zeros((NPAD, D), jnp.float32)

    params = [
        (V0, comp0, loop0, bias0, gamma0, beta0),
        (V1, comp1, loop1, bias1, gamma1, beta1),
        (V2, comp2, loop2, bias2, gamma2, beta2),
    ]
    h = x
    for i, (V, comp, loop_w, bias, gamma, beta) in enumerate(params):
        y = _transform(comp, h, V)
        msg2 = _scatter_accum(y, gidx, dst2, zeros)
        h = _bn(msg2, h, loop_w, bias, gamma, beta, relu=(i == 2))
    return h

# --- scband reference (transcript-rebuilt; emitter-appended) ---
"""Pipeline reference for scband-embedder-56676388438608 (READ-ONLY COPY).

The authoritative reference and input builder live on the scoring server;
editing this copy changes nothing except your own understanding.
"""

import jax, jax.numpy as jnp
import numpy as np

N = 10000   # nodes
E = 320000  # edges
D = 128     # in_dim == hidden_dim
R = 20      # num_rels
B = 20      # num_bases (=num_rels since num_bases=-1)
L = 3       # conv layers = num_hidden_layers + 1
NUM_HIDDEN_LAYERS = 2
EPS = 1e-5


def setup_inputs(seed: int = 0) -> dict:
    key = jax.random.key(seed)
    ks = jax.random.split(key, 40)
    inp = {}
    inp["x"] = jax.random.normal(ks[0], (N, D), dtype=jnp.float32)
    inp["edge_index"] = jax.random.randint(ks[1], (2, E), 0, N, dtype=jnp.int32)
    inp["edge_type"] = jax.random.randint(ks[2], (E,), 0, R, dtype=jnp.int32)
    s = 1.0 / np.sqrt(D)
    for l in range(L):
        inp[f"V{l}"] = jax.random.normal(ks[3 + 6 * l], (B, D, D), dtype=jnp.float32) * s
        inp[f"comp{l}"] = jax.random.normal(ks[4 + 6 * l], (R, B), dtype=jnp.float32) * (1.0 / np.sqrt(B))
        inp[f"loop{l}"] = jax.random.normal(ks[5 + 6 * l], (D, D), dtype=jnp.float32) * s
        inp[f"bias{l}"] = jnp.zeros((D,), dtype=jnp.float32)
        inp[f"gamma{l}"] = jnp.ones((D,), dtype=jnp.float32)
        inp[f"beta{l}"] = jnp.zeros((D,), dtype=jnp.float32)
    return inp


def _rgcn_layer(h, src, dst, et, V, comp, loop_w, bias):
    # basis decomposition: W[r] = sum_b comp[r, b] * V[b]
    # aggregate neighbor features per (dst, relation) bucket, then apply W_r.
    agg = jax.ops.segment_sum(h[src], dst * R + et, num_segments=N * R)  # [N*R, D]
    W = jnp.einsum('rb,bio->rio', comp, V)                               # [R, D, D]
    msg = jnp.einsum('nri,rio->no', agg.reshape(N, R, -1), W)            # [N, D]
    return msg + h @ loop_w + bias


def _batch_norm(h, gamma, beta):
    mu = jnp.mean(h, axis=0)
    var = jnp.var(h, axis=0)
    return (h - mu) / jnp.sqrt(var + EPS) * gamma + beta


def reference(x, edge_index, edge_type,
              V0, comp0, loop0, bias0, gamma0, beta0,
              V1, comp1, loop1, bias1, gamma1, beta1,
              V2, comp2, loop2, bias2, gamma2, beta2):
    src = edge_index[0]
    dst = edge_index[1]
    params = [
        (V0, comp0, loop0, bias0, gamma0, beta0),
        (V1, comp1, loop1, bias1, gamma1, beta1),
        (V2, comp2, loop2, bias2, gamma2, beta2),
    ]
    h = x
    for i, (V, comp, loop_w, bias, gamma, beta) in enumerate(params):
        h = _rgcn_layer(h, src, dst, edge_type, V, comp, loop_w, bias)
        h = _batch_norm(h, gamma, beta)
        if i < NUM_HIDDEN_LAYERS:
            pass  # dropout is identity (deterministic / eval)
        else:
            h = jax.nn.relu(h)  # relu on final layer; dropout identity
    return h

if __name__ == "__main__":
    import jax
    _d = setup_inputs()
    print(jax.jit(kernel)(*tuple(_d.values())))

</pallas_src>

<mosaic_0001>
#map = affine_map<(d0, d1) -> (0, 0)>
#map1 = affine_map<(d0, d1) -> (0)>
#map2 = affine_map<(d0, d1) -> (0, 0, 0)>
module attributes {stable_mosaic.version = 14 : i64} {
  func.func @_scatter_accum(%arg0: i32, %arg1: i32, %arg2: memref<200000x128xf32, #tpu.memory_space<hbm>>, %arg3: memref<327680xi32, #tpu.memory_space<hbm>>, %arg4: memref<327680xi32, #tpu.memory_space<hbm>>, %arg5: memref<10112x128xf32, #tpu.memory_space<hbm>>, %arg6: memref<2x10112x128xf32, #tpu.memory_space<hbm>>, %arg7: memref<5120xi32, #tpu.memory_space<vmem>>, %arg8: memref<5120xi32, #tpu.memory_space<vmem>>, %arg9: memref<80x128xf32, #tpu.memory_space<vmem>>, %arg10: memref<80x128xf32, #tpu.memory_space<vmem>>, %arg11: memref<80x128xf32, #tpu.memory_space<vmem>>, %arg12: memref<10112x128xf32, #tpu.memory_space<vmem_shared>>, %arg13: memref<!tpu.dma_semaphore, #tpu.memory_space<semaphore_mem>>, %arg14: memref<!tpu.dma_semaphore, #tpu.memory_space<semaphore_mem>>, %arg15: memref<!tpu.dma_semaphore, #tpu.memory_space<semaphore_mem>>) attributes {dimension_semantics = [#tpu.dimension_semantics<core_parallel>, #tpu.dimension_semantics<subcore_parallel>], iteration_bounds = array<i64: 2, 16>, scalar_prefetch = 0 : i64, scratch_operands = 9 : i64, tpu.core_type = #tpu.core_type<sc_vector_subcore>, window_params = [{transform_indices = #map}, {transform_indices = #map1}, {transform_indices = #map1}, {transform_indices = #map}, {transform_indices = #map2}]} {
    %mul3A = arith.constant 2 : i32
    %mul3A_0 = arith.muli %arg1, %mul3A : i32
    %add3A = arith.addi %mul3A_0, %arg0 : i32
    %mul3A_1 = arith.constant 632 : i32
    %mul3A_2 = arith.muli %arg1, %mul3A_1 : i32
    "tpu.region"() ({
      %run_scoped3A = tpu.sem_alloc : memref<!tpu.dma_semaphore, #tpu.memory_space<semaphore_mem>>
      %dma_start3A_140 = arith.constant 0 : i32
      %dma_start3A_141 = tpu.memref_slice %arg12[%mul3A_2, %dma_start3A_140] : memref<10112x128xf32, #tpu.memory_space<vmem_shared>> -> memref<632x128xf32, #tpu.memory_space<vmem_shared>>
      %dma_start3A_142 = arith.constant 0 : i32
      %dma_start3A_143 = tpu.memref_slice %arg5[%mul3A_2, %dma_start3A_142] : memref<10112x128xf32, #tpu.memory_space<hbm>> -> memref<632x128xf32, #tpu.memory_space<hbm>>
      tpu.enqueue_dma source(%dma_start3A_143 : memref<632x128xf32, #tpu.memory_space<hbm>>) target(%dma_start3A_141 : memref<632x128xf32, #tpu.memory_space<vmem_shared>>) target_semaphore(%run_scoped3A : memref<!tpu.dma_semaphore, #tpu.memory_space<semaphore_mem>>)
      %dma_wait3A_144 = arith.constant 0 : i32
      %dma_wait3A_145 = tpu.memref_slice %arg12[%mul3A_2, %dma_wait3A_144] : memref<10112x128xf32, #tpu.memory_space<vmem_shared>> -> memref<632x128xf32, #tpu.memory_space<vmem_shared>>
      %dma_wait3A_146 = arith.constant 0 : i32
      %dma_wait3A_147 = tpu.memref_slice %arg5[%mul3A_2, %dma_wait3A_146] : memref<10112x128xf32, #tpu.memory_space<hbm>> -> memref<632x128xf32, #tpu.memory_space<hbm>>
      tpu.wait_dma2 semaphore(%run_scoped3A : memref<!tpu.dma_semaphore, #tpu.memory_space<semaphore_mem>>) src(%dma_wait3A_147 : memref<632x128xf32, #tpu.memory_space<hbm>>) dst(%dma_wait3A_145 : memref<632x128xf32, #tpu.memory_space<vmem_shared>>)
      tpu.yield
    }) : () -> ()
    %barrier3A = arith.constant 0 : index
    tpu.barrier barrier_id(%barrier3A)
    %mul3A_3 = arith.constant 2 : i32
    %mul3A_4 = arith.muli %add3A, %mul3A_3 : i32
    %add3A_5 = arith.constant 0 : i32
    %add3A_6 = arith.addi %mul3A_4, %add3A_5 : i32
    %mul3A_7 = arith.constant 5120 : i32
    %mul3A_8 = arith.muli %add3A_6, %mul3A_7 : i32
    "tpu.region"() ({
      %run_scoped3A = tpu.sem_alloc : memref<!tpu.dma_semaphore, #tpu.memory_space<semaphore_mem>>
      %dma_start3A_140 = tpu.memref_slice %arg3[%mul3A_8] : memref<327680xi32, #tpu.memory_space<hbm>> -> memref<5120xi32, #tpu.memory_space<hbm>>
      %dma_start3A_141 = tpu.memref_slice %arg3[%mul3A_8] : memref<327680xi32, #tpu.memory_space<hbm>> -> memref<5120xi32, #tpu.memory_space<hbm>>
      tpu.enqueue_dma source(%dma_start3A_141 : memref<5120xi32, #tpu.memory_space<hbm>>) target(%arg7 : memref<5120xi32, #tpu.memory_space<vmem>>) target_semaphore(%run_scoped3A : memref<!tpu.dma_semaphore, #tpu.memory_space<semaphore_mem>>)
      %dma_wait3A_142 = tpu.memref_slice %arg3[%mul3A_8] : memref<327680xi32, #tpu.memory_space<hbm>> -> memref<5120xi32, #tpu.memory_space<hbm>>
      %dma_wait3A_143 = tpu.memref_slice %arg3[%mul3A_8] : memref<327680xi32, #tpu.memory_space<hbm>> -> memref<5120xi32, #tpu.memory_space<hbm>>
      tpu.wait_dma2 semaphore(%run_scoped3A : memref<!tpu.dma_semaphore, #tpu.memory_space<semaphore_mem>>) src(%dma_wait3A_143 : memref<5120xi32, #tpu.memory_space<hbm>>) dst(%arg7 : memref<5120xi32, #tpu.memory_space<vmem>>)
      tpu.yield
    }) : () -> ()
    %mul3A_9 = arith.constant 2 : i32
    %mul3A_10 = arith.muli %add3A, %mul3A_9 : i32
    %add3A_11 = arith.constant 0 : i32
    %add3A_12 = arith.addi %mul3A_10, %add3A_11 : i32
    %mul3A_13 = arith.constant 5120 : i32
    %mul3A_14 = arith.muli %add3A_12, %mul3A_13 : i32
    "tpu.region"() ({
      %run_scoped3A = tpu.sem_alloc : memref<!tpu.dma_semaphore, #tpu.memory_space<semaphore_mem>>
      %dma_start3A_140 = tpu.memref_slice %arg4[%mul3A_14] : memref<327680xi32, #tpu.memory_space<hbm>> -> memref<5120xi32, #tpu.memory_space<hbm>>
      %dma_start3A_141 = tpu.memref_slice %arg4[%mul3A_14] : memref<327680xi32, #tpu.memory_space<hbm>> -> memref<5120xi32, #tpu.memory_space<hbm>>
      tpu.enqueue_dma source(%dma_start3A_141 : memref<5120xi32, #tpu.memory_space<hbm>>) target(%arg8 : memref<5120xi32, #tpu.memory_space<vmem>>) target_semaphore(%run_scoped3A : memref<!tpu.dma_semaphore, #tpu.memory_space<semaphore_mem>>)
      %dma_wait3A_142 = tpu.memref_slice %arg4[%mul3A_14] : memref<327680xi32, #tpu.memory_space<hbm>> -> memref<5120xi32, #tpu.memory_space<hbm>>
      %dma_wait3A_143 = tpu.memref_slice %arg4[%mul3A_14] : memref<327680xi32, #tpu.memory_space<hbm>> -> memref<5120xi32, #tpu.memory_space<hbm>>
      tpu.wait_dma2 semaphore(%run_scoped3A : memref<!tpu.dma_semaphore, #tpu.memory_space<semaphore_mem>>) src(%dma_wait3A_143 : memref<5120xi32, #tpu.memory_space<hbm>>) dst(%arg8 : memref<5120xi32, #tpu.memory_space<vmem>>)
      tpu.yield
    }) : () -> ()
    %multiple_of3A = arith.constant 0 : i32
    %multiple_of3A_15 = tpu.assume_multiple %multiple_of3A, 80 : i32
    %dma_start3A = tpu.memref_slice %arg7[%multiple_of3A_15] : memref<5120xi32, #tpu.memory_space<vmem>> -> memref<80xi32, #tpu.memory_space<vmem>>
    %dma_start3A_16 = arith.constant 0 : i32
    %dma_start3A_17 = arith.constant 0 : i32
    %dma_start3A_18 = tpu.memref_slice %arg2[%dma_start3A_16, %dma_start3A_17] : memref<200000x128xf32, #tpu.memory_space<hbm>> -> memref<200000x128xf32, #tpu.memory_space<hbm>>
    tpu.enqueue_indirect_dma source(%dma_start3A_18 : memref<200000x128xf32, #tpu.memory_space<hbm>>) target(%arg9 : memref<80x128xf32, #tpu.memory_space<vmem>>) offsets(%dma_start3A : memref<80xi32, #tpu.memory_space<vmem>>) semaphore(%arg13 : memref<!tpu.dma_semaphore, #tpu.memory_space<semaphore_mem>>)
    %multiple_of3A_19 = arith.constant 80 : i32
    %multiple_of3A_20 = tpu.assume_multiple %multiple_of3A_19, 80 : i32
    %dma_start3A_21 = tpu.memref_slice %arg7[%multiple_of3A_20] : memref<5120xi32, #tpu.memory_space<vmem>> -> memref<80xi32, #tpu.memory_space<vmem>>
    %dma_start3A_22 = arith.constant 0 : i32
    %dma_start3A_23 = arith.constant 0 : i32
    %dma_start3A_24 = tpu.memref_slice %arg2[%dma_start3A_22, %dma_start3A_23] : memref<200000x128xf32, #tpu.memory_space<hbm>> -> memref<200000x128xf32, #tpu.memory_space<hbm>>
    tpu.enqueue_indirect_dma source(%dma_start3A_24 : memref<200000x128xf32, #tpu.memory_space<hbm>>) target(%arg10 : memref<80x128xf32, #tpu.memory_space<vmem>>) offsets(%dma_start3A_21 : memref<80xi32, #tpu.memory_space<vmem>>) semaphore(%arg14 : memref<!tpu.dma_semaphore, #tpu.memory_space<semaphore_mem>>)
    %scan3A = arith.constant 0 : i32
    %scan3A_25 = arith.constant 0 : i32
    %scan3A_26 = arith.constant 20 : i32
    %scan3A_27 = arith.addi %scan3A_25, %scan3A_26 : i32
    %scan3A_28 = arith.constant 1 : i32
    scf.for %scan3A_140 = %scan3A_25 to %scan3A_27 step %scan3A_28  : i32 {
      %mul3A_141 = arith.constant 3 : i32
      %mul3A_142 = arith.muli %mul3A_141, %scan3A_140 : i32
      %add3A_143 = arith.constant 2 : i32
      %add3A_144 = arith.addi %mul3A_142, %add3A_143 : i32
      %mul3A_145 = arith.constant 80 : i32
      %mul3A_146 = arith.muli %add3A_144, %mul3A_145 : i32
      %multiple_of3A_147 = tpu.assume_multiple %mul3A_146, 80 : i32
      %dma_start3A_148 = tpu.memref_slice %arg7[%multiple_of3A_147] : memref<5120xi32, #tpu.memory_space<vmem>> -> memref<80xi32, #tpu.memory_space<vmem>>
      %dma_start3A_149 = arith.constant 0 : i32
      %dma_start3A_150 = arith.constant 0 : i32
      %dma_start3A_151 = tpu.memref_slice %arg2[%dma_start3A_149, %dma_start3A_150] : memref<200000x128xf32, #tpu.memory_space<hbm>> -> memref<200000x128xf32, #tpu.memory_space<hbm>>
      tpu.enqueue_indirect_dma source(%dma_start3A_151 : memref<200000x128xf32, #tpu.memory_space<hbm>>) target(%arg11 : memref<80x128xf32, #tpu.memory_space<vmem>>) offsets(%dma_start3A_148 : memref<80xi32, #tpu.memory_space<vmem>>) semaphore(%arg15 : memref<!tpu.dma_semaphore, #tpu.memory_space<semaphore_mem>>)
      %dma_wait3A_152 = arith.constant 0 : i32
      %dma_wait3A_153 = tpu.memref_slice %arg7[%dma_wait3A_152] : memref<5120xi32, #tpu.memory_space<vmem>> -> memref<80xi32, #tpu.memory_space<vmem>>
      %dma_wait3A_154 = arith.constant 0 : i32
      %dma_wait3A_155 = arith.constant 0 : i32
      %dma_wait3A_156 = tpu.memref_slice %arg2[%dma_wait3A_154, %dma_wait3A_155] : memref<200000x128xf32, #tpu.memory_space<hbm>> -> memref<200000x128xf32, #tpu.memory_space<hbm>>
      tpu.wait_indirect_dma semaphore(%arg13 : memref<!tpu.dma_semaphore, #tpu.memory_space<semaphore_mem>>) src(%dma_wait3A_156 : memref<200000x128xf32, #tpu.memory_space<hbm>>) dst(%arg9 : memref<80x128xf32, #tpu.memory_space<vmem>>)
      %mul3A_157 = arith.constant 80 : i32
      %mul3A_158 = arith.muli %mul3A_142, %mul3A_157 : i32
      %multiple_of3A_159 = tpu.assume_multiple %mul3A_158, 80 : i32
      "tpu.region"() ({
        %run_scoped3A = tpu.sem_alloc : memref<!tpu.dma_semaphore, #tpu.memory_space<semaphore_mem>>
        %dma_start3A_198 = tpu.memref_slice %arg8[%multiple_of3A_159] : memref<5120xi32, #tpu.memory_space<vmem>> -> memref<80xi32, #tpu.memory_space<vmem>>
        %dma_start3A_199 = arith.constant 0 : i32
        %dma_start3A_200 = arith.constant 0 : i32
        %dma_start3A_201 = tpu.memref_slice %arg12[%dma_start3A_199, %dma_start3A_200] : memref<10112x128xf32, #tpu.memory_space<vmem_shared>> -> memref<10112x128xf32, #tpu.memory_space<vmem_shared>>
        tpu.enqueue_indirect_dma source(%arg9 : memref<80x128xf32, #tpu.memory_space<vmem>>) target(%dma_start3A_201 : memref<10112x128xf32, #tpu.memory_space<vmem_shared>>) offsets(%dma_start3A_198 : memref<80xi32, #tpu.memory_space<vmem>>) semaphore(%run_scoped3A : memref<!tpu.dma_semaphore, #tpu.memory_space<semaphore_mem>>) {add = true}
        %dma_wait3A_202 = tpu.memref_slice %arg8[%multiple_of3A_159] : memref<5120xi32, #tpu.memory_space<vmem>> -> memref<80xi32, #tpu.memory_space<vmem>>
        %dma_wait3A_203 = arith.constant 0 : i32
        %dma_wait3A_204 = arith.constant 0 : i32
        %dma_wait3A_205 = tpu.memref_slice %arg12[%dma_wait3A_203, %dma_wait3A_204] : memref<10112x128xf32, #tpu.memory_space<vmem_shared>> -> memref<10112x128xf32, #tpu.memory_space<vmem_shared>>
        tpu.wait_indirect_dma semaphore(%run_scoped3A : memref<!tpu.dma_semaphore, #tpu.memory_space<semaphore_mem>>) src(%arg9 : memref<80x128xf32, #tpu.memory_space<vmem>>) dst(%dma_wait3A_205 : memref<10112x128xf32, #tpu.memory_space<vmem_shared>>)
        tpu.yield
      }) : () -> ()
      %add3A_160 = arith.constant 3 : i32
      %add3A_161 = arith.addi %mul3A_142, %add3A_160 : i32
      %mul3A_162 = arith.constant 80 : i32
      %mul3A_163 = arith.muli %add3A_161, %mul3A_162 : i32
      %multiple_of3A_164 = tpu.assume_multiple %mul3A_163, 80 : i32
      %dma_start3A_165 = tpu.memref_slice %arg7[%multiple_of3A_164] : memref<5120xi32, #tpu.memory_space<vmem>> -> memref<80xi32, #tpu.memory_space<vmem>>
      %dma_start3A_166 = arith.constant 0 : i32
      %dma_start3A_167 = arith.constant 0 : i32
      %dma_start3A_168 = tpu.memref_slice %arg2[%dma_start3A_166, %dma_start3A_167] : memref<200000x128xf32, #tpu.memory_space<hbm>> -> memref<200000x128xf32, #tpu.memory_space<hbm>>
      tpu.enqueue_indirect_dma source(%dma_start3A_168 : memref<200000x128xf32, #tpu.memory_space<hbm>>) target(%arg9 : memref<80x128xf32, #tpu.memory_space<vmem>>) offsets(%dma_start3A_165 : memref<80xi32, #tpu.memory_space<vmem>>) semaphore(%arg13 : memref<!tpu.dma_semaphore, #tpu.memory_space<semaphore_mem>>)
      %dma_wait3A_169 = arith.constant 0 : i32
      %dma_wait3A_170 = tpu.memref_slice %arg7[%dma_wait3A_169] : memref<5120xi32, #tpu.memory_space<vmem>> -> memref<80xi32, #tpu.memory_space<vmem>>
      %dma_wait3A_171 = arith.constant 0 : i32
      %dma_wait3A_172 = arith.constant 0 : i32
      %dma_wait3A_173 = tpu.memref_slice %arg2[%dma_wait3A_171, %dma_wait3A_172] : memref<200000x128xf32, #tpu.memory_space<hbm>> -> memref<200000x128xf32, #tpu.memory_space<hbm>>
      tpu.wait_indirect_dma semaphore(%arg14 : memref<!tpu.dma_semaphore, #tpu.memory_space<semaphore_mem>>) src(%dma_wait3A_173 : memref<200000x128xf32, #tpu.memory_space<hbm>>) dst(%arg10 : memref<80x128xf32, #tpu.memory_space<vmem>>)
      %add3A_174 = arith.constant 1 : i32
      %add3A_175 = arith.addi %mul3A_142, %add3A_174 : i32
      %mul3A_176 = arith.constant 80 : i32
      %mul3A_177 = arith.muli %add3A_175, %mul3A_176 : i32
      %multiple_of3A_178 = tpu.assume_multiple %mul3A_177, 80 : i32
      "tpu.region"() ({
        %run_scoped3A = tpu.sem_alloc : memref<!tpu.dma_semaphore, #tpu.memory_space<semaphore_mem>>
        %dma_start3A_198 = tpu.memref_slice %arg8[%multiple_of3A_178] : memref<5120xi32, #tpu.memory_space<vmem>> -> memref<80xi32, #tpu.memory_space<vmem>>
        %dma_start3A_199 = arith.constant 0 : i32
        %dma_start3A_200 = arith.constant 0 : i32
        %dma_start3A_201 = tpu.memref_slice %arg12[%dma_start3A_199, %dma_start3A_200] : memref<10112x128xf32, #tpu.memory_space<vmem_shared>> -> memref<10112x128xf32, #tpu.memory_space<vmem_shared>>
        tpu.enqueue_indirect_dma source(%arg10 : memref<80x128xf32, #tpu.memory_space<vmem>>) target(%dma_start3A_201 : memref<10112x128xf32, #tpu.memory_space<vmem_shared>>) offsets(%dma_start3A_198 : memref<80xi32, #tpu.memory_space<vmem>>) semaphore(%run_scoped3A : memref<!tpu.dma_semaphore, #tpu.memory_space<semaphore_mem>>) {add = true}
        %dma_wait3A_202 = tpu.memref_slice %arg8[%multiple_of3A_178] : memref<5120xi32, #tpu.memory_space<vmem>> -> memref<80xi32, #tpu.memory_space<vmem>>
        %dma_wait3A_203 = arith.constant 0 : i32
        %dma_wait3A_204 = arith.constant 0 : i32
        %dma_wait3A_205 = tpu.memref_slice %arg12[%dma_wait3A_203, %dma_wait3A_204] : memref<10112x128xf32, #tpu.memory_space<vmem_shared>> -> memref<10112x128xf32, #tpu.memory_space<vmem_shared>>
        tpu.wait_indirect_dma semaphore(%run_scoped3A : memref<!tpu.dma_semaphore, #tpu.memory_space<semaphore_mem>>) src(%arg10 : memref<80x128xf32, #tpu.memory_space<vmem>>) dst(%dma_wait3A_205 : memref<10112x128xf32, #tpu.memory_space<vmem_shared>>)
        tpu.yield
      }) : () -> ()
      %add3A_179 = arith.constant 4 : i32
      %add3A_180 = arith.addi %mul3A_142, %add3A_179 : i32
      %mul3A_181 = arith.constant 80 : i32
      %mul3A_182 = arith.muli %add3A_180, %mul3A_181 : i32
      %multiple_of3A_183 = tpu.assume_multiple %mul3A_182, 80 : i32
      %dma_start3A_184 = tpu.memref_slice %arg7[%multiple_of3A_183] : memref<5120xi32, #tpu.memory_space<vmem>> -> memref<80xi32, #tpu.memory_space<vmem>>
      %dma_start3A_185 = arith.constant 0 : i32
      %dma_start3A_186 = arith.constant 0 : i32
      %dma_start3A_187 = tpu.memref_slice %arg2[%dma_start3A_185, %dma_start3A_186] : memref<200000x128xf32, #tpu.memory_space<hbm>> -> memref<200000x128xf32, #tpu.memory_space<hbm>>
      tpu.enqueue_indirect_dma source(%dma_start3A_187 : memref<200000x128xf32, #tpu.memory_space<hbm>>) target(%arg10 : memref<80x128xf32, #tpu.memory_space<vmem>>) offsets(%dma_start3A_184 : memref<80xi32, #tpu.memory_space<vmem>>) semaphore(%arg14 : memref<!tpu.dma_semaphore, #tpu.memory_space<semaphore_mem>>)
      %dma_wait3A_188 = arith.constant 0 : i32
      %dma_wait3A_189 = tpu.memref_slice %arg7[%dma_wait3A_188] : memref<5120xi32, #tpu.memory_space<vmem>> -> memref<80xi32, #tpu.memory_space<vmem>>
      %dma_wait3A_190 = arith.constant 0 : i32
      %dma_wait3A_191 = arith.constant 0 : i32
      %dma_wait3A_192 = tpu.memref_slice %arg2[%dma_wait3A_190, %dma_wait3A_191] : memref<200000x128xf32, #tpu.memory_space<hbm>> -> memref<200000x128xf32, #tpu.memory_space<hbm>>
      tpu.wait_indirect_dma semaphore(%arg15 : memref<!tpu.dma_semaphore, #tpu.memory_space<semaphore_mem>>) src(%dma_wait3A_192 : memref<200000x128xf32, #tpu.memory_space<hbm>>) dst(%arg11 : memref<80x128xf32, #tpu.memory_space<vmem>>)
      %add3A_193 = arith.constant 2 : i32
      %add3A_194 = arith.addi %mul3A_142, %add3A_193 : i32
      %mul3A_195 = arith.constant 80 : i32
      %mul3A_196 = arith.muli %add3A_194, %mul3A_195 : i32
      %multiple_of3A_197 = tpu.assume_multiple %mul3A_196, 80 : i32
      "tpu.region"() ({
        %run_scoped3A = tpu.sem_alloc : memref<!tpu.dma_semaphore, #tpu.memory_space<semaphore_mem>>
        %dma_start3A_198 = tpu.memref_slice %arg8[%multiple_of3A_197] : memref<5120xi32, #tpu.memory_space<vmem>> -> memref<80xi32, #tpu.memory_space<vmem>>
        %dma_start3A_199 = arith.constant 0 : i32
        %dma_start3A_200 = arith.constant 0 : i32
        %dma_start3A_201 = tpu.memref_slice %arg12[%dma_start3A_199, %dma_start3A_200] : memref<10112x128xf32, #tpu.memory_space<vmem_shared>> -> memref<10112x128xf32, #tpu.memory_space<vmem_shared>>
        tpu.enqueue_indirect_dma source(%arg11 : memref<80x128xf32, #tpu.memory_space<vmem>>) target(%dma_start3A_201 : memref<10112x128xf32, #tpu.memory_space<vmem_shared>>) offsets(%dma_start3A_198 : memref<80xi32, #tpu.memory_space<vmem>>) semaphore(%run_scoped3A : memref<!tpu.dma_semaphore, #tpu.memory_space<semaphore_mem>>) {add = true}
        %dma_wait3A_202 = tpu.memref_slice %arg8[%multiple_of3A_197] : memref<5120xi32, #tpu.memory_space<vmem>> -> memref<80xi32, #tpu.memory_space<vmem>>
        %dma_wait3A_203 = arith.constant 0 : i32
        %dma_wait3A_204 = arith.constant 0 : i32
        %dma_wait3A_205 = tpu.memref_slice %arg12[%dma_wait3A_203, %dma_wait3A_204] : memref<10112x128xf32, #tpu.memory_space<vmem_shared>> -> memref<10112x128xf32, #tpu.memory_space<vmem_shared>>
        tpu.wait_indirect_dma semaphore(%run_scoped3A : memref<!tpu.dma_semaphore, #tpu.memory_space<semaphore_mem>>) src(%arg11 : memref<80x128xf32, #tpu.memory_space<vmem>>) dst(%dma_wait3A_205 : memref<10112x128xf32, #tpu.memory_space<vmem_shared>>)
        tpu.yield
      }) : () -> ()
    }
    %scan3A_29 = arith.constant 20 : i32
    %multiple_of3A_30 = arith.constant 4960 : i32
    %multiple_of3A_31 = tpu.assume_multiple %multiple_of3A_30, 80 : i32
    %dma_start3A_32 = tpu.memref_slice %arg7[%multiple_of3A_31] : memref<5120xi32, #tpu.memory_space<vmem>> -> memref<80xi32, #tpu.memory_space<vmem>>
    %dma_start3A_33 = arith.constant 0 : i32
    %dma_start3A_34 = arith.constant 0 : i32
    %dma_start3A_35 = tpu.memref_slice %arg2[%dma_start3A_33, %dma_start3A_34] : memref<200000x128xf32, #tpu.memory_space<hbm>> -> memref<200000x128xf32, #tpu.memory_space<hbm>>
    tpu.enqueue_indirect_dma source(%dma_start3A_35 : memref<200000x128xf32, #tpu.memory_space<hbm>>) target(%arg11 : memref<80x128xf32, #tpu.memory_space<vmem>>) offsets(%dma_start3A_32 : memref<80xi32, #tpu.memory_space<vmem>>) semaphore(%arg15 : memref<!tpu.dma_semaphore, #tpu.memory_space<semaphore_mem>>)
    %dma_wait3A = arith.constant 0 : i32
    %dma_wait3A_36 = tpu.memref_slice %arg7[%dma_wait3A] : memref<5120xi32, #tpu.memory_space<vmem>> -> memref<80xi32, #tpu.memory_space<vmem>>
    %dma_wait3A_37 = arith.constant 0 : i32
    %dma_wait3A_38 = arith.constant 0 : i32
    %dma_wait3A_39 = tpu.memref_slice %arg2[%dma_wait3A_37, %dma_wait3A_38] : memref<200000x128xf32, #tpu.memory_space<hbm>> -> memref<200000x128xf32, #tpu.memory_space<hbm>>
    tpu.wait_indirect_dma semaphore(%arg13 : memref<!tpu.dma_semaphore, #tpu.memory_space<semaphore_mem>>) src(%dma_wait3A_39 : memref<200000x128xf32, #tpu.memory_space<hbm>>) dst(%arg9 : memref<80x128xf32, #tpu.memory_space<vmem>>)
    %multiple_of3A_40 = arith.constant 4800 : i32
    %multiple_of3A_41 = tpu.assume_multiple %multiple_of3A_40, 80 : i32
    "tpu.region"() ({
      %run_scoped3A = tpu.sem_alloc : memref<!tpu.dma_semaphore, #tpu.memory_space<semaphore_mem>>
      %dma_start3A_140 = tpu.memref_slice %arg8[%multiple_of3A_41] : memref<5120xi32, #tpu.memory_space<vmem>> -> memref<80xi32, #tpu.memory_space<vmem>>
      %dma_start3A_141 = arith.constant 0 : i32
      %dma_start3A_142 = arith.constant 0 : i32
      %dma_start3A_143 = tpu.memref_slice %arg12[%dma_start3A_141, %dma_start3A_142] : memref<10112x128xf32, #tpu.memory_space<vmem_shared>> -> memref<10112x128xf32, #tpu.memory_space<vmem_shared>>
      tpu.enqueue_indirect_dma source(%arg9 : memref<80x128xf32, #tpu.memory_space<vmem>>) target(%dma_start3A_143 : memref<10112x128xf32, #tpu.memory_space<vmem_shared>>) offsets(%dma_start3A_140 : memref<80xi32, #tpu.memory_space<vmem>>) semaphore(%run_scoped3A : memref<!tpu.dma_semaphore, #tpu.memory_space<semaphore_mem>>) {add = true}
      %dma_wait3A_144 = tpu.memref_slice %arg8[%multiple_of3A_41] : memref<5120xi32, #tpu.memory_space<vmem>> -> memref<80xi32, #tpu.memory_space<vmem>>
      %dma_wait3A_145 = arith.constant 0 : i32
      %dma_wait3A_146 = arith.constant 0 : i32
      %dma_wait3A_147 = tpu.memref_slice %arg12[%dma_wait3A_145, %dma_wait3A_146] : memref<10112x128xf32, #tpu.memory_space<vmem_shared>> -> memref<10112x128xf32, #tpu.memory_space<vmem_shared>>
      tpu.wait_indirect_dma semaphore(%run_scoped3A : memref<!tpu.dma_semaphore, #tpu.memory_space<semaphore_mem>>) src(%arg9 : memref<80x128xf32, #tpu.memory_space<vmem>>) dst(%dma_wait3A_147 : memref<10112x128xf32, #tpu.memory_space<vmem_shared>>)
      tpu.yield
    }) : () -> ()
    %multiple_of3A_42 = arith.constant 5040 : i32
    %multiple_of3A_43 = tpu.assume_multiple %multiple_of3A_42, 80 : i32
    %dma_start3A_44 = tpu.memref_slice %arg7[%multiple_of3A_43] : memref<5120xi32, #tpu.memory_space<vmem>> -> memref<80xi32, #tpu.memory_space<vmem>>
    %dma_start3A_45 = arith.constant 0 : i32
    %dma_start3A_46 = arith.constant 0 : i32
    %dma_start3A_47 = tpu.memref_slice %arg2[%dma_start3A_45, %dma_start3A_46] : memref<200000x128xf32, #tpu.memory_space<hbm>> -> memref<200000x128xf32, #tpu.memory_space<hbm>>
    tpu.enqueue_indirect_dma source(%dma_start3A_47 : memref<200000x128xf32, #tpu.memory_space<hbm>>) target(%arg9 : memref<80x128xf32, #tpu.memory_space<vmem>>) offsets(%dma_start3A_44 : memref<80xi32, #tpu.memory_space<vmem>>) semaphore(%arg13 : memref<!tpu.dma_semaphore, #tpu.memory_space<semaphore_mem>>)
    %dma_wait3A_48 = arith.constant 0 : i32
    %dma_wait3A_49 = tpu.memref_slice %arg7[%dma_wait3A_48] : memref<5120xi32, #tpu.memory_space<vmem>> -> memref<80xi32, #tpu.memory_space<vmem>>
    %dma_wait3A_50 = arith.constant 0 : i32
    %dma_wait3A_51 = arith.constant 0 : i32
    %dma_wait3A_52 = tpu.memref_slice %arg2[%dma_wait3A_50, %dma_wait3A_51] : memref<200000x128xf32, #tpu.memory_space<hbm>> -> memref<200000x128xf32, #tpu.memory_space<hbm>>
    tpu.wait_indirect_dma semaphore(%arg14 : memref<!tpu.dma_semaphore, #tpu.memory_space<semaphore_mem>>) src(%dma_wait3A_52 : memref<200000x128xf32, #tpu.memory_space<hbm>>) dst(%arg10 : memref<80x128xf32, #tpu.memory_space<vmem>>)
    %multiple_of3A_53 = arith.constant 4880 : i32
    %multiple_of3A_54 = tpu.assume_multiple %multiple_of3A_53, 80 : i32
    "tpu.region"() ({
      %run_scoped3A = tpu.sem_alloc : memref<!tpu.dma_semaphore, #tpu.memory_space<semaphore_mem>>
      %dma_start3A_140 = tpu.memref_slice %arg8[%multiple_of3A_54] : memref<5120xi32, #tpu.memory_space<vmem>> -> memref<80xi32, #tpu.memory_space<vmem>>
      %dma_start3A_141 = arith.constant 0 : i32
      %dma_start3A_142 = arith.constant 0 : i32
      %dma_start3A_143 = tpu.memref_slice %arg12[%dma_start3A_141, %dma_start3A_142] : memref<10112x128xf32, #tpu.memory_space<vmem_shared>> -> memref<10112x128xf32, #tpu.memory_space<vmem_shared>>
      tpu.enqueue_indirect_dma source(%arg10 : memref<80x128xf32, #tpu.memory_space<vmem>>) target(%dma_start3A_143 : memref<10112x128xf32, #tpu.memory_space<vmem_shared>>) offsets(%dma_start3A_140 : memref<80xi32, #tpu.memory_space<vmem>>) semaphore(%run_scoped3A : memref<!tpu.dma_semaphore, #tpu.memory_space<semaphore_mem>>) {add = true}
      %dma_wait3A_144 = tpu.memref_slice %arg8[%multiple_of3A_54] : memref<5120xi32, #tpu.memory_space<vmem>> -> memref<80xi32, #tpu.memory_space<vmem>>
      %dma_wait3A_145 = arith.constant 0 : i32
      %dma_wait3A_146 = arith.constant 0 : i32
      %dma_wait3A_147 = tpu.memref_slice %arg12[%dma_wait3A_145, %dma_wait3A_146] : memref<10112x128xf32, #tpu.memory_space<vmem_shared>> -> memref<10112x128xf32, #tpu.memory_space<vmem_shared>>
      tpu.wait_indirect_dma semaphore(%run_scoped3A : memref<!tpu.dma_semaphore, #tpu.memory_space<semaphore_mem>>) src(%arg10 : memref<80x128xf32, #tpu.memory_space<vmem>>) dst(%dma_wait3A_147 : memref<10112x128xf32, #tpu.memory_space<vmem_shared>>)
      tpu.yield
    }) : () -> ()
    %dma_wait3A_55 = arith.constant 0 : i32
    %dma_wait3A_56 = tpu.memref_slice %arg7[%dma_wait3A_55] : memref<5120xi32, #tpu.memory_space<vmem>> -> memref<80xi32, #tpu.memory_space<vmem>>
    %dma_wait3A_57 = arith.constant 0 : i32
    %dma_wait3A_58 = arith.constant 0 : i32
    %dma_wait3A_59 = tpu.memref_slice %arg2[%dma_wait3A_57, %dma_wait3A_58] : memref<200000x128xf32, #tpu.memory_space<hbm>> -> memref<200000x128xf32, #tpu.memory_space<hbm>>
    tpu.wait_indirect_dma semaphore(%arg15 : memref<!tpu.dma_semaphore, #tpu.memory_space<semaphore_mem>>) src(%dma_wait3A_59 : memref<200000x128xf32, #tpu.memory_space<hbm>>) dst(%arg11 : memref<80x128xf32, #tpu.memory_space<vmem>>)
    %multiple_of3A_60 = arith.constant 4960 : i32
    %multiple_of3A_61 = tpu.assume_multiple %multiple_of3A_60, 80 : i32
    "tpu.region"() ({
      %run_scoped3A = tpu.sem_alloc : memref<!tpu.dma_semaphore, #tpu.memory_space<semaphore_mem>>
      %dma_start3A_140 = tpu.memref_slice %arg8[%multiple_of3A_61] : memref<5120xi32, #tpu.memory_space<vmem>> -> memref<80xi32, #tpu.memory_space<vmem>>
      %dma_start3A_141 = arith.constant 0 : i32
      %dma_start3A_142 = arith.constant 0 : i32
      %dma_start3A_143 = tpu.memref_slice %arg12[%dma_start3A_141, %dma_start3A_142] : memref<10112x128xf32, #tpu.memory_space<vmem_shared>> -> memref<10112x128xf32, #tpu.memory_space<vmem_shared>>
      tpu.enqueue_indirect_dma source(%arg11 : memref<80x128xf32, #tpu.memory_space<vmem>>) target(%dma_start3A_143 : memref<10112x128xf32, #tpu.memory_space<vmem_shared>>) offsets(%dma_start3A_140 : memref<80xi32, #tpu.memory_space<vmem>>) semaphore(%run_scoped3A : memref<!tpu.dma_semaphore, #tpu.memory_space<semaphore_mem>>) {add = true}
      %dma_wait3A_144 = tpu.memref_slice %arg8[%multiple_of3A_61] : memref<5120xi32, #tpu.memory_space<vmem>> -> memref<80xi32, #tpu.memory_space<vmem>>
      %dma_wait3A_145 = arith.constant 0 : i32
      %dma_wait3A_146 = arith.constant 0 : i32
      %dma_wait3A_147 = tpu.memref_slice %arg12[%dma_wait3A_145, %dma_wait3A_146] : memref<10112x128xf32, #tpu.memory_space<vmem_shared>> -> memref<10112x128xf32, #tpu.memory_space<vmem_shared>>
      tpu.wait_indirect_dma semaphore(%run_scoped3A : memref<!tpu.dma_semaphore, #tpu.memory_space<semaphore_mem>>) src(%arg11 : memref<80x128xf32, #tpu.memory_space<vmem>>) dst(%dma_wait3A_147 : memref<10112x128xf32, #tpu.memory_space<vmem_shared>>)
      tpu.yield
    }) : () -> ()
    %dma_wait3A_62 = arith.constant 0 : i32
    %dma_wait3A_63 = tpu.memref_slice %arg7[%dma_wait3A_62] : memref<5120xi32, #tpu.memory_space<vmem>> -> memref<80xi32, #tpu.memory_space<vmem>>
    %dma_wait3A_64 = arith.constant 0 : i32
    %dma_wait3A_65 = arith.constant 0 : i32
    %dma_wait3A_66 = tpu.memref_slice %arg2[%dma_wait3A_64, %dma_wait3A_65] : memref<200000x128xf32, #tpu.memory_space<hbm>> -> memref<200000x128xf32, #tpu.memory_space<hbm>>
    tpu.wait_indirect_dma semaphore(%arg13 : memref<!tpu.dma_semaphore, #tpu.memory_space<semaphore_mem>>) src(%dma_wait3A_66 : memref<200000x128xf32, #tpu.memory_space<hbm>>) dst(%arg9 : memref<80x128xf32, #tpu.memory_space<vmem>>)
    %multiple_of3A_67 = arith.constant 5040 : i32
    %multiple_of3A_68 = tpu.assume_multiple %multiple_of3A_67, 80 : i32
    "tpu.region"() ({
      %run_scoped3A = tpu.sem_alloc : memref<!tpu.dma_semaphore, #tpu.memory_space<semaphore_mem>>
      %dma_start3A_140 = tpu.memref_slice %arg8[%multiple_of3A_68] : memref<5120xi32, #tpu.memory_space<vmem>> -> memref<80xi32, #tpu.memory_space<vmem>>
      %dma_start3A_141 = arith.constant 0 : i32
      %dma_start3A_142 = arith.constant 0 : i32
      %dma_start3A_143 = tpu.memref_slice %arg12[%dma_start3A_141, %dma_start3A_142] : memref<10112x128xf32, #tpu.memory_space<vmem_shared>> -> memref<10112x128xf32, #tpu.memory_space<vmem_shared>>
      tpu.enqueue_indirect_dma source(%arg9 : memref<80x128xf32, #tpu.memory_space<vmem>>) target(%dma_start3A_143 : memref<10112x128xf32, #tpu.memory_space<vmem_shared>>) offsets(%dma_start3A_140 : memref<80xi32, #tpu.memory_space<vmem>>) semaphore(%run_scoped3A : memref<!tpu.dma_semaphore, #tpu.memory_space<semaphore_mem>>) {add = true}
      %dma_wait3A_144 = tpu.memref_slice %arg8[%multiple_of3A_68] : memref<5120xi32, #tpu.memory_space<vmem>> -> memref<80xi32, #tpu.memory_space<vmem>>
      %dma_wait3A_145 = arith.constant 0 : i32
      %dma_wait3A_146 = arith.constant 0 : i32
      %dma_wait3A_147 = tpu.memref_slice %arg12[%dma_wait3A_145, %dma_wait3A_146] : memref<10112x128xf32, #tpu.memory_space<vmem_shared>> -> memref<10112x128xf32, #tpu.memory_space<vmem_shared>>
      tpu.wait_indirect_dma semaphore(%run_scoped3A : memref<!tpu.dma_semaphore, #tpu.memory_space<semaphore_mem>>) src(%arg9 : memref<80x128xf32, #tpu.memory_space<vmem>>) dst(%dma_wait3A_147 : memref<10112x128xf32, #tpu.memory_space<vmem_shared>>)
      tpu.yield
    }) : () -> ()
    %mul3A_69 = arith.constant 2 : i32
    %mul3A_70 = arith.muli %add3A, %mul3A_69 : i32
    %add3A_71 = arith.constant 1 : i32
    %add3A_72 = arith.addi %mul3A_70, %add3A_71 : i32
    %mul3A_73 = arith.constant 5120 : i32
    %mul3A_74 = arith.muli %add3A_72, %mul3A_73 : i32
    "tpu.region"() ({
      %run_scoped3A = tpu.sem_alloc : memref<!tpu.dma_semaphore, #tpu.memory_space<semaphore_mem>>
      %dma_start3A_140 = tpu.memref_slice %arg3[%mul3A_74] : memref<327680xi32, #tpu.memory_space<hbm>> -> memref<5120xi32, #tpu.memory_space<hbm>>
      %dma_start3A_141 = tpu.memref_slice %arg3[%mul3A_74] : memref<327680xi32, #tpu.memory_space<hbm>> -> memref<5120xi32, #tpu.memory_space<hbm>>
      tpu.enqueue_dma source(%dma_start3A_141 : memref<5120xi32, #tpu.memory_space<hbm>>) target(%arg7 : memref<5120xi32, #tpu.memory_space<vmem>>) target_semaphore(%run_scoped3A : memref<!tpu.dma_semaphore, #tpu.memory_space<semaphore_mem>>)
      %dma_wait3A_142 = tpu.memref_slice %arg3[%mul3A_74] : memref<327680xi32, #tpu.memory_space<hbm>> -> memref<5120xi32, #tpu.memory_space<hbm>>
      %dma_wait3A_143 = tpu.memref_slice %arg3[%mul3A_74] : memref<327680xi32, #tpu.memory_space<hbm>> -> memref<5120xi32, #tpu.memory_space<hbm>>
      tpu.wait_dma2 semaphore(%run_scoped3A : memref<!tpu.dma_semaphore, #tpu.memory_space<semaphore_mem>>) src(%dma_wait3A_143 : memref<5120xi32, #tpu.memory_space<hbm>>) dst(%arg7 : memref<5120xi32, #tpu.memory_space<vmem>>)
      tpu.yield
    }) : () -> ()
    %mul3A_75 = arith.constant 2 : i32
    %mul3A_76 = arith.muli %add3A, %mul3A_75 : i32
    %add3A_77 = arith.constant 1 : i32
    %add3A_78 = arith.addi %mul3A_76, %add3A_77 : i32
    %mul3A_79 = arith.constant 5120 : i32
    %mul3A_80 = arith.muli %add3A_78, %mul3A_79 : i32
    "tpu.region"() ({
      %run_scoped3A = tpu.sem_alloc : memref<!tpu.dma_semaphore, #tpu.memory_space<semaphore_mem>>
      %dma_start3A_140 = tpu.memref_slice %arg4[%mul3A_80] : memref<327680xi32, #tpu.memory_space<hbm>> -> memref<5120xi32, #tpu.memory_space<hbm>>
      %dma_start3A_141 = tpu.memref_slice %arg4[%mul3A_80] : memref<327680xi32, #tpu.memory_space<hbm>> -> memref<5120xi32, #tpu.memory_space<hbm>>
      tpu.enqueue_dma source(%dma_start3A_141 : memref<5120xi32, #tpu.memory_space<hbm>>) target(%arg8 : memref<5120xi32, #tpu.memory_space<vmem>>) target_semaphore(%run_scoped3A : memref<!tpu.dma_semaphore, #tpu.memory_space<semaphore_mem>>)
      %dma_wait3A_142 = tpu.memref_slice %arg4[%mul3A_80] : memref<327680xi32, #tpu.memory_space<hbm>> -> memref<5120xi32, #tpu.memory_space<hbm>>
      %dma_wait3A_143 = tpu.memref_slice %arg4[%mul3A_80] : memref<327680xi32, #tpu.memory_space<hbm>> -> memref<5120xi32, #tpu.memory_space<hbm>>
      tpu.wait_dma2 semaphore(%run_scoped3A : memref<!tpu.dma_semaphore, #tpu.memory_space<semaphore_mem>>) src(%dma_wait3A_143 : memref<5120xi32, #tpu.memory_space<hbm>>) dst(%arg8 : memref<5120xi32, #tpu.memory_space<vmem>>)
      tpu.yield
    }) : () -> ()
    %multiple_of3A_81 = arith.constant 0 : i32
    %multiple_of3A_82 = tpu.assume_multiple %multiple_of3A_81, 80 : i32
    %dma_start3A_83 = tpu.memref_slice %arg7[%multiple_of3A_82] : memref<5120xi32, #tpu.memory_space<vmem>> -> memref<80xi32, #tpu.memory_space<vmem>>
    %dma_start3A_84 = arith.constant 0 : i32
    %dma_start3A_85 = arith.constant 0 : i32
    %dma_start3A_86 = tpu.memref_slice %arg2[%dma_start3A_84, %dma_start3A_85] : memref<200000x128xf32, #tpu.memory_space<hbm>> -> memref<200000x128xf32, #tpu.memory_space<hbm>>
    tpu.enqueue_indirect_dma source(%dma_start3A_86 : memref<200000x128xf32, #tpu.memory_space<hbm>>) target(%arg9 : memref<80x128xf32, #tpu.memory_space<vmem>>) offsets(%dma_start3A_83 : memref<80xi32, #tpu.memory_space<vmem>>) semaphore(%arg13 : memref<!tpu.dma_semaphore, #tpu.memory_space<semaphore_mem>>)
    %multiple_of3A_87 = arith.constant 80 : i32
    %multiple_of3A_88 = tpu.assume_multiple %multiple_of3A_87, 80 : i32
    %dma_start3A_89 = tpu.memref_slice %arg7[%multiple_of3A_88] : memref<5120xi32, #tpu.memory_space<vmem>> -> memref<80xi32, #tpu.memory_space<vmem>>
    %dma_start3A_90 = arith.constant 0 : i32
    %dma_start3A_91 = arith.constant 0 : i32
    %dma_start3A_92 = tpu.memref_slice %arg2[%dma_start3A_90, %dma_start3A_91] : memref<200000x128xf32, #tpu.memory_space<hbm>> -> memref<200000x128xf32, #tpu.memory_space<hbm>>
    tpu.enqueue_indirect_dma source(%dma_start3A_92 : memref<200000x128xf32, #tpu.memory_space<hbm>>) target(%arg10 : memref<80x128xf32, #tpu.memory_space<vmem>>) offsets(%dma_start3A_89 : memref<80xi32, #tpu.memory_space<vmem>>) semaphore(%arg14 : memref<!tpu.dma_semaphore, #tpu.memory_space<semaphore_mem>>)
    %scan3A_93 = arith.constant 0 : i32
    %scan3A_94 = arith.constant 0 : i32
    %scan3A_95 = arith.constant 20 : i32
    %scan3A_96 = arith.addi %scan3A_94, %scan3A_95 : i32
    %scan3A_97 = arith.constant 1 : i32
    scf.for %scan3A_140 = %scan3A_94 to %scan3A_96 step %scan3A_97  : i32 {
      %mul3A_141 = arith.constant 3 : i32
      %mul3A_142 = arith.muli %mul3A_141, %scan3A_140 : i32
      %add3A_143 = arith.constant 2 : i32
      %add3A_144 = arith.addi %mul3A_142, %add3A_143 : i32
      %mul3A_145 = arith.constant 80 : i32
      %mul3A_146 = arith.muli %add3A_144, %mul3A_145 : i32
      %multiple_of3A_147 = tpu.assume_multiple %mul3A_146, 80 : i32
      %dma_start3A_148 = tpu.memref_slice %arg7[%multiple_of3A_147] : memref<5120xi32, #tpu.memory_space<vmem>> -> memref<80xi32, #tpu.memory_space<vmem>>
      %dma_start3A_149 = arith.constant 0 : i32
      %dma_start3A_150 = arith.constant 0 : i32
      %dma_start3A_151 = tpu.memref_slice %arg2[%dma_start3A_149, %dma_start3A_150] : memref<200000x128xf32, #tpu.memory_space<hbm>> -> memref<200000x128xf32, #tpu.memory_space<hbm>>
      tpu.enqueue_indirect_dma source(%dma_start3A_151 : memref<200000x128xf32, #tpu.memory_space<hbm>>) target(%arg11 : memref<80x128xf32, #tpu.memory_space<vmem>>) offsets(%dma_start3A_148 : memref<80xi32, #tpu.memory_space<vmem>>) semaphore(%arg15 : memref<!tpu.dma_semaphore, #tpu.memory_space<semaphore_mem>>)
      %dma_wait3A_152 = arith.constant 0 : i32
      %dma_wait3A_153 = tpu.memref_slice %arg7[%dma_wait3A_152] : memref<5120xi32, #tpu.memory_space<vmem>> -> memref<80xi32, #tpu.memory_space<vmem>>
      %dma_wait3A_154 = arith.constant 0 : i32
      %dma_wait3A_155 = arith.constant 0 : i32
      %dma_wait3A_156 = tpu.memref_slice %arg2[%dma_wait3A_154, %dma_wait3A_155] : memref<200000x128xf32, #tpu.memory_space<hbm>> -> memref<200000x128xf32, #tpu.memory_space<hbm>>
      tpu.wait_indirect_dma semaphore(%arg13 : memref<!tpu.dma_semaphore, #tpu.memory_space<semaphore_mem>>) src(%dma_wait3A_156 : memref<200000x128xf32, #tpu.memory_space<hbm>>) dst(%arg9 : memref<80x128xf32, #tpu.memory_space<vmem>>)
      %mul3A_157 = arith.constant 80 : i32
      %mul3A_158 = arith.muli %mul3A_142, %mul3A_157 : i32
      %multiple_of3A_159 = tpu.assume_multiple %mul3A_158, 80 : i32
      "tpu.region"() ({
        %run_scoped3A = tpu.sem_alloc : memref<!tpu.dma_semaphore, #tpu.memory_space<semaphore_mem>>
        %dma_start3A_198 = tpu.memref_slice %arg8[%multiple_of3A_159] : memref<5120xi32, #tpu.memory_space<vmem>> -> memref<80xi32, #tpu.memory_space<vmem>>
        %dma_start3A_199 = arith.constant 0 : i32
        %dma_start3A_200 = arith.constant 0 : i32
        %dma_start3A_201 = tpu.memref_slice %arg12[%dma_start3A_199, %dma_start3A_200] : memref<10112x128xf32, #tpu.memory_space<vmem_shared>> -> memref<10112x128xf32, #tpu.memory_space<vmem_shared>>
        tpu.enqueue_indirect_dma source(%arg9 : memref<80x128xf32, #tpu.memory_space<vmem>>) target(%dma_start3A_201 : memref<10112x128xf32, #tpu.memory_space<vmem_shared>>) offsets(%dma_start3A_198 : memref<80xi32, #tpu.memory_space<vmem>>) semaphore(%run_scoped3A : memref<!tpu.dma_semaphore, #tpu.memory_space<semaphore_mem>>) {add = true}
        %dma_wait3A_202 = tpu.memref_slice %arg8[%multiple_of3A_159] : memref<5120xi32, #tpu.memory_space<vmem>> -> memref<80xi32, #tpu.memory_space<vmem>>
        %dma_wait3A_203 = arith.constant 0 : i32
        %dma_wait3A_204 = arith.constant 0 : i32
        %dma_wait3A_205 = tpu.memref_slice %arg12[%dma_wait3A_203, %dma_wait3A_204] : memref<10112x128xf32, #tpu.memory_space<vmem_shared>> -> memref<10112x128xf32, #tpu.memory_space<vmem_shared>>
        tpu.wait_indirect_dma semaphore(%run_scoped3A : memref<!tpu.dma_semaphore, #tpu.memory_space<semaphore_mem>>) src(%arg9 : memref<80x128xf32, #tpu.memory_space<vmem>>) dst(%dma_wait3A_205 : memref<10112x128xf32, #tpu.memory_space<vmem_shared>>)
        tpu.yield
      }) : () -> ()
      %add3A_160 = arith.constant 3 : i32
      %add3A_161 = arith.addi %mul3A_142, %add3A_160 : i32
      %mul3A_162 = arith.constant 80 : i32
      %mul3A_163 = arith.muli %add3A_161, %mul3A_162 : i32
      %multiple_of3A_164 = tpu.assume_multiple %mul3A_163, 80 : i32
      %dma_start3A_165 = tpu.memref_slice %arg7[%multiple_of3A_164] : memref<5120xi32, #tpu.memory_space<vmem>> -> memref<80xi32, #tpu.memory_space<vmem>>
      %dma_start3A_166 = arith.constant 0 : i32
      %dma_start3A_167 = arith.constant 0 : i32
      %dma_start3A_168 = tpu.memref_slice %arg2[%dma_start3A_166, %dma_start3A_167] : memref<200000x128xf32, #tpu.memory_space<hbm>> -> memref<200000x128xf32, #tpu.memory_space<hbm>>
      tpu.enqueue_indirect_dma source(%dma_start3A_168 : memref<200000x128xf32, #tpu.memory_space<hbm>>) target(%arg9 : memref<80x128xf32, #tpu.memory_space<vmem>>) offsets(%dma_start3A_165 : memref<80xi32, #tpu.memory_space<vmem>>) semaphore(%arg13 : memref<!tpu.dma_semaphore, #tpu.memory_space<semaphore_mem>>)
      %dma_wait3A_169 = arith.constant 0 : i32
      %dma_wait3A_170 = tpu.memref_slice %arg7[%dma_wait3A_169] : memref<5120xi32, #tpu.memory_space<vmem>> -> memref<80xi32, #tpu.memory_space<vmem>>
      %dma_wait3A_171 = arith.constant 0 : i32
      %dma_wait3A_172 = arith.constant 0 : i32
      %dma_wait3A_173 = tpu.memref_slice %arg2[%dma_wait3A_171, %dma_wait3A_172] : memref<200000x128xf32, #tpu.memory_space<hbm>> -> memref<200000x128xf32, #tpu.memory_space<hbm>>
      tpu.wait_indirect_dma semaphore(%arg14 : memref<!tpu.dma_semaphore, #tpu.memory_space<semaphore_mem>>) src(%dma_wait3A_173 : memref<200000x128xf32, #tpu.memory_space<hbm>>) dst(%arg10 : memref<80x128xf32, #tpu.memory_space<vmem>>)
      %add3A_174 = arith.constant 1 : i32
      %add3A_175 = arith.addi %mul3A_142, %add3A_174 : i32
      %mul3A_176 = arith.constant 80 : i32
      %mul3A_177 = arith.muli %add3A_175, %mul3A_176 : i32
      %multiple_of3A_178 = tpu.assume_multiple %mul3A_177, 80 : i32
      "tpu.region"() ({
        %run_scoped3A = tpu.sem_alloc : memref<!tpu.dma_semaphore, #tpu.memory_space<semaphore_mem>>
        %dma_start3A_198 = tpu.memref_slice %arg8[%multiple_of3A_178] : memref<5120xi32, #tpu.memory_space<vmem>> -> memref<80xi32, #tpu.memory_space<vmem>>
        %dma_start3A_199 = arith.constant 0 : i32
        %dma_start3A_200 = arith.constant 0 : i32
        %dma_start3A_201 = tpu.memref_slice %arg12[%dma_start3A_199, %dma_start3A_200] : memref<10112x128xf32, #tpu.memory_space<vmem_shared>> -> memref<10112x128xf32, #tpu.memory_space<vmem_shared>>
        tpu.enqueue_indirect_dma source(%arg10 : memref<80x128xf32, #tpu.memory_space<vmem>>) target(%dma_start3A_201 : memref<10112x128xf32, #tpu.memory_space<vmem_shared>>) offsets(%dma_start3A_198 : memref<80xi32, #tpu.memory_space<vmem>>) semaphore(%run_scoped3A : memref<!tpu.dma_semaphore, #tpu.memory_space<semaphore_mem>>) {add = true}
        %dma_wait3A_202 = tpu.memref_slice %arg8[%multiple_of3A_178] : memref<5120xi32, #tpu.memory_space<vmem>> -> memref<80xi32, #tpu.memory_space<vmem>>
        %dma_wait3A_203 = arith.constant 0 : i32
        %dma_wait3A_204 = arith.constant 0 : i32
        %dma_wait3A_205 = tpu.memref_slice %arg12[%dma_wait3A_203, %dma_wait3A_204] : memref<10112x128xf32, #tpu.memory_space<vmem_shared>> -> memref<10112x128xf32, #tpu.memory_space<vmem_shared>>
        tpu.wait_indirect_dma semaphore(%run_scoped3A : memref<!tpu.dma_semaphore, #tpu.memory_space<semaphore_mem>>) src(%arg10 : memref<80x128xf32, #tpu.memory_space<vmem>>) dst(%dma_wait3A_205 : memref<10112x128xf32, #tpu.memory_space<vmem_shared>>)
        tpu.yield
      }) : () -> ()
      %add3A_179 = arith.constant 4 : i32
      %add3A_180 = arith.addi %mul3A_142, %add3A_179 : i32
      %mul3A_181 = arith.constant 80 : i32
      %mul3A_182 = arith.muli %add3A_180, %mul3A_181 : i32
      %multiple_of3A_183 = tpu.assume_multiple %mul3A_182, 80 : i32
      %dma_start3A_184 = tpu.memref_slice %arg7[%multiple_of3A_183] : memref<5120xi32, #tpu.memory_space<vmem>> -> memref<80xi32, #tpu.memory_space<vmem>>
      %dma_start3A_185 = arith.constant 0 : i32
      %dma_start3A_186 = arith.constant 0 : i32
      %dma_start3A_187 = tpu.memref_slice %arg2[%dma_start3A_185, %dma_start3A_186] : memref<200000x128xf32, #tpu.memory_space<hbm>> -> memref<200000x128xf32, #tpu.memory_space<hbm>>
      tpu.enqueue_indirect_dma source(%dma_start3A_187 : memref<200000x128xf32, #tpu.memory_space<hbm>>) target(%arg10 : memref<80x128xf32, #tpu.memory_space<vmem>>) offsets(%dma_start3A_184 : memref<80xi32, #tpu.memory_space<vmem>>) semaphore(%arg14 : memref<!tpu.dma_semaphore, #tpu.memory_space<semaphore_mem>>)
      %dma_wait3A_188 = arith.constant 0 : i32
      %dma_wait3A_189 = tpu.memref_slice %arg7[%dma_wait3A_188] : memref<5120xi32, #tpu.memory_space<vmem>> -> memref<80xi32, #tpu.memory_space<vmem>>
      %dma_wait3A_190 = arith.constant 0 : i32
      %dma_wait3A_191 = arith.constant 0 : i32
      %dma_wait3A_192 = tpu.memref_slice %arg2[%dma_wait3A_190, %dma_wait3A_191] : memref<200000x128xf32, #tpu.memory_space<hbm>> -> memref<200000x128xf32, #tpu.memory_space<hbm>>
      tpu.wait_indirect_dma semaphore(%arg15 : memref<!tpu.dma_semaphore, #tpu.memory_space<semaphore_mem>>) src(%dma_wait3A_192 : memref<200000x128xf32, #tpu.memory_space<hbm>>) dst(%arg11 : memref<80x128xf32, #tpu.memory_space<vmem>>)
      %add3A_193 = arith.constant 2 : i32
      %add3A_194 = arith.addi %mul3A_142, %add3A_193 : i32
      %mul3A_195 = arith.constant 80 : i32
      %mul3A_196 = arith.muli %add3A_194, %mul3A_195 : i32
      %multiple_of3A_197 = tpu.assume_multiple %mul3A_196, 80 : i32
      "tpu.region"() ({
        %run_scoped3A = tpu.sem_alloc : memref<!tpu.dma_semaphore, #tpu.memory_space<semaphore_mem>>
        %dma_start3A_198 = tpu.memref_slice %arg8[%multiple_of3A_197] : memref<5120xi32, #tpu.memory_space<vmem>> -> memref<80xi32, #tpu.memory_space<vmem>>
        %dma_start3A_199 = arith.constant 0 : i32
        %dma_start3A_200 = arith.constant 0 : i32
        %dma_start3A_201 = tpu.memref_slice %arg12[%dma_start3A_199, %dma_start3A_200] : memref<10112x128xf32, #tpu.memory_space<vmem_shared>> -> memref<10112x128xf32, #tpu.memory_space<vmem_shared>>
        tpu.enqueue_indirect_dma source(%arg11 : memref<80x128xf32, #tpu.memory_space<vmem>>) target(%dma_start3A_201 : memref<10112x128xf32, #tpu.memory_space<vmem_shared>>) offsets(%dma_start3A_198 : memref<80xi32, #tpu.memory_space<vmem>>) semaphore(%run_scoped3A : memref<!tpu.dma_semaphore, #tpu.memory_space<semaphore_mem>>) {add = true}
        %dma_wait3A_202 = tpu.memref_slice %arg8[%multiple_of3A_197] : memref<5120xi32, #tpu.memory_space<vmem>> -> memref<80xi32, #tpu.memory_space<vmem>>
        %dma_wait3A_203 = arith.constant 0 : i32
        %dma_wait3A_204 = arith.constant 0 : i32
        %dma_wait3A_205 = tpu.memref_slice %arg12[%dma_wait3A_203, %dma_wait3A_204] : memref<10112x128xf32, #tpu.memory_space<vmem_shared>> -> memref<10112x128xf32, #tpu.memory_space<vmem_shared>>
        tpu.wait_indirect_dma semaphore(%run_scoped3A : memref<!tpu.dma_semaphore, #tpu.memory_space<semaphore_mem>>) src(%arg11 : memref<80x128xf32, #tpu.memory_space<vmem>>) dst(%dma_wait3A_205 : memref<10112x128xf32, #tpu.memory_space<vmem_shared>>)
        tpu.yield
      }) : () -> ()
    }
    %scan3A_98 = arith.constant 20 : i32
    %multiple_of3A_99 = arith.constant 4960 : i32
    %multiple_of3A_100 = tpu.assume_multiple %multiple_of3A_99, 80 : i32
    %dma_start3A_101 = tpu.memref_slice %arg7[%multiple_of3A_100] : memref<5120xi32, #tpu.memory_space<vmem>> -> memref<80xi32, #tpu.memory_space<vmem>>
    %dma_start3A_102 = arith.constant 0 : i32
    %dma_start3A_103 = arith.constant 0 : i32
    %dma_start3A_104 = tpu.memref_slice %arg2[%dma_start3A_102, %dma_start3A_103] : memref<200000x128xf32, #tpu.memory_space<hbm>> -> memref<200000x128xf32, #tpu.memory_space<hbm>>
    tpu.enqueue_indirect_dma source(%dma_start3A_104 : memref<200000x128xf32, #tpu.memory_space<hbm>>) target(%arg11 : memref<80x128xf32, #tpu.memory_space<vmem>>) offsets(%dma_start3A_101 : memref<80xi32, #tpu.memory_space<vmem>>) semaphore(%arg15 : memref<!tpu.dma_semaphore, #tpu.memory_space<semaphore_mem>>)
    %dma_wait3A_105 = arith.constant 0 : i32
    %dma_wait3A_106 = tpu.memref_slice %arg7[%dma_wait3A_105] : memref<5120xi32, #tpu.memory_space<vmem>> -> memref<80xi32, #tpu.memory_space<vmem>>
    %dma_wait3A_107 = arith.constant 0 : i32
    %dma_wait3A_108 = arith.constant 0 : i32
    %dma_wait3A_109 = tpu.memref_slice %arg2[%dma_wait3A_107, %dma_wait3A_108] : memref<200000x128xf32, #tpu.memory_space<hbm>> -> memref<200000x128xf32, #tpu.memory_space<hbm>>
    tpu.wait_indirect_dma semaphore(%arg13 : memref<!tpu.dma_semaphore, #tpu.memory_space<semaphore_mem>>) src(%dma_wait3A_109 : memref<200000x128xf32, #tpu.memory_space<hbm>>) dst(%arg9 : memref<80x128xf32, #tpu.memory_space<vmem>>)
    %multiple_of3A_110 = arith.constant 4800 : i32
    %multiple_of3A_111 = tpu.assume_multiple %multiple_of3A_110, 80 : i32
    "tpu.region"() ({
      %run_scoped3A = tpu.sem_alloc : memref<!tpu.dma_semaphore, #tpu.memory_space<semaphore_mem>>
      %dma_start3A_140 = tpu.memref_slice %arg8[%multiple_of3A_111] : memref<5120xi32, #tpu.memory_space<vmem>> -> memref<80xi32, #tpu.memory_space<vmem>>
      %dma_start3A_141 = arith.constant 0 : i32
      %dma_start3A_142 = arith.constant 0 : i32
      %dma_start3A_143 = tpu.memref_slice %arg12[%dma_start3A_141, %dma_start3A_142] : memref<10112x128xf32, #tpu.memory_space<vmem_shared>> -> memref<10112x128xf32, #tpu.memory_space<vmem_shared>>
      tpu.enqueue_indirect_dma source(%arg9 : memref<80x128xf32, #tpu.memory_space<vmem>>) target(%dma_start3A_143 : memref<10112x128xf32, #tpu.memory_space<vmem_shared>>) offsets(%dma_start3A_140 : memref<80xi32, #tpu.memory_space<vmem>>) semaphore(%run_scoped3A : memref<!tpu.dma_semaphore, #tpu.memory_space<semaphore_mem>>) {add = true}
      %dma_wait3A_144 = tpu.memref_slice %arg8[%multiple_of3A_111] : memref<5120xi32, #tpu.memory_space<vmem>> -> memref<80xi32, #tpu.memory_space<vmem>>
      %dma_wait3A_145 = arith.constant 0 : i32
      %dma_wait3A_146 = arith.constant 0 : i32
      %dma_wait3A_147 = tpu.memref_slice %arg12[%dma_wait3A_145, %dma_wait3A_146] : memref<10112x128xf32, #tpu.memory_space<vmem_shared>> -> memref<10112x128xf32, #tpu.memory_space<vmem_shared>>
      tpu.wait_indirect_dma semaphore(%run_scoped3A : memref<!tpu.dma_semaphore, #tpu.memory_space<semaphore_mem>>) src(%arg9 : memref<80x128xf32, #tpu.memory_space<vmem>>) dst(%dma_wait3A_147 : memref<10112x128xf32, #tpu.memory_space<vmem_shared>>)
      tpu.yield
    }) : () -> ()
    %multiple_of3A_112 = arith.constant 5040 : i32
    %multiple_of3A_113 = tpu.assume_multiple %multiple_of3A_112, 80 : i32
    %dma_start3A_114 = tpu.memref_slice %arg7[%multiple_of3A_113] : memref<5120xi32, #tpu.memory_space<vmem>> -> memref<80xi32, #tpu.memory_space<vmem>>
    %dma_start3A_115 = arith.constant 0 : i32
    %dma_start3A_116 = arith.constant 0 : i32
    %dma_start3A_117 = tpu.memref_slice %arg2[%dma_start3A_115, %dma_start3A_116] : memref<200000x128xf32, #tpu.memory_space<hbm>> -> memref<200000x128xf32, #tpu.memory_space<hbm>>
    tpu.enqueue_indirect_dma source(%dma_start3A_117 : memref<200000x128xf32, #tpu.memory_space<hbm>>) target(%arg9 : memref<80x128xf32, #tpu.memory_space<vmem>>) offsets(%dma_start3A_114 : memref<80xi32, #tpu.memory_space<vmem>>) semaphore(%arg13 : memref<!tpu.dma_semaphore, #tpu.memory_space<semaphore_mem>>)
    %dma_wait3A_118 = arith.constant 0 : i32
    %dma_wait3A_119 = tpu.memref_slice %arg7[%dma_wait3A_118] : memref<5120xi32, #tpu.memory_space<vmem>> -> memref<80xi32, #tpu.memory_space<vmem>>
    %dma_wait3A_120 = arith.constant 0 : i32
    %dma_wait3A_121 = arith.constant 0 : i32
    %dma_wait3A_122 = tpu.memref_slice %arg2[%dma_wait3A_120, %dma_wait3A_121] : memref<200000x128xf32, #tpu.memory_space<hbm>> -> memref<200000x128xf32, #tpu.memory_space<hbm>>
    tpu.wait_indirect_dma semaphore(%arg14 : memref<!tpu.dma_semaphore, #tpu.memory_space<semaphore_mem>>) src(%dma_wait3A_122 : memref<200000x128xf32, #tpu.memory_space<hbm>>) dst(%arg10 : memref<80x128xf32, #tpu.memory_space<vmem>>)
    %multiple_of3A_123 = arith.constant 4880 : i32
    %multiple_of3A_124 = tpu.assume_multiple %multiple_of3A_123, 80 : i32
    "tpu.region"() ({
      %run_scoped3A = tpu.sem_alloc : memref<!tpu.dma_semaphore, #tpu.memory_space<semaphore_mem>>
      %dma_start3A_140 = tpu.memref_slice %arg8[%multiple_of3A_124] : memref<5120xi32, #tpu.memory_space<vmem>> -> memref<80xi32, #tpu.memory_space<vmem>>
      %dma_start3A_141 = arith.constant 0 : i32
      %dma_start3A_142 = arith.constant 0 : i32
      %dma_start3A_143 = tpu.memref_slice %arg12[%dma_start3A_141, %dma_start3A_142] : memref<10112x128xf32, #tpu.memory_space<vmem_shared>> -> memref<10112x128xf32, #tpu.memory_space<vmem_shared>>
      tpu.enqueue_indirect_dma source(%arg10 : memref<80x128xf32, #tpu.memory_space<vmem>>) target(%dma_start3A_143 : memref<10112x128xf32, #tpu.memory_space<vmem_shared>>) offsets(%dma_start3A_140 : memref<80xi32, #tpu.memory_space<vmem>>) semaphore(%run_scoped3A : memref<!tpu.dma_semaphore, #tpu.memory_space<semaphore_mem>>) {add = true}
      %dma_wait3A_144 = tpu.memref_slice %arg8[%multiple_of3A_124] : memref<5120xi32, #tpu.memory_space<vmem>> -> memref<80xi32, #tpu.memory_space<vmem>>
      %dma_wait3A_145 = arith.constant 0 : i32
      %dma_wait3A_146 = arith.constant 0 : i32
      %dma_wait3A_147 = tpu.memref_slice %arg12[%dma_wait3A_145, %dma_wait3A_146] : memref<10112x128xf32, #tpu.memory_space<vmem_shared>> -> memref<10112x128xf32, #tpu.memory_space<vmem_shared>>
      tpu.wait_indirect_dma semaphore(%run_scoped3A : memref<!tpu.dma_semaphore, #tpu.memory_space<semaphore_mem>>) src(%arg10 : memref<80x128xf32, #tpu.memory_space<vmem>>) dst(%dma_wait3A_147 : memref<10112x128xf32, #tpu.memory_space<vmem_shared>>)
      tpu.yield
    }) : () -> ()
    %dma_wait3A_125 = arith.constant 0 : i32
    %dma_wait3A_126 = tpu.memref_slice %arg7[%dma_wait3A_125] : memref<5120xi32, #tpu.memory_space<vmem>> -> memref<80xi32, #tpu.memory_space<vmem>>
    %dma_wait3A_127 = arith.constant 0 : i32
    %dma_wait3A_128 = arith.constant 0 : i32
    %dma_wait3A_129 = tpu.memref_slice %arg2[%dma_wait3A_127, %dma_wait3A_128] : memref<200000x128xf32, #tpu.memory_space<hbm>> -> memref<200000x128xf32, #tpu.memory_space<hbm>>
    tpu.wait_indirect_dma semaphore(%arg15 : memref<!tpu.dma_semaphore, #tpu.memory_space<semaphore_mem>>) src(%dma_wait3A_129 : memref<200000x128xf32, #tpu.memory_space<hbm>>) dst(%arg11 : memref<80x128xf32, #tpu.memory_space<vmem>>)
    %multiple_of3A_130 = arith.constant 4960 : i32
    %multiple_of3A_131 = tpu.assume_multiple %multiple_of3A_130, 80 : i32
    "tpu.region"() ({
      %run_scoped3A = tpu.sem_alloc : memref<!tpu.dma_semaphore, #tpu.memory_space<semaphore_mem>>
      %dma_start3A_140 = tpu.memref_slice %arg8[%multiple_of3A_131] : memref<5120xi32, #tpu.memory_space<vmem>> -> memref<80xi32, #tpu.memory_space<vmem>>
      %dma_start3A_141 = arith.constant 0 : i32
      %dma_start3A_142 = arith.constant 0 : i32
      %dma_start3A_143 = tpu.memref_slice %arg12[%dma_start3A_141, %dma_start3A_142] : memref<10112x128xf32, #tpu.memory_space<vmem_shared>> -> memref<10112x128xf32, #tpu.memory_space<vmem_shared>>
      tpu.enqueue_indirect_dma source(%arg11 : memref<80x128xf32, #tpu.memory_space<vmem>>) target(%dma_start3A_143 : memref<10112x128xf32, #tpu.memory_space<vmem_shared>>) offsets(%dma_start3A_140 : memref<80xi32, #tpu.memory_space<vmem>>) semaphore(%run_scoped3A : memref<!tpu.dma_semaphore, #tpu.memory_space<semaphore_mem>>) {add = true}
      %dma_wait3A_144 = tpu.memref_slice %arg8[%multiple_of3A_131] : memref<5120xi32, #tpu.memory_space<vmem>> -> memref<80xi32, #tpu.memory_space<vmem>>
      %dma_wait3A_145 = arith.constant 0 : i32
      %dma_wait3A_146 = arith.constant 0 : i32
      %dma_wait3A_147 = tpu.memref_slice %arg12[%dma_wait3A_145, %dma_wait3A_146] : memref<10112x128xf32, #tpu.memory_space<vmem_shared>> -> memref<10112x128xf32, #tpu.memory_space<vmem_shared>>
      tpu.wait_indirect_dma semaphore(%run_scoped3A : memref<!tpu.dma_semaphore, #tpu.memory_space<semaphore_mem>>) src(%arg11 : memref<80x128xf32, #tpu.memory_space<vmem>>) dst(%dma_wait3A_147 : memref<10112x128xf32, #tpu.memory_space<vmem_shared>>)
      tpu.yield
    }) : () -> ()
    %dma_wait3A_132 = arith.constant 0 : i32
    %dma_wait3A_133 = tpu.memref_slice %arg7[%dma_wait3A_132] : memref<5120xi32, #tpu.memory_space<vmem>> -> memref<80xi32, #tpu.memory_space<vmem>>
    %dma_wait3A_134 = arith.constant 0 : i32
    %dma_wait3A_135 = arith.constant 0 : i32
    %dma_wait3A_136 = tpu.memref_slice %arg2[%dma_wait3A_134, %dma_wait3A_135] : memref<200000x128xf32, #tpu.memory_space<hbm>> -> memref<200000x128xf32, #tpu.memory_space<hbm>>
    tpu.wait_indirect_dma semaphore(%arg13 : memref<!tpu.dma_semaphore, #tpu.memory_space<semaphore_mem>>) src(%dma_wait3A_136 : memref<200000x128xf32, #tpu.memory_space<hbm>>) dst(%arg9 : memref<80x128xf32, #tpu.memory_space<vmem>>)
    %multiple_of3A_137 = arith.constant 5040 : i32
    %multiple_of3A_138 = tpu.assume_multiple %multiple_of3A_137, 80 : i32
    "tpu.region"() ({
      %run_scoped3A = tpu.sem_alloc : memref<!tpu.dma_semaphore, #tpu.memory_space<semaphore_mem>>
      %dma_start3A_140 = tpu.memref_slice %arg8[%multiple_of3A_138] : memref<5120xi32, #tpu.memory_space<vmem>> -> memref<80xi32, #tpu.memory_space<vmem>>
      %dma_start3A_141 = arith.constant 0 : i32
      %dma_start3A_142 = arith.constant 0 : i32
      %dma_start3A_143 = tpu.memref_slice %arg12[%dma_start3A_141, %dma_start3A_142] : memref<10112x128xf32, #tpu.memory_space<vmem_shared>> -> memref<10112x128xf32, #tpu.memory_space<vmem_shared>>
      tpu.enqueue_indirect_dma source(%arg9 : memref<80x128xf32, #tpu.memory_space<vmem>>) target(%dma_start3A_143 : memref<10112x128xf32, #tpu.memory_space<vmem_shared>>) offsets(%dma_start3A_140 : memref<80xi32, #tpu.memory_space<vmem>>) semaphore(%run_scoped3A : memref<!tpu.dma_semaphore, #tpu.memory_space<semaphore_mem>>) {add = true}
      %dma_wait3A_144 = tpu.memref_slice %arg8[%multiple_of3A_138] : memref<5120xi32, #tpu.memory_space<vmem>> -> memref<80xi32, #tpu.memory_space<vmem>>
      %dma_wait3A_145 = arith.constant 0 : i32
      %dma_wait3A_146 = arith.constant 0 : i32
      %dma_wait3A_147 = tpu.memref_slice %arg12[%dma_wait3A_145, %dma_wait3A_146] : memref<10112x128xf32, #tpu.memory_space<vmem_shared>> -> memref<10112x128xf32, #tpu.memory_space<vmem_shared>>
      tpu.wait_indirect_dma semaphore(%run_scoped3A : memref<!tpu.dma_semaphore, #tpu.memory_space<semaphore_mem>>) src(%arg9 : memref<80x128xf32, #tpu.memory_space<vmem>>) dst(%dma_wait3A_147 : memref<10112x128xf32, #tpu.memory_space<vmem_shared>>)
      tpu.yield
    }) : () -> ()
    %barrier3A_139 = arith.constant 0 : index
    tpu.barrier barrier_id(%barrier3A_139)
    "tpu.region"() ({
      %run_scoped3A = tpu.sem_alloc : memref<!tpu.dma_semaphore, #tpu.memory_space<semaphore_mem>>
      %dma_start3A_140 = arith.constant 0 : i32
      %dma_start3A_141 = tpu.memref_slice %arg6[%arg0, %mul3A_2, %dma_start3A_140] : memref<2x10112x128xf32, #tpu.memory_space<hbm>> -> memref<1x632x128xf32, #tpu.memory_space<hbm>>
      %dma_start3A_142 = tpu.memref_squeeze %dma_start3A_141 : memref<1x632x128xf32, #tpu.memory_space<hbm>> -> memref<632x128xf32, #tpu.memory_space<hbm>>
      %dma_start3A_143 = arith.constant 0 : i32
      %dma_start3A_144 = tpu.memref_slice %arg12[%mul3A_2, %dma_start3A_143] : memref<10112x128xf32, #tpu.memory_space<vmem_shared>> -> memref<632x128xf32, #tpu.memory_space<vmem_shared>>
      tpu.enqueue_dma source(%dma_start3A_144 : memref<632x128xf32, #tpu.memory_space<vmem_shared>>) target(%dma_start3A_142 : memref<632x128xf32, #tpu.memory_space<hbm>>) target_semaphore(%run_scoped3A : memref<!tpu.dma_semaphore, #tpu.memory_space<semaphore_mem>>)
      %dma_wait3A_145 = arith.constant 0 : i32
      %dma_wait3A_146 = tpu.memref_slice %arg6[%arg0, %mul3A_2, %dma_wait3A_145] : memref<2x10112x128xf32, #tpu.memory_space<hbm>> -> memref<1x632x128xf32, #tpu.memory_space<hbm>>
      %dma_wait3A_147 = tpu.memref_squeeze %dma_wait3A_146 : memref<1x632x128xf32, #tpu.memory_space<hbm>> -> memref<632x128xf32, #tpu.memory_space<hbm>>
      %dma_wait3A_148 = arith.constant 0 : i32
      %dma_wait3A_149 = tpu.memref_slice %arg12[%mul3A_2, %dma_wait3A_148] : memref<10112x128xf32, #tpu.memory_space<vmem_shared>> -> memref<632x128xf32, #tpu.memory_space<vmem_shared>>
      tpu.wait_dma2 semaphore(%run_scoped3A : memref<!tpu.dma_semaphore, #tpu.memory_space<semaphore_mem>>) src(%dma_wait3A_149 : memref<632x128xf32, #tpu.memory_space<vmem_shared>>) dst(%dma_wait3A_147 : memref<632x128xf32, #tpu.memory_space<hbm>>)
      tpu.yield
    }) : () -> ()
    return
  }
}

#map = affine_map<(d0, d1) -> (0, 0)>
#map1 = affine_map<(d0, d1) -> (0)>
#map2 = affine_map<(d0, d1) -> (0, 0, 0)>
module attributes {stable_mosaic.version = 14 : i64} {
  func.func @_scatter_accum(%arg0: i32, %arg1: i32, %arg2: memref<200000x128xf32, #tpu.memory_space<hbm>>, %arg3: memref<327680xi32, #tpu.memory_space<hbm>>, %arg4: memref<327680xi32, #tpu.memory_space<hbm>>, %arg5: memref<10112x128xf32, #tpu.memory_space<hbm>>, %arg6: memref<2x10112x128xf32, #tpu.memory_space<hbm>>, %arg7: memref<5120xi32, #tpu.memory_space<vmem>>, %arg8: memref<5120xi32, #tpu.memory_space<vmem>>, %arg9: memref<80x128xf32, #tpu.memory_space<vmem>>, %arg10: memref<80x128xf32, #tpu.memory_space<vmem>>, %arg11: memref<80x128xf32, #tpu.memory_space<vmem>>, %arg12: memref<10112x128xf32, #tpu.memory_space<vmem_shared>>, %arg13: memref<!tpu.dma_semaphore, #tpu.memory_space<semaphore_mem>>, %arg14: memref<!tpu.dma_semaphore, #tpu.memory_space<semaphore_mem>>, %arg15: memref<!tpu.dma_semaphore, #tpu.memory_space<semaphore_mem>>) attributes {dimension_semantics = [#tpu.dimension_semantics<core_parallel>, #tpu.dimension_semantics<subcore_parallel>], iteration_bounds = array<i64: 2, 16>, scalar_prefetch = 0 : i64, scratch_operands = 9 : i64, tpu.core_type = #tpu.core_type<sc_vector_subcore>, window_params = [{transform_indices = #map}, {transform_indices = #map1}, {transform_indices = #map1}, {transform_indices = #map}, {transform_indices = #map2}]} {
    %mul3A = arith.constant 2 : i32
    %mul3A_0 = arith.muli %arg1, %mul3A : i32
    %add3A = arith.addi %mul3A_0, %arg0 : i32
    %mul3A_1 = arith.constant 632 : i32
    %mul3A_2 = arith.muli %arg1, %mul3A_1 : i32
    "tpu.region"() ({
      %run_scoped3A = tpu.sem_alloc : memref<!tpu.dma_semaphore, #tpu.memory_space<semaphore_mem>>
      %dma_start3A_140 = arith.constant 0 : i32
      %dma_start3A_141 = tpu.memref_slice %arg12[%mul3A_2, %dma_start3A_140] : memref<10112x128xf32, #tpu.memory_space<vmem_shared>> -> memref<632x128xf32, #tpu.memory_space<vmem_shared>>
      %dma_start3A_142 = arith.constant 0 : i32
      %dma_start3A_143 = tpu.memref_slice %arg5[%mul3A_2, %dma_start3A_142] : memref<10112x128xf32, #tpu.memory_space<hbm>> -> memref<632x128xf32, #tpu.memory_space<hbm>>
      tpu.enqueue_dma source(%dma_start3A_143 : memref<632x128xf32, #tpu.memory_space<hbm>>) target(%dma_start3A_141 : memref<632x128xf32, #tpu.memory_space<vmem_shared>>) target_semaphore(%run_scoped3A : memref<!tpu.dma_semaphore, #tpu.memory_space<semaphore_mem>>)
      %dma_wait3A_144 = arith.constant 0 : i32
      %dma_wait3A_145 = tpu.memref_slice %arg12[%mul3A_2, %dma_wait3A_144] : memref<10112x128xf32, #tpu.memory_space<vmem_shared>> -> memref<632x128xf32, #tpu.memory_space<vmem_shared>>
      %dma_wait3A_146 = arith.constant 0 : i32
      %dma_wait3A_147 = tpu.memref_slice %arg5[%mul3A_2, %dma_wait3A_146] : memref<10112x128xf32, #tpu.memory_space<hbm>> -> memref<632x128xf32, #tpu.memory_space<hbm>>
      tpu.wait_dma2 semaphore(%run_scoped3A : memref<!tpu.dma_semaphore, #tpu.memory_space<semaphore_mem>>) src(%dma_wait3A_147 : memref<632x128xf32, #tpu.memory_space<hbm>>) dst(%dma_wait3A_145 : memref<632x128xf32, #tpu.memory_space<vmem_shared>>)
      tpu.yield
    }) : () -> ()
    %barrier3A = arith.constant 0 : index
    tpu.barrier barrier_id(%barrier3A)
    %mul3A_3 = arith.constant 2 : i32
    %mul3A_4 = arith.muli %add3A, %mul3A_3 : i32
    %add3A_5 = arith.constant 0 : i32
    %add3A_6 = arith.addi %mul3A_4, %add3A_5 : i32
    %mul3A_7 = arith.constant 5120 : i32
    %mul3A_8 = arith.muli %add3A_6, %mul3A_7 : i32
    "tpu.region"() ({
      %run_scoped3A = tpu.sem_alloc : memref<!tpu.dma_semaphore, #tpu.memory_space<semaphore_mem>>
      %dma_start3A_140 = tpu.memref_slice %arg3[%mul3A_8] : memref<327680xi32, #tpu.memory_space<hbm>> -> memref<5120xi32, #tpu.memory_space<hbm>>
      %dma_start3A_141 = tpu.memref_slice %arg3[%mul3A_8] : memref<327680xi32, #tpu.memory_space<hbm>> -> memref<5120xi32, #tpu.memory_space<hbm>>
      tpu.enqueue_dma source(%dma_start3A_141 : memref<5120xi32, #tpu.memory_space<hbm>>) target(%arg7 : memref<5120xi32, #tpu.memory_space<vmem>>) target_semaphore(%run_scoped3A : memref<!tpu.dma_semaphore, #tpu.memory_space<semaphore_mem>>)
      %dma_wait3A_142 = tpu.memref_slice %arg3[%mul3A_8] : memref<327680xi32, #tpu.memory_space<hbm>> -> memref<5120xi32, #tpu.memory_space<hbm>>
      %dma_wait3A_143 = tpu.memref_slice %arg3[%mul3A_8] : memref<327680xi32, #tpu.memory_space<hbm>> -> memref<5120xi32, #tpu.memory_space<hbm>>
      tpu.wait_dma2 semaphore(%run_scoped3A : memref<!tpu.dma_semaphore, #tpu.memory_space<semaphore_mem>>) src(%dma_wait3A_143 : memref<5120xi32, #tpu.memory_space<hbm>>) dst(%arg7 : memref<5120xi32, #tpu.memory_space<vmem>>)
      tpu.yield
    }) : () -> ()
    %mul3A_9 = arith.constant 2 : i32
    %mul3A_10 = arith.muli %add3A, %mul3A_9 : i32
    %add3A_11 = arith.constant 0 : i32
    %add3A_12 = arith.addi %mul3A_10, %add3A_11 : i32
    %mul3A_13 = arith.constant 5120 : i32
    %mul3A_14 = arith.muli %add3A_12, %mul3A_13 : i32
    "tpu.region"() ({
      %run_scoped3A = tpu.sem_alloc : memref<!tpu.dma_semaphore, #tpu.memory_space<semaphore_mem>>
      %dma_start3A_140 = tpu.memref_slice %arg4[%mul3A_14] : memref<327680xi32, #tpu.memory_space<hbm>> -> memref<5120xi32, #tpu.memory_space<hbm>>
      %dma_start3A_141 = tpu.memref_slice %arg4[%mul3A_14] : memref<327680xi32, #tpu.memory_space<hbm>> -> memref<5120xi32, #tpu.memory_space<hbm>>
      tpu.enqueue_dma source(%dma_start3A_141 : memref<5120xi32, #tpu.memory_space<hbm>>) target(%arg8 : memref<5120xi32, #tpu.memory_space<vmem>>) target_semaphore(%run_scoped3A : memref<!tpu.dma_semaphore, #tpu.memory_space<semaphore_mem>>)
      %dma_wait3A_142 = tpu.memref_slice %arg4[%mul3A_14] : memref<327680xi32, #tpu.memory_space<hbm>> -> memref<5120xi32, #tpu.memory_space<hbm>>
      %dma_wait3A_143 = tpu.memref_slice %arg4[%mul3A_14] : memref<327680xi32, #tpu.memory_space<hbm>> -> memref<5120xi32, #tpu.memory_space<hbm>>
      tpu.wait_dma2 semaphore(%run_scoped3A : memref<!tpu.dma_semaphore, #tpu.memory_space<semaphore_mem>>) src(%dma_wait3A_143 : memref<5120xi32, #tpu.memory_space<hbm>>) dst(%arg8 : memref<5120xi32, #tpu.memory_space<vmem>>)
      tpu.yield
    }) : () -> ()
    %multiple_of3A = arith.constant 0 : i32
    %multiple_of3A_15 = tpu.assume_multiple %multiple_of3A, 80 : i32
    %dma_start3A = tpu.memref_slice %arg7[%multiple_of3A_15] : memref<5120xi32, #tpu.memory_space<vmem>> -> memref<80xi32, #tpu.memory_space<vmem>>
    %dma_start3A_16 = arith.constant 0 : i32
    %dma_start3A_17 = arith.constant 0 : i32
    %dma_start3A_18 = tpu.memref_slice %arg2[%dma_start3A_16, %dma_start3A_17] : memref<200000x128xf32, #tpu.memory_space<hbm>> -> memref<200000x128xf32, #tpu.memory_space<hbm>>
    tpu.enqueue_indirect_dma source(%dma_start3A_18 : memref<200000x128xf32, #tpu.memory_space<hbm>>) target(%arg9 : memref<80x128xf32, #tpu.memory_space<vmem>>) offsets(%dma_start3A : memref<80xi32, #tpu.memory_space<vmem>>) semaphore(%arg13 : memref<!tpu.dma_semaphore, #tpu.memory_space<semaphore_mem>>)
    %multiple_of3A_19 = arith.constant 80 : i32
    %multiple_of3A_20 = tpu.assume_multiple %multiple_of3A_19, 80 : i32
    %dma_start3A_21 = tpu.memref_slice %arg7[%multiple_of3A_20] : memref<5120xi32, #tpu.memory_space<vmem>> -> memref<80xi32, #tpu.memory_space<vmem>>
    %dma_start3A_22 = arith.constant 0 : i32
    %dma_start3A_23 = arith.constant 0 : i32
    %dma_start3A_24 = tpu.memref_slice %arg2[%dma_start3A_22, %dma_start3A_23] : memref<200000x128xf32, #tpu.memory_space<hbm>> -> memref<200000x128xf32, #tpu.memory_space<hbm>>
    tpu.enqueue_indirect_dma source(%dma_start3A_24 : memref<200000x128xf32, #tpu.memory_space<hbm>>) target(%arg10 : memref<80x128xf32, #tpu.memory_space<vmem>>) offsets(%dma_start3A_21 : memref<80xi32, #tpu.memory_space<vmem>>) semaphore(%arg14 : memref<!tpu.dma_semaphore, #tpu.memory_space<semaphore_mem>>)
    %scan3A = arith.constant 0 : i32
    %scan3A_25 = arith.constant 0 : i32
    %scan3A_26 = arith.constant 20 : i32
    %scan3A_27 = arith.addi %scan3A_25, %scan3A_26 : i32
    %scan3A_28 = arith.constant 1 : i32
    scf.for %scan3A_140 = %scan3A_25 to %scan3A_27 step %scan3A_28  : i32 {
      %mul3A_141 = arith.constant 3 : i32
      %mul3A_142 = arith.muli %mul3A_141, %scan3A_140 : i32
      %add3A_143 = arith.constant 2 : i32
      %add3A_144 = arith.addi %mul3A_142, %add3A_143 : i32
      %mul3A_145 = arith.constant 80 : i32
      %mul3A_146 = arith.muli %add3A_144, %mul3A_145 : i32
      %multiple_of3A_147 = tpu.assume_multiple %mul3A_146, 80 : i32
      %dma_start3A_148 = tpu.memref_slice %arg7[%multiple_of3A_147] : memref<5120xi32, #tpu.memory_space<vmem>> -> memref<80xi32, #tpu.memory_space<vmem>>
      %dma_start3A_149 = arith.constant 0 : i32
      %dma_start3A_150 = arith.constant 0 : i32
      %dma_start3A_151 = tpu.memref_slice %arg2[%dma_start3A_149, %dma_start3A_150] : memref<200000x128xf32, #tpu.memory_space<hbm>> -> memref<200000x128xf32, #tpu.memory_space<hbm>>
      tpu.enqueue_indirect_dma source(%dma_start3A_151 : memref<200000x128xf32, #tpu.memory_space<hbm>>) target(%arg11 : memref<80x128xf32, #tpu.memory_space<vmem>>) offsets(%dma_start3A_148 : memref<80xi32, #tpu.memory_space<vmem>>) semaphore(%arg15 : memref<!tpu.dma_semaphore, #tpu.memory_space<semaphore_mem>>)
      %dma_wait3A_152 = arith.constant 0 : i32
      %dma_wait3A_153 = tpu.memref_slice %arg7[%dma_wait3A_152] : memref<5120xi32, #tpu.memory_space<vmem>> -> memref<80xi32, #tpu.memory_space<vmem>>
      %dma_wait3A_154 = arith.constant 0 : i32
      %dma_wait3A_155 = arith.constant 0 : i32
      %dma_wait3A_156 = tpu.memref_slice %arg2[%dma_wait3A_154, %dma_wait3A_155] : memref<200000x128xf32, #tpu.memory_space<hbm>> -> memref<200000x128xf32, #tpu.memory_space<hbm>>
      tpu.wait_indirect_dma semaphore(%arg13 : memref<!tpu.dma_semaphore, #tpu.memory_space<semaphore_mem>>) src(%dma_wait3A_156 : memref<200000x128xf32, #tpu.memory_space<hbm>>) dst(%arg9 : memref<80x128xf32, #tpu.memory_space<vmem>>)
      %mul3A_157 = arith.constant 80 : i32
      %mul3A_158 = arith.muli %mul3A_142, %mul3A_157 : i32
      %multiple_of3A_159 = tpu.assume_multiple %mul3A_158, 80 : i32
      "tpu.region"() ({
        %run_scoped3A = tpu.sem_alloc : memref<!tpu.dma_semaphore, #tpu.memory_space<semaphore_mem>>
        %dma_start3A_198 = tpu.memref_slice %arg8[%multiple_of3A_159] : memref<5120xi32, #tpu.memory_space<vmem>> -> memref<80xi32, #tpu.memory_space<vmem>>
        %dma_start3A_199 = arith.constant 0 : i32
        %dma_start3A_200 = arith.constant 0 : i32
        %dma_start3A_201 = tpu.memref_slice %arg12[%dma_start3A_199, %dma_start3A_200] : memref<10112x128xf32, #tpu.memory_space<vmem_shared>> -> memref<10112x128xf32, #tpu.memory_space<vmem_shared>>
        tpu.enqueue_indirect_dma source(%arg9 : memref<80x128xf32, #tpu.memory_space<vmem>>) target(%dma_start3A_201 : memref<10112x128xf32, #tpu.memory_space<vmem_shared>>) offsets(%dma_start3A_198 : memref<80xi32, #tpu.memory_space<vmem>>) semaphore(%run_scoped3A : memref<!tpu.dma_semaphore, #tpu.memory_space<semaphore_mem>>) {add = true}
        %dma_wait3A_202 = tpu.memref_slice %arg8[%multiple_of3A_159] : memref<5120xi32, #tpu.memory_space<vmem>> -> memref<80xi32, #tpu.memory_space<vmem>>
        %dma_wait3A_203 = arith.constant 0 : i32
        %dma_wait3A_204 = arith.constant 0 : i32
        %dma_wait3A_205 = tpu.memref_slice %arg12[%dma_wait3A_203, %dma_wait3A_204] : memref<10112x128xf32, #tpu.memory_space<vmem_shared>> -> memref<10112x128xf32, #tpu.memory_space<vmem_shared>>
        tpu.wait_indirect_dma semaphore(%run_scoped3A : memref<!tpu.dma_semaphore, #tpu.memory_space<semaphore_mem>>) src(%arg9 : memref<80x128xf32, #tpu.memory_space<vmem>>) dst(%dma_wait3A_205 : memref<10112x128xf32, #tpu.memory_space<vmem_shared>>)
        tpu.yield
      }) : () -> ()
      %add3A_160 = arith.constant 3 : i32
      %add3A_161 = arith.addi %mul3A_142, %add3A_160 : i32
      %mul3A_162 = arith.constant 80 : i32
      %mul3A_163 = arith.muli %add3A_161, %mul3A_162 : i32
      %multiple_of3A_164 = tpu.assume_multiple %mul3A_163, 80 : i32
      %dma_start3A_165 = tpu.memref_slice %arg7[%multiple_of3A_164] : memref<5120xi32, #tpu.memory_space<vmem>> -> memref<80xi32, #tpu.memory_space<vmem>>
      %dma_start3A_166 = arith.constant 0 : i32
      %dma_start3A_167 = arith.constant 0 : i32
      %dma_start3A_168 = tpu.memref_slice %arg2[%dma_start3A_166, %dma_start3A_167] : memref<200000x128xf32, #tpu.memory_space<hbm>> -> memref<200000x128xf32, #tpu.memory_space<hbm>>
      tpu.enqueue_indirect_dma source(%dma_start3A_168 : memref<200000x128xf32, #tpu.memory_space<hbm>>) target(%arg9 : memref<80x128xf32, #tpu.memory_space<vmem>>) offsets(%dma_start3A_165 : memref<80xi32, #tpu.memory_space<vmem>>) semaphore(%arg13 : memref<!tpu.dma_semaphore, #tpu.memory_space<semaphore_mem>>)
      %dma_wait3A_169 = arith.constant 0 : i32
      %dma_wait3A_170 = tpu.memref_slice %arg7[%dma_wait3A_169] : memref<5120xi32, #tpu.memory_space<vmem>> -> memref<80xi32, #tpu.memory_space<vmem>>
      %dma_wait3A_171 = arith.constant 0 : i32
      %dma_wait3A_172 = arith.constant 0 : i32
      %dma_wait3A_173 = tpu.memref_slice %arg2[%dma_wait3A_171, %dma_wait3A_172] : memref<200000x128xf32, #tpu.memory_space<hbm>> -> memref<200000x128xf32, #tpu.memory_space<hbm>>
      tpu.wait_indirect_dma semaphore(%arg14 : memref<!tpu.dma_semaphore, #tpu.memory_space<semaphore_mem>>) src(%dma_wait3A_173 : memref<200000x128xf32, #tpu.memory_space<hbm>>) dst(%arg10 : memref<80x128xf32, #tpu.memory_space<vmem>>)
      %add3A_174 = arith.constant 1 : i32
      %add3A_175 = arith.addi %mul3A_142, %add3A_174 : i32
      %mul3A_176 = arith.constant 80 : i32
      %mul3A_177 = arith.muli %add3A_175, %mul3A_176 : i32
      %multiple_of3A_178 = tpu.assume_multiple %mul3A_177, 80 : i32
      "tpu.region"() ({
        %run_scoped3A = tpu.sem_alloc : memref<!tpu.dma_semaphore, #tpu.memory_space<semaphore_mem>>
        %dma_start3A_198 = tpu.memref_slice %arg8[%multiple_of3A_178] : memref<5120xi32, #tpu.memory_space<vmem>> -> memref<80xi32, #tpu.memory_space<vmem>>
        %dma_start3A_199 = arith.constant 0 : i32
        %dma_start3A_200 = arith.constant 0 : i32
        %dma_start3A_201 = tpu.memref_slice %arg12[%dma_start3A_199, %dma_start3A_200] : memref<10112x128xf32, #tpu.memory_space<vmem_shared>> -> memref<10112x128xf32, #tpu.memory_space<vmem_shared>>
        tpu.enqueue_indirect_dma source(%arg10 : memref<80x128xf32, #tpu.memory_space<vmem>>) target(%dma_start3A_201 : memref<10112x128xf32, #tpu.memory_space<vmem_shared>>) offsets(%dma_start3A_198 : memref<80xi32, #tpu.memory_space<vmem>>) semaphore(%run_scoped3A : memref<!tpu.dma_semaphore, #tpu.memory_space<semaphore_mem>>) {add = true}
        %dma_wait3A_202 = tpu.memref_slice %arg8[%multiple_of3A_178] : memref<5120xi32, #tpu.memory_space<vmem>> -> memref<80xi32, #tpu.memory_space<vmem>>
        %dma_wait3A_203 = arith.constant 0 : i32
        %dma_wait3A_204 = arith.constant 0 : i32
        %dma_wait3A_205 = tpu.memref_slice %arg12[%dma_wait3A_203, %dma_wait3A_204] : memref<10112x128xf32, #tpu.memory_space<vmem_shared>> -> memref<10112x128xf32, #tpu.memory_space<vmem_shared>>
        tpu.wait_indirect_dma semaphore(%run_scoped3A : memref<!tpu.dma_semaphore, #tpu.memory_space<semaphore_mem>>) src(%arg10 : memref<80x128xf32, #tpu.memory_space<vmem>>) dst(%dma_wait3A_205 : memref<10112x128xf32, #tpu.memory_space<vmem_shared>>)
        tpu.yield
      }) : () -> ()
      %add3A_179 = arith.constant 4 : i32
      %add3A_180 = arith.addi %mul3A_142, %add3A_179 : i32
      %mul3A_181 = arith.constant 80 : i32
      %mul3A_182 = arith.muli %add3A_180, %mul3A_181 : i32
      %multiple_of3A_183 = tpu.assume_multiple %mul3A_182, 80 : i32
      %dma_start3A_184 = tpu.memref_slice %arg7[%multiple_of3A_183] : memref<5120xi32, #tpu.memory_space<vmem>> -> memref<80xi32, #tpu.memory_space<vmem>>
      %dma_start3A_185 = arith.constant 0 : i32
      %dma_start3A_186 = arith.constant 0 : i32
      %dma_start3A_187 = tpu.memref_slice %arg2[%dma_start3A_185, %dma_start3A_186] : memref<200000x128xf32, #tpu.memory_space<hbm>> -> memref<200000x128xf32, #tpu.memory_space<hbm>>
      tpu.enqueue_indirect_dma source(%dma_start3A_187 : memref<200000x128xf32, #tpu.memory_space<hbm>>) target(%arg10 : memref<80x128xf32, #tpu.memory_space<vmem>>) offsets(%dma_start3A_184 : memref<80xi32, #tpu.memory_space<vmem>>) semaphore(%arg14 : memref<!tpu.dma_semaphore, #tpu.memory_space<semaphore_mem>>)
      %dma_wait3A_188 = arith.constant 0 : i32
      %dma_wait3A_189 = tpu.memref_slice %arg7[%dma_wait3A_188] : memref<5120xi32, #tpu.memory_space<vmem>> -> memref<80xi32, #tpu.memory_space<vmem>>
      %dma_wait3A_190 = arith.constant 0 : i32
      %dma_wait3A_191 = arith.constant 0 : i32
      %dma_wait3A_192 = tpu.memref_slice %arg2[%dma_wait3A_190, %dma_wait3A_191] : memref<200000x128xf32, #tpu.memory_space<hbm>> -> memref<200000x128xf32, #tpu.memory_space<hbm>>
      tpu.wait_indirect_dma semaphore(%arg15 : memref<!tpu.dma_semaphore, #tpu.memory_space<semaphore_mem>>) src(%dma_wait3A_192 : memref<200000x128xf32, #tpu.memory_space<hbm>>) dst(%arg11 : memref<80x128xf32, #tpu.memory_space<vmem>>)
      %add3A_193 = arith.constant 2 : i32
      %add3A_194 = arith.addi %mul3A_142, %add3A_193 : i32
      %mul3A_195 = arith.constant 80 : i32
      %mul3A_196 = arith.muli %add3A_194, %mul3A_195 : i32
      %multiple_of3A_197 = tpu.assume_multiple %mul3A_196, 80 : i32
      "tpu.region"() ({
        %run_scoped3A = tpu.sem_alloc : memref<!tpu.dma_semaphore, #tpu.memory_space<semaphore_mem>>
        %dma_start3A_198 = tpu.memref_slice %arg8[%multiple_of3A_197] : memref<5120xi32, #tpu.memory_space<vmem>> -> memref<80xi32, #tpu.memory_space<vmem>>
        %dma_start3A_199 = arith.constant 0 : i32
        %dma_start3A_200 = arith.constant 0 : i32
        %dma_start3A_201 = tpu.memref_slice %arg12[%dma_start3A_199, %dma_start3A_200] : memref<10112x128xf32, #tpu.memory_space<vmem_shared>> -> memref<10112x128xf32, #tpu.memory_space<vmem_shared>>
        tpu.enqueue_indirect_dma source(%arg11 : memref<80x128xf32, #tpu.memory_space<vmem>>) target(%dma_start3A_201 : memref<10112x128xf32, #tpu.memory_space<vmem_shared>>) offsets(%dma_start3A_198 : memref<80xi32, #tpu.memory_space<vmem>>) semaphore(%run_scoped3A : memref<!tpu.dma_semaphore, #tpu.memory_space<semaphore_mem>>) {add = true}
        %dma_wait3A_202 = tpu.memref_slice %arg8[%multiple_of3A_197] : memref<5120xi32, #tpu.memory_space<vmem>> -> memref<80xi32, #tpu.memory_space<vmem>>
        %dma_wait3A_203 = arith.constant 0 : i32
        %dma_wait3A_204 = arith.constant 0 : i32
        %dma_wait3A_205 = tpu.memref_slice %arg12[%dma_wait3A_203, %dma_wait3A_204] : memref<10112x128xf32, #tpu.memory_space<vmem_shared>> -> memref<10112x128xf32, #tpu.memory_space<vmem_shared>>
        tpu.wait_indirect_dma semaphore(%run_scoped3A : memref<!tpu.dma_semaphore, #tpu.memory_space<semaphore_mem>>) src(%arg11 : memref<80x128xf32, #tpu.memory_space<vmem>>) dst(%dma_wait3A_205 : memref<10112x128xf32, #tpu.memory_space<vmem_shared>>)
        tpu.yield
      }) : () -> ()
    }
    %scan3A_29 = arith.constant 20 : i32
    %multiple_of3A_30 = arith.constant 4960 : i32
    %multiple_of3A_31 = tpu.assume_multiple %multiple_of3A_30, 80 : i32
    %dma_start3A_32 = tpu.memref_slice %arg7[%multiple_of3A_31] : memref<5120xi32, #tpu.memory_space<vmem>> -> memref<80xi32, #tpu.memory_space<vmem>>
    %dma_start3A_33 = arith.constant 0 : i32
    %dma_start3A_34 = arith.constant 0 : i32
    %dma_start3A_35 = tpu.memref_slice %arg2[%dma_start3A_33, %dma_start3A_34] : memref<200000x128xf32, #tpu.memory_space<hbm>> -> memref<200000x128xf32, #tpu.memory_space<hbm>>
    tpu.enqueue_indirect_dma source(%dma_start3A_35 : memref<200000x128xf32, #tpu.memory_space<hbm>>) target(%arg11 : memref<80x128xf32, #tpu.memory_space<vmem>>) offsets(%dma_start3A_32 : memref<80xi32, #tpu.memory_space<vmem>>) semaphore(%arg15 : memref<!tpu.dma_semaphore, #tpu.memory_space<semaphore_mem>>)
    %dma_wait3A = arith.constant 0 : i32
    %dma_wait3A_36 = tpu.memref_slice %arg7[%dma_wait3A] : memref<5120xi32, #tpu.memory_space<vmem>> -> memref<80xi32, #tpu.memory_space<vmem>>
    %dma_wait3A_37 = arith.constant 0 : i32
    %dma_wait3A_38 = arith.constant 0 : i32
    %dma_wait3A_39 = tpu.memref_slice %arg2[%dma_wait3A_37, %dma_wait3A_38] : memref<200000x128xf32, #tpu.memory_space<hbm>> -> memref<200000x128xf32, #tpu.memory_space<hbm>>
    tpu.wait_indirect_dma semaphore(%arg13 : memref<!tpu.dma_semaphore, #tpu.memory_space<semaphore_mem>>) src(%dma_wait3A_39 : memref<200000x128xf32, #tpu.memory_space<hbm>>) dst(%arg9 : memref<80x128xf32, #tpu.memory_space<vmem>>)
    %multiple_of3A_40 = arith.constant 4800 : i32
    %multiple_of3A_41 = tpu.assume_multiple %multiple_of3A_40, 80 : i32
    "tpu.region"() ({
      %run_scoped3A = tpu.sem_alloc : memref<!tpu.dma_semaphore, #tpu.memory_space<semaphore_mem>>
      %dma_start3A_140 = tpu.memref_slice %arg8[%multiple_of3A_41] : memref<5120xi32, #tpu.memory_space<vmem>> -> memref<80xi32, #tpu.memory_space<vmem>>
      %dma_start3A_141 = arith.constant 0 : i32
      %dma_start3A_142 = arith.constant 0 : i32
      %dma_start3A_143 = tpu.memref_slice %arg12[%dma_start3A_141, %dma_start3A_142] : memref<10112x128xf32, #tpu.memory_space<vmem_shared>> -> memref<10112x128xf32, #tpu.memory_space<vmem_shared>>
      tpu.enqueue_indirect_dma source(%arg9 : memref<80x128xf32, #tpu.memory_space<vmem>>) target(%dma_start3A_143 : memref<10112x128xf32, #tpu.memory_space<vmem_shared>>) offsets(%dma_start3A_140 : memref<80xi32, #tpu.memory_space<vmem>>) semaphore(%run_scoped3A : memref<!tpu.dma_semaphore, #tpu.memory_space<semaphore_mem>>) {add = true}
      %dma_wait3A_144 = tpu.memref_slice %arg8[%multiple_of3A_41] : memref<5120xi32, #tpu.memory_space<vmem>> -> memref<80xi32, #tpu.memory_space<vmem>>
      %dma_wait3A_145 = arith.constant 0 : i32
      %dma_wait3A_146 = arith.constant 0 : i32
      %dma_wait3A_147 = tpu.memref_slice %arg12[%dma_wait3A_145, %dma_wait3A_146] : memref<10112x128xf32, #tpu.memory_space<vmem_shared>> -> memref<10112x128xf32, #tpu.memory_space<vmem_shared>>
      tpu.wait_indirect_dma semaphore(%run_scoped3A : memref<!tpu.dma_semaphore, #tpu.memory_space<semaphore_mem>>) src(%arg9 : memref<80x128xf32, #tpu.memory_space<vmem>>) dst(%dma_wait3A_147 : memref<10112x128xf32, #tpu.memory_space<vmem_shared>>)
      tpu.yield
    }) : () -> ()
    %multiple_of3A_42 = arith.constant 5040 : i32
    %multiple_of3A_43 = tpu.assume_multiple %multiple_of3A_42, 80 : i32
    %dma_start3A_44 = tpu.memref_slice %arg7[%multiple_of3A_43] : memref<5120xi32, #tpu.memory_space<vmem>> -> memref<80xi32, #tpu.memory_space<vmem>>
    %dma_start3A_45 = arith.constant 0 : i32
    %dma_start3A_46 = arith.constant 0 : i32
    %dma_start3A_47 = tpu.memref_slice %arg2[%dma_start3A_45, %dma_start3A_46] : memref<200000x128xf32, #tpu.memory_space<hbm>> -> memref<200000x128xf32, #tpu.memory_space<hbm>>
    tpu.enqueue_indirect_dma source(%dma_start3A_47 : memref<200000x128xf32, #tpu.memory_space<hbm>>) target(%arg9 : memref<80x128xf32, #tpu.memory_space<vmem>>) offsets(%dma_start3A_44 : memref<80xi32, #tpu.memory_space<vmem>>) semaphore(%arg13 : memref<!tpu.dma_semaphore, #tpu.memory_space<semaphore_mem>>)
    %dma_wait3A_48 = arith.constant 0 : i32
    %dma_wait3A_49 = tpu.memref_slice %arg7[%dma_wait3A_48] : memref<5120xi32, #tpu.memory_space<vmem>> -> memref<80xi32, #tpu.memory_space<vmem>>
    %dma_wait3A_50 = arith.constant 0 : i32
    %dma_wait3A_51 = arith.constant 0 : i32
    %dma_wait3A_52 = tpu.memref_slice %arg2[%dma_wait3A_50, %dma_wait3A_51] : memref<200000x128xf32, #tpu.memory_space<hbm>> -> memref<200000x128xf32, #tpu.memory_space<hbm>>
    tpu.wait_indirect_dma semaphore(%arg14 : memref<!tpu.dma_semaphore, #tpu.memory_space<semaphore_mem>>) src(%dma_wait3A_52 : memref<200000x128xf32, #tpu.memory_space<hbm>>) dst(%arg10 : memref<80x128xf32, #tpu.memory_space<vmem>>)
    %multiple_of3A_53 = arith.constant 4880 : i32
    %multiple_of3A_54 = tpu.assume_multiple %multiple_of3A_53, 80 : i32
    "tpu.region"() ({
      %run_scoped3A = tpu.sem_alloc : memref<!tpu.dma_semaphore, #tpu.memory_space<semaphore_mem>>
      %dma_start3A_140 = tpu.memref_slice %arg8[%multiple_of3A_54] : memref<5120xi32, #tpu.memory_space<vmem>> -> memref<80xi32, #tpu.memory_space<vmem>>
      %dma_start3A_141 = arith.constant 0 : i32
      %dma_start3A_142 = arith.constant 0 : i32
      %dma_start3A_143 = tpu.memref_slice %arg12[%dma_start3A_141, %dma_start3A_142] : memref<10112x128xf32, #tpu.memory_space<vmem_shared>> -> memref<10112x128xf32, #tpu.memory_space<vmem_shared>>
      tpu.enqueue_indirect_dma source(%arg10 : memref<80x128xf32, #tpu.memory_space<vmem>>) target(%dma_start3A_143 : memref<10112x128xf32, #tpu.memory_space<vmem_shared>>) offsets(%dma_start3A_140 : memref<80xi32, #tpu.memory_space<vmem>>) semaphore(%run_scoped3A : memref<!tpu.dma_semaphore, #tpu.memory_space<semaphore_mem>>) {add = true}
      %dma_wait3A_144 = tpu.memref_slice %arg8[%multiple_of3A_54] : memref<5120xi32, #tpu.memory_space<vmem>> -> memref<80xi32, #tpu.memory_space<vmem>>
      %dma_wait3A_145 = arith.constant 0 : i32
      %dma_wait3A_146 = arith.constant 0 : i32
      %dma_wait3A_147 = tpu.memref_slice %arg12[%dma_wait3A_145, %dma_wait3A_146] : memref<10112x128xf32, #tpu.memory_space<vmem_shared>> -> memref<10112x128xf32, #tpu.memory_space<vmem_shared>>
      tpu.wait_indirect_dma semaphore(%run_scoped3A : memref<!tpu.dma_semaphore, #tpu.memory_space<semaphore_mem>>) src(%arg10 : memref<80x128xf32, #tpu.memory_space<vmem>>) dst(%dma_wait3A_147 : memref<10112x128xf32, #tpu.memory_space<vmem_shared>>)
      tpu.yield
    }) : () -> ()
    %dma_wait3A_55 = arith.constant 0 : i32
    %dma_wait3A_56 = tpu.memref_slice %arg7[%dma_wait3A_55] : memref<5120xi32, #tpu.memory_space<vmem>> -> memref<80xi32, #tpu.memory_space<vmem>>
    %dma_wait3A_57 = arith.constant 0 : i32
    %dma_wait3A_58 = arith.constant 0 : i32
    %dma_wait3A_59 = tpu.memref_slice %arg2[%dma_wait3A_57, %dma_wait3A_58] : memref<200000x128xf32, #tpu.memory_space<hbm>> -> memref<200000x128xf32, #tpu.memory_space<hbm>>
    tpu.wait_indirect_dma semaphore(%arg15 : memref<!tpu.dma_semaphore, #tpu.memory_space<semaphore_mem>>) src(%dma_wait3A_59 : memref<200000x128xf32, #tpu.memory_space<hbm>>) dst(%arg11 : memref<80x128xf32, #tpu.memory_space<vmem>>)
    %multiple_of3A_60 = arith.constant 4960 : i32
    %multiple_of3A_61 = tpu.assume_multiple %multiple_of3A_60, 80 : i32
    "tpu.region"() ({
      %run_scoped3A = tpu.sem_alloc : memref<!tpu.dma_semaphore, #tpu.memory_space<semaphore_mem>>
      %dma_start3A_140 = tpu.memref_slice %arg8[%multiple_of3A_61] : memref<5120xi32, #tpu.memory_space<vmem>> -> memref<80xi32, #tpu.memory_space<vmem>>
      %dma_start3A_141 = arith.constant 0 : i32
      %dma_start3A_142 = arith.constant 0 : i32
      %dma_start3A_143 = tpu.memref_slice %arg12[%dma_start3A_141, %dma_start3A_142] : memref<10112x128xf32, #tpu.memory_space<vmem_shared>> -> memref<10112x128xf32, #tpu.memory_space<vmem_shared>>
      tpu.enqueue_indirect_dma source(%arg11 : memref<80x128xf32, #tpu.memory_space<vmem>>) target(%dma_start3A_143 : memref<10112x128xf32, #tpu.memory_space<vmem_shared>>) offsets(%dma_start3A_140 : memref<80xi32, #tpu.memory_space<vmem>>) semaphore(%run_scoped3A : memref<!tpu.dma_semaphore, #tpu.memory_space<semaphore_mem>>) {add = true}
      %dma_wait3A_144 = tpu.memref_slice %arg8[%multiple_of3A_61] : memref<5120xi32, #tpu.memory_space<vmem>> -> memref<80xi32, #tpu.memory_space<vmem>>
      %dma_wait3A_145 = arith.constant 0 : i32
      %dma_wait3A_146 = arith.constant 0 : i32
      %dma_wait3A_147 = tpu.memref_slice %arg12[%dma_wait3A_145, %dma_wait3A_146] : memref<10112x128xf32, #tpu.memory_space<vmem_shared>> -> memref<10112x128xf32, #tpu.memory_space<vmem_shared>>
      tpu.wait_indirect_dma semaphore(%run_scoped3A : memref<!tpu.dma_semaphore, #tpu.memory_space<semaphore_mem>>) src(%arg11 : memref<80x128xf32, #tpu.memory_space<vmem>>) dst(%dma_wait3A_147 : memref<10112x128xf32, #tpu.memory_space<vmem_shared>>)
      tpu.yield
    }) : () -> ()
    %dma_wait3A_62 = arith.constant 0 : i32
    %dma_wait3A_63 = tpu.memref_slice %arg7[%dma_wait3A_62] : memref<5120xi32, #tpu.memory_space<vmem>> -> memref<80xi32, #tpu.memory_space<vmem>>
    %dma_wait3A_64 = arith.constant 0 : i32
    %dma_wait3A_65 = arith.constant 0 : i32
    %dma_wait3A_66 = tpu.memref_slice %arg2[%dma_wait3A_64, %dma_wait3A_65] : memref<200000x128xf32, #tpu.memory_space<hbm>> -> memref<200000x128xf32, #tpu.memory_space<hbm>>
    tpu.wait_indirect_dma semaphore(%arg13 : memref<!tpu.dma_semaphore, #tpu.memory_space<semaphore_mem>>) src(%dma_wait3A_66 : memref<200000x128xf32, #tpu.memory_space<hbm>>) dst(%arg9 : memref<80x128xf32, #tpu.memory_space<vmem>>)
    %multiple_of3A_67 = arith.constant 5040 : i32
    %multiple_of3A_68 = tpu.assume_multiple %multiple_of3A_67, 80 : i32
    "tpu.region"() ({
      %run_scoped3A = tpu.sem_alloc : memref<!tpu.dma_semaphore, #tpu.memory_space<semaphore_mem>>
      %dma_start3A_140 = tpu.memref_slice %arg8[%multiple_of3A_68] : memref<5120xi32, #tpu.memory_space<vmem>> -> memref<80xi32, #tpu.memory_space<vmem>>
      %dma_start3A_141 = arith.constant 0 : i32
      %dma_start3A_142 = arith.constant 0 : i32
      %dma_start3A_143 = tpu.memref_slice %arg12[%dma_start3A_141, %dma_start3A_142] : memref<10112x128xf32, #tpu.memory_space<vmem_shared>> -> memref<10112x128xf32, #tpu.memory_space<vmem_shared>>
      tpu.enqueue_indirect_dma source(%arg9 : memref<80x128xf32, #tpu.memory_space<vmem>>) target(%dma_start3A_143 : memref<10112x128xf32, #tpu.memory_space<vmem_shared>>) offsets(%dma_start3A_140 : memref<80xi32, #tpu.memory_space<vmem>>) semaphore(%run_scoped3A : memref<!tpu.dma_semaphore, #tpu.memory_space<semaphore_mem>>) {add = true}
      %dma_wait3A_144 = tpu.memref_slice %arg8[%multiple_of3A_68] : memref<5120xi32, #tpu.memory_space<vmem>> -> memref<80xi32, #tpu.memory_space<vmem>>
      %dma_wait3A_145 = arith.constant 0 : i32
      %dma_wait3A_146 = arith.constant 0 : i32
      %dma_wait3A_147 = tpu.memref_slice %arg12[%dma_wait3A_145, %dma_wait3A_146] : memref<10112x128xf32, #tpu.memory_space<vmem_shared>> -> memref<10112x128xf32, #tpu.memory_space<vmem_shared>>
      tpu.wait_indirect_dma semaphore(%run_scoped3A : memref<!tpu.dma_semaphore, #tpu.memory_space<semaphore_mem>>) src(%arg9 : memref<80x128xf32, #tpu.memory_space<vmem>>) dst(%dma_wait3A_147 : memref<10112x128xf32, #tpu.memory_space<vmem_shared>>)
      tpu.yield
    }) : () -> ()
    %mul3A_69 = arith.constant 2 : i32
    %mul3A_70 = arith.muli %add3A, %mul3A_69 : i32
    %add3A_71 = arith.constant 1 : i32
    %add3A_72 = arith.addi %mul3A_70, %add3A_71 : i32
    %mul3A_73 = arith.constant 5120 : i32
    %mul3A_74 = arith.muli %add3A_72, %mul3A_73 : i32
    "tpu.region"() ({
      %run_scoped3A = tpu.sem_alloc : memref<!tpu.dma_semaphore, #tpu.memory_space<semaphore_mem>>
      %dma_start3A_140 = tpu.memref_slice %arg3[%mul3A_74] : memref<327680xi32, #tpu.memory_space<hbm>> -> memref<5120xi32, #tpu.memory_space<hbm>>
      %dma_start3A_141 = tpu.memref_slice %arg3[%mul3A_74] : memref<327680xi32, #tpu.memory_space<hbm>> -> memref<5120xi32, #tpu.memory_space<hbm>>
      tpu.enqueue_dma source(%dma_start3A_141 : memref<5120xi32, #tpu.memory_space<hbm>>) target(%arg7 : memref<5120xi32, #tpu.memory_space<vmem>>) target_semaphore(%run_scoped3A : memref<!tpu.dma_semaphore, #tpu.memory_space<semaphore_mem>>)
      %dma_wait3A_142 = tpu.memref_slice %arg3[%mul3A_74] : memref<327680xi32, #tpu.memory_space<hbm>> -> memref<5120xi32, #tpu.memory_space<hbm>>
      %dma_wait3A_143 = tpu.memref_slice %arg3[%mul3A_74] : memref<327680xi32, #tpu.memory_space<hbm>> -> memref<5120xi32, #tpu.memory_space<hbm>>
      tpu.wait_dma2 semaphore(%run_scoped3A : memref<!tpu.dma_semaphore, #tpu.memory_space<semaphore_mem>>) src(%dma_wait3A_143 : memref<5120xi32, #tpu.memory_space<hbm>>) dst(%arg7 : memref<5120xi32, #tpu.memory_space<vmem>>)
      tpu.yield
    }) : () -> ()
    %mul3A_75 = arith.constant 2 : i32
    %mul3A_76 = arith.muli %add3A, %mul3A_75 : i32
    %add3A_77 = arith.constant 1 : i32
    %add3A_78 = arith.addi %mul3A_76, %add3A_77 : i32
    %mul3A_79 = arith.constant 5120 : i32
    %mul3A_80 = arith.muli %add3A_78, %mul3A_79 : i32
    "tpu.region"() ({
      %run_scoped3A = tpu.sem_alloc : memref<!tpu.dma_semaphore, #tpu.memory_space<semaphore_mem>>
      %dma_start3A_140 = tpu.memref_slice %arg4[%mul3A_80] : memref<327680xi32, #tpu.memory_space<hbm>> -> memref<5120xi32, #tpu.memory_space<hbm>>
      %dma_start3A_141 = tpu.memref_slice %arg4[%mul3A_80] : memref<327680xi32, #tpu.memory_space<hbm>> -> memref<5120xi32, #tpu.memory_space<hbm>>
      tpu.enqueue_dma source(%dma_start3A_141 : memref<5120xi32, #tpu.memory_space<hbm>>) target(%arg8 : memref<5120xi32, #tpu.memory_space<vmem>>) target_semaphore(%run_scoped3A : memref<!tpu.dma_semaphore, #tpu.memory_space<semaphore_mem>>)
      %dma_wait3A_142 = tpu.memref_slice %arg4[%mul3A_80] : memref<327680xi32, #tpu.memory_space<hbm>> -> memref<5120xi32, #tpu.memory_space<hbm>>
      %dma_wait3A_143 = tpu.memref_slice %arg4[%mul3A_80] : memref<327680xi32, #tpu.memory_space<hbm>> -> memref<5120xi32, #tpu.memory_space<hbm>>
      tpu.wait_dma2 semaphore(%run_scoped3A : memref<!tpu.dma_semaphore, #tpu.memory_space<semaphore_mem>>) src(%dma_wait3A_143 : memref<5120xi32, #tpu.memory_space<hbm>>) dst(%arg8 : memref<5120xi32, #tpu.memory_space<vmem>>)
      tpu.yield
    }) : () -> ()
    %multiple_of3A_81 = arith.constant 0 : i32
    %multiple_of3A_82 = tpu.assume_multiple %multiple_of3A_81, 80 : i32
    %dma_start3A_83 = tpu.memref_slice %arg7[%multiple_of3A_82] : memref<5120xi32, #tpu.memory_space<vmem>> -> memref<80xi32, #tpu.memory_space<vmem>>
    %dma_start3A_84 = arith.constant 0 : i32
    %dma_start3A_85 = arith.constant 0 : i32
    %dma_start3A_86 = tpu.memref_slice %arg2[%dma_start3A_84, %dma_start3A_85] : memref<200000x128xf32, #tpu.memory_space<hbm>> -> memref<200000x128xf32, #tpu.memory_space<hbm>>
    tpu.enqueue_indirect_dma source(%dma_start3A_86 : memref<200000x128xf32, #tpu.memory_space<hbm>>) target(%arg9 : memref<80x128xf32, #tpu.memory_space<vmem>>) offsets(%dma_start3A_83 : memref<80xi32, #tpu.memory_space<vmem>>) semaphore(%arg13 : memref<!tpu.dma_semaphore, #tpu.memory_space<semaphore_mem>>)
    %multiple_of3A_87 = arith.constant 80 : i32
    %multiple_of3A_88 = tpu.assume_multiple %multiple_of3A_87, 80 : i32
    %dma_start3A_89 = tpu.memref_slice %arg7[%multiple_of3A_88] : memref<5120xi32, #tpu.memory_space<vmem>> -> memref<80xi32, #tpu.memory_space<vmem>>
    %dma_start3A_90 = arith.constant 0 : i32
    %dma_start3A_91 = arith.constant 0 : i32
    %dma_start3A_92 = tpu.memref_slice %arg2[%dma_start3A_90, %dma_start3A_91] : memref<200000x128xf32, #tpu.memory_space<hbm>> -> memref<200000x128xf32, #tpu.memory_space<hbm>>
    tpu.enqueue_indirect_dma source(%dma_start3A_92 : memref<200000x128xf32, #tpu.memory_space<hbm>>) target(%arg10 : memref<80x128xf32, #tpu.memory_space<vmem>>) offsets(%dma_start3A_89 : memref<80xi32, #tpu.memory_space<vmem>>) semaphore(%arg14 : memref<!tpu.dma_semaphore, #tpu.memory_space<semaphore_mem>>)
    %scan3A_93 = arith.constant 0 : i32
    %scan3A_94 = arith.constant 0 : i32
    %scan3A_95 = arith.constant 20 : i32
    %scan3A_96 = arith.addi %scan3A_94, %scan3A_95 : i32
    %scan3A_97 = arith.constant 1 : i32
    scf.for %scan3A_140 = %scan3A_94 to %scan3A_96 step %scan3A_97  : i32 {
      %mul3A_141 = arith.constant 3 : i32
      %mul3A_142 = arith.muli %mul3A_141, %scan3A_140 : i32
      %add3A_143 = arith.constant 2 : i32
      %add3A_144 = arith.addi %mul3A_142, %add3A_143 : i32
      %mul3A_145 = arith.constant 80 : i32
      %mul3A_146 = arith.muli %add3A_144, %mul3A_145 : i32
      %multiple_of3A_147 = tpu.assume_multiple %mul3A_146, 80 : i32
      %dma_start3A_148 = tpu.memref_slice %arg7[%multiple_of3A_147] : memref<5120xi32, #tpu.memory_space<vmem>> -> memref<80xi32, #tpu.memory_space<vmem>>
      %dma_start3A_149 = arith.constant 0 : i32
      %dma_start3A_150 = arith.constant 0 : i32
      %dma_start3A_151 = tpu.memref_slice %arg2[%dma_start3A_149, %dma_start3A_150] : memref<200000x128xf32, #tpu.memory_space<hbm>> -> memref<200000x128xf32, #tpu.memory_space<hbm>>
      tpu.enqueue_indirect_dma source(%dma_start3A_151 : memref<200000x128xf32, #tpu.memory_space<hbm>>) target(%arg11 : memref<80x128xf32, #tpu.memory_space<vmem>>) offsets(%dma_start3A_148 : memref<80xi32, #tpu.memory_space<vmem>>) semaphore(%arg15 : memref<!tpu.dma_semaphore, #tpu.memory_space<semaphore_mem>>)
      %dma_wait3A_152 = arith.constant 0 : i32
      %dma_wait3A_153 = tpu.memref_slice %arg7[%dma_wait3A_152] : memref<5120xi32, #tpu.memory_space<vmem>> -> memref<80xi32, #tpu.memory_space<vmem>>
      %dma_wait3A_154 = arith.constant 0 : i32
      %dma_wait3A_155 = arith.constant 0 : i32
      %dma_wait3A_156 = tpu.memref_slice %arg2[%dma_wait3A_154, %dma_wait3A_155] : memref<200000x128xf32, #tpu.memory_space<hbm>> -> memref<200000x128xf32, #tpu.memory_space<hbm>>
      tpu.wait_indirect_dma semaphore(%arg13 : memref<!tpu.dma_semaphore, #tpu.memory_space<semaphore_mem>>) src(%dma_wait3A_156 : memref<200000x128xf32, #tpu.memory_space<hbm>>) dst(%arg9 : memref<80x128xf32, #tpu.memory_space<vmem>>)
      %mul3A_157 = arith.constant 80 : i32
      %mul3A_158 = arith.muli %mul3A_142, %mul3A_157 : i32
      %multiple_of3A_159 = tpu.assume_multiple %mul3A_158, 80 : i32
      "tpu.region"() ({
        %run_scoped3A = tpu.sem_alloc : memref<!tpu.dma_semaphore, #tpu.memory_space<semaphore_mem>>
        %dma_start3A_198 = tpu.memref_slice %arg8[%multiple_of3A_159] : memref<5120xi32, #tpu.memory_space<vmem>> -> memref<80xi32, #tpu.memory_space<vmem>>
        %dma_start3A_199 = arith.constant 0 : i32
        %dma_start3A_200 = arith.constant 0 : i32
        %dma_start3A_201 = tpu.memref_slice %arg12[%dma_start3A_199, %dma_start3A_200] : memref<10112x128xf32, #tpu.memory_space<vmem_shared>> -> memref<10112x128xf32, #tpu.memory_space<vmem_shared>>
        tpu.enqueue_indirect_dma source(%arg9 : memref<80x128xf32, #tpu.memory_space<vmem>>) target(%dma_start3A_201 : memref<10112x128xf32, #tpu.memory_space<vmem_shared>>) offsets(%dma_start3A_198 : memref<80xi32, #tpu.memory_space<vmem>>) semaphore(%run_scoped3A : memref<!tpu.dma_semaphore, #tpu.memory_space<semaphore_mem>>) {add = true}
        %dma_wait3A_202 = tpu.memref_slice %arg8[%multiple_of3A_159] : memref<5120xi32, #tpu.memory_space<vmem>> -> memref<80xi32, #tpu.memory_space<vmem>>
        %dma_wait3A_203 = arith.constant 0 : i32
        %dma_wait3A_204 = arith.constant 0 : i32
        %dma_wait3A_205 = tpu.memref_slice %arg12[%dma_wait3A_203, %dma_wait3A_204] : memref<10112x128xf32, #tpu.memory_space<vmem_shared>> -> memref<10112x128xf32, #tpu.memory_space<vmem_shared>>
        tpu.wait_indirect_dma semaphore(%run_scoped3A : memref<!tpu.dma_semaphore, #tpu.memory_space<semaphore_mem>>) src(%arg9 : memref<80x128xf32, #tpu.memory_space<vmem>>) dst(%dma_wait3A_205 : memref<10112x128xf32, #tpu.memory_space<vmem_shared>>)
        tpu.yield
      }) : () -> ()
      %add3A_160 = arith.constant 3 : i32
      %add3A_161 = arith.addi %mul3A_142, %add3A_160 : i32
      %mul3A_162 = arith.constant 80 : i32
      %mul3A_163 = arith.muli %add3A_161, %mul3A_162 : i32
      %multiple_of3A_164 = tpu.assume_multiple %mul3A_163, 80 : i32
      %dma_start3A_165 = tpu.memref_slice %arg7[%multiple_of3A_164] : memref<5120xi32, #tpu.memory_space<vmem>> -> memref<80xi32, #tpu.memory_space<vmem>>
      %dma_start3A_166 = arith.constant 0 : i32
      %dma_start3A_167 = arith.constant 0 : i32
      %dma_start3A_168 = tpu.memref_slice %arg2[%dma_start3A_166, %dma_start3A_167] : memref<200000x128xf32, #tpu.memory_space<hbm>> -> memref<200000x128xf32, #tpu.memory_space<hbm>>
      tpu.enqueue_indirect_dma source(%dma_start3A_168 : memref<200000x128xf32, #tpu.memory_space<hbm>>) target(%arg9 : memref<80x128xf32, #tpu.memory_space<vmem>>) offsets(%dma_start3A_165 : memref<80xi32, #tpu.memory_space<vmem>>) semaphore(%arg13 : memref<!tpu.dma_semaphore, #tpu.memory_space<semaphore_mem>>)
      %dma_wait3A_169 = arith.constant 0 : i32
      %dma_wait3A_170 = tpu.memref_slice %arg7[%dma_wait3A_169] : memref<5120xi32, #tpu.memory_space<vmem>> -> memref<80xi32, #tpu.memory_space<vmem>>
      %dma_wait3A_171 = arith.constant 0 : i32
      %dma_wait3A_172 = arith.constant 0 : i32
      %dma_wait3A_173 = tpu.memref_slice %arg2[%dma_wait3A_171, %dma_wait3A_172] : memref<200000x128xf32, #tpu.memory_space<hbm>> -> memref<200000x128xf32, #tpu.memory_space<hbm>>
      tpu.wait_indirect_dma semaphore(%arg14 : memref<!tpu.dma_semaphore, #tpu.memory_space<semaphore_mem>>) src(%dma_wait3A_173 : memref<200000x128xf32, #tpu.memory_space<hbm>>) dst(%arg10 : memref<80x128xf32, #tpu.memory_space<vmem>>)
      %add3A_174 = arith.constant 1 : i32
      %add3A_175 = arith.addi %mul3A_142, %add3A_174 : i32
      %mul3A_176 = arith.constant 80 : i32
      %mul3A_177 = arith.muli %add3A_175, %mul3A_176 : i32
      %multiple_of3A_178 = tpu.assume_multiple %mul3A_177, 80 : i32
      "tpu.region"() ({
        %run_scoped3A = tpu.sem_alloc : memref<!tpu.dma_semaphore, #tpu.memory_space<semaphore_mem>>
        %dma_start3A_198 = tpu.memref_slice %arg8[%multiple_of3A_178] : memref<5120xi32, #tpu.memory_space<vmem>> -> memref<80xi32, #tpu.memory_space<vmem>>
        %dma_start3A_199 = arith.constant 0 : i32
        %dma_start3A_200 = arith.constant 0 : i32
        %dma_start3A_201 = tpu.memref_slice %arg12[%dma_start3A_199, %dma_start3A_200] : memref<10112x128xf32, #tpu.memory_space<vmem_shared>> -> memref<10112x128xf32, #tpu.memory_space<vmem_shared>>
        tpu.enqueue_indirect_dma source(%arg10 : memref<80x128xf32, #tpu.memory_space<vmem>>) target(%dma_start3A_201 : memref<10112x128xf32, #tpu.memory_space<vmem_shared>>) offsets(%dma_start3A_198 : memref<80xi32, #tpu.memory_space<vmem>>) semaphore(%run_scoped3A : memref<!tpu.dma_semaphore, #tpu.memory_space<semaphore_mem>>) {add = true}
        %dma_wait3A_202 = tpu.memref_slice %arg8[%multiple_of3A_178] : memref<5120xi32, #tpu.memory_space<vmem>> -> memref<80xi32, #tpu.memory_space<vmem>>
        %dma_wait3A_203 = arith.constant 0 : i32
        %dma_wait3A_204 = arith.constant 0 : i32
        %dma_wait3A_205 = tpu.memref_slice %arg12[%dma_wait3A_203, %dma_wait3A_204] : memref<10112x128xf32, #tpu.memory_space<vmem_shared>> -> memref<10112x128xf32, #tpu.memory_space<vmem_shared>>
        tpu.wait_indirect_dma semaphore(%run_scoped3A : memref<!tpu.dma_semaphore, #tpu.memory_space<semaphore_mem>>) src(%arg10 : memref<80x128xf32, #tpu.memory_space<vmem>>) dst(%dma_wait3A_205 : memref<10112x128xf32, #tpu.memory_space<vmem_shared>>)
        tpu.yield
      }) : () -> ()
      %add3A_179 = arith.constant 4 : i32
      %add3A_180 = arith.addi %mul3A_142, %add3A_179 : i32
      %mul3A_181 = arith.constant 80 : i32
      %mul3A_182 = arith.muli %add3A_180, %mul3A_181 : i32
      %multiple_of3A_183 = tpu.assume_multiple %mul3A_182, 80 : i32
      %dma_start3A_184 = tpu.memref_slice %arg7[%multiple_of3A_183] : memref<5120xi32, #tpu.memory_space<vmem>> -> memref<80xi32, #tpu.memory_space<vmem>>
      %dma_start3A_185 = arith.constant 0 : i32
      %dma_start3A_186 = arith.constant 0 : i32
      %dma_start3A_187 = tpu.memref_slice %arg2[%dma_start3A_185, %dma_start3A_186] : memref<200000x128xf32, #tpu.memory_space<hbm>> -> memref<200000x128xf32, #tpu.memory_space<hbm>>
      tpu.enqueue_indirect_dma source(%dma_start3A_187 : memref<200000x128xf32, #tpu.memory_space<hbm>>) target(%arg10 : memref<80x128xf32, #tpu.memory_space<vmem>>) offsets(%dma_start3A_184 : memref<80xi32, #tpu.memory_space<vmem>>) semaphore(%arg14 : memref<!tpu.dma_semaphore, #tpu.memory_space<semaphore_mem>>)
      %dma_wait3A_188 = arith.constant 0 : i32
      %dma_wait3A_189 = tpu.memref_slice %arg7[%dma_wait3A_188] : memref<5120xi32, #tpu.memory_space<vmem>> -> memref<80xi32, #tpu.memory_space<vmem>>
      %dma_wait3A_190 = arith.constant 0 : i32
      %dma_wait3A_191 = arith.constant 0 : i32
      %dma_wait3A_192 = tpu.memref_slice %arg2[%dma_wait3A_190, %dma_wait3A_191] : memref<200000x128xf32, #tpu.memory_space<hbm>> -> memref<200000x128xf32, #tpu.memory_space<hbm>>
      tpu.wait_indirect_dma semaphore(%arg15 : memref<!tpu.dma_semaphore, #tpu.memory_space<semaphore_mem>>) src(%dma_wait3A_192 : memref<200000x128xf32, #tpu.memory_space<hbm>>) dst(%arg11 : memref<80x128xf32, #tpu.memory_space<vmem>>)
      %add3A_193 = arith.constant 2 : i32
      %add3A_194 = arith.addi %mul3A_142, %add3A_193 : i32
      %mul3A_195 = arith.constant 80 : i32
      %mul3A_196 = arith.muli %add3A_194, %mul3A_195 : i32
      %multiple_of3A_197 = tpu.assume_multiple %mul3A_196, 80 : i32
      "tpu.region"() ({
        %run_scoped3A = tpu.sem_alloc : memref<!tpu.dma_semaphore, #tpu.memory_space<semaphore_mem>>
        %dma_start3A_198 = tpu.memref_slice %arg8[%multiple_of3A_197] : memref<5120xi32, #tpu.memory_space<vmem>> -> memref<80xi32, #tpu.memory_space<vmem>>
        %dma_start3A_199 = arith.constant 0 : i32
        %dma_start3A_200 = arith.constant 0 : i32
        %dma_start3A_201 = tpu.memref_slice %arg12[%dma_start3A_199, %dma_start3A_200] : memref<10112x128xf32, #tpu.memory_space<vmem_shared>> -> memref<10112x128xf32, #tpu.memory_space<vmem_shared>>
        tpu.enqueue_indirect_dma source(%arg11 : memref<80x128xf32, #tpu.memory_space<vmem>>) target(%dma_start3A_201 : memref<10112x128xf32, #tpu.memory_space<vmem_shared>>) offsets(%dma_start3A_198 : memref<80xi32, #tpu.memory_space<vmem>>) semaphore(%run_scoped3A : memref<!tpu.dma_semaphore, #tpu.memory_space<semaphore_mem>>) {add = true}
        %dma_wait3A_202 = tpu.memref_slice %arg8[%multiple_of3A_197] : memref<5120xi32, #tpu.memory_space<vmem>> -> memref<80xi32, #tpu.memory_space<vmem>>
        %dma_wait3A_203 = arith.constant 0 : i32
        %dma_wait3A_204 = arith.constant 0 : i32
        %dma_wait3A_205 = tpu.memref_slice %arg12[%dma_wait3A_203, %dma_wait3A_204] : memref<10112x128xf32, #tpu.memory_space<vmem_shared>> -> memref<10112x128xf32, #tpu.memory_space<vmem_shared>>
        tpu.wait_indirect_dma semaphore(%run_scoped3A : memref<!tpu.dma_semaphore, #tpu.memory_space<semaphore_mem>>) src(%arg11 : memref<80x128xf32, #tpu.memory_space<vmem>>) dst(%dma_wait3A_205 : memref<10112x128xf32, #tpu.memory_space<vmem_shared>>)
        tpu.yield
      }) : () -> ()
    }
    %scan3A_98 = arith.constant 20 : i32
    %multiple_of3A_99 = arith.constant 4960 : i32
    %multiple_of3A_100 = tpu.assume_multiple %multiple_of3A_99, 80 : i32
    %dma_start3A_101 = tpu.memref_slice %arg7[%multiple_of3A_100] : memref<5120xi32, #tpu.memory_space<vmem>> -> memref<80xi32, #tpu.memory_space<vmem>>
    %dma_start3A_102 = arith.constant 0 : i32
    %dma_start3A_103 = arith.constant 0 : i32
    %dma_start3A_104 = tpu.memref_slice %arg2[%dma_start3A_102, %dma_start3A_103] : memref<200000x128xf32, #tpu.memory_space<hbm>> -> memref<200000x128xf32, #tpu.memory_space<hbm>>
    tpu.enqueue_indirect_dma source(%dma_start3A_104 : memref<200000x128xf32, #tpu.memory_space<hbm>>) target(%arg11 : memref<80x128xf32, #tpu.memory_space<vmem>>) offsets(%dma_start3A_101 : memref<80xi32, #tpu.memory_space<vmem>>) semaphore(%arg15 : memref<!tpu.dma_semaphore, #tpu.memory_space<semaphore_mem>>)
    %dma_wait3A_105 = arith.constant 0 : i32
    %dma_wait3A_106 = tpu.memref_slice %arg7[%dma_wait3A_105] : memref<5120xi32, #tpu.memory_space<vmem>> -> memref<80xi32, #tpu.memory_space<vmem>>
    %dma_wait3A_107 = arith.constant 0 : i32
    %dma_wait3A_108 = arith.constant 0 : i32
    %dma_wait3A_109 = tpu.memref_slice %arg2[%dma_wait3A_107, %dma_wait3A_108] : memref<200000x128xf32, #tpu.memory_space<hbm>> -> memref<200000x128xf32, #tpu.memory_space<hbm>>
    tpu.wait_indirect_dma semaphore(%arg13 : memref<!tpu.dma_semaphore, #tpu.memory_space<semaphore_mem>>) src(%dma_wait3A_109 : memref<200000x128xf32, #tpu.memory_space<hbm>>) dst(%arg9 : memref<80x128xf32, #tpu.memory_space<vmem>>)
    %multiple_of3A_110 = arith.constant 4800 : i32
    %multiple_of3A_111 = tpu.assume_multiple %multiple_of3A_110, 80 : i32
    "tpu.region"() ({
      %run_scoped3A = tpu.sem_alloc : memref<!tpu.dma_semaphore, #tpu.memory_space<semaphore_mem>>
      %dma_start3A_140 = tpu.memref_slice %arg8[%multiple_of3A_111] : memref<5120xi32, #tpu.memory_space<vmem>> -> memref<80xi32, #tpu.memory_space<vmem>>
      %dma_start3A_141 = arith.constant 0 : i32
      %dma_start3A_142 = arith.constant 0 : i32
      %dma_start3A_143 = tpu.memref_slice %arg12[%dma_start3A_141, %dma_start3A_142] : memref<10112x128xf32, #tpu.memory_space<vmem_shared>> -> memref<10112x128xf32, #tpu.memory_space<vmem_shared>>
      tpu.enqueue_indirect_dma source(%arg9 : memref<80x128xf32, #tpu.memory_space<vmem>>) target(%dma_start3A_143 : memref<10112x128xf32, #tpu.memory_space<vmem_shared>>) offsets(%dma_start3A_140 : memref<80xi32, #tpu.memory_space<vmem>>) semaphore(%run_scoped3A : memref<!tpu.dma_semaphore, #tpu.memory_space<semaphore_mem>>) {add = true}
      %dma_wait3A_144 = tpu.memref_slice %arg8[%multiple_of3A_111] : memref<5120xi32, #tpu.memory_space<vmem>> -> memref<80xi32, #tpu.memory_space<vmem>>
      %dma_wait3A_145 = arith.constant 0 : i32
      %dma_wait3A_146 = arith.constant 0 : i32
      %dma_wait3A_147 = tpu.memref_slice %arg12[%dma_wait3A_145, %dma_wait3A_146] : memref<10112x128xf32, #tpu.memory_space<vmem_shared>> -> memref<10112x128xf32, #tpu.memory_space<vmem_shared>>
      tpu.wait_indirect_dma semaphore(%run_scoped3A : memref<!tpu.dma_semaphore, #tpu.memory_space<semaphore_mem>>) src(%arg9 : memref<80x128xf32, #tpu.memory_space<vmem>>) dst(%dma_wait3A_147 : memref<10112x128xf32, #tpu.memory_space<vmem_shared>>)
      tpu.yield
    }) : () -> ()
    %multiple_of3A_112 = arith.constant 5040 : i32
    %multiple_of3A_113 = tpu.assume_multiple %multiple_of3A_112, 80 : i32
    %dma_start3A_114 = tpu.memref_slice %arg7[%multiple_of3A_113] : memref<5120xi32, #tpu.memory_space<vmem>> -> memref<80xi32, #tpu.memory_space<vmem>>
    %dma_start3A_115 = arith.constant 0 : i32
    %dma_start3A_116 = arith.constant 0 : i32
    %dma_start3A_117 = tpu.memref_slice %arg2[%dma_start3A_115, %dma_start3A_116] : memref<200000x128xf32, #tpu.memory_space<hbm>> -> memref<200000x128xf32, #tpu.memory_space<hbm>>
    tpu.enqueue_indirect_dma source(%dma_start3A_117 : memref<200000x128xf32, #tpu.memory_space<hbm>>) target(%arg9 : memref<80x128xf32, #tpu.memory_space<vmem>>) offsets(%dma_start3A_114 : memref<80xi32, #tpu.memory_space<vmem>>) semaphore(%arg13 : memref<!tpu.dma_semaphore, #tpu.memory_space<semaphore_mem>>)
    %dma_wait3A_118 = arith.constant 0 : i32
    %dma_wait3A_119 = tpu.memref_slice %arg7[%dma_wait3A_118] : memref<5120xi32, #tpu.memory_space<vmem>> -> memref<80xi32, #tpu.memory_space<vmem>>
    %dma_wait3A_120 = arith.constant 0 : i32
    %dma_wait3A_121 = arith.constant 0 : i32
    %dma_wait3A_122 = tpu.memref_slice %arg2[%dma_wait3A_120, %dma_wait3A_121] : memref<200000x128xf32, #tpu.memory_space<hbm>> -> memref<200000x128xf32, #tpu.memory_space<hbm>>
    tpu.wait_indirect_dma semaphore(%arg14 : memref<!tpu.dma_semaphore, #tpu.memory_space<semaphore_mem>>) src(%dma_wait3A_122 : memref<200000x128xf32, #tpu.memory_space<hbm>>) dst(%arg10 : memref<80x128xf32, #tpu.memory_space<vmem>>)
    %multiple_of3A_123 = arith.constant 4880 : i32
    %multiple_of3A_124 = tpu.assume_multiple %multiple_of3A_123, 80 : i32
    "tpu.region"() ({
      %run_scoped3A = tpu.sem_alloc : memref<!tpu.dma_semaphore, #tpu.memory_space<semaphore_mem>>
      %dma_start3A_140 = tpu.memref_slice %arg8[%multiple_of3A_124] : memref<5120xi32, #tpu.memory_space<vmem>> -> memref<80xi32, #tpu.memory_space<vmem>>
      %dma_start3A_141 = arith.constant 0 : i32
      %dma_start3A_142 = arith.constant 0 : i32
      %dma_start3A_143 = tpu.memref_slice %arg12[%dma_start3A_141, %dma_start3A_142] : memref<10112x128xf32, #tpu.memory_space<vmem_shared>> -> memref<10112x128xf32, #tpu.memory_space<vmem_shared>>
      tpu.enqueue_indirect_dma source(%arg10 : memref<80x128xf32, #tpu.memory_space<vmem>>) target(%dma_start3A_143 : memref<10112x128xf32, #tpu.memory_space<vmem_shared>>) offsets(%dma_start3A_140 : memref<80xi32, #tpu.memory_space<vmem>>) semaphore(%run_scoped3A : memref<!tpu.dma_semaphore, #tpu.memory_space<semaphore_mem>>) {add = true}
      %dma_wait3A_144 = tpu.memref_slice %arg8[%multiple_of3A_124] : memref<5120xi32, #tpu.memory_space<vmem>> -> memref<80xi32, #tpu.memory_space<vmem>>
      %dma_wait3A_145 = arith.constant 0 : i32
      %dma_wait3A_146 = arith.constant 0 : i32
      %dma_wait3A_147 = tpu.memref_slice %arg12[%dma_wait3A_145, %dma_wait3A_146] : memref<10112x128xf32, #tpu.memory_space<vmem_shared>> -> memref<10112x128xf32, #tpu.memory_space<vmem_shared>>
      tpu.wait_indirect_dma semaphore(%run_scoped3A : memref<!tpu.dma_semaphore, #tpu.memory_space<semaphore_mem>>) src(%arg10 : memref<80x128xf32, #tpu.memory_space<vmem>>) dst(%dma_wait3A_147 : memref<10112x128xf32, #tpu.memory_space<vmem_shared>>)
      tpu.yield
    }) : () -> ()
    %dma_wait3A_125 = arith.constant 0 : i32
    %dma_wait3A_126 = tpu.memref_slice %arg7[%dma_wait3A_125] : memref<5120xi32, #tpu.memory_space<vmem>> -> memref<80xi32, #tpu.memory_space<vmem>>
    %dma_wait3A_127 = arith.constant 0 : i32
    %dma_wait3A_128 = arith.constant 0 : i32
    %dma_wait3A_129 = tpu.memref_slice %arg2[%dma_wait3A_127, %dma_wait3A_128] : memref<200000x128xf32, #tpu.memory_space<hbm>> -> memref<200000x128xf32, #tpu.memory_space<hbm>>
    tpu.wait_indirect_dma semaphore(%arg15 : memref<!tpu.dma_semaphore, #tpu.memory_space<semaphore_mem>>) src(%dma_wait3A_129 : memref<200000x128xf32, #tpu.memory_space<hbm>>) dst(%arg11 : memref<80x128xf32, #tpu.memory_space<vmem>>)
    %multiple_of3A_130 = arith.constant 4960 : i32
    %multiple_of3A_131 = tpu.assume_multiple %multiple_of3A_130, 80 : i32
    "tpu.region"() ({
      %run_scoped3A = tpu.sem_alloc : memref<!tpu.dma_semaphore, #tpu.memory_space<semaphore_mem>>
      %dma_start3A_140 = tpu.memref_slice %arg8[%multiple_of3A_131] : memref<5120xi32, #tpu.memory_space<vmem>> -> memref<80xi32, #tpu.memory_space<vmem>>
      %dma_start3A_141 = arith.constant 0 : i32
      %dma_start3A_142 = arith.constant 0 : i32
      %dma_start3A_143 = tpu.memref_slice %arg12[%dma_start3A_141, %dma_start3A_142] : memref<10112x128xf32, #tpu.memory_space<vmem_shared>> -> memref<10112x128xf32, #tpu.memory_space<vmem_shared>>
      tpu.enqueue_indirect_dma source(%arg11 : memref<80x128xf32, #tpu.memory_space<vmem>>) target(%dma_start3A_143 : memref<10112x128xf32, #tpu.memory_space<vmem_shared>>) offsets(%dma_start3A_140 : memref<80xi32, #tpu.memory_space<vmem>>) semaphore(%run_scoped3A : memref<!tpu.dma_semaphore, #tpu.memory_space<semaphore_mem>>) {add = true}
      %dma_wait3A_144 = tpu.memref_slice %arg8[%multiple_of3A_131] : memref<5120xi32, #tpu.memory_space<vmem>> -> memref<80xi32, #tpu.memory_space<vmem>>
      %dma_wait3A_145 = arith.constant 0 : i32
      %dma_wait3A_146 = arith.constant 0 : i32
      %dma_wait3A_147 = tpu.memref_slice %arg12[%dma_wait3A_145, %dma_wait3A_146] : memref<10112x128xf32, #tpu.memory_space<vmem_shared>> -> memref<10112x128xf32, #tpu.memory_space<vmem_shared>>
      tpu.wait_indirect_dma semaphore(%run_scoped3A : memref<!tpu.dma_semaphore, #tpu.memory_space<semaphore_mem>>) src(%arg11 : memref<80x128xf32, #tpu.memory_space<vmem>>) dst(%dma_wait3A_147 : memref<10112x128xf32, #tpu.memory_space<vmem_shared>>)
      tpu.yield
    }) : () -> ()
    %dma_wait3A_132 = arith.constant 0 : i32
    %dma_wait3A_133 = tpu.memref_slice %arg7[%dma_wait3A_132] : memref<5120xi32, #tpu.memory_space<vmem>> -> memref<80xi32, #tpu.memory_space<vmem>>
    %dma_wait3A_134 = arith.constant 0 : i32
    %dma_wait3A_135 = arith.constant 0 : i32
    %dma_wait3A_136 = tpu.memref_slice %arg2[%dma_wait3A_134, %dma_wait3A_135] : memref<200000x128xf32, #tpu.memory_space<hbm>> -> memref<200000x128xf32, #tpu.memory_space<hbm>>
    tpu.wait_indirect_dma semaphore(%arg13 : memref<!tpu.dma_semaphore, #tpu.memory_space<semaphore_mem>>) src(%dma_wait3A_136 : memref<200000x128xf32, #tpu.memory_space<hbm>>) dst(%arg9 : memref<80x128xf32, #tpu.memory_space<vmem>>)
    %multiple_of3A_137 = arith.constant 5040 : i32
    %multiple_of3A_138 = tpu.assume_multiple %multiple_of3A_137, 80 : i32
    "tpu.region"() ({
      %run_scoped3A = tpu.sem_alloc : memref<!tpu.dma_semaphore, #tpu.memory_space<semaphore_mem>>
      %dma_start3A_140 = tpu.memref_slice %arg8[%multiple_of3A_138] : memref<5120xi32, #tpu.memory_space<vmem>> -> memref<80xi32, #tpu.memory_space<vmem>>
      %dma_start3A_141 = arith.constant 0 : i32
      %dma_start3A_142 = arith.constant 0 : i32
      %dma_start3A_143 = tpu.memref_slice %arg12[%dma_start3A_141, %dma_start3A_142] : memref<10112x128xf32, #tpu.memory_space<vmem_shared>> -> memref<10112x128xf32, #tpu.memory_space<vmem_shared>>
      tpu.enqueue_indirect_dma source(%arg9 : memref<80x128xf32, #tpu.memory_space<vmem>>) target(%dma_start3A_143 : memref<10112x128xf32, #tpu.memory_space<vmem_shared>>) offsets(%dma_start3A_140 : memref<80xi32, #tpu.memory_space<vmem>>) semaphore(%run_scoped3A : memref<!tpu.dma_semaphore, #tpu.memory_space<semaphore_mem>>) {add = true}
      %dma_wait3A_144 = tpu.memref_slice %arg8[%multiple_of3A_138] : memref<5120xi32, #tpu.memory_space<vmem>> -> memref<80xi32, #tpu.memory_space<vmem>>
      %dma_wait3A_145 = arith.constant 0 : i32
      %dma_wait3A_146 = arith.constant 0 : i32
      %dma_wait3A_147 = tpu.memref_slice %arg12[%dma_wait3A_145, %dma_wait3A_146] : memref<10112x128xf32, #tpu.memory_space<vmem_shared>> -> memref<10112x128xf32, #tpu.memory_space<vmem_shared>>
      tpu.wait_indirect_dma semaphore(%run_scoped3A : memref<!tpu.dma_semaphore, #tpu.memory_space<semaphore_mem>>) src(%arg9 : memref<80x128xf32, #tpu.memory_space<vmem>>) dst(%dma_wait3A_147 : memref<10112x128xf32, #tpu.memory_space<vmem_shared>>)
      tpu.yield
    }) : () -> ()
    %barrier3A_139 = arith.constant 0 : index
    tpu.barrier barrier_id(%barrier3A_139)
    "tpu.region"() ({
      %run_scoped3A = tpu.sem_alloc : memref<!tpu.dma_semaphore, #tpu.memory_space<semaphore_mem>>
      %dma_start3A_140 = arith.constant 0 : i32
      %dma_start3A_141 = tpu.memref_slice %arg6[%arg0, %mul3A_2, %dma_start3A_140] : memref<2x10112x128xf32, #tpu.memory_space<hbm>> -> memref<1x632x128xf32, #tpu.memory_space<hbm>>
      %dma_start3A_142 = tpu.memref_squeeze %dma_start3A_141 : memref<1x632x128xf32, #tpu.memory_space<hbm>> -> memref<632x128xf32, #tpu.memory_space<hbm>>
      %dma_start3A_143 = arith.constant 0 : i32
      %dma_start3A_144 = tpu.memref_slice %arg12[%mul3A_2, %dma_start3A_143] : memref<10112x128xf32, #tpu.memory_space<vmem_shared>> -> memref<632x128xf32, #tpu.memory_space<vmem_shared>>
      tpu.enqueue_dma source(%dma_start3A_144 : memref<632x128xf32, #tpu.memory_space<vmem_shared>>) target(%dma_start3A_142 : memref<632x128xf32, #tpu.memory_space<hbm>>) target_semaphore(%run_scoped3A : memref<!tpu.dma_semaphore, #tpu.memory_space<semaphore_mem>>)
      %dma_wait3A_145 = arith.constant 0 : i32
      %dma_wait3A_146 = tpu.memref_slice %arg6[%arg0, %mul3A_2, %dma_wait3A_145] : memref<2x10112x128xf32, #tpu.memory_space<hbm>> -> memref<1x632x128xf32, #tpu.memory_space<hbm>>
      %dma_wait3A_147 = tpu.memref_squeeze %dma_wait3A_146 : memref<1x632x128xf32, #tpu.memory_space<hbm>> -> memref<632x128xf32, #tpu.memory_space<hbm>>
      %dma_wait3A_148 = arith.constant 0 : i32
      %dma_wait3A_149 = tpu.memref_slice %arg12[%mul3A_2, %dma_wait3A_148] : memref<10112x128xf32, #tpu.memory_space<vmem_shared>> -> memref<632x128xf32, #tpu.memory_space<vmem_shared>>
      tpu.wait_dma2 semaphore(%run_scoped3A : memref<!tpu.dma_semaphore, #tpu.memory_space<semaphore_mem>>) src(%dma_wait3A_149 : memref<632x128xf32, #tpu.memory_space<vmem_shared>>) dst(%dma_wait3A_147 : memref<632x128xf32, #tpu.memory_space<hbm>>)
      tpu.yield
    }) : () -> ()
    return
  }
}

#map = affine_map<(d0, d1) -> (0, 0)>
#map1 = affine_map<(d0, d1) -> (0)>
#map2 = affine_map<(d0, d1) -> (0, 0, 0)>
module attributes {stable_mosaic.version = 14 : i64} {
  func.func @_scatter_accum(%arg0: i32, %arg1: i32, %arg2: memref<200000x128xf32, #tpu.memory_space<hbm>>, %arg3: memref<327680xi32, #tpu.memory_space<hbm>>, %arg4: memref<327680xi32, #tpu.memory_space<hbm>>, %arg5: memref<10112x128xf32, #tpu.memory_space<hbm>>, %arg6: memref<2x10112x128xf32, #tpu.memory_space<hbm>>, %arg7: memref<5120xi32, #tpu.memory_space<vmem>>, %arg8: memref<5120xi32, #tpu.memory_space<vmem>>, %arg9: memref<80x128xf32, #tpu.memory_space<vmem>>, %arg10: memref<80x128xf32, #tpu.memory_space<vmem>>, %arg11: memref<80x128xf32, #tpu.memory_space<vmem>>, %arg12: memref<10112x128xf32, #tpu.memory_space<vmem_shared>>, %arg13: memref<!tpu.dma_semaphore, #tpu.memory_space<semaphore_mem>>, %arg14: memref<!tpu.dma_semaphore, #tpu.memory_space<semaphore_mem>>, %arg15: memref<!tpu.dma_semaphore, #tpu.memory_space<semaphore_mem>>) attributes {dimension_semantics = [#tpu.dimension_semantics<core_parallel>, #tpu.dimension_semantics<subcore_parallel>], iteration_bounds = array<i64: 2, 16>, scalar_prefetch = 0 : i64, scratch_operands = 9 : i64, tpu.core_type = #tpu.core_type<sc_vector_subcore>, window_params = [{transform_indices = #map}, {transform_indices = #map1}, {transform_indices = #map1}, {transform_indices = #map}, {transform_indices = #map2}]} {
    %mul3A = arith.constant 2 : i32
    %mul3A_0 = arith.muli %arg1, %mul3A : i32
    %add3A = arith.addi %mul3A_0, %arg0 : i32
    %mul3A_1 = arith.constant 632 : i32
    %mul3A_2 = arith.muli %arg1, %mul3A_1 : i32
    "tpu.region"() ({
      %run_scoped3A = tpu.sem_alloc : memref<!tpu.dma_semaphore, #tpu.memory_space<semaphore_mem>>
      %dma_start3A_140 = arith.constant 0 : i32
      %dma_start3A_141 = tpu.memref_slice %arg12[%mul3A_2, %dma_start3A_140] : memref<10112x128xf32, #tpu.memory_space<vmem_shared>> -> memref<632x128xf32, #tpu.memory_space<vmem_shared>>
      %dma_start3A_142 = arith.constant 0 : i32
      %dma_start3A_143 = tpu.memref_slice %arg5[%mul3A_2, %dma_start3A_142] : memref<10112x128xf32, #tpu.memory_space<hbm>> -> memref<632x128xf32, #tpu.memory_space<hbm>>
      tpu.enqueue_dma source(%dma_start3A_143 : memref<632x128xf32, #tpu.memory_space<hbm>>) target(%dma_start3A_141 : memref<632x128xf32, #tpu.memory_space<vmem_shared>>) target_semaphore(%run_scoped3A : memref<!tpu.dma_semaphore, #tpu.memory_space<semaphore_mem>>)
      %dma_wait3A_144 = arith.constant 0 : i32
      %dma_wait3A_145 = tpu.memref_slice %arg12[%mul3A_2, %dma_wait3A_144] : memref<10112x128xf32, #tpu.memory_space<vmem_shared>> -> memref<632x128xf32, #tpu.memory_space<vmem_shared>>
      %dma_wait3A_146 = arith.constant 0 : i32
      %dma_wait3A_147 = tpu.memref_slice %arg5[%mul3A_2, %dma_wait3A_146] : memref<10112x128xf32, #tpu.memory_space<hbm>> -> memref<632x128xf32, #tpu.memory_space<hbm>>
      tpu.wait_dma2 semaphore(%run_scoped3A : memref<!tpu.dma_semaphore, #tpu.memory_space<semaphore_mem>>) src(%dma_wait3A_147 : memref<632x128xf32, #tpu.memory_space<hbm>>) dst(%dma_wait3A_145 : memref<632x128xf32, #tpu.memory_space<vmem_shared>>)
      tpu.yield
    }) : () -> ()
    %barrier3A = arith.constant 0 : index
    tpu.barrier barrier_id(%barrier3A)
    %mul3A_3 = arith.constant 2 : i32
    %mul3A_4 = arith.muli %add3A, %mul3A_3 : i32
    %add3A_5 = arith.constant 0 : i32
    %add3A_6 = arith.addi %mul3A_4, %add3A_5 : i32
    %mul3A_7 = arith.constant 5120 : i32
    %mul3A_8 = arith.muli %add3A_6, %mul3A_7 : i32
    "tpu.region"() ({
      %run_scoped3A = tpu.sem_alloc : memref<!tpu.dma_semaphore, #tpu.memory_space<semaphore_mem>>
      %dma_start3A_140 = tpu.memref_slice %arg3[%mul3A_8] : memref<327680xi32, #tpu.memory_space<hbm>> -> memref<5120xi32, #tpu.memory_space<hbm>>
      %dma_start3A_141 = tpu.memref_slice %arg3[%mul3A_8] : memref<327680xi32, #tpu.memory_space<hbm>> -> memref<5120xi32, #tpu.memory_space<hbm>>
      tpu.enqueue_dma source(%dma_start3A_141 : memref<5120xi32, #tpu.memory_space<hbm>>) target(%arg7 : memref<5120xi32, #tpu.memory_space<vmem>>) target_semaphore(%run_scoped3A : memref<!tpu.dma_semaphore, #tpu.memory_space<semaphore_mem>>)
      %dma_wait3A_142 = tpu.memref_slice %arg3[%mul3A_8] : memref<327680xi32, #tpu.memory_space<hbm>> -> memref<5120xi32, #tpu.memory_space<hbm>>
      %dma_wait3A_143 = tpu.memref_slice %arg3[%mul3A_8] : memref<327680xi32, #tpu.memory_space<hbm>> -> memref<5120xi32, #tpu.memory_space<hbm>>
      tpu.wait_dma2 semaphore(%run_scoped3A : memref<!tpu.dma_semaphore, #tpu.memory_space<semaphore_mem>>) src(%dma_wait3A_143 : memref<5120xi32, #tpu.memory_space<hbm>>) dst(%arg7 : memref<5120xi32, #tpu.memory_space<vmem>>)
      tpu.yield
    }) : () -> ()
    %mul3A_9 = arith.constant 2 : i32
    %mul3A_10 = arith.muli %add3A, %mul3A_9 : i32
    %add3A_11 = arith.constant 0 : i32
    %add3A_12 = arith.addi %mul3A_10, %add3A_11 : i32
    %mul3A_13 = arith.constant 5120 : i32
    %mul3A_14 = arith.muli %add3A_12, %mul3A_13 : i32
    "tpu.region"() ({
      %run_scoped3A = tpu.sem_alloc : memref<!tpu.dma_semaphore, #tpu.memory_space<semaphore_mem>>
      %dma_start3A_140 = tpu.memref_slice %arg4[%mul3A_14] : memref<327680xi32, #tpu.memory_space<hbm>> -> memref<5120xi32, #tpu.memory_space<hbm>>
      %dma_start3A_141 = tpu.memref_slice %arg4[%mul3A_14] : memref<327680xi32, #tpu.memory_space<hbm>> -> memref<5120xi32, #tpu.memory_space<hbm>>
      tpu.enqueue_dma source(%dma_start3A_141 : memref<5120xi32, #tpu.memory_space<hbm>>) target(%arg8 : memref<5120xi32, #tpu.memory_space<vmem>>) target_semaphore(%run_scoped3A : memref<!tpu.dma_semaphore, #tpu.memory_space<semaphore_mem>>)
      %dma_wait3A_142 = tpu.memref_slice %arg4[%mul3A_14] : memref<327680xi32, #tpu.memory_space<hbm>> -> memref<5120xi32, #tpu.memory_space<hbm>>
      %dma_wait3A_143 = tpu.memref_slice %arg4[%mul3A_14] : memref<327680xi32, #tpu.memory_space<hbm>> -> memref<5120xi32, #tpu.memory_space<hbm>>
      tpu.wait_dma2 semaphore(%run_scoped3A : memref<!tpu.dma_semaphore, #tpu.memory_space<semaphore_mem>>) src(%dma_wait3A_143 : memref<5120xi32, #tpu.memory_space<hbm>>) dst(%arg8 : memref<5120xi32, #tpu.memory_space<vmem>>)
      tpu.yield
    }) : () -> ()
    %multiple_of3A = arith.constant 0 : i32
    %multiple_of3A_15 = tpu.assume_multiple %multiple_of3A, 80 : i32
    %dma_start3A = tpu.memref_slice %arg7[%multiple_of3A_15] : memref<5120xi32, #tpu.memory_space<vmem>> -> memref<80xi32, #tpu.memory_space<vmem>>
    %dma_start3A_16 = arith.constant 0 : i32
    %dma_start3A_17 = arith.constant 0 : i32
    %dma_start3A_18 = tpu.memref_slice %arg2[%dma_start3A_16, %dma_start3A_17] : memref<200000x128xf32, #tpu.memory_space<hbm>> -> memref<200000x128xf32, #tpu.memory_space<hbm>>
    tpu.enqueue_indirect_dma source(%dma_start3A_18 : memref<200000x128xf32, #tpu.memory_space<hbm>>) target(%arg9 : memref<80x128xf32, #tpu.memory_space<vmem>>) offsets(%dma_start3A : memref<80xi32, #tpu.memory_space<vmem>>) semaphore(%arg13 : memref<!tpu.dma_semaphore, #tpu.memory_space<semaphore_mem>>)
    %multiple_of3A_19 = arith.constant 80 : i32
    %multiple_of3A_20 = tpu.assume_multiple %multiple_of3A_19, 80 : i32
    %dma_start3A_21 = tpu.memref_slice %arg7[%multiple_of3A_20] : memref<5120xi32, #tpu.memory_space<vmem>> -> memref<80xi32, #tpu.memory_space<vmem>>
    %dma_start3A_22 = arith.constant 0 : i32
    %dma_start3A_23 = arith.constant 0 : i32
    %dma_start3A_24 = tpu.memref_slice %arg2[%dma_start3A_22, %dma_start3A_23] : memref<200000x128xf32, #tpu.memory_space<hbm>> -> memref<200000x128xf32, #tpu.memory_space<hbm>>
    tpu.enqueue_indirect_dma source(%dma_start3A_24 : memref<200000x128xf32, #tpu.memory_space<hbm>>) target(%arg10 : memref<80x128xf32, #tpu.memory_space<vmem>>) offsets(%dma_start3A_21 : memref<80xi32, #tpu.memory_space<vmem>>) semaphore(%arg14 : memref<!tpu.dma_semaphore, #tpu.memory_space<semaphore_mem>>)
    %scan3A = arith.constant 0 : i32
    %scan3A_25 = arith.constant 0 : i32
    %scan3A_26 = arith.constant 20 : i32
    %scan3A_27 = arith.addi %scan3A_25, %scan3A_26 : i32
    %scan3A_28 = arith.constant 1 : i32
    scf.for %scan3A_140 = %scan3A_25 to %scan3A_27 step %scan3A_28  : i32 {
      %mul3A_141 = arith.constant 3 : i32
      %mul3A_142 = arith.muli %mul3A_141, %scan3A_140 : i32
      %add3A_143 = arith.constant 2 : i32
      %add3A_144 = arith.addi %mul3A_142, %add3A_143 : i32
      %mul3A_145 = arith.constant 80 : i32
      %mul3A_146 = arith.muli %add3A_144, %mul3A_145 : i32
      %multiple_of3A_147 = tpu.assume_multiple %mul3A_146, 80 : i32
      %dma_start3A_148 = tpu.memref_slice %arg7[%multiple_of3A_147] : memref<5120xi32, #tpu.memory_space<vmem>> -> memref<80xi32, #tpu.memory_space<vmem>>
      %dma_start3A_149 = arith.constant 0 : i32
      %dma_start3A_150 = arith.constant 0 : i32
      %dma_start3A_151 = tpu.memref_slice %arg2[%dma_start3A_149, %dma_start3A_150] : memref<200000x128xf32, #tpu.memory_space<hbm>> -> memref<200000x128xf32, #tpu.memory_space<hbm>>
      tpu.enqueue_indirect_dma source(%dma_start3A_151 : memref<200000x128xf32, #tpu.memory_space<hbm>>) target(%arg11 : memref<80x128xf32, #tpu.memory_space<vmem>>) offsets(%dma_start3A_148 : memref<80xi32, #tpu.memory_space<vmem>>) semaphore(%arg15 : memref<!tpu.dma_semaphore, #tpu.memory_space<semaphore_mem>>)
      %dma_wait3A_152 = arith.constant 0 : i32
      %dma_wait3A_153 = tpu.memref_slice %arg7[%dma_wait3A_152] : memref<5120xi32, #tpu.memory_space<vmem>> -> memref<80xi32, #tpu.memory_space<vmem>>
      %dma_wait3A_154 = arith.constant 0 : i32
      %dma_wait3A_155 = arith.constant 0 : i32
      %dma_wait3A_156 = tpu.memref_slice %arg2[%dma_wait3A_154, %dma_wait3A_155] : memref<200000x128xf32, #tpu.memory_space<hbm>> -> memref<200000x128xf32, #tpu.memory_space<hbm>>
      tpu.wait_indirect_dma semaphore(%arg13 : memref<!tpu.dma_semaphore, #tpu.memory_space<semaphore_mem>>) src(%dma_wait3A_156 : memref<200000x128xf32, #tpu.memory_space<hbm>>) dst(%arg9 : memref<80x128xf32, #tpu.memory_space<vmem>>)
      %mul3A_157 = arith.constant 80 : i32
      %mul3A_158 = arith.muli %mul3A_142, %mul3A_157 : i32
      %multiple_of3A_159 = tpu.assume_multiple %mul3A_158, 80 : i32
      "tpu.region"() ({
        %run_scoped3A = tpu.sem_alloc : memref<!tpu.dma_semaphore, #tpu.memory_space<semaphore_mem>>
        %dma_start3A_198 = tpu.memref_slice %arg8[%multiple_of3A_159] : memref<5120xi32, #tpu.memory_space<vmem>> -> memref<80xi32, #tpu.memory_space<vmem>>
        %dma_start3A_199 = arith.constant 0 : i32
        %dma_start3A_200 = arith.constant 0 : i32
        %dma_start3A_201 = tpu.memref_slice %arg12[%dma_start3A_199, %dma_start3A_200] : memref<10112x128xf32, #tpu.memory_space<vmem_shared>> -> memref<10112x128xf32, #tpu.memory_space<vmem_shared>>
        tpu.enqueue_indirect_dma source(%arg9 : memref<80x128xf32, #tpu.memory_space<vmem>>) target(%dma_start3A_201 : memref<10112x128xf32, #tpu.memory_space<vmem_shared>>) offsets(%dma_start3A_198 : memref<80xi32, #tpu.memory_space<vmem>>) semaphore(%run_scoped3A : memref<!tpu.dma_semaphore, #tpu.memory_space<semaphore_mem>>) {add = true}
        %dma_wait3A_202 = tpu.memref_slice %arg8[%multiple_of3A_159] : memref<5120xi32, #tpu.memory_space<vmem>> -> memref<80xi32, #tpu.memory_space<vmem>>
        %dma_wait3A_203 = arith.constant 0 : i32
        %dma_wait3A_204 = arith.constant 0 : i32
        %dma_wait3A_205 = tpu.memref_slice %arg12[%dma_wait3A_203, %dma_wait3A_204] : memref<10112x128xf32, #tpu.memory_space<vmem_shared>> -> memref<10112x128xf32, #tpu.memory_space<vmem_shared>>
        tpu.wait_indirect_dma semaphore(%run_scoped3A : memref<!tpu.dma_semaphore, #tpu.memory_space<semaphore_mem>>) src(%arg9 : memref<80x128xf32, #tpu.memory_space<vmem>>) dst(%dma_wait3A_205 : memref<10112x128xf32, #tpu.memory_space<vmem_shared>>)
        tpu.yield
      }) : () -> ()
      %add3A_160 = arith.constant 3 : i32
      %add3A_161 = arith.addi %mul3A_142, %add3A_160 : i32
      %mul3A_162 = arith.constant 80 : i32
      %mul3A_163 = arith.muli %add3A_161, %mul3A_162 : i32
      %multiple_of3A_164 = tpu.assume_multiple %mul3A_163, 80 : i32
      %dma_start3A_165 = tpu.memref_slice %arg7[%multiple_of3A_164] : memref<5120xi32, #tpu.memory_space<vmem>> -> memref<80xi32, #tpu.memory_space<vmem>>
      %dma_start3A_166 = arith.constant 0 : i32
      %dma_start3A_167 = arith.constant 0 : i32
      %dma_start3A_168 = tpu.memref_slice %arg2[%dma_start3A_166, %dma_start3A_167] : memref<200000x128xf32, #tpu.memory_space<hbm>> -> memref<200000x128xf32, #tpu.memory_space<hbm>>
      tpu.enqueue_indirect_dma source(%dma_start3A_168 : memref<200000x128xf32, #tpu.memory_space<hbm>>) target(%arg9 : memref<80x128xf32, #tpu.memory_space<vmem>>) offsets(%dma_start3A_165 : memref<80xi32, #tpu.memory_space<vmem>>) semaphore(%arg13 : memref<!tpu.dma_semaphore, #tpu.memory_space<semaphore_mem>>)
      %dma_wait3A_169 = arith.constant 0 : i32
      %dma_wait3A_170 = tpu.memref_slice %arg7[%dma_wait3A_169] : memref<5120xi32, #tpu.memory_space<vmem>> -> memref<80xi32, #tpu.memory_space<vmem>>
      %dma_wait3A_171 = arith.constant 0 : i32
      %dma_wait3A_172 = arith.constant 0 : i32
      %dma_wait3A_173 = tpu.memref_slice %arg2[%dma_wait3A_171, %dma_wait3A_172] : memref<200000x128xf32, #tpu.memory_space<hbm>> -> memref<200000x128xf32, #tpu.memory_space<hbm>>
      tpu.wait_indirect_dma semaphore(%arg14 : memref<!tpu.dma_semaphore, #tpu.memory_space<semaphore_mem>>) src(%dma_wait3A_173 : memref<200000x128xf32, #tpu.memory_space<hbm>>) dst(%arg10 : memref<80x128xf32, #tpu.memory_space<vmem>>)
      %add3A_174 = arith.constant 1 : i32
      %add3A_175 = arith.addi %mul3A_142, %add3A_174 : i32
      %mul3A_176 = arith.constant 80 : i32
      %mul3A_177 = arith.muli %add3A_175, %mul3A_176 : i32
      %multiple_of3A_178 = tpu.assume_multiple %mul3A_177, 80 : i32
      "tpu.region"() ({
        %run_scoped3A = tpu.sem_alloc : memref<!tpu.dma_semaphore, #tpu.memory_space<semaphore_mem>>
        %dma_start3A_198 = tpu.memref_slice %arg8[%multiple_of3A_178] : memref<5120xi32, #tpu.memory_space<vmem>> -> memref<80xi32, #tpu.memory_space<vmem>>
        %dma_start3A_199 = arith.constant 0 : i32
        %dma_start3A_200 = arith.constant 0 : i32
        %dma_start3A_201 = tpu.memref_slice %arg12[%dma_start3A_199, %dma_start3A_200] : memref<10112x128xf32, #tpu.memory_space<vmem_shared>> -> memref<10112x128xf32, #tpu.memory_space<vmem_shared>>
        tpu.enqueue_indirect_dma source(%arg10 : memref<80x128xf32, #tpu.memory_space<vmem>>) target(%dma_start3A_201 : memref<10112x128xf32, #tpu.memory_space<vmem_shared>>) offsets(%dma_start3A_198 : memref<80xi32, #tpu.memory_space<vmem>>) semaphore(%run_scoped3A : memref<!tpu.dma_semaphore, #tpu.memory_space<semaphore_mem>>) {add = true}
        %dma_wait3A_202 = tpu.memref_slice %arg8[%multiple_of3A_178] : memref<5120xi32, #tpu.memory_space<vmem>> -> memref<80xi32, #tpu.memory_space<vmem>>
        %dma_wait3A_203 = arith.constant 0 : i32
        %dma_wait3A_204 = arith.constant 0 : i32
        %dma_wait3A_205 = tpu.memref_slice %arg12[%dma_wait3A_203, %dma_wait3A_204] : memref<10112x128xf32, #tpu.memory_space<vmem_shared>> -> memref<10112x128xf32, #tpu.memory_space<vmem_shared>>
        tpu.wait_indirect_dma semaphore(%run_scoped3A : memref<!tpu.dma_semaphore, #tpu.memory_space<semaphore_mem>>) src(%arg10 : memref<80x128xf32, #tpu.memory_space<vmem>>) dst(%dma_wait3A_205 : memref<10112x128xf32, #tpu.memory_space<vmem_shared>>)
        tpu.yield
      }) : () -> ()
      %add3A_179 = arith.constant 4 : i32
      %add3A_180 = arith.addi %mul3A_142, %add3A_179 : i32
      %mul3A_181 = arith.constant 80 : i32
      %mul3A_182 = arith.muli %add3A_180, %mul3A_181 : i32
      %multiple_of3A_183 = tpu.assume_multiple %mul3A_182, 80 : i32
      %dma_start3A_184 = tpu.memref_slice %arg7[%multiple_of3A_183] : memref<5120xi32, #tpu.memory_space<vmem>> -> memref<80xi32, #tpu.memory_space<vmem>>
      %dma_start3A_185 = arith.constant 0 : i32
      %dma_start3A_186 = arith.constant 0 : i32
      %dma_start3A_187 = tpu.memref_slice %arg2[%dma_start3A_185, %dma_start3A_186] : memref<200000x128xf32, #tpu.memory_space<hbm>> -> memref<200000x128xf32, #tpu.memory_space<hbm>>
      tpu.enqueue_indirect_dma source(%dma_start3A_187 : memref<200000x128xf32, #tpu.memory_space<hbm>>) target(%arg10 : memref<80x128xf32, #tpu.memory_space<vmem>>) offsets(%dma_start3A_184 : memref<80xi32, #tpu.memory_space<vmem>>) semaphore(%arg14 : memref<!tpu.dma_semaphore, #tpu.memory_space<semaphore_mem>>)
      %dma_wait3A_188 = arith.constant 0 : i32
      %dma_wait3A_189 = tpu.memref_slice %arg7[%dma_wait3A_188] : memref<5120xi32, #tpu.memory_space<vmem>> -> memref<80xi32, #tpu.memory_space<vmem>>
      %dma_wait3A_190 = arith.constant 0 : i32
      %dma_wait3A_191 = arith.constant 0 : i32
      %dma_wait3A_192 = tpu.memref_slice %arg2[%dma_wait3A_190, %dma_wait3A_191] : memref<200000x128xf32, #tpu.memory_space<hbm>> -> memref<200000x128xf32, #tpu.memory_space<hbm>>
      tpu.wait_indirect_dma semaphore(%arg15 : memref<!tpu.dma_semaphore, #tpu.memory_space<semaphore_mem>>) src(%dma_wait3A_192 : memref<200000x128xf32, #tpu.memory_space<hbm>>) dst(%arg11 : memref<80x128xf32, #tpu.memory_space<vmem>>)
      %add3A_193 = arith.constant 2 : i32
      %add3A_194 = arith.addi %mul3A_142, %add3A_193 : i32
      %mul3A_195 = arith.constant 80 : i32
      %mul3A_196 = arith.muli %add3A_194, %mul3A_195 : i32
      %multiple_of3A_197 = tpu.assume_multiple %mul3A_196, 80 : i32
      "tpu.region"() ({
        %run_scoped3A = tpu.sem_alloc : memref<!tpu.dma_semaphore, #tpu.memory_space<semaphore_mem>>
        %dma_start3A_198 = tpu.memref_slice %arg8[%multiple_of3A_197] : memref<5120xi32, #tpu.memory_space<vmem>> -> memref<80xi32, #tpu.memory_space<vmem>>
        %dma_start3A_199 = arith.constant 0 : i32
        %dma_start3A_200 = arith.constant 0 : i32
        %dma_start3A_201 = tpu.memref_slice %arg12[%dma_start3A_199, %dma_start3A_200] : memref<10112x128xf32, #tpu.memory_space<vmem_shared>> -> memref<10112x128xf32, #tpu.memory_space<vmem_shared>>
        tpu.enqueue_indirect_dma source(%arg11 : memref<80x128xf32, #tpu.memory_space<vmem>>) target(%dma_start3A_201 : memref<10112x128xf32, #tpu.memory_space<vmem_shared>>) offsets(%dma_start3A_198 : memref<80xi32, #tpu.memory_space<vmem>>) semaphore(%run_scoped3A : memref<!tpu.dma_semaphore, #tpu.memory_space<semaphore_mem>>) {add = true}
        %dma_wait3A_202 = tpu.memref_slice %arg8[%multiple_of3A_197] : memref<5120xi32, #tpu.memory_space<vmem>> -> memref<80xi32, #tpu.memory_space<vmem>>
        %dma_wait3A_203 = arith.constant 0 : i32
        %dma_wait3A_204 = arith.constant 0 : i32
        %dma_wait3A_205 = tpu.memref_slice %arg12[%dma_wait3A_203, %dma_wait3A_204] : memref<10112x128xf32, #tpu.memory_space<vmem_shared>> -> memref<10112x128xf32, #tpu.memory_space<vmem_shared>>
        tpu.wait_indirect_dma semaphore(%run_scoped3A : memref<!tpu.dma_semaphore, #tpu.memory_space<semaphore_mem>>) src(%arg11 : memref<80x128xf32, #tpu.memory_space<vmem>>) dst(%dma_wait3A_205 : memref<10112x128xf32, #tpu.memory_space<vmem_shared>>)
        tpu.yield
      }) : () -> ()
    }
    %scan3A_29 = arith.constant 20 : i32
    %multiple_of3A_30 = arith.constant 4960 : i32
    %multiple_of3A_31 = tpu.assume_multiple %multiple_of3A_30, 80 : i32
    %dma_start3A_32 = tpu.memref_slice %arg7[%multiple_of3A_31] : memref<5120xi32, #tpu.memory_space<vmem>> -> memref<80xi32, #tpu.memory_space<vmem>>
    %dma_start3A_33 = arith.constant 0 : i32
    %dma_start3A_34 = arith.constant 0 : i32
    %dma_start3A_35 = tpu.memref_slice %arg2[%dma_start3A_33, %dma_start3A_34] : memref<200000x128xf32, #tpu.memory_space<hbm>> -> memref<200000x128xf32, #tpu.memory_space<hbm>>
    tpu.enqueue_indirect_dma source(%dma_start3A_35 : memref<200000x128xf32, #tpu.memory_space<hbm>>) target(%arg11 : memref<80x128xf32, #tpu.memory_space<vmem>>) offsets(%dma_start3A_32 : memref<80xi32, #tpu.memory_space<vmem>>) semaphore(%arg15 : memref<!tpu.dma_semaphore, #tpu.memory_space<semaphore_mem>>)
    %dma_wait3A = arith.constant 0 : i32
    %dma_wait3A_36 = tpu.memref_slice %arg7[%dma_wait3A] : memref<5120xi32, #tpu.memory_space<vmem>> -> memref<80xi32, #tpu.memory_space<vmem>>
    %dma_wait3A_37 = arith.constant 0 : i32
    %dma_wait3A_38 = arith.constant 0 : i32
    %dma_wait3A_39 = tpu.memref_slice %arg2[%dma_wait3A_37, %dma_wait3A_38] : memref<200000x128xf32, #tpu.memory_space<hbm>> -> memref<200000x128xf32, #tpu.memory_space<hbm>>
    tpu.wait_indirect_dma semaphore(%arg13 : memref<!tpu.dma_semaphore, #tpu.memory_space<semaphore_mem>>) src(%dma_wait3A_39 : memref<200000x128xf32, #tpu.memory_space<hbm>>) dst(%arg9 : memref<80x128xf32, #tpu.memory_space<vmem>>)
    %multiple_of3A_40 = arith.constant 4800 : i32
    %multiple_of3A_41 = tpu.assume_multiple %multiple_of3A_40, 80 : i32
    "tpu.region"() ({
      %run_scoped3A = tpu.sem_alloc : memref<!tpu.dma_semaphore, #tpu.memory_space<semaphore_mem>>
      %dma_start3A_140 = tpu.memref_slice %arg8[%multiple_of3A_41] : memref<5120xi32, #tpu.memory_space<vmem>> -> memref<80xi32, #tpu.memory_space<vmem>>
      %dma_start3A_141 = arith.constant 0 : i32
      %dma_start3A_142 = arith.constant 0 : i32
      %dma_start3A_143 = tpu.memref_slice %arg12[%dma_start3A_141, %dma_start3A_142] : memref<10112x128xf32, #tpu.memory_space<vmem_shared>> -> memref<10112x128xf32, #tpu.memory_space<vmem_shared>>
      tpu.enqueue_indirect_dma source(%arg9 : memref<80x128xf32, #tpu.memory_space<vmem>>) target(%dma_start3A_143 : memref<10112x128xf32, #tpu.memory_space<vmem_shared>>) offsets(%dma_start3A_140 : memref<80xi32, #tpu.memory_space<vmem>>) semaphore(%run_scoped3A : memref<!tpu.dma_semaphore, #tpu.memory_space<semaphore_mem>>) {add = true}
      %dma_wait3A_144 = tpu.memref_slice %arg8[%multiple_of3A_41] : memref<5120xi32, #tpu.memory_space<vmem>> -> memref<80xi32, #tpu.memory_space<vmem>>
      %dma_wait3A_145 = arith.constant 0 : i32
      %dma_wait3A_146 = arith.constant 0 : i32
      %dma_wait3A_147 = tpu.memref_slice %arg12[%dma_wait3A_145, %dma_wait3A_146] : memref<10112x128xf32, #tpu.memory_space<vmem_shared>> -> memref<10112x128xf32, #tpu.memory_space<vmem_shared>>
      tpu.wait_indirect_dma semaphore(%run_scoped3A : memref<!tpu.dma_semaphore, #tpu.memory_space<semaphore_mem>>) src(%arg9 : memref<80x128xf32, #tpu.memory_space<vmem>>) dst(%dma_wait3A_147 : memref<10112x128xf32, #tpu.memory_space<vmem_shared>>)
      tpu.yield
    }) : () -> ()
    %multiple_of3A_42 = arith.constant 5040 : i32
    %multiple_of3A_43 = tpu.assume_multiple %multiple_of3A_42, 80 : i32
    %dma_start3A_44 = tpu.memref_slice %arg7[%multiple_of3A_43] : memref<5120xi32, #tpu.memory_space<vmem>> -> memref<80xi32, #tpu.memory_space<vmem>>
    %dma_start3A_45 = arith.constant 0 : i32
    %dma_start3A_46 = arith.constant 0 : i32
    %dma_start3A_47 = tpu.memref_slice %arg2[%dma_start3A_45, %dma_start3A_46] : memref<200000x128xf32, #tpu.memory_space<hbm>> -> memref<200000x128xf32, #tpu.memory_space<hbm>>
    tpu.enqueue_indirect_dma source(%dma_start3A_47 : memref<200000x128xf32, #tpu.memory_space<hbm>>) target(%arg9 : memref<80x128xf32, #tpu.memory_space<vmem>>) offsets(%dma_start3A_44 : memref<80xi32, #tpu.memory_space<vmem>>) semaphore(%arg13 : memref<!tpu.dma_semaphore, #tpu.memory_space<semaphore_mem>>)
    %dma_wait3A_48 = arith.constant 0 : i32
    %dma_wait3A_49 = tpu.memref_slice %arg7[%dma_wait3A_48] : memref<5120xi32, #tpu.memory_space<vmem>> -> memref<80xi32, #tpu.memory_space<vmem>>
    %dma_wait3A_50 = arith.constant 0 : i32
    %dma_wait3A_51 = arith.constant 0 : i32
    %dma_wait3A_52 = tpu.memref_slice %arg2[%dma_wait3A_50, %dma_wait3A_51] : memref<200000x128xf32, #tpu.memory_space<hbm>> -> memref<200000x128xf32, #tpu.memory_space<hbm>>
    tpu.wait_indirect_dma semaphore(%arg14 : memref<!tpu.dma_semaphore, #tpu.memory_space<semaphore_mem>>) src(%dma_wait3A_52 : memref<200000x128xf32, #tpu.memory_space<hbm>>) dst(%arg10 : memref<80x128xf32, #tpu.memory_space<vmem>>)
    %multiple_of3A_53 = arith.constant 4880 : i32
    %multiple_of3A_54 = tpu.assume_multiple %multiple_of3A_53, 80 : i32
    "tpu.region"() ({
      %run_scoped3A = tpu.sem_alloc : memref<!tpu.dma_semaphore, #tpu.memory_space<semaphore_mem>>
      %dma_start3A_140 = tpu.memref_slice %arg8[%multiple_of3A_54] : memref<5120xi32, #tpu.memory_space<vmem>> -> memref<80xi32, #tpu.memory_space<vmem>>
      %dma_start3A_141 = arith.constant 0 : i32
      %dma_start3A_142 = arith.constant 0 : i32
      %dma_start3A_143 = tpu.memref_slice %arg12[%dma_start3A_141, %dma_start3A_142] : memref<10112x128xf32, #tpu.memory_space<vmem_shared>> -> memref<10112x128xf32, #tpu.memory_space<vmem_shared>>
      tpu.enqueue_indirect_dma source(%arg10 : memref<80x128xf32, #tpu.memory_space<vmem>>) target(%dma_start3A_143 : memref<10112x128xf32, #tpu.memory_space<vmem_shared>>) offsets(%dma_start3A_140 : memref<80xi32, #tpu.memory_space<vmem>>) semaphore(%run_scoped3A : memref<!tpu.dma_semaphore, #tpu.memory_space<semaphore_mem>>) {add = true}
      %dma_wait3A_144 = tpu.memref_slice %arg8[%multiple_of3A_54] : memref<5120xi32, #tpu.memory_space<vmem>> -> memref<80xi32, #tpu.memory_space<vmem>>
      %dma_wait3A_145 = arith.constant 0 : i32
      %dma_wait3A_146 = arith.constant 0 : i32
      %dma_wait3A_147 = tpu.memref_slice %arg12[%dma_wait3A_145, %dma_wait3A_146] : memref<10112x128xf32, #tpu.memory_space<vmem_shared>> -> memref<10112x128xf32, #tpu.memory_space<vmem_shared>>
      tpu.wait_indirect_dma semaphore(%run_scoped3A : memref<!tpu.dma_semaphore, #tpu.memory_space<semaphore_mem>>) src(%arg10 : memref<80x128xf32, #tpu.memory_space<vmem>>) dst(%dma_wait3A_147 : memref<10112x128xf32, #tpu.memory_space<vmem_shared>>)
      tpu.yield
    }) : () -> ()
    %dma_wait3A_55 = arith.constant 0 : i32
    %dma_wait3A_56 = tpu.memref_slice %arg7[%dma_wait3A_55] : memref<5120xi32, #tpu.memory_space<vmem>> -> memref<80xi32, #tpu.memory_space<vmem>>
    %dma_wait3A_57 = arith.constant 0 : i32
    %dma_wait3A_58 = arith.constant 0 : i32
    %dma_wait3A_59 = tpu.memref_slice %arg2[%dma_wait3A_57, %dma_wait3A_58] : memref<200000x128xf32, #tpu.memory_space<hbm>> -> memref<200000x128xf32, #tpu.memory_space<hbm>>
    tpu.wait_indirect_dma semaphore(%arg15 : memref<!tpu.dma_semaphore, #tpu.memory_space<semaphore_mem>>) src(%dma_wait3A_59 : memref<200000x128xf32, #tpu.memory_space<hbm>>) dst(%arg11 : memref<80x128xf32, #tpu.memory_space<vmem>>)
    %multiple_of3A_60 = arith.constant 4960 : i32
    %multiple_of3A_61 = tpu.assume_multiple %multiple_of3A_60, 80 : i32
    "tpu.region"() ({
      %run_scoped3A = tpu.sem_alloc : memref<!tpu.dma_semaphore, #tpu.memory_space<semaphore_mem>>
      %dma_start3A_140 = tpu.memref_slice %arg8[%multiple_of3A_61] : memref<5120xi32, #tpu.memory_space<vmem>> -> memref<80xi32, #tpu.memory_space<vmem>>
      %dma_start3A_141 = arith.constant 0 : i32
      %dma_start3A_142 = arith.constant 0 : i32
      %dma_start3A_143 = tpu.memref_slice %arg12[%dma_start3A_141, %dma_start3A_142] : memref<10112x128xf32, #tpu.memory_space<vmem_shared>> -> memref<10112x128xf32, #tpu.memory_space<vmem_shared>>
      tpu.enqueue_indirect_dma source(%arg11 : memref<80x128xf32, #tpu.memory_space<vmem>>) target(%dma_start3A_143 : memref<10112x128xf32, #tpu.memory_space<vmem_shared>>) offsets(%dma_start3A_140 : memref<80xi32, #tpu.memory_space<vmem>>) semaphore(%run_scoped3A : memref<!tpu.dma_semaphore, #tpu.memory_space<semaphore_mem>>) {add = true}
      %dma_wait3A_144 = tpu.memref_slice %arg8[%multiple_of3A_61] : memref<5120xi32, #tpu.memory_space<vmem>> -> memref<80xi32, #tpu.memory_space<vmem>>
      %dma_wait3A_145 = arith.constant 0 : i32
      %dma_wait3A_146 = arith.constant 0 : i32
      %dma_wait3A_147 = tpu.memref_slice %arg12[%dma_wait3A_145, %dma_wait3A_146] : memref<10112x128xf32, #tpu.memory_space<vmem_shared>> -> memref<10112x128xf32, #tpu.memory_space<vmem_shared>>
      tpu.wait_indirect_dma semaphore(%run_scoped3A : memref<!tpu.dma_semaphore, #tpu.memory_space<semaphore_mem>>) src(%arg11 : memref<80x128xf32, #tpu.memory_space<vmem>>) dst(%dma_wait3A_147 : memref<10112x128xf32, #tpu.memory_space<vmem_shared>>)
      tpu.yield
    }) : () -> ()
    %dma_wait3A_62 = arith.constant 0 : i32
    %dma_wait3A_63 = tpu.memref_slice %arg7[%dma_wait3A_62] : memref<5120xi32, #tpu.memory_space<vmem>> -> memref<80xi32, #tpu.memory_space<vmem>>
    %dma_wait3A_64 = arith.constant 0 : i32
    %dma_wait3A_65 = arith.constant 0 : i32
    %dma_wait3A_66 = tpu.memref_slice %arg2[%dma_wait3A_64, %dma_wait3A_65] : memref<200000x128xf32, #tpu.memory_space<hbm>> -> memref<200000x128xf32, #tpu.memory_space<hbm>>
    tpu.wait_indirect_dma semaphore(%arg13 : memref<!tpu.dma_semaphore, #tpu.memory_space<semaphore_mem>>) src(%dma_wait3A_66 : memref<200000x128xf32, #tpu.memory_space<hbm>>) dst(%arg9 : memref<80x128xf32, #tpu.memory_space<vmem>>)
    %multiple_of3A_67 = arith.constant 5040 : i32
    %multiple_of3A_68 = tpu.assume_multiple %multiple_of3A_67, 80 : i32
    "tpu.region"() ({
      %run_scoped3A = tpu.sem_alloc : memref<!tpu.dma_semaphore, #tpu.memory_space<semaphore_mem>>
      %dma_start3A_140 = tpu.memref_slice %arg8[%multiple_of3A_68] : memref<5120xi32, #tpu.memory_space<vmem>> -> memref<80xi32, #tpu.memory_space<vmem>>
      %dma_start3A_141 = arith.constant 0 : i32
      %dma_start3A_142 = arith.constant 0 : i32
      %dma_start3A_143 = tpu.memref_slice %arg12[%dma_start3A_141, %dma_start3A_142] : memref<10112x128xf32, #tpu.memory_space<vmem_shared>> -> memref<10112x128xf32, #tpu.memory_space<vmem_shared>>
      tpu.enqueue_indirect_dma source(%arg9 : memref<80x128xf32, #tpu.memory_space<vmem>>) target(%dma_start3A_143 : memref<10112x128xf32, #tpu.memory_space<vmem_shared>>) offsets(%dma_start3A_140 : memref<80xi32, #tpu.memory_space<vmem>>) semaphore(%run_scoped3A : memref<!tpu.dma_semaphore, #tpu.memory_space<semaphore_mem>>) {add = true}
      %dma_wait3A_144 = tpu.memref_slice %arg8[%multiple_of3A_68] : memref<5120xi32, #tpu.memory_space<vmem>> -> memref<80xi32, #tpu.memory_space<vmem>>
      %dma_wait3A_145 = arith.constant 0 : i32
      %dma_wait3A_146 = arith.constant 0 : i32
      %dma_wait3A_147 = tpu.memref_slice %arg12[%dma_wait3A_145, %dma_wait3A_146] : memref<10112x128xf32, #tpu.memory_space<vmem_shared>> -> memref<10112x128xf32, #tpu.memory_space<vmem_shared>>
      tpu.wait_indirect_dma semaphore(%run_scoped3A : memref<!tpu.dma_semaphore, #tpu.memory_space<semaphore_mem>>) src(%arg9 : memref<80x128xf32, #tpu.memory_space<vmem>>) dst(%dma_wait3A_147 : memref<10112x128xf32, #tpu.memory_space<vmem_shared>>)
      tpu.yield
    }) : () -> ()
    %mul3A_69 = arith.constant 2 : i32
    %mul3A_70 = arith.muli %add3A, %mul3A_69 : i32
    %add3A_71 = arith.constant 1 : i32
    %add3A_72 = arith.addi %mul3A_70, %add3A_71 : i32
    %mul3A_73 = arith.constant 5120 : i32
    %mul3A_74 = arith.muli %add3A_72, %mul3A_73 : i32
    "tpu.region"() ({
      %run_scoped3A = tpu.sem_alloc : memref<!tpu.dma_semaphore, #tpu.memory_space<semaphore_mem>>
      %dma_start3A_140 = tpu.memref_slice %arg3[%mul3A_74] : memref<327680xi32, #tpu.memory_space<hbm>> -> memref<5120xi32, #tpu.memory_space<hbm>>
      %dma_start3A_141 = tpu.memref_slice %arg3[%mul3A_74] : memref<327680xi32, #tpu.memory_space<hbm>> -> memref<5120xi32, #tpu.memory_space<hbm>>
      tpu.enqueue_dma source(%dma_start3A_141 : memref<5120xi32, #tpu.memory_space<hbm>>) target(%arg7 : memref<5120xi32, #tpu.memory_space<vmem>>) target_semaphore(%run_scoped3A : memref<!tpu.dma_semaphore, #tpu.memory_space<semaphore_mem>>)
      %dma_wait3A_142 = tpu.memref_slice %arg3[%mul3A_74] : memref<327680xi32, #tpu.memory_space<hbm>> -> memref<5120xi32, #tpu.memory_space<hbm>>
      %dma_wait3A_143 = tpu.memref_slice %arg3[%mul3A_74] : memref<327680xi32, #tpu.memory_space<hbm>> -> memref<5120xi32, #tpu.memory_space<hbm>>
      tpu.wait_dma2 semaphore(%run_scoped3A : memref<!tpu.dma_semaphore, #tpu.memory_space<semaphore_mem>>) src(%dma_wait3A_143 : memref<5120xi32, #tpu.memory_space<hbm>>) dst(%arg7 : memref<5120xi32, #tpu.memory_space<vmem>>)
      tpu.yield
    }) : () -> ()
    %mul3A_75 = arith.constant 2 : i32
    %mul3A_76 = arith.muli %add3A, %mul3A_75 : i32
    %add3A_77 = arith.constant 1 : i32
    %add3A_78 = arith.addi %mul3A_76, %add3A_77 : i32
    %mul3A_79 = arith.constant 5120 : i32
    %mul3A_80 = arith.muli %add3A_78, %mul3A_79 : i32
    "tpu.region"() ({
      %run_scoped3A = tpu.sem_alloc : memref<!tpu.dma_semaphore, #tpu.memory_space<semaphore_mem>>
      %dma_start3A_140 = tpu.memref_slice %arg4[%mul3A_80] : memref<327680xi32, #tpu.memory_space<hbm>> -> memref<5120xi32, #tpu.memory_space<hbm>>
      %dma_start3A_141 = tpu.memref_slice %arg4[%mul3A_80] : memref<327680xi32, #tpu.memory_space<hbm>> -> memref<5120xi32, #tpu.memory_space<hbm>>
      tpu.enqueue_dma source(%dma_start3A_141 : memref<5120xi32, #tpu.memory_space<hbm>>) target(%arg8 : memref<5120xi32, #tpu.memory_space<vmem>>) target_semaphore(%run_scoped3A : memref<!tpu.dma_semaphore, #tpu.memory_space<semaphore_mem>>)
      %dma_wait3A_142 = tpu.memref_slice %arg4[%mul3A_80] : memref<327680xi32, #tpu.memory_space<hbm>> -> memref<5120xi32, #tpu.memory_space<hbm>>
      %dma_wait3A_143 = tpu.memref_slice %arg4[%mul3A_80] : memref<327680xi32, #tpu.memory_space<hbm>> -> memref<5120xi32, #tpu.memory_space<hbm>>
      tpu.wait_dma2 semaphore(%run_scoped3A : memref<!tpu.dma_semaphore, #tpu.memory_space<semaphore_mem>>) src(%dma_wait3A_143 : memref<5120xi32, #tpu.memory_space<hbm>>) dst(%arg8 : memref<5120xi32, #tpu.memory_space<vmem>>)
      tpu.yield
    }) : () -> ()
    %multiple_of3A_81 = arith.constant 0 : i32
    %multiple_of3A_82 = tpu.assume_multiple %multiple_of3A_81, 80 : i32
    %dma_start3A_83 = tpu.memref_slice %arg7[%multiple_of3A_82] : memref<5120xi32, #tpu.memory_space<vmem>> -> memref<80xi32, #tpu.memory_space<vmem>>
    %dma_start3A_84 = arith.constant 0 : i32
    %dma_start3A_85 = arith.constant 0 : i32
    %dma_start3A_86 = tpu.memref_slice %arg2[%dma_start3A_84, %dma_start3A_85] : memref<200000x128xf32, #tpu.memory_space<hbm>> -> memref<200000x128xf32, #tpu.memory_space<hbm>>
    tpu.enqueue_indirect_dma source(%dma_start3A_86 : memref<200000x128xf32, #tpu.memory_space<hbm>>) target(%arg9 : memref<80x128xf32, #tpu.memory_space<vmem>>) offsets(%dma_start3A_83 : memref<80xi32, #tpu.memory_space<vmem>>) semaphore(%arg13 : memref<!tpu.dma_semaphore, #tpu.memory_space<semaphore_mem>>)
    %multiple_of3A_87 = arith.constant 80 : i32
    %multiple_of3A_88 = tpu.assume_multiple %multiple_of3A_87, 80 : i32
    %dma_start3A_89 = tpu.memref_slice %arg7[%multiple_of3A_88] : memref<5120xi32, #tpu.memory_space<vmem>> -> memref<80xi32, #tpu.memory_space<vmem>>
    %dma_start3A_90 = arith.constant 0 : i32
    %dma_start3A_91 = arith.constant 0 : i32
    %dma_start3A_92 = tpu.memref_slice %arg2[%dma_start3A_90, %dma_start3A_91] : memref<200000x128xf32, #tpu.memory_space<hbm>> -> memref<200000x128xf32, #tpu.memory_space<hbm>>
    tpu.enqueue_indirect_dma source(%dma_start3A_92 : memref<200000x128xf32, #tpu.memory_space<hbm>>) target(%arg10 : memref<80x128xf32, #tpu.memory_space<vmem>>) offsets(%dma_start3A_89 : memref<80xi32, #tpu.memory_space<vmem>>) semaphore(%arg14 : memref<!tpu.dma_semaphore, #tpu.memory_space<semaphore_mem>>)
    %scan3A_93 = arith.constant 0 : i32
    %scan3A_94 = arith.constant 0 : i32
    %scan3A_95 = arith.constant 20 : i32
    %scan3A_96 = arith.addi %scan3A_94, %scan3A_95 : i32
    %scan3A_97 = arith.constant 1 : i32
    scf.for %scan3A_140 = %scan3A_94 to %scan3A_96 step %scan3A_97  : i32 {
      %mul3A_141 = arith.constant 3 : i32
      %mul3A_142 = arith.muli %mul3A_141, %scan3A_140 : i32
      %add3A_143 = arith.constant 2 : i32
      %add3A_144 = arith.addi %mul3A_142, %add3A_143 : i32
      %mul3A_145 = arith.constant 80 : i32
      %mul3A_146 = arith.muli %add3A_144, %mul3A_145 : i32
      %multiple_of3A_147 = tpu.assume_multiple %mul3A_146, 80 : i32
      %dma_start3A_148 = tpu.memref_slice %arg7[%multiple_of3A_147] : memref<5120xi32, #tpu.memory_space<vmem>> -> memref<80xi32, #tpu.memory_space<vmem>>
      %dma_start3A_149 = arith.constant 0 : i32
      %dma_start3A_150 = arith.constant 0 : i32
      %dma_start3A_151 = tpu.memref_slice %arg2[%dma_start3A_149, %dma_start3A_150] : memref<200000x128xf32, #tpu.memory_space<hbm>> -> memref<200000x128xf32, #tpu.memory_space<hbm>>
      tpu.enqueue_indirect_dma source(%dma_start3A_151 : memref<200000x128xf32, #tpu.memory_space<hbm>>) target(%arg11 : memref<80x128xf32, #tpu.memory_space<vmem>>) offsets(%dma_start3A_148 : memref<80xi32, #tpu.memory_space<vmem>>) semaphore(%arg15 : memref<!tpu.dma_semaphore, #tpu.memory_space<semaphore_mem>>)
      %dma_wait3A_152 = arith.constant 0 : i32
      %dma_wait3A_153 = tpu.memref_slice %arg7[%dma_wait3A_152] : memref<5120xi32, #tpu.memory_space<vmem>> -> memref<80xi32, #tpu.memory_space<vmem>>
      %dma_wait3A_154 = arith.constant 0 : i32
      %dma_wait3A_155 = arith.constant 0 : i32
      %dma_wait3A_156 = tpu.memref_slice %arg2[%dma_wait3A_154, %dma_wait3A_155] : memref<200000x128xf32, #tpu.memory_space<hbm>> -> memref<200000x128xf32, #tpu.memory_space<hbm>>
      tpu.wait_indirect_dma semaphore(%arg13 : memref<!tpu.dma_semaphore, #tpu.memory_space<semaphore_mem>>) src(%dma_wait3A_156 : memref<200000x128xf32, #tpu.memory_space<hbm>>) dst(%arg9 : memref<80x128xf32, #tpu.memory_space<vmem>>)
      %mul3A_157 = arith.constant 80 : i32
      %mul3A_158 = arith.muli %mul3A_142, %mul3A_157 : i32
      %multiple_of3A_159 = tpu.assume_multiple %mul3A_158, 80 : i32
      "tpu.region"() ({
        %run_scoped3A = tpu.sem_alloc : memref<!tpu.dma_semaphore, #tpu.memory_space<semaphore_mem>>
        %dma_start3A_198 = tpu.memref_slice %arg8[%multiple_of3A_159] : memref<5120xi32, #tpu.memory_space<vmem>> -> memref<80xi32, #tpu.memory_space<vmem>>
        %dma_start3A_199 = arith.constant 0 : i32
        %dma_start3A_200 = arith.constant 0 : i32
        %dma_start3A_201 = tpu.memref_slice %arg12[%dma_start3A_199, %dma_start3A_200] : memref<10112x128xf32, #tpu.memory_space<vmem_shared>> -> memref<10112x128xf32, #tpu.memory_space<vmem_shared>>
        tpu.enqueue_indirect_dma source(%arg9 : memref<80x128xf32, #tpu.memory_space<vmem>>) target(%dma_start3A_201 : memref<10112x128xf32, #tpu.memory_space<vmem_shared>>) offsets(%dma_start3A_198 : memref<80xi32, #tpu.memory_space<vmem>>) semaphore(%run_scoped3A : memref<!tpu.dma_semaphore, #tpu.memory_space<semaphore_mem>>) {add = true}
        %dma_wait3A_202 = tpu.memref_slice %arg8[%multiple_of3A_159] : memref<5120xi32, #tpu.memory_space<vmem>> -> memref<80xi32, #tpu.memory_space<vmem>>
        %dma_wait3A_203 = arith.constant 0 : i32
        %dma_wait3A_204 = arith.constant 0 : i32
        %dma_wait3A_205 = tpu.memref_slice %arg12[%dma_wait3A_203, %dma_wait3A_204] : memref<10112x128xf32, #tpu.memory_space<vmem_shared>> -> memref<10112x128xf32, #tpu.memory_space<vmem_shared>>
        tpu.wait_indirect_dma semaphore(%run_scoped3A : memref<!tpu.dma_semaphore, #tpu.memory_space<semaphore_mem>>) src(%arg9 : memref<80x128xf32, #tpu.memory_space<vmem>>) dst(%dma_wait3A_205 : memref<10112x128xf32, #tpu.memory_space<vmem_shared>>)
        tpu.yield
      }) : () -> ()
      %add3A_160 = arith.constant 3 : i32
      %add3A_161 = arith.addi %mul3A_142, %add3A_160 : i32
      %mul3A_162 = arith.constant 80 : i32
      %mul3A_163 = arith.muli %add3A_161, %mul3A_162 : i32
      %multiple_of3A_164 = tpu.assume_multiple %mul3A_163, 80 : i32
      %dma_start3A_165 = tpu.memref_slice %arg7[%multiple_of3A_164] : memref<5120xi32, #tpu.memory_space<vmem>> -> memref<80xi32, #tpu.memory_space<vmem>>
      %dma_start3A_166 = arith.constant 0 : i32
      %dma_start3A_167 = arith.constant 0 : i32
      %dma_start3A_168 = tpu.memref_slice %arg2[%dma_start3A_166, %dma_start3A_167] : memref<200000x128xf32, #tpu.memory_space<hbm>> -> memref<200000x128xf32, #tpu.memory_space<hbm>>
      tpu.enqueue_indirect_dma source(%dma_start3A_168 : memref<200000x128xf32, #tpu.memory_space<hbm>>) target(%arg9 : memref<80x128xf32, #tpu.memory_space<vmem>>) offsets(%dma_start3A_165 : memref<80xi32, #tpu.memory_space<vmem>>) semaphore(%arg13 : memref<!tpu.dma_semaphore, #tpu.memory_space<semaphore_mem>>)
      %dma_wait3A_169 = arith.constant 0 : i32
      %dma_wait3A_170 = tpu.memref_slice %arg7[%dma_wait3A_169] : memref<5120xi32, #tpu.memory_space<vmem>> -> memref<80xi32, #tpu.memory_space<vmem>>
      %dma_wait3A_171 = arith.constant 0 : i32
      %dma_wait3A_172 = arith.constant 0 : i32
      %dma_wait3A_173 = tpu.memref_slice %arg2[%dma_wait3A_171, %dma_wait3A_172] : memref<200000x128xf32, #tpu.memory_space<hbm>> -> memref<200000x128xf32, #tpu.memory_space<hbm>>
      tpu.wait_indirect_dma semaphore(%arg14 : memref<!tpu.dma_semaphore, #tpu.memory_space<semaphore_mem>>) src(%dma_wait3A_173 : memref<200000x128xf32, #tpu.memory_space<hbm>>) dst(%arg10 : memref<80x128xf32, #tpu.memory_space<vmem>>)
      %add3A_174 = arith.constant 1 : i32
      %add3A_175 = arith.addi %mul3A_142, %add3A_174 : i32
      %mul3A_176 = arith.constant 80 : i32
      %mul3A_177 = arith.muli %add3A_175, %mul3A_176 : i32
      %multiple_of3A_178 = tpu.assume_multiple %mul3A_177, 80 : i32
      "tpu.region"() ({
        %run_scoped3A = tpu.sem_alloc : memref<!tpu.dma_semaphore, #tpu.memory_space<semaphore_mem>>
        %dma_start3A_198 = tpu.memref_slice %arg8[%multiple_of3A_178] : memref<5120xi32, #tpu.memory_space<vmem>> -> memref<80xi32, #tpu.memory_space<vmem>>
        %dma_start3A_199 = arith.constant 0 : i32
        %dma_start3A_200 = arith.constant 0 : i32
        %dma_start3A_201 = tpu.memref_slice %arg12[%dma_start3A_199, %dma_start3A_200] : memref<10112x128xf32, #tpu.memory_space<vmem_shared>> -> memref<10112x128xf32, #tpu.memory_space<vmem_shared>>
        tpu.enqueue_indirect_dma source(%arg10 : memref<80x128xf32, #tpu.memory_space<vmem>>) target(%dma_start3A_201 : memref<10112x128xf32, #tpu.memory_space<vmem_shared>>) offsets(%dma_start3A_198 : memref<80xi32, #tpu.memory_space<vmem>>) semaphore(%run_scoped3A : memref<!tpu.dma_semaphore, #tpu.memory_space<semaphore_mem>>) {add = true}
        %dma_wait3A_202 = tpu.memref_slice %arg8[%multiple_of3A_178] : memref<5120xi32, #tpu.memory_space<vmem>> -> memref<80xi32, #tpu.memory_space<vmem>>
        %dma_wait3A_203 = arith.constant 0 : i32
        %dma_wait3A_204 = arith.constant 0 : i32
        %dma_wait3A_205 = tpu.memref_slice %arg12[%dma_wait3A_203, %dma_wait3A_204] : memref<10112x128xf32, #tpu.memory_space<vmem_shared>> -> memref<10112x128xf32, #tpu.memory_space<vmem_shared>>
        tpu.wait_indirect_dma semaphore(%run_scoped3A : memref<!tpu.dma_semaphore, #tpu.memory_space<semaphore_mem>>) src(%arg10 : memref<80x128xf32, #tpu.memory_space<vmem>>) dst(%dma_wait3A_205 : memref<10112x128xf32, #tpu.memory_space<vmem_shared>>)
        tpu.yield
      }) : () -> ()
      %add3A_179 = arith.constant 4 : i32
      %add3A_180 = arith.addi %mul3A_142, %add3A_179 : i32
      %mul3A_181 = arith.constant 80 : i32
      %mul3A_182 = arith.muli %add3A_180, %mul3A_181 : i32
      %multiple_of3A_183 = tpu.assume_multiple %mul3A_182, 80 : i32
      %dma_start3A_184 = tpu.memref_slice %arg7[%multiple_of3A_183] : memref<5120xi32, #tpu.memory_space<vmem>> -> memref<80xi32, #tpu.memory_space<vmem>>
      %dma_start3A_185 = arith.constant 0 : i32
      %dma_start3A_186 = arith.constant 0 : i32
      %dma_start3A_187 = tpu.memref_slice %arg2[%dma_start3A_185, %dma_start3A_186] : memref<200000x128xf32, #tpu.memory_space<hbm>> -> memref<200000x128xf32, #tpu.memory_space<hbm>>
      tpu.enqueue_indirect_dma source(%dma_start3A_187 : memref<200000x128xf32, #tpu.memory_space<hbm>>) target(%arg10 : memref<80x128xf32, #tpu.memory_space<vmem>>) offsets(%dma_start3A_184 : memref<80xi32, #tpu.memory_space<vmem>>) semaphore(%arg14 : memref<!tpu.dma_semaphore, #tpu.memory_space<semaphore_mem>>)
      %dma_wait3A_188 = arith.constant 0 : i32
      %dma_wait3A_189 = tpu.memref_slice %arg7[%dma_wait3A_188] : memref<5120xi32, #tpu.memory_space<vmem>> -> memref<80xi32, #tpu.memory_space<vmem>>
      %dma_wait3A_190 = arith.constant 0 : i32
      %dma_wait3A_191 = arith.constant 0 : i32
      %dma_wait3A_192 = tpu.memref_slice %arg2[%dma_wait3A_190, %dma_wait3A_191] : memref<200000x128xf32, #tpu.memory_space<hbm>> -> memref<200000x128xf32, #tpu.memory_space<hbm>>
      tpu.wait_indirect_dma semaphore(%arg15 : memref<!tpu.dma_semaphore, #tpu.memory_space<semaphore_mem>>) src(%dma_wait3A_192 : memref<200000x128xf32, #tpu.memory_space<hbm>>) dst(%arg11 : memref<80x128xf32, #tpu.memory_space<vmem>>)
      %add3A_193 = arith.constant 2 : i32
      %add3A_194 = arith.addi %mul3A_142, %add3A_193 : i32
      %mul3A_195 = arith.constant 80 : i32
      %mul3A_196 = arith.muli %add3A_194, %mul3A_195 : i32
      %multiple_of3A_197 = tpu.assume_multiple %mul3A_196, 80 : i32
      "tpu.region"() ({
        %run_scoped3A = tpu.sem_alloc : memref<!tpu.dma_semaphore, #tpu.memory_space<semaphore_mem>>
        %dma_start3A_198 = tpu.memref_slice %arg8[%multiple_of3A_197] : memref<5120xi32, #tpu.memory_space<vmem>> -> memref<80xi32, #tpu.memory_space<vmem>>
        %dma_start3A_199 = arith.constant 0 : i32
        %dma_start3A_200 = arith.constant 0 : i32
        %dma_start3A_201 = tpu.memref_slice %arg12[%dma_start3A_199, %dma_start3A_200] : memref<10112x128xf32, #tpu.memory_space<vmem_shared>> -> memref<10112x128xf32, #tpu.memory_space<vmem_shared>>
        tpu.enqueue_indirect_dma source(%arg11 : memref<80x128xf32, #tpu.memory_space<vmem>>) target(%dma_start3A_201 : memref<10112x128xf32, #tpu.memory_space<vmem_shared>>) offsets(%dma_start3A_198 : memref<80xi32, #tpu.memory_space<vmem>>) semaphore(%run_scoped3A : memref<!tpu.dma_semaphore, #tpu.memory_space<semaphore_mem>>) {add = true}
        %dma_wait3A_202 = tpu.memref_slice %arg8[%multiple_of3A_197] : memref<5120xi32, #tpu.memory_space<vmem>> -> memref<80xi32, #tpu.memory_space<vmem>>
        %dma_wait3A_203 = arith.constant 0 : i32
        %dma_wait3A_204 = arith.constant 0 : i32
        %dma_wait3A_205 = tpu.memref_slice %arg12[%dma_wait3A_203, %dma_wait3A_204] : memref<10112x128xf32, #tpu.memory_space<vmem_shared>> -> memref<10112x128xf32, #tpu.memory_space<vmem_shared>>
        tpu.wait_indirect_dma semaphore(%run_scoped3A : memref<!tpu.dma_semaphore, #tpu.memory_space<semaphore_mem>>) src(%arg11 : memref<80x128xf32, #tpu.memory_space<vmem>>) dst(%dma_wait3A_205 : memref<10112x128xf32, #tpu.memory_space<vmem_shared>>)
        tpu.yield
      }) : () -> ()
    }
    %scan3A_98 = arith.constant 20 : i32
    %multiple_of3A_99 = arith.constant 4960 : i32
    %multiple_of3A_100 = tpu.assume_multiple %multiple_of3A_99, 80 : i32
    %dma_start3A_101 = tpu.memref_slice %arg7[%multiple_of3A_100] : memref<5120xi32, #tpu.memory_space<vmem>> -> memref<80xi32, #tpu.memory_space<vmem>>
    %dma_start3A_102 = arith.constant 0 : i32
    %dma_start3A_103 = arith.constant 0 : i32
    %dma_start3A_104 = tpu.memref_slice %arg2[%dma_start3A_102, %dma_start3A_103] : memref<200000x128xf32, #tpu.memory_space<hbm>> -> memref<200000x128xf32, #tpu.memory_space<hbm>>
    tpu.enqueue_indirect_dma source(%dma_start3A_104 : memref<200000x128xf32, #tpu.memory_space<hbm>>) target(%arg11 : memref<80x128xf32, #tpu.memory_space<vmem>>) offsets(%dma_start3A_101 : memref<80xi32, #tpu.memory_space<vmem>>) semaphore(%arg15 : memref<!tpu.dma_semaphore, #tpu.memory_space<semaphore_mem>>)
    %dma_wait3A_105 = arith.constant 0 : i32
    %dma_wait3A_106 = tpu.memref_slice %arg7[%dma_wait3A_105] : memref<5120xi32, #tpu.memory_space<vmem>> -> memref<80xi32, #tpu.memory_space<vmem>>
    %dma_wait3A_107 = arith.constant 0 : i32
    %dma_wait3A_108 = arith.constant 0 : i32
    %dma_wait3A_109 = tpu.memref_slice %arg2[%dma_wait3A_107, %dma_wait3A_108] : memref<200000x128xf32, #tpu.memory_space<hbm>> -> memref<200000x128xf32, #tpu.memory_space<hbm>>
    tpu.wait_indirect_dma semaphore(%arg13 : memref<!tpu.dma_semaphore, #tpu.memory_space<semaphore_mem>>) src(%dma_wait3A_109 : memref<200000x128xf32, #tpu.memory_space<hbm>>) dst(%arg9 : memref<80x128xf32, #tpu.memory_space<vmem>>)
    %multiple_of3A_110 = arith.constant 4800 : i32
    %multiple_of3A_111 = tpu.assume_multiple %multiple_of3A_110, 80 : i32
    "tpu.region"() ({
      %run_scoped3A = tpu.sem_alloc : memref<!tpu.dma_semaphore, #tpu.memory_space<semaphore_mem>>
      %dma_start3A_140 = tpu.memref_slice %arg8[%multiple_of3A_111] : memref<5120xi32, #tpu.memory_space<vmem>> -> memref<80xi32, #tpu.memory_space<vmem>>
      %dma_start3A_141 = arith.constant 0 : i32
      %dma_start3A_142 = arith.constant 0 : i32
      %dma_start3A_143 = tpu.memref_slice %arg12[%dma_start3A_141, %dma_start3A_142] : memref<10112x128xf32, #tpu.memory_space<vmem_shared>> -> memref<10112x128xf32, #tpu.memory_space<vmem_shared>>
      tpu.enqueue_indirect_dma source(%arg9 : memref<80x128xf32, #tpu.memory_space<vmem>>) target(%dma_start3A_143 : memref<10112x128xf32, #tpu.memory_space<vmem_shared>>) offsets(%dma_start3A_140 : memref<80xi32, #tpu.memory_space<vmem>>) semaphore(%run_scoped3A : memref<!tpu.dma_semaphore, #tpu.memory_space<semaphore_mem>>) {add = true}
      %dma_wait3A_144 = tpu.memref_slice %arg8[%multiple_of3A_111] : memref<5120xi32, #tpu.memory_space<vmem>> -> memref<80xi32, #tpu.memory_space<vmem>>
      %dma_wait3A_145 = arith.constant 0 : i32
      %dma_wait3A_146 = arith.constant 0 : i32
      %dma_wait3A_147 = tpu.memref_slice %arg12[%dma_wait3A_145, %dma_wait3A_146] : memref<10112x128xf32, #tpu.memory_space<vmem_shared>> -> memref<10112x128xf32, #tpu.memory_space<vmem_shared>>
      tpu.wait_indirect_dma semaphore(%run_scoped3A : memref<!tpu.dma_semaphore, #tpu.memory_space<semaphore_mem>>) src(%arg9 : memref<80x128xf32, #tpu.memory_space<vmem>>) dst(%dma_wait3A_147 : memref<10112x128xf32, #tpu.memory_space<vmem_shared>>)
      tpu.yield
    }) : () -> ()
    %multiple_of3A_112 = arith.constant 5040 : i32
    %multiple_of3A_113 = tpu.assume_multiple %multiple_of3A_112, 80 : i32
    %dma_start3A_114 = tpu.memref_slice %arg7[%multiple_of3A_113] : memref<5120xi32, #tpu.memory_space<vmem>> -> memref<80xi32, #tpu.memory_space<vmem>>
    %dma_start3A_115 = arith.constant 0 : i32
    %dma_start3A_116 = arith.constant 0 : i32
    %dma_start3A_117 = tpu.memref_slice %arg2[%dma_start3A_115, %dma_start3A_116] : memref<200000x128xf32, #tpu.memory_space<hbm>> -> memref<200000x128xf32, #tpu.memory_space<hbm>>
    tpu.enqueue_indirect_dma source(%dma_start3A_117 : memref<200000x128xf32, #tpu.memory_space<hbm>>) target(%arg9 : memref<80x128xf32, #tpu.memory_space<vmem>>) offsets(%dma_start3A_114 : memref<80xi32, #tpu.memory_space<vmem>>) semaphore(%arg13 : memref<!tpu.dma_semaphore, #tpu.memory_space<semaphore_mem>>)
    %dma_wait3A_118 = arith.constant 0 : i32
    %dma_wait3A_119 = tpu.memref_slice %arg7[%dma_wait3A_118] : memref<5120xi32, #tpu.memory_space<vmem>> -> memref<80xi32, #tpu.memory_space<vmem>>
    %dma_wait3A_120 = arith.constant 0 : i32
    %dma_wait3A_121 = arith.constant 0 : i32
    %dma_wait3A_122 = tpu.memref_slice %arg2[%dma_wait3A_120, %dma_wait3A_121] : memref<200000x128xf32, #tpu.memory_space<hbm>> -> memref<200000x128xf32, #tpu.memory_space<hbm>>
    tpu.wait_indirect_dma semaphore(%arg14 : memref<!tpu.dma_semaphore, #tpu.memory_space<semaphore_mem>>) src(%dma_wait3A_122 : memref<200000x128xf32, #tpu.memory_space<hbm>>) dst(%arg10 : memref<80x128xf32, #tpu.memory_space<vmem>>)
    %multiple_of3A_123 = arith.constant 4880 : i32
    %multiple_of3A_124 = tpu.assume_multiple %multiple_of3A_123, 80 : i32
    "tpu.region"() ({
      %run_scoped3A = tpu.sem_alloc : memref<!tpu.dma_semaphore, #tpu.memory_space<semaphore_mem>>
      %dma_start3A_140 = tpu.memref_slice %arg8[%multiple_of3A_124] : memref<5120xi32, #tpu.memory_space<vmem>> -> memref<80xi32, #tpu.memory_space<vmem>>
      %dma_start3A_141 = arith.constant 0 : i32
      %dma_start3A_142 = arith.constant 0 : i32
      %dma_start3A_143 = tpu.memref_slice %arg12[%dma_start3A_141, %dma_start3A_142] : memref<10112x128xf32, #tpu.memory_space<vmem_shared>> -> memref<10112x128xf32, #tpu.memory_space<vmem_shared>>
      tpu.enqueue_indirect_dma source(%arg10 : memref<80x128xf32, #tpu.memory_space<vmem>>) target(%dma_start3A_143 : memref<10112x128xf32, #tpu.memory_space<vmem_shared>>) offsets(%dma_start3A_140 : memref<80xi32, #tpu.memory_space<vmem>>) semaphore(%run_scoped3A : memref<!tpu.dma_semaphore, #tpu.memory_space<semaphore_mem>>) {add = true}
      %dma_wait3A_144 = tpu.memref_slice %arg8[%multiple_of3A_124] : memref<5120xi32, #tpu.memory_space<vmem>> -> memref<80xi32, #tpu.memory_space<vmem>>
      %dma_wait3A_145 = arith.constant 0 : i32
      %dma_wait3A_146 = arith.constant 0 : i32
      %dma_wait3A_147 = tpu.memref_slice %arg12[%dma_wait3A_145, %dma_wait3A_146] : memref<10112x128xf32, #tpu.memory_space<vmem_shared>> -> memref<10112x128xf32, #tpu.memory_space<vmem_shared>>
      tpu.wait_indirect_dma semaphore(%run_scoped3A : memref<!tpu.dma_semaphore, #tpu.memory_space<semaphore_mem>>) src(%arg10 : memref<80x128xf32, #tpu.memory_space<vmem>>) dst(%dma_wait3A_147 : memref<10112x128xf32, #tpu.memory_space<vmem_shared>>)
      tpu.yield
    }) : () -> ()
    %dma_wait3A_125 = arith.constant 0 : i32
    %dma_wait3A_126 = tpu.memref_slice %arg7[%dma_wait3A_125] : memref<5120xi32, #tpu.memory_space<vmem>> -> memref<80xi32, #tpu.memory_space<vmem>>
    %dma_wait3A_127 = arith.constant 0 : i32
    %dma_wait3A_128 = arith.constant 0 : i32
    %dma_wait3A_129 = tpu.memref_slice %arg2[%dma_wait3A_127, %dma_wait3A_128] : memref<200000x128xf32, #tpu.memory_space<hbm>> -> memref<200000x128xf32, #tpu.memory_space<hbm>>
    tpu.wait_indirect_dma semaphore(%arg15 : memref<!tpu.dma_semaphore, #tpu.memory_space<semaphore_mem>>) src(%dma_wait3A_129 : memref<200000x128xf32, #tpu.memory_space<hbm>>) dst(%arg11 : memref<80x128xf32, #tpu.memory_space<vmem>>)
    %multiple_of3A_130 = arith.constant 4960 : i32
    %multiple_of3A_131 = tpu.assume_multiple %multiple_of3A_130, 80 : i32
    "tpu.region"() ({
      %run_scoped3A = tpu.sem_alloc : memref<!tpu.dma_semaphore, #tpu.memory_space<semaphore_mem>>
      %dma_start3A_140 = tpu.memref_slice %arg8[%multiple_of3A_131] : memref<5120xi32, #tpu.memory_space<vmem>> -> memref<80xi32, #tpu.memory_space<vmem>>
      %dma_start3A_141 = arith.constant 0 : i32
      %dma_start3A_142 = arith.constant 0 : i32
      %dma_start3A_143 = tpu.memref_slice %arg12[%dma_start3A_141, %dma_start3A_142] : memref<10112x128xf32, #tpu.memory_space<vmem_shared>> -> memref<10112x128xf32, #tpu.memory_space<vmem_shared>>
      tpu.enqueue_indirect_dma source(%arg11 : memref<80x128xf32, #tpu.memory_space<vmem>>) target(%dma_start3A_143 : memref<10112x128xf32, #tpu.memory_space<vmem_shared>>) offsets(%dma_start3A_140 : memref<80xi32, #tpu.memory_space<vmem>>) semaphore(%run_scoped3A : memref<!tpu.dma_semaphore, #tpu.memory_space<semaphore_mem>>) {add = true}
      %dma_wait3A_144 = tpu.memref_slice %arg8[%multiple_of3A_131] : memref<5120xi32, #tpu.memory_space<vmem>> -> memref<80xi32, #tpu.memory_space<vmem>>
      %dma_wait3A_145 = arith.constant 0 : i32
      %dma_wait3A_146 = arith.constant 0 : i32
      %dma_wait3A_147 = tpu.memref_slice %arg12[%dma_wait3A_145, %dma_wait3A_146] : memref<10112x128xf32, #tpu.memory_space<vmem_shared>> -> memref<10112x128xf32, #tpu.memory_space<vmem_shared>>
      tpu.wait_indirect_dma semaphore(%run_scoped3A : memref<!tpu.dma_semaphore, #tpu.memory_space<semaphore_mem>>) src(%arg11 : memref<80x128xf32, #tpu.memory_space<vmem>>) dst(%dma_wait3A_147 : memref<10112x128xf32, #tpu.memory_space<vmem_shared>>)
      tpu.yield
    }) : () -> ()
    %dma_wait3A_132 = arith.constant 0 : i32
    %dma_wait3A_133 = tpu.memref_slice %arg7[%dma_wait3A_132] : memref<5120xi32, #tpu.memory_space<vmem>> -> memref<80xi32, #tpu.memory_space<vmem>>
    %dma_wait3A_134 = arith.constant 0 : i32
    %dma_wait3A_135 = arith.constant 0 : i32
    %dma_wait3A_136 = tpu.memref_slice %arg2[%dma_wait3A_134, %dma_wait3A_135] : memref<200000x128xf32, #tpu.memory_space<hbm>> -> memref<200000x128xf32, #tpu.memory_space<hbm>>
    tpu.wait_indirect_dma semaphore(%arg13 : memref<!tpu.dma_semaphore, #tpu.memory_space<semaphore_mem>>) src(%dma_wait3A_136 : memref<200000x128xf32, #tpu.memory_space<hbm>>) dst(%arg9 : memref<80x128xf32, #tpu.memory_space<vmem>>)
    %multiple_of3A_137 = arith.constant 5040 : i32
    %multiple_of3A_138 = tpu.assume_multiple %multiple_of3A_137, 80 : i32
    "tpu.region"() ({
      %run_scoped3A = tpu.sem_alloc : memref<!tpu.dma_semaphore, #tpu.memory_space<semaphore_mem>>
      %dma_start3A_140 = tpu.memref_slice %arg8[%multiple_of3A_138] : memref<5120xi32, #tpu.memory_space<vmem>> -> memref<80xi32, #tpu.memory_space<vmem>>
      %dma_start3A_141 = arith.constant 0 : i32
      %dma_start3A_142 = arith.constant 0 : i32
      %dma_start3A_143 = tpu.memref_slice %arg12[%dma_start3A_141, %dma_start3A_142] : memref<10112x128xf32, #tpu.memory_space<vmem_shared>> -> memref<10112x128xf32, #tpu.memory_space<vmem_shared>>
      tpu.enqueue_indirect_dma source(%arg9 : memref<80x128xf32, #tpu.memory_space<vmem>>) target(%dma_start3A_143 : memref<10112x128xf32, #tpu.memory_space<vmem_shared>>) offsets(%dma_start3A_140 : memref<80xi32, #tpu.memory_space<vmem>>) semaphore(%run_scoped3A : memref<!tpu.dma_semaphore, #tpu.memory_space<semaphore_mem>>) {add = true}
      %dma_wait3A_144 = tpu.memref_slice %arg8[%multiple_of3A_138] : memref<5120xi32, #tpu.memory_space<vmem>> -> memref<80xi32, #tpu.memory_space<vmem>>
      %dma_wait3A_145 = arith.constant 0 : i32
      %dma_wait3A_146 = arith.constant 0 : i32
      %dma_wait3A_147 = tpu.memref_slice %arg12[%dma_wait3A_145, %dma_wait3A_146] : memref<10112x128xf32, #tpu.memory_space<vmem_shared>> -> memref<10112x128xf32, #tpu.memory_space<vmem_shared>>
      tpu.wait_indirect_dma semaphore(%run_scoped3A : memref<!tpu.dma_semaphore, #tpu.memory_space<semaphore_mem>>) src(%arg9 : memref<80x128xf32, #tpu.memory_space<vmem>>) dst(%dma_wait3A_147 : memref<10112x128xf32, #tpu.memory_space<vmem_shared>>)
      tpu.yield
    }) : () -> ()
    %barrier3A_139 = arith.constant 0 : index
    tpu.barrier barrier_id(%barrier3A_139)
    "tpu.region"() ({
      %run_scoped3A = tpu.sem_alloc : memref<!tpu.dma_semaphore, #tpu.memory_space<semaphore_mem>>
      %dma_start3A_140 = arith.constant 0 : i32
      %dma_start3A_141 = tpu.memref_slice %arg6[%arg0, %mul3A_2, %dma_start3A_140] : memref<2x10112x128xf32, #tpu.memory_space<hbm>> -> memref<1x632x128xf32, #tpu.memory_space<hbm>>
      %dma_start3A_142 = tpu.memref_squeeze %dma_start3A_141 : memref<1x632x128xf32, #tpu.memory_space<hbm>> -> memref<632x128xf32, #tpu.memory_space<hbm>>
      %dma_start3A_143 = arith.constant 0 : i32
      %dma_start3A_144 = tpu.memref_slice %arg12[%mul3A_2, %dma_start3A_143] : memref<10112x128xf32, #tpu.memory_space<vmem_shared>> -> memref<632x128xf32, #tpu.memory_space<vmem_shared>>
      tpu.enqueue_dma source(%dma_start3A_144 : memref<632x128xf32, #tpu.memory_space<vmem_shared>>) target(%dma_start3A_142 : memref<632x128xf32, #tpu.memory_space<hbm>>) target_semaphore(%run_scoped3A : memref<!tpu.dma_semaphore, #tpu.memory_space<semaphore_mem>>)
      %dma_wait3A_145 = arith.constant 0 : i32
      %dma_wait3A_146 = tpu.memref_slice %arg6[%arg0, %mul3A_2, %dma_wait3A_145] : memref<2x10112x128xf32, #tpu.memory_space<hbm>> -> memref<1x632x128xf32, #tpu.memory_space<hbm>>
      %dma_wait3A_147 = tpu.memref_squeeze %dma_wait3A_146 : memref<1x632x128xf32, #tpu.memory_space<hbm>> -> memref<632x128xf32, #tpu.memory_space<hbm>>
      %dma_wait3A_148 = arith.constant 0 : i32
      %dma_wait3A_149 = tpu.memref_slice %arg12[%mul3A_2, %dma_wait3A_148] : memref<10112x128xf32, #tpu.memory_space<vmem_shared>> -> memref<632x128xf32, #tpu.memory_space<vmem_shared>>
      tpu.wait_dma2 semaphore(%run_scoped3A : memref<!tpu.dma_semaphore, #tpu.memory_space<semaphore_mem>>) src(%dma_wait3A_149 : memref<632x128xf32, #tpu.memory_space<vmem_shared>>) dst(%dma_wait3A_147 : memref<632x128xf32, #tpu.memory_space<hbm>>)
      tpu.yield
    }) : () -> ()
    return
  }
}

module attributes {stable_mosaic.version = 14 : i64} {
  func.func @_transform_body(%arg0: i32, %arg1: memref<20x20xf32, #tpu.memory_space<smem>>, %arg2: memref<10000x128xf32, #tpu.memory_space<vmem>>, %arg3: memref<20x128x128xf32, #tpu.memory_space<vmem>>, %arg4: memref<10000x128xf32, #tpu.memory_space<vmem>>) attributes {dimension_semantics = [#tpu.dimension_semantics<arbitrary>], iteration_bounds = array<i64: 20>, scalar_prefetch = 0 : i64, scratch_operands = 0 : i64, tpu.core_type = #tpu.core_type<tc>, window_params = [{transform_indices = @transform_0, window_bounds = array<i64: 20, 20>}, {pipeline_mode = #tpu.pipeline_mode<synchronous>, transform_indices = @transform_1, window_bounds = array<i64: 10000, 128>}, {pipeline_mode = #tpu.pipeline_mode<synchronous>, transform_indices = @transform_2, window_bounds = array<i64: 20, 128, 128>}, {transform_indices = @transform_3, window_bounds = array<i64: 10000, 128>}]} {
    %broadcast_in_dim3A = arith.constant 0.000000e+00 : f32
    %broadcast_in_dim3A_0 = vector.broadcast %broadcast_in_dim3A : f32 to vector<128x128xf32>
    %get3A = arith.index_cast %arg0 : i32 to index
    %get3A_1 = arith.constant 0 : index
    %get3A_2 = memref.load %arg1[%get3A, %get3A_1] : memref<20x20xf32, #tpu.memory_space<smem>>
    %get3A_3 = arith.constant 0 : index
    %get3A_4 = arith.constant 0 : index
    %get3A_5 = arith.constant 0 : index
    %get3A_6 = vector.load %arg3[%get3A_3, %get3A_4, %get3A_5] : memref<20x128x128xf32, #tpu.memory_space<vmem>>, vector<1x128x128xf32>
    %get3A_7 = vector.shape_cast %get3A_6 : vector<1x128x128xf32> to vector<128x128xf32>
    %mul3A = vector.broadcast %get3A_2 : f32 to vector<128x128xf32>
    %mul3A_8 = arith.mulf %mul3A, %get3A_7 : vector<128x128xf32>
    %add3A = arith.addf %broadcast_in_dim3A_0, %mul3A_8 : vector<128x128xf32>
    %get3A_9 = arith.index_cast %arg0 : i32 to index
    %get3A_10 = arith.constant 1 : index
    %get3A_11 = memref.load %arg1[%get3A_9, %get3A_10] : memref<20x20xf32, #tpu.memory_space<smem>>
    %get3A_12 = arith.constant 1 : index
    %get3A_13 = arith.constant 0 : index
    %get3A_14 = arith.constant 0 : index
    %get3A_15 = vector.load %arg3[%get3A_12, %get3A_13, %get3A_14] : memref<20x128x128xf32, #tpu.memory_space<vmem>>, vector<1x128x128xf32>
    %get3A_16 = vector.shape_cast %get3A_15 : vector<1x128x128xf32> to vector<128x128xf32>
    %mul3A_17 = vector.broadcast %get3A_11 : f32 to vector<128x128xf32>
    %mul3A_18 = arith.mulf %mul3A_17, %get3A_16 : vector<128x128xf32>
    %add3A_19 = arith.addf %add3A, %mul3A_18 : vector<128x128xf32>
    %get3A_20 = arith.index_cast %arg0 : i32 to index
    %get3A_21 = arith.constant 2 : index
    %get3A_22 = memref.load %arg1[%get3A_20, %get3A_21] : memref<20x20xf32, #tpu.memory_space<smem>>
    %get3A_23 = arith.constant 2 : index
    %get3A_24 = arith.constant 0 : index
    %get3A_25 = arith.constant 0 : index
    %get3A_26 = vector.load %arg3[%get3A_23, %get3A_24, %get3A_25] : memref<20x128x128xf32, #tpu.memory_space<vmem>>, vector<1x128x128xf32>
    %get3A_27 = vector.shape_cast %get3A_26 : vector<1x128x128xf32> to vector<128x128xf32>
    %mul3A_28 = vector.broadcast %get3A_22 : f32 to vector<128x128xf32>
    %mul3A_29 = arith.mulf %mul3A_28, %get3A_27 : vector<128x128xf32>
    %add3A_30 = arith.addf %add3A_19, %mul3A_29 : vector<128x128xf32>
    %get3A_31 = arith.index_cast %arg0 : i32 to index
    %get3A_32 = arith.constant 3 : index
    %get3A_33 = memref.load %arg1[%get3A_31, %get3A_32] : memref<20x20xf32, #tpu.memory_space<smem>>
    %get3A_34 = arith.constant 3 : index
    %get3A_35 = arith.constant 0 : index
    %get3A_36 = arith.constant 0 : index
    %get3A_37 = vector.load %arg3[%get3A_34, %get3A_35, %get3A_36] : memref<20x128x128xf32, #tpu.memory_space<vmem>>, vector<1x128x128xf32>
    %get3A_38 = vector.shape_cast %get3A_37 : vector<1x128x128xf32> to vector<128x128xf32>
    %mul3A_39 = vector.broadcast %get3A_33 : f32 to vector<128x128xf32>
    %mul3A_40 = arith.mulf %mul3A_39, %get3A_38 : vector<128x128xf32>
    %add3A_41 = arith.addf %add3A_30, %mul3A_40 : vector<128x128xf32>
    %get3A_42 = arith.index_cast %arg0 : i32 to index
    %get3A_43 = arith.constant 4 : index
    %get3A_44 = memref.load %arg1[%get3A_42, %get3A_43] : memref<20x20xf32, #tpu.memory_space<smem>>
    %get3A_45 = arith.constant 4 : index
    %get3A_46 = arith.constant 0 : index
    %get3A_47 = arith.constant 0 : index
    %get3A_48 = vector.load %arg3[%get3A_45, %get3A_46, %get3A_47] : memref<20x128x128xf32, #tpu.memory_space<vmem>>, vector<1x128x128xf32>
    %get3A_49 = vector.shape_cast %get3A_48 : vector<1x128x128xf32> to vector<128x128xf32>
    %mul3A_50 = vector.broadcast %get3A_44 : f32 to vector<128x128xf32>
    %mul3A_51 = arith.mulf %mul3A_50, %get3A_49 : vector<128x128xf32>
    %add3A_52 = arith.addf %add3A_41, %mul3A_51 : vector<128x128xf32>
    %get3A_53 = arith.index_cast %arg0 : i32 to index
    %get3A_54 = arith.constant 5 : index
    %get3A_55 = memref.load %arg1[%get3A_53, %get3A_54] : memref<20x20xf32, #tpu.memory_space<smem>>
    %get3A_56 = arith.constant 5 : index
    %get3A_57 = arith.constant 0 : index
    %get3A_58 = arith.constant 0 : index
    %get3A_59 = vector.load %arg3[%get3A_56, %get3A_57, %get3A_58] : memref<20x128x128xf32, #tpu.memory_space<vmem>>, vector<1x128x128xf32>
    %get3A_60 = vector.shape_cast %get3A_59 : vector<1x128x128xf32> to vector<128x128xf32>
    %mul3A_61 = vector.broadcast %get3A_55 : f32 to vector<128x128xf32>
    %mul3A_62 = arith.mulf %mul3A_61, %get3A_60 : vector<128x128xf32>
    %add3A_63 = arith.addf %add3A_52, %mul3A_62 : vector<128x128xf32>
    %get3A_64 = arith.index_cast %arg0 : i32 to index
    %get3A_65 = arith.constant 6 : index
    %get3A_66 = memref.load %arg1[%get3A_64, %get3A_65] : memref<20x20xf32, #tpu.memory_space<smem>>
    %get3A_67 = arith.constant 6 : index
    %get3A_68 = arith.constant 0 : index
    %get3A_69 = arith.constant 0 : index
    %get3A_70 = vector.load %arg3[%get3A_67, %get3A_68, %get3A_69] : memref<20x128x128xf32, #tpu.memory_space<vmem>>, vector<1x128x128xf32>
    %get3A_71 = vector.shape_cast %get3A_70 : vector<1x128x128xf32> to vector<128x128xf32>
    %mul3A_72 = vector.broadcast %get3A_66 : f32 to vector<128x128xf32>
    %mul3A_73 = arith.mulf %mul3A_72, %get3A_71 : vector<128x128xf32>
    %add3A_74 = arith.addf %add3A_63, %mul3A_73 : vector<128x128xf32>
    %get3A_75 = arith.index_cast %arg0 : i32 to index
    %get3A_76 = arith.constant 7 : index
    %get3A_77 = memref.load %arg1[%get3A_75, %get3A_76] : memref<20x20xf32, #tpu.memory_space<smem>>
    %get3A_78 = arith.constant 7 : index
    %get3A_79 = arith.constant 0 : index
    %get3A_80 = arith.constant 0 : index
    %get3A_81 = vector.load %arg3[%get3A_78, %get3A_79, %get3A_80] : memref<20x128x128xf32, #tpu.memory_space<vmem>>, vector<1x128x128xf32>
    %get3A_82 = vector.shape_cast %get3A_81 : vector<1x128x128xf32> to vector<128x128xf32>
    %mul3A_83 = vector.broadcast %get3A_77 : f32 to vector<128x128xf32>
    %mul3A_84 = arith.mulf %mul3A_83, %get3A_82 : vector<128x128xf32>
    %add3A_85 = arith.addf %add3A_74, %mul3A_84 : vector<128x128xf32>
    %get3A_86 = arith.index_cast %arg0 : i32 to index
    %get3A_87 = arith.constant 8 : index
    %get3A_88 = memref.load %arg1[%get3A_86, %get3A_87] : memref<20x20xf32, #tpu.memory_space<smem>>
    %get3A_89 = arith.constant 8 : index
    %get3A_90 = arith.constant 0 : index
    %get3A_91 = arith.constant 0 : index
    %get3A_92 = vector.load %arg3[%get3A_89, %get3A_90, %get3A_91] : memref<20x128x128xf32, #tpu.memory_space<vmem>>, vector<1x128x128xf32>
    %get3A_93 = vector.shape_cast %get3A_92 : vector<1x128x128xf32> to vector<128x128xf32>
    %mul3A_94 = vector.broadcast %get3A_88 : f32 to vector<128x128xf32>
    %mul3A_95 = arith.mulf %mul3A_94, %get3A_93 : vector<128x128xf32>
    %add3A_96 = arith.addf %add3A_85, %mul3A_95 : vector<128x128xf32>
    %get3A_97 = arith.index_cast %arg0 : i32 to index
    %get3A_98 = arith.constant 9 : index
    %get3A_99 = memref.load %arg1[%get3A_97, %get3A_98] : memref<20x20xf32, #tpu.memory_space<smem>>
    %get3A_100 = arith.constant 9 : index
    %get3A_101 = arith.constant 0 : index
    %get3A_102 = arith.constant 0 : index
    %get3A_103 = vector.load %arg3[%get3A_100, %get3A_101, %get3A_102] : memref<20x128x128xf32, #tpu.memory_space<vmem>>, vector<1x128x128xf32>
    %get3A_104 = vector.shape_cast %get3A_103 : vector<1x128x128xf32> to vector<128x128xf32>
    %mul3A_105 = vector.broadcast %get3A_99 : f32 to vector<128x128xf32>
    %mul3A_106 = arith.mulf %mul3A_105, %get3A_104 : vector<128x128xf32>
    %add3A_107 = arith.addf %add3A_96, %mul3A_106 : vector<128x128xf32>
    %get3A_108 = arith.index_cast %arg0 : i32 to index
    %get3A_109 = arith.constant 10 : index
    %get3A_110 = memref.load %arg1[%get3A_108, %get3A_109] : memref<20x20xf32, #tpu.memory_space<smem>>
    %get3A_111 = arith.constant 10 : index
    %get3A_112 = arith.constant 0 : index
    %get3A_113 = arith.constant 0 : index
    %get3A_114 = vector.load %arg3[%get3A_111, %get3A_112, %get3A_113] : memref<20x128x128xf32, #tpu.memory_space<vmem>>, vector<1x128x128xf32>
    %get3A_115 = vector.shape_cast %get3A_114 : vector<1x128x128xf32> to vector<128x128xf32>
    %mul3A_116 = vector.broadcast %get3A_110 : f32 to vector<128x128xf32>
    %mul3A_117 = arith.mulf %mul3A_116, %get3A_115 : vector<128x128xf32>
    %add3A_118 = arith.addf %add3A_107, %mul3A_117 : vector<128x128xf32>
    %get3A_119 = arith.index_cast %arg0 : i32 to index
    %get3A_120 = arith.constant 11 : index
    %get3A_121 = memref.load %arg1[%get3A_119, %get3A_120] : memref<20x20xf32, #tpu.memory_space<smem>>
    %get3A_122 = arith.constant 11 : index
    %get3A_123 = arith.constant 0 : index
    %get3A_124 = arith.constant 0 : index
    %get3A_125 = vector.load %arg3[%get3A_122, %get3A_123, %get3A_124] : memref<20x128x128xf32, #tpu.memory_space<vmem>>, vector<1x128x128xf32>
    %get3A_126 = vector.shape_cast %get3A_125 : vector<1x128x128xf32> to vector<128x128xf32>
    %mul3A_127 = vector.broadcast %get3A_121 : f32 to vector<128x128xf32>
    %mul3A_128 = arith.mulf %mul3A_127, %get3A_126 : vector<128x128xf32>
    %add3A_129 = arith.addf %add3A_118, %mul3A_128 : vector<128x128xf32>
    %get3A_130 = arith.index_cast %arg0 : i32 to index
    %get3A_131 = arith.constant 12 : index
    %get3A_132 = memref.load %arg1[%get3A_130, %get3A_131] : memref<20x20xf32, #tpu.memory_space<smem>>
    %get3A_133 = arith.constant 12 : index
    %get3A_134 = arith.constant 0 : index
    %get3A_135 = arith.constant 0 : index
    %get3A_136 = vector.load %arg3[%get3A_133, %get3A_134, %get3A_135] : memref<20x128x128xf32, #tpu.memory_space<vmem>>, vector<1x128x128xf32>
    %get3A_137 = vector.shape_cast %get3A_136 : vector<1x128x128xf32> to vector<128x128xf32>
    %mul3A_138 = vector.broadcast %get3A_132 : f32 to vector<128x128xf32>
    %mul3A_139 = arith.mulf %mul3A_138, %get3A_137 : vector<128x128xf32>
    %add3A_140 = arith.addf %add3A_129, %mul3A_139 : vector<128x128xf32>
    %get3A_141 = arith.index_cast %arg0 : i32 to index
    %get3A_142 = arith.constant 13 : index
    %get3A_143 = memref.load %arg1[%get3A_141, %get3A_142] : memref<20x20xf32, #tpu.memory_space<smem>>
    %get3A_144 = arith.constant 13 : index
    %get3A_145 = arith.constant 0 : index
    %get3A_146 = arith.constant 0 : index
    %get3A_147 = vector.load %arg3[%get3A_144, %get3A_145, %get3A_146] : memref<20x128x128xf32, #tpu.memory_space<vmem>>, vector<1x128x128xf32>
    %get3A_148 = vector.shape_cast %get3A_147 : vector<1x128x128xf32> to vector<128x128xf32>
    %mul3A_149 = vector.broadcast %get3A_143 : f32 to vector<128x128xf32>
    %mul3A_150 = arith.mulf %mul3A_149, %get3A_148 : vector<128x128xf32>
    %add3A_151 = arith.addf %add3A_140, %mul3A_150 : vector<128x128xf32>
    %get3A_152 = arith.index_cast %arg0 : i32 to index
    %get3A_153 = arith.constant 14 : index
    %get3A_154 = memref.load %arg1[%get3A_152, %get3A_153] : memref<20x20xf32, #tpu.memory_space<smem>>
    %get3A_155 = arith.constant 14 : index
    %get3A_156 = arith.constant 0 : index
    %get3A_157 = arith.constant 0 : index
    %get3A_158 = vector.load %arg3[%get3A_155, %get3A_156, %get3A_157] : memref<20x128x128xf32, #tpu.memory_space<vmem>>, vector<1x128x128xf32>
    %get3A_159 = vector.shape_cast %get3A_158 : vector<1x128x128xf32> to vector<128x128xf32>
    %mul3A_160 = vector.broadcast %get3A_154 : f32 to vector<128x128xf32>
    %mul3A_161 = arith.mulf %mul3A_160, %get3A_159 : vector<128x128xf32>
    %add3A_162 = arith.addf %add3A_151, %mul3A_161 : vector<128x128xf32>
    %get3A_163 = arith.index_cast %arg0 : i32 to index
    %get3A_164 = arith.constant 15 : index
    %get3A_165 = memref.load %arg1[%get3A_163, %get3A_164] : memref<20x20xf32, #tpu.memory_space<smem>>
    %get3A_166 = arith.constant 15 : index
    %get3A_167 = arith.constant 0 : index
    %get3A_168 = arith.constant 0 : index
    %get3A_169 = vector.load %arg3[%get3A_166, %get3A_167, %get3A_168] : memref<20x128x128xf32, #tpu.memory_space<vmem>>, vector<1x128x128xf32>
    %get3A_170 = vector.shape_cast %get3A_169 : vector<1x128x128xf32> to vector<128x128xf32>
    %mul3A_171 = vector.broadcast %get3A_165 : f32 to vector<128x128xf32>
    %mul3A_172 = arith.mulf %mul3A_171, %get3A_170 : vector<128x128xf32>
    %add3A_173 = arith.addf %add3A_162, %mul3A_172 : vector<128x128xf32>
    %get3A_174 = arith.index_cast %arg0 : i32 to index
    %get3A_175 = arith.constant 16 : index
    %get3A_176 = memref.load %arg1[%get3A_174, %get3A_175] : memref<20x20xf32, #tpu.memory_space<smem>>
    %get3A_177 = arith.constant 16 : index
    %get3A_178 = arith.constant 0 : index
    %get3A_179 = arith.constant 0 : index
    %get3A_180 = vector.load %arg3[%get3A_177, %get3A_178, %get3A_179] : memref<20x128x128xf32, #tpu.memory_space<vmem>>, vector<1x128x128xf32>
    %get3A_181 = vector.shape_cast %get3A_180 : vector<1x128x128xf32> to vector<128x128xf32>
    %mul3A_182 = vector.broadcast %get3A_176 : f32 to vector<128x128xf32>
    %mul3A_183 = arith.mulf %mul3A_182, %get3A_181 : vector<128x128xf32>
    %add3A_184 = arith.addf %add3A_173, %mul3A_183 : vector<128x128xf32>
    %get3A_185 = arith.index_cast %arg0 : i32 to index
    %get3A_186 = arith.constant 17 : index
    %get3A_187 = memref.load %arg1[%get3A_185, %get3A_186] : memref<20x20xf32, #tpu.memory_space<smem>>
    %get3A_188 = arith.constant 17 : index
    %get3A_189 = arith.constant 0 : index
    %get3A_190 = arith.constant 0 : index
    %get3A_191 = vector.load %arg3[%get3A_188, %get3A_189, %get3A_190] : memref<20x128x128xf32, #tpu.memory_space<vmem>>, vector<1x128x128xf32>
    %get3A_192 = vector.shape_cast %get3A_191 : vector<1x128x128xf32> to vector<128x128xf32>
    %mul3A_193 = vector.broadcast %get3A_187 : f32 to vector<128x128xf32>
    %mul3A_194 = arith.mulf %mul3A_193, %get3A_192 : vector<128x128xf32>
    %add3A_195 = arith.addf %add3A_184, %mul3A_194 : vector<128x128xf32>
    %get3A_196 = arith.index_cast %arg0 : i32 to index
    %get3A_197 = arith.constant 18 : index
    %get3A_198 = memref.load %arg1[%get3A_196, %get3A_197] : memref<20x20xf32, #tpu.memory_space<smem>>
    %get3A_199 = arith.constant 18 : index
    %get3A_200 = arith.constant 0 : index
    %get3A_201 = arith.constant 0 : index
    %get3A_202 = vector.load %arg3[%get3A_199, %get3A_200, %get3A_201] : memref<20x128x128xf32, #tpu.memory_space<vmem>>, vector<1x128x128xf32>
    %get3A_203 = vector.shape_cast %get3A_202 : vector<1x128x128xf32> to vector<128x128xf32>
    %mul3A_204 = vector.broadcast %get3A_198 : f32 to vector<128x128xf32>
    %mul3A_205 = arith.mulf %mul3A_204, %get3A_203 : vector<128x128xf32>
    %add3A_206 = arith.addf %add3A_195, %mul3A_205 : vector<128x128xf32>
    %get3A_207 = arith.index_cast %arg0 : i32 to index
    %get3A_208 = arith.constant 19 : index
    %get3A_209 = memref.load %arg1[%get3A_207, %get3A_208] : memref<20x20xf32, #tpu.memory_space<smem>>
    %get3A_210 = arith.constant 19 : index
    %get3A_211 = arith.constant 0 : index
    %get3A_212 = arith.constant 0 : index
    %get3A_213 = vector.load %arg3[%get3A_210, %get3A_211, %get3A_212] : memref<20x128x128xf32, #tpu.memory_space<vmem>>, vector<1x128x128xf32>
    %get3A_214 = vector.shape_cast %get3A_213 : vector<1x128x128xf32> to vector<128x128xf32>
    %mul3A_215 = vector.broadcast %get3A_209 : f32 to vector<128x128xf32>
    %mul3A_216 = arith.mulf %mul3A_215, %get3A_214 : vector<128x128xf32>
    %add3A_217 = arith.addf %add3A_206, %mul3A_216 : vector<128x128xf32>
    %get3A_218 = arith.constant 0 : index
    %get3A_219 = arith.constant 0 : index
    %get3A_220 = vector.load %arg2[%get3A_218, %get3A_219] : memref<10000x128xf32, #tpu.memory_space<vmem>>, vector<10000x128xf32>
    %dot_general3A = arith.constant dense<0.000000e+00> : vector<10000x128xf32>
    %dot_general3A_221 = tpu.matmul %get3A_220, %add3A_217, %dot_general3A {dimension_numbers = #tpu.dot_dimension_numbers<[1], [0], [0], [1], [0, 0, 1, 1], [], []>, transpose_lhs_hint = false} : vector<10000x128xf32>, vector<128x128xf32>, vector<10000x128xf32> -> vector<10000x128xf32>
    %swap3A = arith.constant 0 : index
    %swap3A_222 = arith.constant 0 : index
    %swap3A_223 = vector.load %arg4[%swap3A, %swap3A_222] : memref<10000x128xf32, #tpu.memory_space<vmem>>, vector<10000x128xf32>
    tpu.vector_store %arg4[%swap3A, %swap3A_222], %dot_general3A_221 {strides = array<i32>} : memref<10000x128xf32, #tpu.memory_space<vmem>>, vector<10000x128xf32>,
    return
  }
  func.func @transform_0(%arg0: i32) -> (i32, i32) {
    %c0_i32 = arith.constant 0 : i32
    %c0_i32_0 = arith.constant 0 : i32
    %c0_i32_1 = arith.constant 0 : i32
    return %c0_i32, %c0_i32_0 : i32, i32
  }
  func.func @transform_1(%arg0: i32) -> (i32, i32) {
    %c0_i32 = arith.constant 0 : i32
    %c0_i32_0 = arith.constant 0 : i32
    %c0_i32_1 = arith.constant 0 : i32
    return %c0_i32, %c0_i32_0 : i32, i32
  }
  func.func @transform_2(%arg0: i32) -> (i32, i32, i32) {
    %c0_i32 = arith.constant 0 : i32
    %c0_i32_0 = arith.constant 0 : i32
    %c0_i32_1 = arith.constant 0 : i32
    %c0_i32_2 = arith.constant 0 : i32
    return %c0_i32, %c0_i32_0, %c0_i32_1 : i32, i32, i32
  }
  func.func @transform_3(%arg0: i32) -> (i32, i32) {
    %c0_i32 = arith.constant 0 : i32
    %c0_i32_0 = arith.constant 0 : i32
    return %arg0, %c0_i32 : i32, i32
  }
}

module attributes {stable_mosaic.version = 14 : i64} {
  func.func @_bn_body(%arg0: memref<2x10112x128xf32, #tpu.memory_space<vmem>>, %arg1: memref<10000x128xf32, #tpu.memory_space<vmem>>, %arg2: memref<128x128xf32, #tpu.memory_space<vmem>>, %arg3: memref<1x128xf32, #tpu.memory_space<vmem>>, %arg4: memref<1x128xf32, #tpu.memory_space<vmem>>, %arg5: memref<1x128xf32, #tpu.memory_space<vmem>>, %arg6: memref<10000x128xf32, #tpu.memory_space<vmem>>) attributes {dimension_semantics = [], scalar_prefetch = 0 : i64, scratch_operands = 0 : i64, tpu.core_type = #tpu.core_type<tc>} {
    %get3A = arith.constant 0 : index
    %get3A_0 = arith.constant 0 : index
    %get3A_1 = arith.constant 0 : index
    %get3A_2 = vector.load %arg0[%get3A, %get3A_0, %get3A_1] : memref<2x10112x128xf32, #tpu.memory_space<vmem>>, vector<1x10000x128xf32>
    %get3A_3 = vector.shape_cast %get3A_2 : vector<1x10000x128xf32> to vector<10000x128xf32>
    %get3A_4 = arith.constant 1 : index
    %get3A_5 = arith.constant 0 : index
    %get3A_6 = arith.constant 0 : index
    %get3A_7 = vector.load %arg0[%get3A_4, %get3A_5, %get3A_6] : memref<2x10112x128xf32, #tpu.memory_space<vmem>>, vector<1x10000x128xf32>
    %get3A_8 = vector.shape_cast %get3A_7 : vector<1x10000x128xf32> to vector<10000x128xf32>
    %add3A = arith.addf %get3A_3, %get3A_8 : vector<10000x128xf32>
    %get3A_9 = arith.constant 0 : index
    %get3A_10 = arith.constant 0 : index
    %get3A_11 = vector.load %arg3[%get3A_9, %get3A_10] : memref<1x128xf32, #tpu.memory_space<vmem>>, vector<1x128xf32>
    %add3A_12 = vector.broadcast %get3A_11 : vector<1x128xf32> to vector<10000x128xf32>
    %add3A_13 = arith.addf %add3A, %add3A_12 : vector<10000x128xf32>
    %get3A_14 = arith.constant 0 : index
    %get3A_15 = arith.constant 0 : index
    %get3A_16 = vector.load %arg1[%get3A_14, %get3A_15] : memref<10000x128xf32, #tpu.memory_space<vmem>>, vector<10000x128xf32>
    %get3A_17 = arith.constant 0 : index
    %get3A_18 = arith.constant 0 : index
    %get3A_19 = vector.load %arg2[%get3A_17, %get3A_18] : memref<128x128xf32, #tpu.memory_space<vmem>>, vector<128x128xf32>
    %dot_general3A = arith.constant dense<0.000000e+00> : vector<10000x128xf32>
    %dot_general3A_20 = tpu.matmul %get3A_16, %get3A_19, %dot_general3A {dimension_numbers = #tpu.dot_dimension_numbers<[1], [0], [0], [1], [0, 0, 1, 1], [], []>, transpose_lhs_hint = false} : vector<10000x128xf32>, vector<128x128xf32>, vector<10000x128xf32> -> vector<10000x128xf32>
    %add3A_21 = arith.addf %add3A_13, %dot_general3A_20 : vector<10000x128xf32>
    %reduce_sum3A = arith.constant dense<0.000000e+00> : vector<128xf32>
    %reduce_sum3A_22 = vector.multi_reduction <add>, %add3A_21, %reduce_sum3A [0] : vector<10000x128xf32> to vector<128xf32>
    %broadcast_in_dim3A = vector.shape_cast %reduce_sum3A_22 : vector<128xf32> to vector<1x128xf32>
    %div3A = arith.constant 1.000000e+04 : f32
    %div3A_23 = vector.broadcast %div3A : f32 to vector<1x128xf32>
    %div3A_24 = arith.divf %broadcast_in_dim3A, %div3A_23 : vector<1x128xf32>
    %sub3A = vector.broadcast %div3A_24 : vector<1x128xf32> to vector<10000x128xf32>
    %sub3A_25 = arith.subf %add3A_21, %sub3A : vector<10000x128xf32>
    %mul3A = arith.mulf %sub3A_25, %sub3A_25 : vector<10000x128xf32>
    %reduce_sum3A_26 = arith.constant dense<0.000000e+00> : vector<128xf32>
    %reduce_sum3A_27 = vector.multi_reduction <add>, %mul3A, %reduce_sum3A_26 [0] : vector<10000x128xf32> to vector<128xf32>
    %broadcast_in_dim3A_28 = vector.shape_cast %reduce_sum3A_27 : vector<128xf32> to vector<1x128xf32>
    %div3A_29 = arith.constant 1.000000e+04 : f32
    %div3A_30 = vector.broadcast %div3A_29 : f32 to vector<1x128xf32>
    %div3A_31 = arith.divf %broadcast_in_dim3A_28, %div3A_30 : vector<1x128xf32>
    %add3A_32 = arith.constant 9.99999974E-6 : f32
    %add3A_33 = vector.broadcast %add3A_32 : f32 to vector<1x128xf32>
    %add3A_34 = arith.addf %div3A_31, %add3A_33 : vector<1x128xf32>
    %rsqrt3A = math.rsqrt %add3A_34 : vector<1x128xf32>
    %mul3A_35 = vector.broadcast %rsqrt3A : vector<1x128xf32> to vector<10000x128xf32>
    %mul3A_36 = arith.mulf %sub3A_25, %mul3A_35 : vector<10000x128xf32>
    %get3A_37 = arith.constant 0 : index
    %get3A_38 = arith.constant 0 : index
    %get3A_39 = vector.load %arg4[%get3A_37, %get3A_38] : memref<1x128xf32, #tpu.memory_space<vmem>>, vector<1x128xf32>
    %mul3A_40 = vector.broadcast %get3A_39 : vector<1x128xf32> to vector<10000x128xf32>
    %mul3A_41 = arith.mulf %mul3A_36, %mul3A_40 : vector<10000x128xf32>
    %get3A_42 = arith.constant 0 : index
    %get3A_43 = arith.constant 0 : index
    %get3A_44 = vector.load %arg5[%get3A_42, %get3A_43] : memref<1x128xf32, #tpu.memory_space<vmem>>, vector<1x128xf32>
    %add3A_45 = vector.broadcast %get3A_44 : vector<1x128xf32> to vector<10000x128xf32>
    %add3A_46 = arith.addf %mul3A_41, %add3A_45 : vector<10000x128xf32>
    %swap3A = arith.constant 0 : index
    %swap3A_47 = arith.constant 0 : index
    %swap3A_48 = vector.load %arg6[%swap3A, %swap3A_47] : memref<10000x128xf32, #tpu.memory_space<vmem>>, vector<10000x128xf32>
    tpu.vector_store %arg6[%swap3A, %swap3A_47], %add3A_46 {strides = array<i32>} : memref<10000x128xf32, #tpu.memory_space<vmem>>, vector<10000x128xf32>,
    return
  }
}

module attributes {stable_mosaic.version = 14 : i64} {
  func.func @_bn_body(%arg0: memref<2x10112x128xf32, #tpu.memory_space<vmem>>, %arg1: memref<10000x128xf32, #tpu.memory_space<vmem>>, %arg2: memref<128x128xf32, #tpu.memory_space<vmem>>, %arg3: memref<1x128xf32, #tpu.memory_space<vmem>>, %arg4: memref<1x128xf32, #tpu.memory_space<vmem>>, %arg5: memref<1x128xf32, #tpu.memory_space<vmem>>, %arg6: memref<10000x128xf32, #tpu.memory_space<vmem>>) attributes {dimension_semantics = [], scalar_prefetch = 0 : i64, scratch_operands = 0 : i64, tpu.core_type = #tpu.core_type<tc>} {
    %get3A = arith.constant 0 : index
    %get3A_0 = arith.constant 0 : index
    %get3A_1 = arith.constant 0 : index
    %get3A_2 = vector.load %arg0[%get3A, %get3A_0, %get3A_1] : memref<2x10112x128xf32, #tpu.memory_space<vmem>>, vector<1x10000x128xf32>
    %get3A_3 = vector.shape_cast %get3A_2 : vector<1x10000x128xf32> to vector<10000x128xf32>
    %get3A_4 = arith.constant 1 : index
    %get3A_5 = arith.constant 0 : index
    %get3A_6 = arith.constant 0 : index
    %get3A_7 = vector.load %arg0[%get3A_4, %get3A_5, %get3A_6] : memref<2x10112x128xf32, #tpu.memory_space<vmem>>, vector<1x10000x128xf32>
    %get3A_8 = vector.shape_cast %get3A_7 : vector<1x10000x128xf32> to vector<10000x128xf32>
    %add3A = arith.addf %get3A_3, %get3A_8 : vector<10000x128xf32>
    %get3A_9 = arith.constant 0 : index
    %get3A_10 = arith.constant 0 : index
    %get3A_11 = vector.load %arg3[%get3A_9, %get3A_10] : memref<1x128xf32, #tpu.memory_space<vmem>>, vector<1x128xf32>
    %add3A_12 = vector.broadcast %get3A_11 : vector<1x128xf32> to vector<10000x128xf32>
    %add3A_13 = arith.addf %add3A, %add3A_12 : vector<10000x128xf32>
    %get3A_14 = arith.constant 0 : index
    %get3A_15 = arith.constant 0 : index
    %get3A_16 = vector.load %arg1[%get3A_14, %get3A_15] : memref<10000x128xf32, #tpu.memory_space<vmem>>, vector<10000x128xf32>
    %get3A_17 = arith.constant 0 : index
    %get3A_18 = arith.constant 0 : index
    %get3A_19 = vector.load %arg2[%get3A_17, %get3A_18] : memref<128x128xf32, #tpu.memory_space<vmem>>, vector<128x128xf32>
    %dot_general3A = arith.constant dense<0.000000e+00> : vector<10000x128xf32>
    %dot_general3A_20 = tpu.matmul %get3A_16, %get3A_19, %dot_general3A {dimension_numbers = #tpu.dot_dimension_numbers<[1], [0], [0], [1], [0, 0, 1, 1], [], []>, transpose_lhs_hint = false} : vector<10000x128xf32>, vector<128x128xf32>, vector<10000x128xf32> -> vector<10000x128xf32>
    %add3A_21 = arith.addf %add3A_13, %dot_general3A_20 : vector<10000x128xf32>
    %reduce_sum3A = arith.constant dense<0.000000e+00> : vector<128xf32>
    %reduce_sum3A_22 = vector.multi_reduction <add>, %add3A_21, %reduce_sum3A [0] : vector<10000x128xf32> to vector<128xf32>
    %broadcast_in_dim3A = vector.shape_cast %reduce_sum3A_22 : vector<128xf32> to vector<1x128xf32>
    %div3A = arith.constant 1.000000e+04 : f32
    %div3A_23 = vector.broadcast %div3A : f32 to vector<1x128xf32>
    %div3A_24 = arith.divf %broadcast_in_dim3A, %div3A_23 : vector<1x128xf32>
    %sub3A = vector.broadcast %div3A_24 : vector<1x128xf32> to vector<10000x128xf32>
    %sub3A_25 = arith.subf %add3A_21, %sub3A : vector<10000x128xf32>
    %mul3A = arith.mulf %sub3A_25, %sub3A_25 : vector<10000x128xf32>
    %reduce_sum3A_26 = arith.constant dense<0.000000e+00> : vector<128xf32>
    %reduce_sum3A_27 = vector.multi_reduction <add>, %mul3A, %reduce_sum3A_26 [0] : vector<10000x128xf32> to vector<128xf32>
    %broadcast_in_dim3A_28 = vector.shape_cast %reduce_sum3A_27 : vector<128xf32> to vector<1x128xf32>
    %div3A_29 = arith.constant 1.000000e+04 : f32
    %div3A_30 = vector.broadcast %div3A_29 : f32 to vector<1x128xf32>
    %div3A_31 = arith.divf %broadcast_in_dim3A_28, %div3A_30 : vector<1x128xf32>
    %add3A_32 = arith.constant 9.99999974E-6 : f32
    %add3A_33 = vector.broadcast %add3A_32 : f32 to vector<1x128xf32>
    %add3A_34 = arith.addf %div3A_31, %add3A_33 : vector<1x128xf32>
    %rsqrt3A = math.rsqrt %add3A_34 : vector<1x128xf32>
    %mul3A_35 = vector.broadcast %rsqrt3A : vector<1x128xf32> to vector<10000x128xf32>
    %mul3A_36 = arith.mulf %sub3A_25, %mul3A_35 : vector<10000x128xf32>
    %get3A_37 = arith.constant 0 : index
    %get3A_38 = arith.constant 0 : index
    %get3A_39 = vector.load %arg4[%get3A_37, %get3A_38] : memref<1x128xf32, #tpu.memory_space<vmem>>, vector<1x128xf32>
    %mul3A_40 = vector.broadcast %get3A_39 : vector<1x128xf32> to vector<10000x128xf32>
    %mul3A_41 = arith.mulf %mul3A_36, %mul3A_40 : vector<10000x128xf32>
    %get3A_42 = arith.constant 0 : index
    %get3A_43 = arith.constant 0 : index
    %get3A_44 = vector.load %arg5[%get3A_42, %get3A_43] : memref<1x128xf32, #tpu.memory_space<vmem>>, vector<1x128xf32>
    %add3A_45 = vector.broadcast %get3A_44 : vector<1x128xf32> to vector<10000x128xf32>
    %add3A_46 = arith.addf %mul3A_41, %add3A_45 : vector<10000x128xf32>
    %max3A = arith.constant 0.000000e+00 : f32
    %max3A_47 = vector.broadcast %max3A : f32 to vector<10000x128xf32>
    %max3A_48 = arith.maximumf %add3A_46, %max3A_47 : vector<10000x128xf32>
    %swap3A = arith.constant 0 : index
    %swap3A_49 = arith.constant 0 : index
    %swap3A_50 = vector.load %arg6[%swap3A, %swap3A_49] : memref<10000x128xf32, #tpu.memory_space<vmem>>, vector<10000x128xf32>
    tpu.vector_store %arg6[%swap3A, %swap3A_49], %max3A_48 {strides = array<i32>} : memref<10000x128xf32, #tpu.memory_space<vmem>>, vector<10000x128xf32>,
    return
  }
}

</mosaic_0001>

<sc_bundles>
// kernel: kernel.11.cloned.1.call-start
scs
__scs_entry_jumppad:
0x0: {  	(pc) =	sbr.rel $0x88, $3  }
0x1: {  	(tag) =	ssettag $0x0;
	lr =	simm.s32 $0x1  }
0x2: {  	[smem:$0x3F8C] =	sst lr;
	_ =	strace $0xD0000000  }
0x3: {  	_ = 	snop  }
0x4: {  	_ = 	snop  }
0x5: {  	_ = 	snop  }
0x6: {  	_ = 	snop  }
0x7: {  	_ = 	snop  }
__scs_overlays_trampoline_lowered:
0x8: {  	[smem:$0x3F9B] =	sst s0  }
0x9: {  	[smem:$0x3F9C] =	sst s1  }
0xa: {  	[smem:$0x3F9D] =	sst s2  }
0xb: {  	[smem:$0x3F9E] =	sst s3  }
0xc: {  	[smem:$0x3F9F] =	sst s4  }
0xd: {  	[smem:$0x3FA0] =	sst s5  }
0xe: {  	[smem:$0x3FA1] =	sst s6  }
0xf: {  	[smem:$0x3FA2] =	sst s7  }
0x10: {  	[smem:$0x3FA3] =	sst s8  }
0x11: {  	[smem:$0x3FA4] =	sst s9;
	s0 =	simm.s32 @!p0 $0x0  }
0x12: {  	s1 =	sld [smem:$0x3F8A];
	s0 =	simm.s32 @p0 $0x1  }
0x13: {  	[smem:$0x3FA5] =	sst s0;
	s0 =	simm.s32 @!p1 $0x0  }
0x14: {  	s2 =	sld [smem:$0x3F89];
	s0 =	simm.s32 @p1 $0x1  }
0x15: {  	[smem:$0x3FA6] =	sst s0;
	s0 =	simm.s32 @!p2 $0x0  }
0x16: {  	s3 =	sld [smem:$0x3FDB];
	s0 =	simm.s32 @p2 $0x1  }
0x17: {  	s4 =	simm.s32 $0x1BF5;
	[smem:$0x3FA8] =	sst s0  }
0x18: {  	s0 =	sld [smem:$0x3F8B];
	_ =	swait.ge [sflag:s4], $0x0  }
0x19: {  	s7 =	sld [smem:$0x3F8C]  }
0x1a: {  	s8 =	sadd.s32 $0xFFFFE003, lr  }
0x1b: {  	s9 =	sadd.s32 $0xFFFFFEF7, lr;
	s5 =	simm.s32 $0xFFFFFFFF;
	p2 =	slt.u32 s8, $0xFFFFF086  }
0x1c: {  	p1 =	slt.u32 s9, $0xF7A;
	s5 =	simm.s32 @!p2 $0x0  }
0x1d: {  	s5 =	simm.s32 @p1 $0x1;
	p0 =	seq.s32 s7, s2  }
0x1e: {  	s7 =	smul.u32 @!p0 $0xF7A, s2;
	p2 =	seq.s32 @!p0 s5, $0x0  }
0x1f: {  	s9 =	smul.u32 $0xF7A, s1;
	s8 =	simm.s32 @!p0 $0x1BF5;
	p2 =	por !p2, p0  }
0x20: {  	[sflag:s8] =	ssyncset.s32 @!p0 $0xFFFFF086;
	s6 =	sadd.s32 @!p0 s3, s7;
	s7 =	simm.s32 @!p0 $0x108  }
0x21: {  	s3 =	sadd.s32 s3, s9;
	s6 =	sadd.s32 @!p0 $0x88, s6;
	s7 =	simm.s32 @p2 $0x1082  }
0x22: {  	[simem:s7], [sflag:s8] =	dma.local @!p0 [hbm:s6], $0xF7A  }
0x23: {  	s9 =	sor.u32 $0xD0000000, s2;
	s6 =	simm.s32 $0x108;
	_ =	swait.ge @!p0 [sflag:s8], $0x0  }
0x24: {  	s3 =	sadd.s32 $0x88, s3;
	s6 =	simm.s32 @!p1 $0x1082;
	[sflag:s4] =	ssyncset.s32 $0xFFFFF086  }
0x25: {  	[simem:s6], [sflag:s4] =	dma.local [hbm:s3], $0xF7A  }
0x26: {  	[smem:$0x3F8C] =	sst s1;
	(tag) =	ssettag s2;
	_ =	strace s9  }
0x27: {  	s1 =	sld [smem:$0x3F9C]  }
0x28: {  	s2 =	sld [smem:$0x3F9D]  }
0x29: {  	s4 =	sld [smem:$0x3F9F]  }
0x2a: {  	p0 =	seq.s32 s5, $0x0;
	s5 =	sld [smem:$0x3FA0]  }
0x2b: {  	s6 =	sld [smem:$0x3FA1]  }
0x2c: {  	s7 =	sld [smem:$0x3FA2]  }
0x2d: {  	s3 =	simm.s32 $0x108;
	s8 =	sld [smem:$0x3FA3]  }
0x2e: {  	s3 =	simm.s32 @!p0 $0x1082;
	s9 =	sld [smem:$0x3FA4]  }
0x2f: {  	lr =	sadd.s32 s0, s3;
	s0 =	sld [smem:$0x3F9B]  }
0x30: {  	s3 =	sld [smem:$0x3F9E]  }
0x31: {  	[smem:$0x3FA7] =	sst s10  }
0x32: {  	s10 =	sld [smem:$0x3FA5];
	_ =	sdelay $0x3  }
0x33: {  	p0 =	seq.s32 s10, $0x1;
	s10 =	sld [smem:$0x3FA7];
	_ =	sdelay $0x3  }
0x34: {  	[smem:$0x3FA7] =	sst s10  }
0x35: {  	s10 =	sld [smem:$0x3FA6];
	_ =	sdelay $0x3  }
0x36: {  	p1 =	seq.s32 s10, $0x1;
	s10 =	sld [smem:$0x3FA7];
	_ =	sdelay $0x3  }
0x37: {  	[smem:$0x3FA7] =	sst s10  }
0x38: {  	s10 =	sld [smem:$0x3FA8]  }
0x39: {  	_ = 	snop;
	(pc) =	sbr.ind lr, $3  }
0x3a: {  	_ = 	snop  }
0x3b: {  	_ = 	snop  }
0x3c: {  	p2 =	seq.s32 s10, $0x1;
	s10 =	sld [smem:$0x3FA7]  }
0x3d: {  	_ =	shalt  }
0x3e: {  	_ =	shalt  }
0x3f: {  	_ =	shalt  }
0x40: {  	_ =	shalt  }
0x41: {  	_ =	shalt  }
0x42: {  	_ =	shalt  }
0x43: {  	_ =	shalt  }
0x44: {  	_ =	shalt  }
0x45: {  	_ =	shalt  }
0x46: {  	_ =	shalt  }
0x47: {  	_ =	shalt  }
0x48: {  	_ =	shalt  }
0x49: {  	_ =	shalt  }
0x4a: {  	_ =	shalt  }
0x4b: {  	_ =	shalt  }
0x4c: {  	_ =	shalt  }
0x4d: {  	_ =	shalt  }
0x4e: {  	_ =	shalt  }
0x4f: {  	_ =	shalt  }
0x50: {  	_ =	shalt  }
0x51: {  	_ =	shalt  }
0x52: {  	_ =	shalt  }
0x53: {  	_ =	shalt  }
0x54: {  	_ =	shalt  }
0x55: {  	_ =	shalt  }
0x56: {  	_ =	shalt  }
0x57: {  	_ =	shalt  }
0x58: {  	_ =	shalt  }
0x59: {  	_ =	shalt  }
0x5a: {  	_ =	shalt  }
0x5b: {  	_ =	shalt  }
0x5c: {  	_ =	shalt  }
0x5d: {  	_ =	shalt  }
0x5e: {  	_ =	shalt  }
0x5f: {  	_ =	shalt  }
0x60: {  	_ =	shalt  }
0x61: {  	_ =	shalt  }
0x62: {  	_ =	shalt  }
0x63: {  	_ =	shalt  }
0x64: {  	_ =	shalt  }
0x65: {  	_ =	shalt  }
0x66: {  	_ =	shalt  }
0x67: {  	_ =	shalt  }
0x68: {  	_ =	shalt  }
0x69: {  	_ =	shalt  }
0x6a: {  	_ =	shalt  }
0x6b: {  	_ =	shalt  }
0x6c: {  	_ =	shalt  }
0x6d: {  	_ =	shalt  }
0x6e: {  	_ =	shalt  }
0x6f: {  	_ =	shalt  }
0x70: {  	_ =	shalt  }
0x71: {  	_ =	shalt  }
0x72: {  	_ =	shalt  }
0x73: {  	_ =	shalt  }
0x74: {  	_ =	shalt  }
0x75: {  	_ =	shalt  }
0x76: {  	_ =	shalt  }
0x77: {  	_ =	shalt  }
0x78: {  	_ =	shalt  }
0x79: {  	_ =	shalt  }
0x7a: {  	_ =	shalt  }
0x7b: {  	_ =	shalt  }
0x7c: {  	_ =	shalt  }
0x7d: {  	_ =	shalt  }
0x7e: {  	_ =	shalt  }
0x7f: {  	_ =	shalt  }
0x80: {  	_ =	shalt  }
0x81: {  	_ =	shalt  }
0x82: {  	_ =	shalt  }
0x83: {  	_ =	shalt  }
0x84: {  	_ =	shalt  }
0x85: {  	_ =	shalt  }
0x86: {  	_ =	shalt  }
0x87: {  	_ =	shalt  }
.Lfunc_end0:
.L_simem_size_0:
called_computation_lowered:
.L_overlay_start_0:
0x88: {  	s2 =	sld [smem:$0x3FD9]  }
0x89: {  	s3 =	sld [smem:$0x3FFE];
	_ =	sdelay $0x1  }
0x8a: {  	s1 =	srdreg.scid  }
0x8b: {  	s0 =	sand.u32 $0x1, s1  }
0x8c: {  	s17 =	sshll.u32 s0, $0xA;
	s2 =	sadd.s32 s3, s2  }
0x8d: {  	s2 =	sadd.s32 s2, s17  }
0x8e: {  	[smem:$0x3FB3] =	sst s2  }
0x8f: {  	_ = 	snop  }
0x90: {  	s2 =	sld [smem:$0x3FD0];
	(tm) =	ssettm $0x1  }
0x91: {  	s18 =	sld [smem:$0x3FFB];
	_ =	sdelay $0x3  }
0x92: {  	_ =	strace s18  }
0x93: {  	s3 =	sld [smem:$0x3FFC];
	_ =	sdelay $0x3  }
0x94: {  	_ =	strace s3  }
0x95: {  	s3 =	sld [smem:$0x3FFD];
	_ =	sdelay $0x3  }
0x96: {  	_ =	strace s3  }
0x97: {  	_ =	strace $0x8FFFFFFF  }
0x98: {  	s19 =	sld [smem:$0x3FDB];
	_ =	sdelay $0x1  }
0x99: {  	s4 =	simm.s32 $_scs_section_size  }
0x9a: {  	s5 =	simm.s32 $_size__tile_overlayer_lowered;
	s6 =	simm.s32 $_tile_overlayer_lowered  }
0x9b: {  	s22 =	simm.s32 $0x1BFF;
	s21 =	sshll.u32 s6, $0x1;
	s3 =	sadd.s32 s4, s19  }
0x9c: {  	s7 =	simm.s32 $0x0;
	s20 =	sshll.u32 s5, $0x1;
	s5 =	sadd.s32 s21, s3  }
0x9d: {  	[timem:s7], [sflag:s22] =	dma.local [hbm:s5], s20  }
0x9e: {  	_ =	swait.ge [sflag:s22], s20  }
0x9f: {  	s4 =	ssub.s32 $0x0, s20;
	[sflag:s22] =	ssyncset.done $0x0  }
0xa0: {  	[sflag:s22] =	ssyncadd.s32 s4;
	_ =	sdelay $0x1  }
0xa1: {  	s23 =	simm.s32 $0x1B8B  }
0xa2: {  	_ =	swait.ge [sflag:s23], $0x1  }
0xa3: {  	[sflag:s23] =	ssyncset.done $0x0  }
0xa4: {  	s25 =	simm.s32 $0x1B8E;
	s24 =	sld [smem:$0x3FFE];
	[sflag:s23] =	ssyncadd.s32 $0xFFFFFFFF  }
0xa5: {  	s26 =	simm.s32 $execute0_lowered;
	[smem:$0x3FD2] =	sst s25  }
0xa6: {  	s5 =	sshll.u32 s26, $0x1;
	_ =	strace $0x80000046;
	[dreg:$0x1] =	wrdreg $0xFFFFFFFF  }
0xa7: {  	s28 =	simm.s32 $_size_execute0_lowered;
	s3 =	sadd.s32 s3, s5;
	[dreg:$0x0] =	wrdreg $0x0  }
0xa8: {  	s5 =	sshll.u32 s28, $0x1;
	[dreg:$0x2] =	wrdreg s3  }
0xa9: {  	[dreg:$0x3] =	wrdreg s5  }
0xaa: {  	[dreg:$0x4] =	wrdreg $0xC0  }
0xab: {  	_ =	task [dreg:s7], $0x5FFFF  }
0xac: {  	[dreg:$0x1] =	wrdreg $0xFFFFFFFF  }
0xad: {  	[dreg:$0x0] =	wrdreg $0x60  }
0xae: {  	[dreg:$0x2] =	wrdreg s24  }
0xaf: {  	[dreg:$0x3] =	wrdreg s2  }
0xb0: {  	[dreg:$0x4] =	wrdreg $0xA0000  }
0xb1: {  	[dreg:$0x5] =	wrdreg $0x9  }
0xb2: {  	_ =	task.clear_ibuf [dreg:s7], $0x6FFFF;
	_ =	strace $0x90000046  }
0xb3: {  	s29 =	simm.s32 $0x9;
	_ =	strace $0x80000048  }
0xb4: {  	_ =	swait.ge [sflag:s29], $0x1  }
0xb5: {  	[sflag:s29] =	ssyncadd.s32 $0xFFFFFFFF  }
0xb6: {  	_ =	strace $0x90000048  }
0xb7: {  	_ =	sfence  }
0xb8: {  	s30 =	sld [smem:$0x0];
	_ =	sdelay $0x2  }
0xb9: {  	s31 =	sshll.u32 s1, $0xD;
	s1 =	sshrl.u32 s1, $0x2  }
0xba: {  	s3 =	sand.u32 $0x4000, s31;
	s1 =	sadd.s32 s1, s30  }
0xbb: {  	s0 =	sor.u32 s3, s0;
	s1 =	sshll.u32 s1, $0x11  }
0xbc: {  	s0 =	sor.u32 s1, s0  }
0xbd: {  	s0 =	sadd.s32 $0x8F2B, s0  }
0xbe: {  	[sflag:s0] =	ssyncadd.remote.s32 $0x1  }
0xbf: {  	_ =	sfence.sel $0xFFFF  }
0xc0: {  	[dreg:$0x0] =	wrdreg $0xFFFFFFFF;
	(pc) =	sbr.abs _section_cstart, $3  }
0xc1: {  	[dreg:$0x1] =	wrdreg $0xFFFFFFFF  }
0xc2: {  	_ =	task.clear_ibuf [dreg:s7], $0x2FFFF;
	_ =	strace $0x9FFFFFFF  }
0xc3: {  	(tm) =	ssettm $0x7FFFFFFF  }
tec
execute0_lowered:
.L_overlay_start_1:
0x0: {  	(tag) =	ssettag $0x1  }
0x1: {  	s0 =	rddreg [dreg:$0x0]  }
0x2: {  	s9 =	rddreg [dreg:$0x1]  }
0x3: {  	s2 =	rddreg [dreg:$0x2];
	s1 =	stileid.u32  }
0x4: {  	s4 =	srdreg.scid;
	s3 =	simm.s32 $0x0;
	s15 =	simm.s32 $0x1400  }
0x5: {  	s16 =	simm.s32 $0x50;
	s17 =	simm.s32 $0x2800;
	s28 =	simm.s32 $0x2760  }
0x6: {  	s29 =	simm.s32 $0x27B0;
	s30 =	simm.s32 $0x0;
	s5 =	smul.u32 $0x13C00, s1  }
0x7: {  	s6 =	sand.u32 $0x1, s4;
	[smem:$0x7FF] =	sst s3;
	s4 =	sadd.s32 $0xD800, s0  }
0x8: {  	s10 =	sadd.s32 $0x3800, s0;
	s11 =	sshll.u32 s1, $0x1;
	s12 =	smul.u32 $0x4F000, s1  }
0x9: {  	s23 =	sshll.u32 s1, $0x6;
	s7 =	smul.u32 $0x13C000, s6;
	_ =	strace $0x80000047  }
0xa: {  	s19 =	ssub.s32 $0x2, s6;
	s6 =	sor.u32 s6, s11;
	s8 =	sshrl.u32 s5, $0x3  }
0xb: {  	s20 =	sshrl.u32 s19, $0x1;
	s21 =	sshrl.u32 s12, $0x2;
	s22 =	smul.u32 $0x2800, s6  }
0xc: {  	s24 =	smul.u32 $0x500, s6;
	s6 =	sor.u32 $0x1C04, s23;
	s23 =	simm.s32 $0x1360  }
0xd: {  	s5 =	sadd.s32 s5, s7;
	s18 =	sadd.s32 s8, s0;
	s13 =	ssub.s32 s19, s20  }
0xe: {  	s14 =	sadd.s32 s21, s2;
	s19 =	simm.s32 $0x7800;
	s20 =	simm.s32 $0x1  }
0xf: {  	s21 =	simm.s32 $0x2;
	s5 =	sshrl.u32 s5, $0x3;
	s25 =	sadd.s32 $0x31AC00, s18  }
0x10: {  	s26 =	sshrl.u32 s22, $0x3;
	s31 =	sadd.s32 s9, s24;
	s8 =	sadd.s32 s10, s24  }
0x11: {  	s12 =	smax.u32 s13, $0x1;
	s13 =	sshrl.u32 s14, $0x3;
	s14 =	simm.s32 $0x4  }
0x12: {  	s18 =	simm.s32 $0x5000;
	s22 =	simm.s32 $0x3;
	[dreg:$0x4] =	wrdreg s25  }
0x13: {  	s24 =	simm.s32 $0x26C0;
	s0 =	sadd.s32 s5, s0;
	[dreg:$0x5] =	wrdreg s31  }
0x14: {  	s11 =	sadd.s32 $0x280, s26;
	s25 =	simm.s32 $0x13B0;
	s26 =	simm.s32 $0x2710  }
0x15: {  	s9 =	sadd.s32 s9, s11;
	s10 =	sadd.s32 s10, s11;
	s11 =	sadd.s32 $0x342400, s0  }
.LBB2_1:
0x16: {  	s0 =	rddreg [dreg:$0x4]  }
0x17: {  	[spmem:s13], [sflag:s6] =	dma.local [hbm:s0], $0x2780  }
0x18: {  	_ =	swait.ge [sflag:s14], $0x2780  }
0x19: {  	[sflag:s14] =	ssyncset.done $0x0  }
0x1a: {  	[sflag:s14] =	ssyncadd.s32 $0xFFFFD880  }
0x1b: {  	[bflag:$0x0] =	sbarrier.arrive $0xFFFF  }
0x1c: {  	s7 =	rddreg [dreg:$0x5]  }
0x1d: {  	[tilespmem:s3], [sflag:$0x4] =	stream.linear.gather [hbm4b:s7+s3], $0x1400, $0x38;
	[tilespmem:$0x1DC00] =	vst v63  }
0x1e: {  	_ =	swait.ge [sflag:s14], $0x1400  }
0x1f: {  	[sflag:s14] =	ssyncset.done $0x0  }
0x20: {  	[sflag:s14] =	ssyncadd.s32 $0xFFFFEC00  }
0x21: {  	[tilespmem:s15], [sflag:$0x4] =	stream.linear.gather [hbm4b:s8+s3], $0x1400, $0x38;
	[tilespmem:$0x1DC00] =	vst v63  }
0x22: {  	_ =	swait.ge [sflag:s14], $0x1400  }
0x23: {  	[sflag:s14] =	ssyncset.done $0x0  }
0x24: {  	[sflag:s14] =	ssyncadd.s32 $0xFFFFEC00  }
0x25: {  	[tilespmem:s17], [sflag:$0x1] =	stream.indirect.gather [hbm4b:s4+s16], $0x80, s3, s16, $0xb8;
	[tilespmem:$0x1DC00] =	vst v63  }
0x26: {  	_ = 	snop  }
0x27: {  	[tilespmem:s18], [sflag:$0x2] =	stream.indirect.gather [hbm4b:s4+s16], $0x80, s16, s16, $0xb8;
	[tilespmem:$0x1DC00] =	vst v63  }
0x28: {  	s1 =	simm.s32 $0xA0  }
0x29: {  	[tilespmem:s19], [sflag:$0x3] =	stream.indirect.gather [hbm4b:s4+s16], $0x80, s1, s16, $0xb8;
	[tilespmem:$0x1DC00] =	vst v63  }
0x2a: {  	_ =	swait.ge [sflag:s20], $0x2800  }
0x2b: {  	[sflag:s20] =	ssyncset.done $0x0  }
0x2c: {  	s5 =	simm.s32 $0x1400;
	[sflag:s20] =	ssyncadd.s32 $0xFFFFD800  }
0x2d: {  	[spmem:s2] =	stream.indirect.scatter.add.f32 [tilespmem:s17], [sflag:$0x4], $0x80, s5, s16, $0xb8;
	[tilespmem:$0x1DC00] =	vst v63  }
0x2e: {  	_ =	swait.ge [sflag:s14], $0x2800  }
0x2f: {  	[sflag:s14] =	ssyncset.done $0x0  }
0x30: {  	s7 =	simm.s32 $0xF0;
	[sflag:s14] =	ssyncadd.s32 $0xFFFFD800  }
0x31: {  	[tilespmem:s17], [sflag:$0x1] =	stream.indirect.gather [hbm4b:s4+s16], $0x80, s7, s16, $0xb8;
	[tilespmem:$0x1DC00] =	vst v63  }
0x32: {  	_ =	swait.ge [sflag:s21], $0x2800  }
0x33: {  	[sflag:s21] =	ssyncset.done $0x0  }
0x34: {  	s1 =	simm.s32 $0x1450;
	[sflag:s21] =	ssyncadd.s32 $0xFFFFD800  }
0x35: {  	[spmem:s2] =	stream.indirect.scatter.add.f32 [tilespmem:s18], [sflag:$0x4], $0x80, s1, s16, $0xb8;
	[tilespmem:$0x1DC00] =	vst v63  }
0x36: {  	_ =	swait.ge [sflag:s14], $0x2800  }
0x37: {  	[sflag:s14] =	ssyncset.done $0x0  }
0x38: {  	s5 =	simm.s32 $0x140;
	[sflag:s14] =	ssyncadd.s32 $0xFFFFD800  }
0x39: {  	[tilespmem:s18], [sflag:$0x2] =	stream.indirect.gather [hbm4b:s4+s16], $0x80, s5, s16, $0xb8;
	[tilespmem:$0x1DC00] =	vst v63  }
0x3a: {  	_ =	swait.ge [sflag:s22], $0x2800  }
0x3b: {  	[sflag:s22] =	ssyncset.done $0x0  }
0x3c: {  	s7 =	simm.s32 $0x14A0;
	[sflag:s22] =	ssyncadd.s32 $0xFFFFD800  }
0x3d: {  	[spmem:s2] =	stream.indirect.scatter.add.f32 [tilespmem:s19], [sflag:$0x4], $0x80, s7, s16, $0xb8;
	[tilespmem:$0x1DC00] =	vst v63  }
0x3e: {  	_ =	swait.ge [sflag:s14], $0x2800  }
0x3f: {  	s31 =	simm.s32 $0xF0;
	s0 =	simm.s32 $0x780;
	[sflag:s14] =	ssyncset.done $0x0  }
.LBB2_2:
0x40: {  	s1 =	sadd.s32 $0xA0, s31  }
0x41: {  	[sflag:s14] =	ssyncadd.s32 $0xFFFFD800;
	s5 =	smov.u32 s0;
	s7 =	sadd.s32 $0x3C0, s0  }
0x42: {  	[tilespmem:s19], [sflag:$0x3] =	stream.indirect.gather [hbm4b:s4+s16], $0x80, s1, s16, $0xb8;
	[tilespmem:$0x1DC00] =	vst v63  }
0x43: {  	p0 =	sne.s32 s0, $0x4740;
	_ =	swait.ge [sflag:s20], $0x2800  }
0x44: {  	[sflag:s20] =	ssyncset.done $0x0  }
0x45: {  	s0 =	sadd.s32 $0x1400, s31;
	[sflag:s20] =	ssyncadd.s32 $0xFFFFD800  }
0x46: {  	[spmem:s2] =	stream.indirect.scatter.add.f32 [tilespmem:s17], [sflag:$0x4], $0x80, s0, s16, $0xb8;
	[tilespmem:$0x1DC00] =	vst v63  }
0x47: {  	_ =	swait.ge [sflag:s14], $0x2800  }
0x48: {  	[sflag:s14] =	ssyncset.done $0x0  }
0x49: {  	s0 =	sadd.s32 $0xF0, s31;
	[sflag:s14] =	ssyncadd.s32 $0xFFFFD800  }
0x4a: {  	[tilespmem:s17], [sflag:$0x1] =	stream.indirect.gather [hbm4b:s4+s16], $0x80, s0, s16, $0xb8;
	[tilespmem:$0x1DC00] =	vst v63  }
0x4b: {  	_ =	swait.ge [sflag:s21], $0x2800  }
0x4c: {  	[sflag:s21] =	ssyncset.done $0x0  }
0x4d: {  	s0 =	sadd.s32 $0x1450, s31;
	[sflag:s21] =	ssyncadd.s32 $0xFFFFD800  }
0x4e: {  	[spmem:s2] =	stream.indirect.scatter.add.f32 [tilespmem:s18], [sflag:$0x4], $0x80, s0, s16, $0xb8;
	[tilespmem:$0x1DC00] =	vst v63  }
0x4f: {  	_ =	swait.ge [sflag:s14], $0x2800  }
0x50: {  	[sflag:s14] =	ssyncset.done $0x0  }
0x51: {  	s0 =	sadd.s32 $0x140, s31;
	[sflag:s14] =	ssyncadd.s32 $0xFFFFD800  }
0x52: {  	[tilespmem:s18], [sflag:$0x2] =	stream.indirect.gather [hbm4b:s4+s16], $0x80, s0, s16, $0xb8;
	[tilespmem:$0x1DC00] =	vst v63  }
0x53: {  	_ =	swait.ge [sflag:s22], $0x2800  }
.Ltmp0:
0x54: {  	[sflag:s22] =	ssyncset.done $0x0;
	(pc) =	sbr.rel @p0 .LBB2_2-.Ltmp0, $4  }
0x55: {  	s0 =	sadd.s32 $0x14A0, s31;
	[sflag:s22] =	ssyncadd.s32 $0xFFFFD800  }
0x56: {  	[spmem:s2] =	stream.indirect.scatter.add.f32 [tilespmem:s19], [sflag:$0x4], $0x80, s0, s16, $0xb8;
	[tilespmem:$0x1DC00] =	vst v63  }
0x57: {  	_ =	swait.ge [sflag:s14], $0x2800  }
0x58: {  	s31 =	sshra.s32 s5, $0x2;
	s0 =	smov.u32 s7;
	[sflag:s14] =	ssyncset.done $0x0  }
0x59: {  	s0 =	sadd.s32 $0xA0, s31;
	[sflag:s14] =	ssyncadd.s32 $0xFFFFD800  }
0x5a: {  	[tilespmem:s19], [sflag:$0x3] =	stream.indirect.gather [hbm4b:s4+s16], $0x80, s0, s16, $0xb8;
	[tilespmem:$0x1DC00] =	vst v63  }
0x5b: {  	_ =	swait.ge [sflag:s20], $0x2800  }
0x5c: {  	[sflag:s20] =	ssyncset.done $0x0  }
0x5d: {  	s1 =	sadd.s32 $0x1400, s31;
	[sflag:s20] =	ssyncadd.s32 $0xFFFFD800  }
0x5e: {  	[spmem:s2] =	stream.indirect.scatter.add.f32 [tilespmem:s17], [sflag:$0x4], $0x80, s1, s16, $0xb8;
	[tilespmem:$0x1DC00] =	vst v63  }
0x5f: {  	_ =	swait.ge [sflag:s14], $0x2800  }
0x60: {  	[sflag:s14] =	ssyncset.done $0x0  }
0x61: {  	s5 =	sadd.s32 $0xF0, s31;
	[sflag:s14] =	ssyncadd.s32 $0xFFFFD800  }
0x62: {  	[tilespmem:s17], [sflag:$0x1] =	stream.indirect.gather [hbm4b:s4+s16], $0x80, s5, s16, $0xb8;
	[tilespmem:$0x1DC00] =	vst v63  }
0x63: {  	_ =	swait.ge [sflag:s21], $0x2800  }
0x64: {  	[sflag:s21] =	ssyncset.done $0x0  }
0x65: {  	s7 =	sadd.s32 $0x1450, s31;
	[sflag:s21] =	ssyncadd.s32 $0xFFFFD800  }
0x66: {  	[spmem:s2] =	stream.indirect.scatter.add.f32 [tilespmem:s18], [sflag:$0x4], $0x80, s7, s16, $0xb8;
	[tilespmem:$0x1DC00] =	vst v63  }
0x67: {  	_ =	swait.ge [sflag:s14], $0x2800  }
0x68: {  	[sflag:s14] =	ssyncset.done $0x0  }
0x69: {  	s1 =	sadd.s32 $0x140, s31;
	[sflag:s14] =	ssyncadd.s32 $0xFFFFD800  }
0x6a: {  	[tilespmem:s18], [sflag:$0x2] =	stream.indirect.gather [hbm4b:s4+s16], $0x80, s1, s16, $0xb8;
	[tilespmem:$0x1DC00] =	vst v63  }
0x6b: {  	_ =	swait.ge [sflag:s22], $0x2800  }
0x6c: {  	[sflag:s22] =	ssyncset.done $0x0  }
0x6d: {  	s5 =	sadd.s32 $0x14A0, s31;
	[sflag:s22] =	ssyncadd.s32 $0xFFFFD800  }
0x6e: {  	[spmem:s2] =	stream.indirect.scatter.add.f32 [tilespmem:s19], [sflag:$0x4], $0x80, s5, s16, $0xb8;
	[tilespmem:$0x1DC00] =	vst v63  }
0x6f: {  	_ =	swait.ge [sflag:s14], $0x2800  }
0x70: {  	[sflag:s14] =	ssyncset.done $0x0  }
0x71: {  	[sflag:s14] =	ssyncadd.s32 $0xFFFFD800  }
0x72: {  	[tilespmem:s19], [sflag:$0x3] =	stream.indirect.gather [hbm4b:s4+s16], $0x80, s23, s16, $0xb8;
	[tilespmem:$0x1DC00] =	vst v63  }
0x73: {  	_ =	swait.ge [sflag:s20], $0x2800  }
0x74: {  	[sflag:s20] =	ssyncset.done $0x0  }
0x75: {  	[sflag:s20] =	ssyncadd.s32 $0xFFFFD800  }
0x76: {  	[spmem:s2] =	stream.indirect.scatter.add.f32 [tilespmem:s17], [sflag:$0x4], $0x80, s24, s16, $0xb8;
	[tilespmem:$0x1DC00] =	vst v63  }
0x77: {  	_ =	swait.ge [sflag:s14], $0x2800  }
0x78: {  	[sflag:s14] =	ssyncset.done $0x0  }
0x79: {  	[sflag:s14] =	ssyncadd.s32 $0xFFFFD800  }
0x7a: {  	[tilespmem:s17], [sflag:$0x1] =	stream.indirect.gather [hbm4b:s4+s16], $0x80, s25, s16, $0xb8;
	[tilespmem:$0x1DC00] =	vst v63  }
0x7b: {  	_ =	swait.ge [sflag:s21], $0x2800  }
0x7c: {  	[sflag:s21] =	ssyncset.done $0x0  }
0x7d: {  	[sflag:s21] =	ssyncadd.s32 $0xFFFFD800  }
0x7e: {  	[spmem:s2] =	stream.indirect.scatter.add.f32 [tilespmem:s18], [sflag:$0x4], $0x80, s26, s16, $0xb8;
	[tilespmem:$0x1DC00] =	vst v63  }
0x7f: {  	_ =	swait.ge [sflag:s14], $0x2800  }
0x80: {  	[sflag:s14] =	ssyncset.done $0x0  }
0x81: {  	[sflag:s14] =	ssyncadd.s32 $0xFFFFD800  }
0x82: {  	_ =	swait.ge [sflag:s22], $0x2800  }
0x83: {  	[sflag:s22] =	ssyncset.done $0x0  }
0x84: {  	[sflag:s22] =	ssyncadd.s32 $0xFFFFD800  }
0x85: {  	[spmem:s2] =	stream.indirect.scatter.add.f32 [tilespmem:s19], [sflag:$0x4], $0x80, s28, s16, $0xb8;
	[tilespmem:$0x1DC00] =	vst v63  }
0x86: {  	_ =	swait.ge [sflag:s14], $0x2800  }
0x87: {  	[sflag:s14] =	ssyncset.done $0x0  }
0x88: {  	[sflag:s14] =	ssyncadd.s32 $0xFFFFD800  }
0x89: {  	_ =	swait.ge [sflag:s20], $0x2800  }
0x8a: {  	[sflag:s20] =	ssyncset.done $0x0  }
0x8b: {  	[sflag:s20] =	ssyncadd.s32 $0xFFFFD800  }
0x8c: {  	[spmem:s2] =	stream.indirect.scatter.add.f32 [tilespmem:s17], [sflag:$0x4], $0x80, s29, s16, $0xb8;
	[tilespmem:$0x1DC00] =	vst v63  }
0x8d: {  	_ =	swait.ge [sflag:s14], $0x2800  }
0x8e: {  	[sflag:s14] =	ssyncset.done $0x0  }
0x8f: {  	s7 =	simm.s32 $0x0;
	[sflag:s14] =	ssyncadd.s32 $0xFFFFD800  }
0x90: {  	[tilespmem:s7], [sflag:$0x4] =	stream.linear.gather [hbm4b:s9+s7], $0x1400, $0x38;
	[tilespmem:$0x1DC00] =	vst v63  }
0x91: {  	_ =	swait.ge [sflag:s14], $0x1400  }
0x92: {  	[sflag:s14] =	ssyncset.done $0x0  }
0x93: {  	[sflag:s14] =	ssyncadd.s32 $0xFFFFEC00  }
0x94: {  	[tilespmem:s15], [sflag:$0x4] =	stream.linear.gather [hbm4b:s10+s7], $0x1400, $0x38;
	[tilespmem:$0x1DC00] =	vst v63  }
0x95: {  	_ =	swait.ge [sflag:s14], $0x1400  }
0x96: {  	[sflag:s14] =	ssyncset.done $0x0  }
0x97: {  	[sflag:s14] =	ssyncadd.s32 $0xFFFFEC00  }
0x98: {  	[tilespmem:s17], [sflag:$0x1] =	stream.indirect.gather [hbm4b:s4+s16], $0x80, s7, s16, $0xb8;
	[tilespmem:$0x1DC00] =	vst v63  }
0x99: {  	_ = 	snop  }
0x9a: {  	[tilespmem:s18], [sflag:$0x2] =	stream.indirect.gather [hbm4b:s4+s16], $0x80, s16, s16, $0xb8;
	[tilespmem:$0x1DC00] =	vst v63  }
0x9b: {  	s1 =	simm.s32 $0xA0  }
0x9c: {  	[tilespmem:s19], [sflag:$0x3] =	stream.indirect.gather [hbm4b:s4+s16], $0x80, s1, s16, $0xb8;
	[tilespmem:$0x1DC00] =	vst v63  }
0x9d: {  	_ =	swait.ge [sflag:s20], $0x2800  }
0x9e: {  	[sflag:s20] =	ssyncset.done $0x0  }
0x9f: {  	s5 =	simm.s32 $0x1400;
	[sflag:s20] =	ssyncadd.s32 $0xFFFFD800  }
0xa0: {  	[spmem:s2] =	stream.indirect.scatter.add.f32 [tilespmem:s17], [sflag:$0x4], $0x80, s5, s16, $0xb8;
	[tilespmem:$0x1DC00] =	vst v63  }
0xa1: {  	_ =	swait.ge [sflag:s14], $0x2800  }
0xa2: {  	[sflag:s14] =	ssyncset.done $0x0  }
0xa3: {  	s7 =	simm.s32 $0xF0;
	[sflag:s14] =	ssyncadd.s32 $0xFFFFD800  }
0xa4: {  	[tilespmem:s17], [sflag:$0x1] =	stream.indirect.gather [hbm4b:s4+s16], $0x80, s7, s16, $0xb8;
	[tilespmem:$0x1DC00] =	vst v63  }
0xa5: {  	_ =	swait.ge [sflag:s21], $0x2800  }
0xa6: {  	[sflag:s21] =	ssyncset.done $0x0  }
0xa7: {  	s1 =	simm.s32 $0x1450;
	[sflag:s21] =	ssyncadd.s32 $0xFFFFD800  }
0xa8: {  	[spmem:s2] =	stream.indirect.scatter.add.f32 [tilespmem:s18], [sflag:$0x4], $0x80, s1, s16, $0xb8;
	[tilespmem:$0x1DC00] =	vst v63  }
0xa9: {  	_ =	swait.ge [sflag:s14], $0x2800  }
0xaa: {  	[sflag:s14] =	ssyncset.done $0x0  }
0xab: {  	s5 =	simm.s32 $0x140;
	[sflag:s14] =	ssyncadd.s32 $0xFFFFD800  }
0xac: {  	[tilespmem:s18], [sflag:$0x2] =	stream.indirect.gather [hbm4b:s4+s16], $0x80, s5, s16, $0xb8;
	[tilespmem:$0x1DC00] =	vst v63  }
0xad: {  	_ =	swait.ge [sflag:s22], $0x2800  }
0xae: {  	[sflag:s22] =	ssyncset.done $0x0  }
0xaf: {  	s7 =	simm.s32 $0x14A0;
	[sflag:s22] =	ssyncadd.s32 $0xFFFFD800  }
0xb0: {  	[spmem:s2] =	stream.indirect.scatter.add.f32 [tilespmem:s19], [sflag:$0x4], $0x80, s7, s16, $0xb8;
	[tilespmem:$0x1DC00] =	vst v63  }
0xb1: {  	_ =	swait.ge [sflag:s14], $0x2800  }
0xb2: {  	s0 =	simm.s32 $0x780;
	s31 =	simm.s32 $0xF0;
	[sflag:s14] =	ssyncset.done $0x0  }
.LBB2_4:
0xb3: {  	s1 =	sadd.s32 $0xA0, s31  }
0xb4: {  	[sflag:s14] =	ssyncadd.s32 $0xFFFFD800;
	s5 =	smov.u32 s0;
	s7 =	sadd.s32 $0x3C0, s0  }
0xb5: {  	[tilespmem:s19], [sflag:$0x3] =	stream.indirect.gather [hbm4b:s4+s16], $0x80, s1, s16, $0xb8;
	[tilespmem:$0x1DC00] =	vst v63  }
0xb6: {  	p0 =	sne.s32 s0, $0x4740;
	_ =	swait.ge [sflag:s20], $0x2800  }
0xb7: {  	[sflag:s20] =	ssyncset.done $0x0  }
0xb8: {  	s0 =	sadd.s32 $0x1400, s31;
	[sflag:s20] =	ssyncadd.s32 $0xFFFFD800  }
0xb9: {  	[spmem:s2] =	stream.indirect.scatter.add.f32 [tilespmem:s17], [sflag:$0x4], $0x80, s0, s16, $0xb8;
	[tilespmem:$0x1DC00] =	vst v63  }
0xba: {  	_ =	swait.ge [sflag:s14], $0x2800  }
0xbb: {  	[sflag:s14] =	ssyncset.done $0x0  }
0xbc: {  	s0 =	sadd.s32 $0xF0, s31;
	[sflag:s14] =	ssyncadd.s32 $0xFFFFD800  }
0xbd: {  	[tilespmem:s17], [sflag:$0x1] =	stream.indirect.gather [hbm4b:s4+s16], $0x80, s0, s16, $0xb8;
	[tilespmem:$0x1DC00] =	vst v63  }
0xbe: {  	_ =	swait.ge [sflag:s21], $0x2800  }
0xbf: {  	[sflag:s21] =	ssyncset.done $0x0  }
0xc0: {  	s0 =	sadd.s32 $0x1450, s31;
	[sflag:s21] =	ssyncadd.s32 $0xFFFFD800  }
0xc1: {  	[spmem:s2] =	stream.indirect.scatter.add.f32 [tilespmem:s18], [sflag:$0x4], $0x80, s0, s16, $0xb8;
	[tilespmem:$0x1DC00] =	vst v63  }
0xc2: {  	_ =	swait.ge [sflag:s14], $0x2800  }
0xc3: {  	[sflag:s14] =	ssyncset.done $0x0  }
0xc4: {  	s0 =	sadd.s32 $0x140, s31;
	[sflag:s14] =	ssyncadd.s32 $0xFFFFD800  }
0xc5: {  	[tilespmem:s18], [sflag:$0x2] =	stream.indirect.gather [hbm4b:s4+s16], $0x80, s0, s16, $0xb8;
	[tilespmem:$0x1DC00] =	vst v63  }
0xc6: {  	_ =	swait.ge [sflag:s22], $0x2800  }
.Ltmp1:
0xc7: {  	[sflag:s22] =	ssyncset.done $0x0;
	(pc) =	sbr.rel @p0 .LBB2_4-.Ltmp1, $4  }
0xc8: {  	s0 =	sadd.s32 $0x14A0, s31;
	[sflag:s22] =	ssyncadd.s32 $0xFFFFD800  }
0xc9: {  	[spmem:s2] =	stream.indirect.scatter.add.f32 [tilespmem:s19], [sflag:$0x4], $0x80, s0, s16, $0xb8;
	[tilespmem:$0x1DC00] =	vst v63  }
0xca: {  	_ =	swait.ge [sflag:s14], $0x2800  }
0xcb: {  	s31 =	sshra.s32 s5, $0x2;
	s0 =	smov.u32 s7;
	[sflag:s14] =	ssyncset.done $0x0  }
0xcc: {  	s0 =	sadd.s32 $0xA0, s31;
	[sflag:s14] =	ssyncadd.s32 $0xFFFFD800  }
0xcd: {  	[tilespmem:s19], [sflag:$0x3] =	stream.indirect.gather [hbm4b:s4+s16], $0x80, s0, s16, $0xb8;
	[tilespmem:$0x1DC00] =	vst v63  }
0xce: {  	_ =	swait.ge [sflag:s20], $0x2800  }
0xcf: {  	[sflag:s20] =	ssyncset.done $0x0  }
0xd0: {  	s7 =	sadd.s32 $0x1400, s31;
	[sflag:s20] =	ssyncadd.s32 $0xFFFFD800  }
0xd1: {  	[spmem:s2] =	stream.indirect.scatter.add.f32 [tilespmem:s17], [sflag:$0x4], $0x80, s7, s16, $0xb8;
	[tilespmem:$0x1DC00] =	vst v63  }
0xd2: {  	_ =	swait.ge [sflag:s14], $0x2800  }
0xd3: {  	[sflag:s14] =	ssyncset.done $0x0  }
0xd4: {  	s1 =	sadd.s32 $0xF0, s31;
	[sflag:s14] =	ssyncadd.s32 $0xFFFFD800  }
0xd5: {  	[tilespmem:s17], [sflag:$0x1] =	stream.indirect.gather [hbm4b:s4+s16], $0x80, s1, s16, $0xb8;
	[tilespmem:$0x1DC00] =	vst v63  }
0xd6: {  	_ =	swait.ge [sflag:s21], $0x2800  }
0xd7: {  	[sflag:s21] =	ssyncset.done $0x0  }
0xd8: {  	s5 =	sadd.s32 $0x1450, s31;
	[sflag:s21] =	ssyncadd.s32 $0xFFFFD800  }
0xd9: {  	[spmem:s2] =	stream.indirect.scatter.add.f32 [tilespmem:s18], [sflag:$0x4], $0x80, s5, s16, $0xb8;
	[tilespmem:$0x1DC00] =	vst v63  }
0xda: {  	_ =	swait.ge [sflag:s14], $0x2800  }
0xdb: {  	[sflag:s14] =	ssyncset.done $0x0  }
0xdc: {  	s7 =	sadd.s32 $0x140, s31;
	[sflag:s14] =	ssyncadd.s32 $0xFFFFD800  }
0xdd: {  	[tilespmem:s18], [sflag:$0x2] =	stream.indirect.gather [hbm4b:s4+s16], $0x80, s7, s16, $0xb8;
	[tilespmem:$0x1DC00] =	vst v63  }
0xde: {  	_ =	swait.ge [sflag:s22], $0x2800  }
0xdf: {  	[sflag:s22] =	ssyncset.done $0x0  }
0xe0: {  	s31 =	sadd.s32 $0x14A0, s31;
	[sflag:s22] =	ssyncadd.s32 $0xFFFFD800  }
0xe1: {  	[spmem:s2] =	stream.indirect.scatter.add.f32 [tilespmem:s19], [sflag:$0x4], $0x80, s31, s16, $0xb8;
	[tilespmem:$0x1DC00] =	vst v63  }
0xe2: {  	_ =	swait.ge [sflag:s14], $0x2800  }
0xe3: {  	[sflag:s14] =	ssyncset.done $0x0  }
0xe4: {  	[sflag:s14] =	ssyncadd.s32 $0xFFFFD800  }
0xe5: {  	[tilespmem:s19], [sflag:$0x3] =	stream.indirect.gather [hbm4b:s4+s16], $0x80, s23, s16, $0xb8;
	[tilespmem:$0x1DC00] =	vst v63  }
0xe6: {  	_ =	swait.ge [sflag:s20], $0x2800  }
0xe7: {  	[sflag:s20] =	ssyncset.done $0x0  }
0xe8: {  	[sflag:s20] =	ssyncadd.s32 $0xFFFFD800  }
0xe9: {  	[spmem:s2] =	stream.indirect.scatter.add.f32 [tilespmem:s17], [sflag:$0x4], $0x80, s24, s16, $0xb8;
	[tilespmem:$0x1DC00] =	vst v63  }
0xea: {  	_ =	swait.ge [sflag:s14], $0x2800  }
0xeb: {  	[sflag:s14] =	ssyncset.done $0x0  }
0xec: {  	[sflag:s14] =	ssyncadd.s32 $0xFFFFD800  }
0xed: {  	[tilespmem:s17], [sflag:$0x1] =	stream.indirect.gather [hbm4b:s4+s16], $0x80, s25, s16, $0xb8;
	[tilespmem:$0x1DC00] =	vst v63  }
0xee: {  	_ =	swait.ge [sflag:s21], $0x2800  }
0xef: {  	[sflag:s21] =	ssyncset.done $0x0  }
0xf0: {  	[sflag:s21] =	ssyncadd.s32 $0xFFFFD800  }
0xf1: {  	[spmem:s2] =	stream.indirect.scatter.add.f32 [tilespmem:s18], [sflag:$0x4], $0x80, s26, s16, $0xb8;
	[tilespmem:$0x1DC00] =	vst v63  }
0xf2: {  	_ =	swait.ge [sflag:s14], $0x2800  }
0xf3: {  	[sflag:s14] =	ssyncset.done $0x0  }
0xf4: {  	[sflag:s14] =	ssyncadd.s32 $0xFFFFD800  }
0xf5: {  	_ =	swait.ge [sflag:s22], $0x2800  }
0xf6: {  	[sflag:s22] =	ssyncset.done $0x0  }
0xf7: {  	[sflag:s22] =	ssyncadd.s32 $0xFFFFD800  }
0xf8: {  	[spmem:s2] =	stream.indirect.scatter.add.f32 [tilespmem:s19], [sflag:$0x4], $0x80, s28, s16, $0xb8;
	[tilespmem:$0x1DC00] =	vst v63  }
0xf9: {  	_ =	swait.ge [sflag:s14], $0x2800  }
0xfa: {  	[sflag:s14] =	ssyncset.done $0x0  }
0xfb: {  	[sflag:s14] =	ssyncadd.s32 $0xFFFFD800  }
0xfc: {  	_ =	swait.ge [sflag:s20], $0x2800  }
0xfd: {  	[sflag:s20] =	ssyncset.done $0x0  }
0xfe: {  	[sflag:s20] =	ssyncadd.s32 $0xFFFFD800  }
0xff: {  	[spmem:s2] =	stream.indirect.scatter.add.f32 [tilespmem:s17], [sflag:$0x4], $0x80, s29, s16, $0xb8;
	[tilespmem:$0x1DC00] =	vst v63  }
0x100: {  	_ =	swait.ge [sflag:s14], $0x2800  }
0x101: {  	s30 =	sadd.s32 $0x1, s30;
	[sflag:s14] =	ssyncset.done $0x0  }
0x102: {  	p0 =	sne.s32 s30, s12;
	[sflag:s14] =	ssyncadd.s32 $0xFFFFD800  }
.Ltmp2:
0x103: {  	[bflag:$0x0] =	sbarrier.arrive $0xFFFF;
	(pc) =	sbr.rel @p0 .LBB2_1-.Ltmp2, $4  }
0x104: {  	[hbm:s11], [sflag:s6] =	dma.local [spmem:s13], $0x2780  }
0x105: {  	_ =	swait.ge [sflag:s14], $0x2780  }
0x106: {  	[sflag:s14] =	ssyncset.done $0x0  }
0x107: {  	[sflag:s14] =	ssyncadd.s32 $0xFFFFD880  }
0x108: {  	_ =	sfence.sel $0x180000  }
0x109: {  	[bflag:$0x0] =	sbarrier.arrive $0xFFFF  }
0x10a: {  	_ =	strace $0x90000047  }
0x10b: {  	s0 =	stileid.u32;
	[bflag:$0x2] =	sbarrier.arrive $0xFFFF  }
0x10c: {  	p0 =	sne.s32 s0, $0x0;
	s0 =	rddreg [dreg:$0x3]  }
0x10d: {  	s0 =	sadd.s32 @!p0 $0x100000, s0  }
0x10e: {  	[sflag:s0] =	ssyncadd.tile.s32 @!p0 $0x1;
	_ =	shalt  }
.Lfunc_end2:
_tile_overlayer_lowered:
.L_overlay_start_2:
0x10f: {  	(tag) =	ssettag $0x2  }
0x110: {  	s0 =	rddreg [dreg:$0x0];
	s2 =	stileid.u32  }
0x111: {  	s1 =	rddreg [dreg:$0x1];
	p0 =	sne.s32 s2, $0x0  }
0x112: {  	s3 =	rddreg [dreg:$0x2];
	[bflag:$0x3] =	sbarrier.arrive $0xFFFF;
	s2 =	simm.s32 @!p0 $0x1C04  }
0x113: {  	[timem:s3], [sflag:s2] =	dma.local @!p0 [hbm:s0], s1  }
0x114: {  	s0 =	simm.s32 @!p0 $0x4  }
0x115: {  	_ =	swait.ge @!p0 [sflag:s0], s1  }
0x116: {  	s1 =	ssub.s32 @!p0 $0x0, s1;
	[sflag:s0] =	ssyncset.done @!p0 $0x0  }
0x117: {  	[sflag:s0] =	ssyncadd.s32 @!p0 s1  }
0x118: {  	[bflag:$0x3] =	sbarrier.arrive $0xFFFF  }
0x119: {  	_ =	shalt  }

// kernel: kernel.14.cloned.1.call-start
scs
__scs_entry_jumppad:
0x0: {  	(pc) =	sbr.rel $0x88, $3  }
0x1: {  	(tag) =	ssettag $0x0;
	lr =	simm.s32 $0x1  }
0x2: {  	[smem:$0x3F8C] =	sst lr;
	_ =	strace $0xD0000000  }
0x3: {  	_ = 	snop  }
0x4: {  	_ = 	snop  }
0x5: {  	_ = 	snop  }
0x6: {  	_ = 	snop  }
0x7: {  	_ = 	snop  }
__scs_overlays_trampoline_lowered:
0x8: {  	[smem:$0x3F9B] =	sst s0  }
0x9: {  	[smem:$0x3F9C] =	sst s1  }
0xa: {  	[smem:$0x3F9D] =	sst s2  }
0xb: {  	[smem:$0x3F9E] =	sst s3  }
0xc: {  	[smem:$0x3F9F] =	sst s4  }
0xd: {  	[smem:$0x3FA0] =	sst s5  }
0xe: {  	[smem:$0x3FA1] =	sst s6  }
0xf: {  	[smem:$0x3FA2] =	sst s7  }
0x10: {  	[smem:$0x3FA3] =	sst s8  }
0x11: {  	[smem:$0x3FA4] =	sst s9;
	s0 =	simm.s32 @!p0 $0x0  }
0x12: {  	s1 =	sld [smem:$0x3F8A];
	s0 =	simm.s32 @p0 $0x1  }
0x13: {  	[smem:$0x3FA5] =	sst s0;
	s0 =	simm.s32 @!p1 $0x0  }
0x14: {  	s2 =	sld [smem:$0x3F89];
	s0 =	simm.s32 @p1 $0x1  }
0x15: {  	[smem:$0x3FA6] =	sst s0;
	s0 =	simm.s32 @!p2 $0x0  }
0x16: {  	s3 =	sld [smem:$0x3FDB];
	s0 =	simm.s32 @p2 $0x1  }
0x17: {  	s4 =	simm.s32 $0x1BF5;
	[smem:$0x3FA8] =	sst s0  }
0x18: {  	s0 =	sld [smem:$0x3F8B];
	_ =	swait.ge [sflag:s4], $0x0  }
0x19: {  	s7 =	sld [smem:$0x3F8C]  }
0x1a: {  	s8 =	sadd.s32 $0xFFFFE003, lr  }
0x1b: {  	s9 =	sadd.s32 $0xFFFFFEF7, lr;
	s5 =	simm.s32 $0xFFFFFFFF;
	p2 =	slt.u32 s8, $0xFFFFF086  }
0x1c: {  	p1 =	slt.u32 s9, $0xF7A;
	s5 =	simm.s32 @!p2 $0x0  }
0x1d: {  	s5 =	simm.s32 @p1 $0x1;
	p0 =	seq.s32 s7, s2  }
0x1e: {  	s7 =	smul.u32 @!p0 $0xF7A, s2;
	p2 =	seq.s32 @!p0 s5, $0x0  }
0x1f: {  	s9 =	smul.u32 $0xF7A, s1;
	s8 =	simm.s32 @!p0 $0x1BF5;
	p2 =	por !p2, p0  }
0x20: {  	[sflag:s8] =	ssyncset.s32 @!p0 $0xFFFFF086;
	s6 =	sadd.s32 @!p0 s3, s7;
	s7 =	simm.s32 @!p0 $0x108  }
0x21: {  	s3 =	sadd.s32 s3, s9;
	s6 =	sadd.s32 @!p0 $0x88, s6;
	s7 =	simm.s32 @p2 $0x1082  }
0x22: {  	[simem:s7], [sflag:s8] =	dma.local @!p0 [hbm:s6], $0xF7A  }
0x23: {  	s9 =	sor.u32 $0xD0000000, s2;
	s6 =	simm.s32 $0x108;
	_ =	swait.ge @!p0 [sflag:s8], $0x0  }
0x24: {  	s3 =	sadd.s32 $0x88, s3;
	s6 =	simm.s32 @!p1 $0x1082;
	[sflag:s4] =	ssyncset.s32 $0xFFFFF086  }
0x25: {  	[simem:s6], [sflag:s4] =	dma.local [hbm:s3], $0xF7A  }
0x26: {  	[smem:$0x3F8C] =	sst s1;
	(tag) =	ssettag s2;
	_ =	strace s9  }
0x27: {  	s1 =	sld [smem:$0x3F9C]  }
0x28: {  	s2 =	sld [smem:$0x3F9D]  }
0x29: {  	s4 =	sld [smem:$0x3F9F]  }
0x2a: {  	p0 =	seq.s32 s5, $0x0;
	s5 =	sld [smem:$0x3FA0]  }
0x2b: {  	s6 =	sld [smem:$0x3FA1]  }
0x2c: {  	s7 =	sld [smem:$0x3FA2]  }
0x2d: {  	s3 =	simm.s32 $0x108;
	s8 =	sld [smem:$0x3FA3]  }
0x2e: {  	s3 =	simm.s32 @!p0 $0x1082;
	s9 =	sld [smem:$0x3FA4]  }
0x2f: {  	lr =	sadd.s32 s0, s3;
	s0 =	sld [smem:$0x3F9B]  }
0x30: {  	s3 =	sld [smem:$0x3F9E]  }
0x31: {  	[smem:$0x3FA7] =	sst s10  }
0x32: {  	s10 =	sld [smem:$0x3FA5];
	_ =	sdelay $0x3  }
0x33: {  	p0 =	seq.s32 s10, $0x1;
	s10 =	sld [smem:$0x3FA7];
	_ =	sdelay $0x3  }
0x34: {  	[smem:$0x3FA7] =	sst s10  }
0x35: {  	s10 =	sld [smem:$0x3FA6];
	_ =	sdelay $0x3  }
0x36: {  	p1 =	seq.s32 s10, $0x1;
	s10 =	sld [smem:$0x3FA7];
	_ =	sdelay $0x3  }
0x37: {  	[smem:$0x3FA7] =	sst s10  }
0x38: {  	s10 =	sld [smem:$0x3FA8]  }
0x39: {  	_ = 	snop;
	(pc) =	sbr.ind lr, $3  }
0x3a: {  	_ = 	snop  }
0x3b: {  	_ = 	snop  }
0x3c: {  	p2 =	seq.s32 s10, $0x1;
	s10 =	sld [smem:$0x3FA7]  }
0x3d: {  	_ =	shalt  }
0x3e: {  	_ =	shalt  }
0x3f: {  	_ =	shalt  }
0x40: {  	_ =	shalt  }
0x41: {  	_ =	shalt  }
0x42: {  	_ =	shalt  }
0x43: {  	_ =	shalt  }
0x44: {  	_ =	shalt  }
0x45: {  	_ =	shalt  }
0x46: {  	_ =	shalt  }
0x47: {  	_ =	shalt  }
0x48: {  	_ =	shalt  }
0x49: {  	_ =	shalt  }
0x4a: {  	_ =	shalt  }
0x4b: {  	_ =	shalt  }
0x4c: {  	_ =	shalt  }
0x4d: {  	_ =	shalt  }
0x4e: {  	_ =	shalt  }
0x4f: {  	_ =	shalt  }
0x50: {  	_ =	shalt  }
0x51: {  	_ =	shalt  }
0x52: {  	_ =	shalt  }
0x53: {  	_ =	shalt  }
0x54: {  	_ =	shalt  }
0x55: {  	_ =	shalt  }
0x56: {  	_ =	shalt  }
0x57: {  	_ =	shalt  }
0x58: {  	_ =	shalt  }
0x59: {  	_ =	shalt  }
0x5a: {  	_ =	shalt  }
0x5b: {  	_ =	shalt  }
0x5c: {  	_ =	shalt  }
0x5d: {  	_ =	shalt  }
0x5e: {  	_ =	shalt  }
0x5f: {  	_ =	shalt  }
0x60: {  	_ =	shalt  }
0x61: {  	_ =	shalt  }
0x62: {  	_ =	shalt  }
0x63: {  	_ =	shalt  }
0x64: {  	_ =	shalt  }
0x65: {  	_ =	shalt  }
0x66: {  	_ =	shalt  }
0x67: {  	_ =	shalt  }
0x68: {  	_ =	shalt  }
0x69: {  	_ =	shalt  }
0x6a: {  	_ =	shalt  }
0x6b: {  	_ =	shalt  }
0x6c: {  	_ =	shalt  }
0x6d: {  	_ =	shalt  }
0x6e: {  	_ =	shalt  }
0x6f: {  	_ =	shalt  }
0x70: {  	_ =	shalt  }
0x71: {  	_ =	shalt  }
0x72: {  	_ =	shalt  }
0x73: {  	_ =	shalt  }
0x74: {  	_ =	shalt  }
0x75: {  	_ =	shalt  }
0x76: {  	_ =	shalt  }
0x77: {  	_ =	shalt  }
0x78: {  	_ =	shalt  }
0x79: {  	_ =	shalt  }
0x7a: {  	_ =	shalt  }
0x7b: {  	_ =	shalt  }
0x7c: {  	_ =	shalt  }
0x7d: {  	_ =	shalt  }
0x7e: {  	_ =	shalt  }
0x7f: {  	_ =	shalt  }
0x80: {  	_ =	shalt  }
0x81: {  	_ =	shalt  }
0x82: {  	_ =	shalt  }
0x83: {  	_ =	shalt  }
0x84: {  	_ =	shalt  }
0x85: {  	_ =	shalt  }
0x86: {  	_ =	shalt  }
0x87: {  	_ =	shalt  }
.Lfunc_end0:
.L_simem_size_0:
called_computation.1_lowered:
.L_overlay_start_0:
0x88: {  	s2 =	sld [smem:$0x3FD9]  }
0x89: {  	s3 =	sld [smem:$0x3FFE];
	_ =	sdelay $0x1  }
0x8a: {  	s1 =	srdreg.scid  }
0x8b: {  	s0 =	sand.u32 $0x1, s1  }
0x8c: {  	s17 =	sshll.u32 s0, $0xA;
	s2 =	sadd.s32 s3, s2  }
0x8d: {  	s2 =	sadd.s32 s2, s17  }
0x8e: {  	[smem:$0x3FB3] =	sst s2  }
0x8f: {  	_ = 	snop  }
0x90: {  	s2 =	sld [smem:$0x3FD0];
	(tm) =	ssettm $0x1  }
0x91: {  	s18 =	sld [smem:$0x3FFB];
	_ =	sdelay $0x3  }
0x92: {  	_ =	strace s18  }
0x93: {  	s3 =	sld [smem:$0x3FFC];
	_ =	sdelay $0x3  }
0x94: {  	_ =	strace s3  }
0x95: {  	s3 =	sld [smem:$0x3FFD];
	_ =	sdelay $0x3  }
0x96: {  	_ =	strace s3  }
0x97: {  	_ =	strace $0x8FFFFFFF  }
0x98: {  	s19 =	sld [smem:$0x3FDB];
	_ =	sdelay $0x1  }
0x99: {  	s4 =	simm.s32 $_scs_section_size  }
0x9a: {  	s5 =	simm.s32 $_size__tile_overlayer_lowered;
	s6 =	simm.s32 $_tile_overlayer_lowered  }
0x9b: {  	s22 =	simm.s32 $0x1BFF;
	s21 =	sshll.u32 s6, $0x1;
	s3 =	sadd.s32 s4, s19  }
0x9c: {  	s7 =	simm.s32 $0x0;
	s20 =	sshll.u32 s5, $0x1;
	s5 =	sadd.s32 s21, s3  }
0x9d: {  	[timem:s7], [sflag:s22] =	dma.local [hbm:s5], s20  }
0x9e: {  	_ =	swait.ge [sflag:s22], s20  }
0x9f: {  	s4 =	ssub.s32 $0x0, s20;
	[sflag:s22] =	ssyncset.done $0x0  }
0xa0: {  	[sflag:s22] =	ssyncadd.s32 s4;
	_ =	sdelay $0x1  }
0xa1: {  	s23 =	simm.s32 $0x1B8B  }
0xa2: {  	_ =	swait.ge [sflag:s23], $0x1  }
0xa3: {  	[sflag:s23] =	ssyncset.done $0x0  }
0xa4: {  	s25 =	simm.s32 $0x1B8E;
	s24 =	sld [smem:$0x3FFE];
	[sflag:s23] =	ssyncadd.s32 $0xFFFFFFFF  }
0xa5: {  	s26 =	simm.s32 $execute0_lowered;
	[smem:$0x3FD2] =	sst s25  }
0xa6: {  	s5 =	sshll.u32 s26, $0x1;
	_ =	strace $0x80000049;
	[dreg:$0x1] =	wrdreg $0xFFFFFFFF  }
0xa7: {  	s28 =	simm.s32 $_size_execute0_lowered;
	s3 =	sadd.s32 s3, s5;
	[dreg:$0x0] =	wrdreg $0x0  }
0xa8: {  	s5 =	sshll.u32 s28, $0x1;
	[dreg:$0x2] =	wrdreg s3  }
0xa9: {  	[dreg:$0x3] =	wrdreg s5  }
0xaa: {  	[dreg:$0x4] =	wrdreg $0xC0  }
0xab: {  	_ =	task [dreg:s7], $0x5FFFF  }
0xac: {  	[dreg:$0x1] =	wrdreg $0xFFFFFFFF  }
0xad: {  	[dreg:$0x0] =	wrdreg $0x60  }
0xae: {  	[dreg:$0x2] =	wrdreg s24  }
0xaf: {  	[dreg:$0x3] =	wrdreg s2  }
0xb0: {  	[dreg:$0x4] =	wrdreg $0xA0000  }
0xb1: {  	[dreg:$0x5] =	wrdreg $0x9  }
0xb2: {  	_ =	task.clear_ibuf [dreg:s7], $0x6FFFF;
	_ =	strace $0x90000049  }
0xb3: {  	s29 =	simm.s32 $0x9;
	_ =	strace $0x8000004B  }
0xb4: {  	_ =	swait.ge [sflag:s29], $0x1  }
0xb5: {  	[sflag:s29] =	ssyncadd.s32 $0xFFFFFFFF  }
0xb6: {  	_ =	strace $0x9000004B  }
0xb7: {  	_ =	sfence  }
0xb8: {  	s30 =	sld [smem:$0x0];
	_ =	sdelay $0x2  }
0xb9: {  	s31 =	sshll.u32 s1, $0xD;
	s1 =	sshrl.u32 s1, $0x2  }
0xba: {  	s3 =	sand.u32 $0x4000, s31;
	s1 =	sadd.s32 s1, s30  }
0xbb: {  	s0 =	sor.u32 s3, s0;
	s1 =	sshll.u32 s1, $0x11  }
0xbc: {  	s0 =	sor.u32 s1, s0  }
0xbd: {  	s0 =	sadd.s32 $0x8F2B, s0  }
0xbe: {  	[sflag:s0] =	ssyncadd.remote.s32 $0x1  }
0xbf: {  	_ =	sfence.sel $0xFFFF  }
0xc0: {  	[dreg:$0x0] =	wrdreg $0xFFFFFFFF;
	(pc) =	sbr.abs _section_cstart, $3  }
0xc1: {  	[dreg:$0x1] =	wrdreg $0xFFFFFFFF  }
0xc2: {  	_ =	task.clear_ibuf [dreg:s7], $0x2FFFF;
	_ =	strace $0x9FFFFFFF  }
0xc3: {  	(tm) =	ssettm $0x7FFFFFFF  }
tec
execute0_lowered:
.L_overlay_start_1:
0x0: {  	(tag) =	ssettag $0x1  }
0x1: {  	s0 =	rddreg [dreg:$0x0]  }
0x2: {  	s9 =	rddreg [dreg:$0x1]  }
0x3: {  	s2 =	rddreg [dreg:$0x2];
	s1 =	stileid.u32  }
0x4: {  	s4 =	srdreg.scid;
	s3 =	simm.s32 $0x0;
	s15 =	simm.s32 $0x1400  }
0x5: {  	s16 =	simm.s32 $0x50;
	s17 =	simm.s32 $0x2800;
	s28 =	simm.s32 $0x2760  }
0x6: {  	s29 =	simm.s32 $0x27B0;
	s30 =	simm.s32 $0x0;
	s5 =	smul.u32 $0x13C00, s1  }
0x7: {  	s6 =	sand.u32 $0x1, s4;
	[smem:$0x7FF] =	sst s3;
	s4 =	sadd.s32 $0xD800, s0  }
0x8: {  	s10 =	sadd.s32 $0x3800, s0;
	s11 =	sshll.u32 s1, $0x1;
	s12 =	smul.u32 $0x4F000, s1  }
0x9: {  	s23 =	sshll.u32 s1, $0x6;
	s7 =	smul.u32 $0x13C000, s6;
	_ =	strace $0x8000004A  }
0xa: {  	s19 =	ssub.s32 $0x2, s6;
	s6 =	sor.u32 s6, s11;
	s8 =	sshrl.u32 s5, $0x3  }
0xb: {  	s20 =	sshrl.u32 s19, $0x1;
	s21 =	sshrl.u32 s12, $0x2;
	s22 =	smul.u32 $0x2800, s6  }
0xc: {  	s24 =	smul.u32 $0x500, s6;
	s6 =	sor.u32 $0x1C04, s23;
	s23 =	simm.s32 $0x1360  }
0xd: {  	s5 =	sadd.s32 s5, s7;
	s18 =	sadd.s32 s8, s0;
	s13 =	ssub.s32 s19, s20  }
0xe: {  	s14 =	sadd.s32 s21, s2;
	s19 =	simm.s32 $0x7800;
	s20 =	simm.s32 $0x1  }
0xf: {  	s21 =	simm.s32 $0x2;
	s5 =	sshrl.u32 s5, $0x3;
	s25 =	sadd.s32 $0x31AC00, s18  }
0x10: {  	s26 =	sshrl.u32 s22, $0x3;
	s31 =	sadd.s32 s9, s24;
	s8 =	sadd.s32 s10, s24  }
0x11: {  	s12 =	smax.u32 s13, $0x1;
	s13 =	sshrl.u32 s14, $0x3;
	s14 =	simm.s32 $0x4  }
0x12: {  	s18 =	simm.s32 $0x5000;
	s22 =	simm.s32 $0x3;
	[dreg:$0x4] =	wrdreg s25  }
0x13: {  	s24 =	simm.s32 $0x26C0;
	s0 =	sadd.s32 s5, s0;
	[dreg:$0x5] =	wrdreg s31  }
0x14: {  	s11 =	sadd.s32 $0x280, s26;
	s25 =	simm.s32 $0x13B0;
	s26 =	simm.s32 $0x2710  }
0x15: {  	s9 =	sadd.s32 s9, s11;
	s10 =	sadd.s32 s10, s11;
	s11 =	sadd.s32 $0x342400, s0  }
.LBB2_1:
0x16: {  	s0 =	rddreg [dreg:$0x4]  }
0x17: {  	[spmem:s13], [sflag:s6] =	dma.local [hbm:s0], $0x2780  }
0x18: {  	_ =	swait.ge [sflag:s14], $0x2780  }
0x19: {  	[sflag:s14] =	ssyncset.done $0x0  }
0x1a: {  	[sflag:s14] =	ssyncadd.s32 $0xFFFFD880  }
0x1b: {  	[bflag:$0x0] =	sbarrier.arrive $0xFFFF  }
0x1c: {  	s7 =	rddreg [dreg:$0x5]  }
0x1d: {  	[tilespmem:s3], [sflag:$0x4] =	stream.linear.gather [hbm4b:s7+s3], $0x1400, $0x38;
	[tilespmem:$0x1DC00] =	vst v63  }
0x1e: {  	_ =	swait.ge [sflag:s14], $0x1400  }
0x1f: {  	[sflag:s14] =	ssyncset.done $0x0  }
0x20: {  	[sflag:s14] =	ssyncadd.s32 $0xFFFFEC00  }
0x21: {  	[tilespmem:s15], [sflag:$0x4] =	stream.linear.gather [hbm4b:s8+s3], $0x1400, $0x38;
	[tilespmem:$0x1DC00] =	vst v63  }
0x22: {  	_ =	swait.ge [sflag:s14], $0x1400  }
0x23: {  	[sflag:s14] =	ssyncset.done $0x0  }
0x24: {  	[sflag:s14] =	ssyncadd.s32 $0xFFFFEC00  }
0x25: {  	[tilespmem:s17], [sflag:$0x1] =	stream.indirect.gather [hbm4b:s4+s16], $0x80, s3, s16, $0xb8;
	[tilespmem:$0x1DC00] =	vst v63  }
0x26: {  	_ = 	snop  }
0x27: {  	[tilespmem:s18], [sflag:$0x2] =	stream.indirect.gather [hbm4b:s4+s16], $0x80, s16, s16, $0xb8;
	[tilespmem:$0x1DC00] =	vst v63  }
0x28: {  	s1 =	simm.s32 $0xA0  }
0x29: {  	[tilespmem:s19], [sflag:$0x3] =	stream.indirect.gather [hbm4b:s4+s16], $0x80, s1, s16, $0xb8;
	[tilespmem:$0x1DC00] =	vst v63  }
0x2a: {  	_ =	swait.ge [sflag:s20], $0x2800  }
0x2b: {  	[sflag:s20] =	ssyncset.done $0x0  }
0x2c: {  	s5 =	simm.s32 $0x1400;
	[sflag:s20] =	ssyncadd.s32 $0xFFFFD800  }
0x2d: {  	[spmem:s2] =	stream.indirect.scatter.add.f32 [tilespmem:s17], [sflag:$0x4], $0x80, s5, s16, $0xb8;
	[tilespmem:$0x1DC00] =	vst v63  }
0x2e: {  	_ =	swait.ge [sflag:s14], $0x2800  }
0x2f: {  	[sflag:s14] =	ssyncset.done $0x0  }
0x30: {  	s7 =	simm.s32 $0xF0;
	[sflag:s14] =	ssyncadd.s32 $0xFFFFD800  }
0x31: {  	[tilespmem:s17], [sflag:$0x1] =	stream.indirect.gather [hbm4b:s4+s16], $0x80, s7, s16, $0xb8;
	[tilespmem:$0x1DC00] =	vst v63  }
0x32: {  	_ =	swait.ge [sflag:s21], $0x2800  }
0x33: {  	[sflag:s21] =	ssyncset.done $0x0  }
0x34: {  	s1 =	simm.s32 $0x1450;
	[sflag:s21] =	ssyncadd.s32 $0xFFFFD800  }
0x35: {  	[spmem:s2] =	stream.indirect.scatter.add.f32 [tilespmem:s18], [sflag:$0x4], $0x80, s1, s16, $0xb8;
	[tilespmem:$0x1DC00] =	vst v63  }
0x36: {  	_ =	swait.ge [sflag:s14], $0x2800  }
0x37: {  	[sflag:s14] =	ssyncset.done $0x0  }
0x38: {  	s5 =	simm.s32 $0x140;
	[sflag:s14] =	ssyncadd.s32 $0xFFFFD800  }
0x39: {  	[tilespmem:s18], [sflag:$0x2] =	stream.indirect.gather [hbm4b:s4+s16], $0x80, s5, s16, $0xb8;
	[tilespmem:$0x1DC00] =	vst v63  }
0x3a: {  	_ =	swait.ge [sflag:s22], $0x2800  }
0x3b: {  	[sflag:s22] =	ssyncset.done $0x0  }
0x3c: {  	s7 =	simm.s32 $0x14A0;
	[sflag:s22] =	ssyncadd.s32 $0xFFFFD800  }
0x3d: {  	[spmem:s2] =	stream.indirect.scatter.add.f32 [tilespmem:s19], [sflag:$0x4], $0x80, s7, s16, $0xb8;
	[tilespmem:$0x1DC00] =	vst v63  }
0x3e: {  	_ =	swait.ge [sflag:s14], $0x2800  }
0x3f: {  	s31 =	simm.s32 $0xF0;
	s0 =	simm.s32 $0x780;
	[sflag:s14] =	ssyncset.done $0x0  }
.LBB2_2:
0x40: {  	s1 =	sadd.s32 $0xA0, s31  }
0x41: {  	[sflag:s14] =	ssyncadd.s32 $0xFFFFD800;
	s5 =	smov.u32 s0;
	s7 =	sadd.s32 $0x3C0, s0  }
0x42: {  	[tilespmem:s19], [sflag:$0x3] =	stream.indirect.gather [hbm4b:s4+s16], $0x80, s1, s16, $0xb8;
	[tilespmem:$0x1DC00] =	vst v63  }
0x43: {  	p0 =	sne.s32 s0, $0x4740;
	_ =	swait.ge [sflag:s20], $0x2800  }
0x44: {  	[sflag:s20] =	ssyncset.done $0x0  }
0x45: {  	s0 =	sadd.s32 $0x1400, s31;
	[sflag:s20] =	ssyncadd.s32 $0xFFFFD800  }
0x46: {  	[spmem:s2] =	stream.indirect.scatter.add.f32 [tilespmem:s17], [sflag:$0x4], $0x80, s0, s16, $0xb8;
	[tilespmem:$0x1DC00] =	vst v63  }
0x47: {  	_ =	swait.ge [sflag:s14], $0x2800  }
0x48: {  	[sflag:s14] =	ssyncset.done $0x0  }
0x49: {  	s0 =	sadd.s32 $0xF0, s31;
	[sflag:s14] =	ssyncadd.s32 $0xFFFFD800  }
0x4a: {  	[tilespmem:s17], [sflag:$0x1] =	stream.indirect.gather [hbm4b:s4+s16], $0x80, s0, s16, $0xb8;
	[tilespmem:$0x1DC00] =	vst v63  }
0x4b: {  	_ =	swait.ge [sflag:s21], $0x2800  }
0x4c: {  	[sflag:s21] =	ssyncset.done $0x0  }
0x4d: {  	s0 =	sadd.s32 $0x1450, s31;
	[sflag:s21] =	ssyncadd.s32 $0xFFFFD800  }
0x4e: {  	[spmem:s2] =	stream.indirect.scatter.add.f32 [tilespmem:s18], [sflag:$0x4], $0x80, s0, s16, $0xb8;
	[tilespmem:$0x1DC00] =	vst v63  }
0x4f: {  	_ =	swait.ge [sflag:s14], $0x2800  }
0x50: {  	[sflag:s14] =	ssyncset.done $0x0  }
0x51: {  	s0 =	sadd.s32 $0x140, s31;
	[sflag:s14] =	ssyncadd.s32 $0xFFFFD800  }
0x52: {  	[tilespmem:s18], [sflag:$0x2] =	stream.indirect.gather [hbm4b:s4+s16], $0x80, s0, s16, $0xb8;
	[tilespmem:$0x1DC00] =	vst v63  }
0x53: {  	_ =	swait.ge [sflag:s22], $0x2800  }
.Ltmp0:
0x54: {  	[sflag:s22] =	ssyncset.done $0x0;
	(pc) =	sbr.rel @p0 .LBB2_2-.Ltmp0, $4  }
0x55: {  	s0 =	sadd.s32 $0x14A0, s31;
	[sflag:s22] =	ssyncadd.s32 $0xFFFFD800  }
0x56: {  	[spmem:s2] =	stream.indirect.scatter.add.f32 [tilespmem:s19], [sflag:$0x4], $0x80, s0, s16, $0xb8;
	[tilespmem:$0x1DC00] =	vst v63  }
0x57: {  	_ =	swait.ge [sflag:s14], $0x2800  }
0x58: {  	s31 =	sshra.s32 s5, $0x2;
	s0 =	smov.u32 s7;
	[sflag:s14] =	ssyncset.done $0x0  }
0x59: {  	s0 =	sadd.s32 $0xA0, s31;
	[sflag:s14] =	ssyncadd.s32 $0xFFFFD800  }
0x5a: {  	[tilespmem:s19], [sflag:$0x3] =	stream.indirect.gather [hbm4b:s4+s16], $0x80, s0, s16, $0xb8;
	[tilespmem:$0x1DC00] =	vst v63  }
0x5b: {  	_ =	swait.ge [sflag:s20], $0x2800  }
0x5c: {  	[sflag:s20] =	ssyncset.done $0x0  }
0x5d: {  	s1 =	sadd.s32 $0x1400, s31;
	[sflag:s20] =	ssyncadd.s32 $0xFFFFD800  }
0x5e: {  	[spmem:s2] =	stream.indirect.scatter.add.f32 [tilespmem:s17], [sflag:$0x4], $0x80, s1, s16, $0xb8;
	[tilespmem:$0x1DC00] =	vst v63  }
0x5f: {  	_ =	swait.ge [sflag:s14], $0x2800  }
0x60: {  	[sflag:s14] =	ssyncset.done $0x0  }
0x61: {  	s5 =	sadd.s32 $0xF0, s31;
	[sflag:s14] =	ssyncadd.s32 $0xFFFFD800  }
0x62: {  	[tilespmem:s17], [sflag:$0x1] =	stream.indirect.gather [hbm4b:s4+s16], $0x80, s5, s16, $0xb8;
	[tilespmem:$0x1DC00] =	vst v63  }
0x63: {  	_ =	swait.ge [sflag:s21], $0x2800  }
0x64: {  	[sflag:s21] =	ssyncset.done $0x0  }
0x65: {  	s7 =	sadd.s32 $0x1450, s31;
	[sflag:s21] =	ssyncadd.s32 $0xFFFFD800  }
0x66: {  	[spmem:s2] =	stream.indirect.scatter.add.f32 [tilespmem:s18], [sflag:$0x4], $0x80, s7, s16, $0xb8;
	[tilespmem:$0x1DC00] =	vst v63  }
0x67: {  	_ =	swait.ge [sflag:s14], $0x2800  }
0x68: {  	[sflag:s14] =	ssyncset.done $0x0  }
0x69: {  	s1 =	sadd.s32 $0x140, s31;
	[sflag:s14] =	ssyncadd.s32 $0xFFFFD800  }
0x6a: {  	[tilespmem:s18], [sflag:$0x2] =	stream.indirect.gather [hbm4b:s4+s16], $0x80, s1, s16, $0xb8;
	[tilespmem:$0x1DC00] =	vst v63  }
0x6b: {  	_ =	swait.ge [sflag:s22], $0x2800  }
0x6c: {  	[sflag:s22] =	ssyncset.done $0x0  }
0x6d: {  	s5 =	sadd.s32 $0x14A0, s31;
	[sflag:s22] =	ssyncadd.s32 $0xFFFFD800  }
0x6e: {  	[spmem:s2] =	stream.indirect.scatter.add.f32 [tilespmem:s19], [sflag:$0x4], $0x80, s5, s16, $0xb8;
	[tilespmem:$0x1DC00] =	vst v63  }
0x6f: {  	_ =	swait.ge [sflag:s14], $0x2800  }
0x70: {  	[sflag:s14] =	ssyncset.done $0x0  }
0x71: {  	[sflag:s14] =	ssyncadd.s32 $0xFFFFD800  }
0x72: {  	[tilespmem:s19], [sflag:$0x3] =	stream.indirect.gather [hbm4b:s4+s16], $0x80, s23, s16, $0xb8;
	[tilespmem:$0x1DC00] =	vst v63  }
0x73: {  	_ =	swait.ge [sflag:s20], $0x2800  }
0x74: {  	[sflag:s20] =	ssyncset.done $0x0  }
0x75: {  	[sflag:s20] =	ssyncadd.s32 $0xFFFFD800  }
0x76: {  	[spmem:s2] =	stream.indirect.scatter.add.f32 [tilespmem:s17], [sflag:$0x4], $0x80, s24, s16, $0xb8;
	[tilespmem:$0x1DC00] =	vst v63  }
0x77: {  	_ =	swait.ge [sflag:s14], $0x2800  }
0x78: {  	[sflag:s14] =	ssyncset.done $0x0  }
0x79: {  	[sflag:s14] =	ssyncadd.s32 $0xFFFFD800  }
0x7a: {  	[tilespmem:s17], [sflag:$0x1] =	stream.indirect.gather [hbm4b:s4+s16], $0x80, s25, s16, $0xb8;
	[tilespmem:$0x1DC00] =	vst v63  }
0x7b: {  	_ =	swait.ge [sflag:s21], $0x2800  }
0x7c: {  	[sflag:s21] =	ssyncset.done $0x0  }
0x7d: {  	[sflag:s21] =	ssyncadd.s32 $0xFFFFD800  }
0x7e: {  	[spmem:s2] =	stream.indirect.scatter.add.f32 [tilespmem:s18], [sflag:$0x4], $0x80, s26, s16, $0xb8;
	[tilespmem:$0x1DC00] =	vst v63  }
0x7f: {  	_ =	swait.ge [sflag:s14], $0x2800  }
0x80: {  	[sflag:s14] =	ssyncset.done $0x0  }
0x81: {  	[sflag:s14] =	ssyncadd.s32 $0xFFFFD800  }
0x82: {  	_ =	swait.ge [sflag:s22], $0x2800  }
0x83: {  	[sflag:s22] =	ssyncset.done $0x0  }
0x84: {  	[sflag:s22] =	ssyncadd.s32 $0xFFFFD800  }
0x85: {  	[spmem:s2] =	stream.indirect.scatter.add.f32 [tilespmem:s19], [sflag:$0x4], $0x80, s28, s16, $0xb8;
	[tilespmem:$0x1DC00] =	vst v63  }
0x86: {  	_ =	swait.ge [sflag:s14], $0x2800  }
0x87: {  	[sflag:s14] =	ssyncset.done $0x0  }
0x88: {  	[sflag:s14] =	ssyncadd.s32 $0xFFFFD800  }
0x89: {  	_ =	swait.ge [sflag:s20], $0x2800  }
0x8a: {  	[sflag:s20] =	ssyncset.done $0x0  }
0x8b: {  	[sflag:s20] =	ssyncadd.s32 $0xFFFFD800  }
0x8c: {  	[spmem:s2] =	stream.indirect.scatter.add.f32 [tilespmem:s17], [sflag:$0x4], $0x80, s29, s16, $0xb8;
	[tilespmem:$0x1DC00] =	vst v63  }
0x8d: {  	_ =	swait.ge [sflag:s14], $0x2800  }
0x8e: {  	[sflag:s14] =	ssyncset.done $0x0  }
0x8f: {  	s7 =	simm.s32 $0x0;
	[sflag:s14] =	ssyncadd.s32 $0xFFFFD800  }
0x90: {  	[tilespmem:s7], [sflag:$0x4] =	stream.linear.gather [hbm4b:s9+s7], $0x1400, $0x38;
	[tilespmem:$0x1DC00] =	vst v63  }
0x91: {  	_ =	swait.ge [sflag:s14], $0x1400  }
0x92: {  	[sflag:s14] =	ssyncset.done $0x0  }
0x93: {  	[sflag:s14] =	ssyncadd.s32 $0xFFFFEC00  }
0x94: {  	[tilespmem:s15], [sflag:$0x4] =	stream.linear.gather [hbm4b:s10+s7], $0x1400, $0x38;
	[tilespmem:$0x1DC00] =	vst v63  }
0x95: {  	_ =	swait.ge [sflag:s14], $0x1400  }
0x96: {  	[sflag:s14] =	ssyncset.done $0x0  }
0x97: {  	[sflag:s14] =	ssyncadd.s32 $0xFFFFEC00  }
0x98: {  	[tilespmem:s17], [sflag:$0x1] =	stream.indirect.gather [hbm4b:s4+s16], $0x80, s7, s16, $0xb8;
	[tilespmem:$0x1DC00] =	vst v63  }
0x99: {  	_ = 	snop  }
0x9a: {  	[tilespmem:s18], [sflag:$0x2] =	stream.indirect.gather [hbm4b:s4+s16], $0x80, s16, s16, $0xb8;
	[tilespmem:$0x1DC00] =	vst v63  }
0x9b: {  	s1 =	simm.s32 $0xA0  }
0x9c: {  	[tilespmem:s19], [sflag:$0x3] =	stream.indirect.gather [hbm4b:s4+s16], $0x80, s1, s16, $0xb8;
	[tilespmem:$0x1DC00] =	vst v63  }
0x9d: {  	_ =	swait.ge [sflag:s20], $0x2800  }
0x9e: {  	[sflag:s20] =	ssyncset.done $0x0  }
0x9f: {  	s5 =	simm.s32 $0x1400;
	[sflag:s20] =	ssyncadd.s32 $0xFFFFD800  }
0xa0: {  	[spmem:s2] =	stream.indirect.scatter.add.f32 [tilespmem:s17], [sflag:$0x4], $0x80, s5, s16, $0xb8;
	[tilespmem:$0x1DC00] =	vst v63  }
0xa1: {  	_ =	swait.ge [sflag:s14], $0x2800  }
0xa2: {  	[sflag:s14] =	ssyncset.done $0x0  }
0xa3: {  	s7 =	simm.s32 $0xF0;
	[sflag:s14] =	ssyncadd.s32 $0xFFFFD800  }
0xa4: {  	[tilespmem:s17], [sflag:$0x1] =	stream.indirect.gather [hbm4b:s4+s16], $0x80, s7, s16, $0xb8;
	[tilespmem:$0x1DC00] =	vst v63  }
0xa5: {  	_ =	swait.ge [sflag:s21], $0x2800  }
0xa6: {  	[sflag:s21] =	ssyncset.done $0x0  }
0xa7: {  	s1 =	simm.s32 $0x1450;
	[sflag:s21] =	ssyncadd.s32 $0xFFFFD800  }
0xa8: {  	[spmem:s2] =	stream.indirect.scatter.add.f32 [tilespmem:s18], [sflag:$0x4], $0x80, s1, s16, $0xb8;
	[tilespmem:$0x1DC00] =	vst v63  }
0xa9: {  	_ =	swait.ge [sflag:s14], $0x2800  }
0xaa: {  	[sflag:s14] =	ssyncset.done $0x0  }
0xab: {  	s5 =	simm.s32 $0x140;
	[sflag:s14] =	ssyncadd.s32 $0xFFFFD800  }
0xac: {  	[tilespmem:s18], [sflag:$0x2] =	stream.indirect.gather [hbm4b:s4+s16], $0x80, s5, s16, $0xb8;
	[tilespmem:$0x1DC00] =	vst v63  }
0xad: {  	_ =	swait.ge [sflag:s22], $0x2800  }
0xae: {  	[sflag:s22] =	ssyncset.done $0x0  }
0xaf: {  	s7 =	simm.s32 $0x14A0;
	[sflag:s22] =	ssyncadd.s32 $0xFFFFD800  }
0xb0: {  	[spmem:s2] =	stream.indirect.scatter.add.f32 [tilespmem:s19], [sflag:$0x4], $0x80, s7, s16, $0xb8;
	[tilespmem:$0x1DC00] =	vst v63  }
0xb1: {  	_ =	swait.ge [sflag:s14], $0x2800  }
0xb2: {  	s0 =	simm.s32 $0x780;
	s31 =	simm.s32 $0xF0;
	[sflag:s14] =	ssyncset.done $0x0  }
.LBB2_4:
0xb3: {  	s1 =	sadd.s32 $0xA0, s31  }
0xb4: {  	[sflag:s14] =	ssyncadd.s32 $0xFFFFD800;
	s5 =	smov.u32 s0;
	s7 =	sadd.s32 $0x3C0, s0  }
0xb5: {  	[tilespmem:s19], [sflag:$0x3] =	stream.indirect.gather [hbm4b:s4+s16], $0x80, s1, s16, $0xb8;
	[tilespmem:$0x1DC00] =	vst v63  }
0xb6: {  	p0 =	sne.s32 s0, $0x4740;
	_ =	swait.ge [sflag:s20], $0x2800  }
0xb7: {  	[sflag:s20] =	ssyncset.done $0x0  }
0xb8: {  	s0 =	sadd.s32 $0x1400, s31;
	[sflag:s20] =	ssyncadd.s32 $0xFFFFD800  }
0xb9: {  	[spmem:s2] =	stream.indirect.scatter.add.f32 [tilespmem:s17], [sflag:$0x4], $0x80, s0, s16, $0xb8;
	[tilespmem:$0x1DC00] =	vst v63  }
0xba: {  	_ =	swait.ge [sflag:s14], $0x2800  }
0xbb: {  	[sflag:s14] =	ssyncset.done $0x0  }
0xbc: {  	s0 =	sadd.s32 $0xF0, s31;
	[sflag:s14] =	ssyncadd.s32 $0xFFFFD800  }
0xbd: {  	[tilespmem:s17], [sflag:$0x1] =	stream.indirect.gather [hbm4b:s4+s16], $0x80, s0, s16, $0xb8;
	[tilespmem:$0x1DC00] =	vst v63  }
0xbe: {  	_ =	swait.ge [sflag:s21], $0x2800  }
0xbf: {  	[sflag:s21] =	ssyncset.done $0x0  }
0xc0: {  	s0 =	sadd.s32 $0x1450, s31;
	[sflag:s21] =	ssyncadd.s32 $0xFFFFD800  }
0xc1: {  	[spmem:s2] =	stream.indirect.scatter.add.f32 [tilespmem:s18], [sflag:$0x4], $0x80, s0, s16, $0xb8;
	[tilespmem:$0x1DC00] =	vst v63  }
0xc2: {  	_ =	swait.ge [sflag:s14], $0x2800  }
0xc3: {  	[sflag:s14] =	ssyncset.done $0x0  }
0xc4: {  	s0 =	sadd.s32 $0x140, s31;
	[sflag:s14] =	ssyncadd.s32 $0xFFFFD800  }
0xc5: {  	[tilespmem:s18], [sflag:$0x2] =	stream.indirect.gather [hbm4b:s4+s16], $0x80, s0, s16, $0xb8;
	[tilespmem:$0x1DC00] =	vst v63  }
0xc6: {  	_ =	swait.ge [sflag:s22], $0x2800  }
.Ltmp1:
0xc7: {  	[sflag:s22] =	ssyncset.done $0x0;
	(pc) =	sbr.rel @p0 .LBB2_4-.Ltmp1, $4  }
0xc8: {  	s0 =	sadd.s32 $0x14A0, s31;
	[sflag:s22] =	ssyncadd.s32 $0xFFFFD800  }
0xc9: {  	[spmem:s2] =	stream.indirect.scatter.add.f32 [tilespmem:s19], [sflag:$0x4], $0x80, s0, s16, $0xb8;
	[tilespmem:$0x1DC00] =	vst v63  }
0xca: {  	_ =	swait.ge [sflag:s14], $0x2800  }
0xcb: {  	s31 =	sshra.s32 s5, $0x2;
	s0 =	smov.u32 s7;
	[sflag:s14] =	ssyncset.done $0x0  }
0xcc: {  	s0 =	sadd.s32 $0xA0, s31;
	[sflag:s14] =	ssyncadd.s32 $0xFFFFD800  }
0xcd: {  	[tilespmem:s19], [sflag:$0x3] =	stream.indirect.gather [hbm4b:s4+s16], $0x80, s0, s16, $0xb8;
	[tilespmem:$0x1DC00] =	vst v63  }
0xce: {  	_ =	swait.ge [sflag:s20], $0x2800  }
0xcf: {  	[sflag:s20] =	ssyncset.done $0x0  }
0xd0: {  	s7 =	sadd.s32 $0x1400, s31;
	[sflag:s20] =	ssyncadd.s32 $0xFFFFD800  }
0xd1: {  	[spmem:s2] =	stream.indirect.scatter.add.f32 [tilespmem:s17], [sflag:$0x4], $0x80, s7, s16, $0xb8;
	[tilespmem:$0x1DC00] =	vst v63  }
0xd2: {  	_ =	swait.ge [sflag:s14], $0x2800  }
0xd3: {  	[sflag:s14] =	ssyncset.done $0x0  }
0xd4: {  	s1 =	sadd.s32 $0xF0, s31;
	[sflag:s14] =	ssyncadd.s32 $0xFFFFD800  }
0xd5: {  	[tilespmem:s17], [sflag:$0x1] =	stream.indirect.gather [hbm4b:s4+s16], $0x80, s1, s16, $0xb8;
	[tilespmem:$0x1DC00] =	vst v63  }
0xd6: {  	_ =	swait.ge [sflag:s21], $0x2800  }
0xd7: {  	[sflag:s21] =	ssyncset.done $0x0  }
0xd8: {  	s5 =	sadd.s32 $0x1450, s31;
	[sflag:s21] =	ssyncadd.s32 $0xFFFFD800  }
0xd9: {  	[spmem:s2] =	stream.indirect.scatter.add.f32 [tilespmem:s18], [sflag:$0x4], $0x80, s5, s16, $0xb8;
	[tilespmem:$0x1DC00] =	vst v63  }
0xda: {  	_ =	swait.ge [sflag:s14], $0x2800  }
0xdb: {  	[sflag:s14] =	ssyncset.done $0x0  }
0xdc: {  	s7 =	sadd.s32 $0x140, s31;
	[sflag:s14] =	ssyncadd.s32 $0xFFFFD800  }
0xdd: {  	[tilespmem:s18], [sflag:$0x2] =	stream.indirect.gather [hbm4b:s4+s16], $0x80, s7, s16, $0xb8;
	[tilespmem:$0x1DC00] =	vst v63  }
0xde: {  	_ =	swait.ge [sflag:s22], $0x2800  }
0xdf: {  	[sflag:s22] =	ssyncset.done $0x0  }
0xe0: {  	s31 =	sadd.s32 $0x14A0, s31;
	[sflag:s22] =	ssyncadd.s32 $0xFFFFD800  }
0xe1: {  	[spmem:s2] =	stream.indirect.scatter.add.f32 [tilespmem:s19], [sflag:$0x4], $0x80, s31, s16, $0xb8;
	[tilespmem:$0x1DC00] =	vst v63  }
0xe2: {  	_ =	swait.ge [sflag:s14], $0x2800  }
0xe3: {  	[sflag:s14] =	ssyncset.done $0x0  }
0xe4: {  	[sflag:s14] =	ssyncadd.s32 $0xFFFFD800  }
0xe5: {  	[tilespmem:s19], [sflag:$0x3] =	stream.indirect.gather [hbm4b:s4+s16], $0x80, s23, s16, $0xb8;
	[tilespmem:$0x1DC00] =	vst v63  }
0xe6: {  	_ =	swait.ge [sflag:s20], $0x2800  }
0xe7: {  	[sflag:s20] =	ssyncset.done $0x0  }
0xe8: {  	[sflag:s20] =	ssyncadd.s32 $0xFFFFD800  }
0xe9: {  	[spmem:s2] =	stream.indirect.scatter.add.f32 [tilespmem:s17], [sflag:$0x4], $0x80, s24, s16, $0xb8;
	[tilespmem:$0x1DC00] =	vst v63  }
0xea: {  	_ =	swait.ge [sflag:s14], $0x2800  }
0xeb: {  	[sflag:s14] =	ssyncset.done $0x0  }
0xec: {  	[sflag:s14] =	ssyncadd.s32 $0xFFFFD800  }
0xed: {  	[tilespmem:s17], [sflag:$0x1] =	stream.indirect.gather [hbm4b:s4+s16], $0x80, s25, s16, $0xb8;
	[tilespmem:$0x1DC00] =	vst v63  }
0xee: {  	_ =	swait.ge [sflag:s21], $0x2800  }
0xef: {  	[sflag:s21] =	ssyncset.done $0x0  }
0xf0: {  	[sflag:s21] =	ssyncadd.s32 $0xFFFFD800  }
0xf1: {  	[spmem:s2] =	stream.indirect.scatter.add.f32 [tilespmem:s18], [sflag:$0x4], $0x80, s26, s16, $0xb8;
	[tilespmem:$0x1DC00] =	vst v63  }
0xf2: {  	_ =	swait.ge [sflag:s14], $0x2800  }
0xf3: {  	[sflag:s14] =	ssyncset.done $0x0  }
0xf4: {  	[sflag:s14] =	ssyncadd.s32 $0xFFFFD800  }
0xf5: {  	_ =	swait.ge [sflag:s22], $0x2800  }
0xf6: {  	[sflag:s22] =	ssyncset.done $0x0  }
0xf7: {  	[sflag:s22] =	ssyncadd.s32 $0xFFFFD800  }
0xf8: {  	[spmem:s2] =	stream.indirect.scatter.add.f32 [tilespmem:s19], [sflag:$0x4], $0x80, s28, s16, $0xb8;
	[tilespmem:$0x1DC00] =	vst v63  }
0xf9: {  	_ =	swait.ge [sflag:s14], $0x2800  }
0xfa: {  	[sflag:s14] =	ssyncset.done $0x0  }
0xfb: {  	[sflag:s14] =	ssyncadd.s32 $0xFFFFD800  }
0xfc: {  	_ =	swait.ge [sflag:s20], $0x2800  }
0xfd: {  	[sflag:s20] =	ssyncset.done $0x0  }
0xfe: {  	[sflag:s20] =	ssyncadd.s32 $0xFFFFD800  }
0xff: {  	[spmem:s2] =	stream.indirect.scatter.add.f32 [tilespmem:s17], [sflag:$0x4], $0x80, s29, s16, $0xb8;
	[tilespmem:$0x1DC00] =	vst v63  }
0x100: {  	_ =	swait.ge [sflag:s14], $0x2800  }
0x101: {  	s30 =	sadd.s32 $0x1, s30;
	[sflag:s14] =	ssyncset.done $0x0  }
0x102: {  	p0 =	sne.s32 s30, s12;
	[sflag:s14] =	ssyncadd.s32 $0xFFFFD800  }
.Ltmp2:
0x103: {  	[bflag:$0x0] =	sbarrier.arrive $0xFFFF;
	(pc) =	sbr.rel @p0 .LBB2_1-.Ltmp2, $4  }
0x104: {  	[hbm:s11], [sflag:s6] =	dma.local [spmem:s13], $0x2780  }
0x105: {  	_ =	swait.ge [sflag:s14], $0x2780  }
0x106: {  	[sflag:s14] =	ssyncset.done $0x0  }
0x107: {  	[sflag:s14] =	ssyncadd.s32 $0xFFFFD880  }
0x108: {  	_ =	sfence.sel $0x180000  }
0x109: {  	[bflag:$0x0] =	sbarrier.arrive $0xFFFF  }
0x10a: {  	_ =	strace $0x9000004A  }
0x10b: {  	s0 =	stileid.u32;
	[bflag:$0x2] =	sbarrier.arrive $0xFFFF  }
0x10c: {  	p0 =	sne.s32 s0, $0x0;
	s0 =	rddreg [dreg:$0x3]  }
0x10d: {  	s0 =	sadd.s32 @!p0 $0x100000, s0  }
0x10e: {  	[sflag:s0] =	ssyncadd.tile.s32 @!p0 $0x1;
	_ =	shalt  }
.Lfunc_end2:
_tile_overlayer_lowered:
.L_overlay_start_2:
0x10f: {  	(tag) =	ssettag $0x2  }
0x110: {  	s0 =	rddreg [dreg:$0x0];
	s2 =	stileid.u32  }
0x111: {  	s1 =	rddreg [dreg:$0x1];
	p0 =	sne.s32 s2, $0x0  }
0x112: {  	s3 =	rddreg [dreg:$0x2];
	[bflag:$0x3] =	sbarrier.arrive $0xFFFF;
	s2 =	simm.s32 @!p0 $0x1C04  }
0x113: {  	[timem:s3], [sflag:s2] =	dma.local @!p0 [hbm:s0], s1  }
0x114: {  	s0 =	simm.s32 @!p0 $0x4  }
0x115: {  	_ =	swait.ge @!p0 [sflag:s0], s1  }
0x116: {  	s1 =	ssub.s32 @!p0 $0x0, s1;
	[sflag:s0] =	ssyncset.done @!p0 $0x0  }
0x117: {  	[sflag:s0] =	ssyncadd.s32 @!p0 s1  }
0x118: {  	[bflag:$0x3] =	sbarrier.arrive $0xFFFF  }
0x119: {  	_ =	shalt  }

// kernel: kernel.17.cloned.1.call-start
scs
__scs_entry_jumppad:
0x0: {  	(pc) =	sbr.rel $0x88, $3  }
0x1: {  	(tag) =	ssettag $0x0;
	lr =	simm.s32 $0x1  }
0x2: {  	[smem:$0x3F8C] =	sst lr;
	_ =	strace $0xD0000000  }
0x3: {  	_ = 	snop  }
0x4: {  	_ = 	snop  }
0x5: {  	_ = 	snop  }
0x6: {  	_ = 	snop  }
0x7: {  	_ = 	snop  }
__scs_overlays_trampoline_lowered:
0x8: {  	[smem:$0x3F9B] =	sst s0  }
0x9: {  	[smem:$0x3F9C] =	sst s1  }
0xa: {  	[smem:$0x3F9D] =	sst s2  }
0xb: {  	[smem:$0x3F9E] =	sst s3  }
0xc: {  	[smem:$0x3F9F] =	sst s4  }
0xd: {  	[smem:$0x3FA0] =	sst s5  }
0xe: {  	[smem:$0x3FA1] =	sst s6  }
0xf: {  	[smem:$0x3FA2] =	sst s7  }
0x10: {  	[smem:$0x3FA3] =	sst s8  }
0x11: {  	[smem:$0x3FA4] =	sst s9;
	s0 =	simm.s32 @!p0 $0x0  }
0x12: {  	s1 =	sld [smem:$0x3F8A];
	s0 =	simm.s32 @p0 $0x1  }
0x13: {  	[smem:$0x3FA5] =	sst s0;
	s0 =	simm.s32 @!p1 $0x0  }
0x14: {  	s2 =	sld [smem:$0x3F89];
	s0 =	simm.s32 @p1 $0x1  }
0x15: {  	[smem:$0x3FA6] =	sst s0;
	s0 =	simm.s32 @!p2 $0x0  }
0x16: {  	s3 =	sld [smem:$0x3FDB];
	s0 =	simm.s32 @p2 $0x1  }
0x17: {  	s4 =	simm.s32 $0x1BF5;
	[smem:$0x3FA8] =	sst s0  }
0x18: {  	s0 =	sld [smem:$0x3F8B];
	_ =	swait.ge [sflag:s4], $0x0  }
0x19: {  	s7 =	sld [smem:$0x3F8C]  }
0x1a: {  	s8 =	sadd.s32 $0xFFFFE003, lr  }
0x1b: {  	s9 =	sadd.s32 $0xFFFFFEF7, lr;
	s5 =	simm.s32 $0xFFFFFFFF;
	p2 =	slt.u32 s8, $0xFFFFF086  }
0x1c: {  	p1 =	slt.u32 s9, $0xF7A;
	s5 =	simm.s32 @!p2 $0x0  }
0x1d: {  	s5 =	simm.s32 @p1 $0x1;
	p0 =	seq.s32 s7, s2  }
0x1e: {  	s7 =	smul.u32 @!p0 $0xF7A, s2;
	p2 =	seq.s32 @!p0 s5, $0x0  }
0x1f: {  	s9 =	smul.u32 $0xF7A, s1;
	s8 =	simm.s32 @!p0 $0x1BF5;
	p2 =	por !p2, p0  }
0x20: {  	[sflag:s8] =	ssyncset.s32 @!p0 $0xFFFFF086;
	s6 =	sadd.s32 @!p0 s3, s7;
	s7 =	simm.s32 @!p0 $0x108  }
0x21: {  	s3 =	sadd.s32 s3, s9;
	s6 =	sadd.s32 @!p0 $0x88, s6;
	s7 =	simm.s32 @p2 $0x1082  }
0x22: {  	[simem:s7], [sflag:s8] =	dma.local @!p0 [hbm:s6], $0xF7A  }
0x23: {  	s9 =	sor.u32 $0xD0000000, s2;
	s6 =	simm.s32 $0x108;
	_ =	swait.ge @!p0 [sflag:s8], $0x0  }
0x24: {  	s3 =	sadd.s32 $0x88, s3;
	s6 =	simm.s32 @!p1 $0x1082;
	[sflag:s4] =	ssyncset.s32 $0xFFFFF086  }
0x25: {  	[simem:s6], [sflag:s4] =	dma.local [hbm:s3], $0xF7A  }
0x26: {  	[smem:$0x3F8C] =	sst s1;
	(tag) =	ssettag s2;
	_ =	strace s9  }
0x27: {  	s1 =	sld [smem:$0x3F9C]  }
0x28: {  	s2 =	sld [smem:$0x3F9D]  }
0x29: {  	s4 =	sld [smem:$0x3F9F]  }
0x2a: {  	p0 =	seq.s32 s5, $0x0;
	s5 =	sld [smem:$0x3FA0]  }
0x2b: {  	s6 =	sld [smem:$0x3FA1]  }
0x2c: {  	s7 =	sld [smem:$0x3FA2]  }
0x2d: {  	s3 =	simm.s32 $0x108;
	s8 =	sld [smem:$0x3FA3]  }
0x2e: {  	s3 =	simm.s32 @!p0 $0x1082;
	s9 =	sld [smem:$0x3FA4]  }
0x2f: {  	lr =	sadd.s32 s0, s3;
	s0 =	sld [smem:$0x3F9B]  }
0x30: {  	s3 =	sld [smem:$0x3F9E]  }
0x31: {  	[smem:$0x3FA7] =	sst s10  }
0x32: {  	s10 =	sld [smem:$0x3FA5];
	_ =	sdelay $0x3  }
0x33: {  	p0 =	seq.s32 s10, $0x1;
	s10 =	sld [smem:$0x3FA7];
	_ =	sdelay $0x3  }
0x34: {  	[smem:$0x3FA7] =	sst s10  }
0x35: {  	s10 =	sld [smem:$0x3FA6];
	_ =	sdelay $0x3  }
0x36: {  	p1 =	seq.s32 s10, $0x1;
	s10 =	sld [smem:$0x3FA7];
	_ =	sdelay $0x3  }
0x37: {  	[smem:$0x3FA7] =	sst s10  }
0x38: {  	s10 =	sld [smem:$0x3FA8]  }
0x39: {  	_ = 	snop;
	(pc) =	sbr.ind lr, $3  }
0x3a: {  	_ = 	snop  }
0x3b: {  	_ = 	snop  }
0x3c: {  	p2 =	seq.s32 s10, $0x1;
	s10 =	sld [smem:$0x3FA7]  }
0x3d: {  	_ =	shalt  }
0x3e: {  	_ =	shalt  }
0x3f: {  	_ =	shalt  }
0x40: {  	_ =	shalt  }
0x41: {  	_ =	shalt  }
0x42: {  	_ =	shalt  }
0x43: {  	_ =	shalt  }
0x44: {  	_ =	shalt  }
0x45: {  	_ =	shalt  }
0x46: {  	_ =	shalt  }
0x47: {  	_ =	shalt  }
0x48: {  	_ =	shalt  }
0x49: {  	_ =	shalt  }
0x4a: {  	_ =	shalt  }
0x4b: {  	_ =	shalt  }
0x4c: {  	_ =	shalt  }
0x4d: {  	_ =	shalt  }
0x4e: {  	_ =	shalt  }
0x4f: {  	_ =	shalt  }
0x50: {  	_ =	shalt  }
0x51: {  	_ =	shalt  }
0x52: {  	_ =	shalt  }
0x53: {  	_ =	shalt  }
0x54: {  	_ =	shalt  }
0x55: {  	_ =	shalt  }
0x56: {  	_ =	shalt  }
0x57: {  	_ =	shalt  }
0x58: {  	_ =	shalt  }
0x59: {  	_ =	shalt  }
0x5a: {  	_ =	shalt  }
0x5b: {  	_ =	shalt  }
0x5c: {  	_ =	shalt  }
0x5d: {  	_ =	shalt  }
0x5e: {  	_ =	shalt  }
0x5f: {  	_ =	shalt  }
0x60: {  	_ =	shalt  }
0x61: {  	_ =	shalt  }
0x62: {  	_ =	shalt  }
0x63: {  	_ =	shalt  }
0x64: {  	_ =	shalt  }
0x65: {  	_ =	shalt  }
0x66: {  	_ =	shalt  }
0x67: {  	_ =	shalt  }
0x68: {  	_ =	shalt  }
0x69: {  	_ =	shalt  }
0x6a: {  	_ =	shalt  }
0x6b: {  	_ =	shalt  }
0x6c: {  	_ =	shalt  }
0x6d: {  	_ =	shalt  }
0x6e: {  	_ =	shalt  }
0x6f: {  	_ =	shalt  }
0x70: {  	_ =	shalt  }
0x71: {  	_ =	shalt  }
0x72: {  	_ =	shalt  }
0x73: {  	_ =	shalt  }
0x74: {  	_ =	shalt  }
0x75: {  	_ =	shalt  }
0x76: {  	_ =	shalt  }
0x77: {  	_ =	shalt  }
0x78: {  	_ =	shalt  }
0x79: {  	_ =	shalt  }
0x7a: {  	_ =	shalt  }
0x7b: {  	_ =	shalt  }
0x7c: {  	_ =	shalt  }
0x7d: {  	_ =	shalt  }
0x7e: {  	_ =	shalt  }
0x7f: {  	_ =	shalt  }
0x80: {  	_ =	shalt  }
0x81: {  	_ =	shalt  }
0x82: {  	_ =	shalt  }
0x83: {  	_ =	shalt  }
0x84: {  	_ =	shalt  }
0x85: {  	_ =	shalt  }
0x86: {  	_ =	shalt  }
0x87: {  	_ =	shalt  }
.Lfunc_end0:
.L_simem_size_0:
called_computation.2_lowered:
.L_overlay_start_0:
0x88: {  	s2 =	sld [smem:$0x3FD9]  }
0x89: {  	s3 =	sld [smem:$0x3FFE];
	_ =	sdelay $0x1  }
0x8a: {  	s1 =	srdreg.scid  }
0x8b: {  	s0 =	sand.u32 $0x1, s1  }
0x8c: {  	s17 =	sshll.u32 s0, $0xA;
	s2 =	sadd.s32 s3, s2  }
0x8d: {  	s2 =	sadd.s32 s2, s17  }
0x8e: {  	[smem:$0x3FB3] =	sst s2  }
0x8f: {  	_ = 	snop  }
0x90: {  	s2 =	sld [smem:$0x3FD0];
	(tm) =	ssettm $0x1  }
0x91: {  	s18 =	sld [smem:$0x3FFB];
	_ =	sdelay $0x3  }
0x92: {  	_ =	strace s18  }
0x93: {  	s3 =	sld [smem:$0x3FFC];
	_ =	sdelay $0x3  }
0x94: {  	_ =	strace s3  }
0x95: {  	s3 =	sld [smem:$0x3FFD];
	_ =	sdelay $0x3  }
0x96: {  	_ =	strace s3  }
0x97: {  	_ =	strace $0x8FFFFFFF  }
0x98: {  	s19 =	sld [smem:$0x3FDB];
	_ =	sdelay $0x1  }
0x99: {  	s4 =	simm.s32 $_scs_section_size  }
0x9a: {  	s5 =	simm.s32 $_size__tile_overlayer_lowered;
	s6 =	simm.s32 $_tile_overlayer_lowered  }
0x9b: {  	s22 =	simm.s32 $0x1BFF;
	s21 =	sshll.u32 s6, $0x1;
	s3 =	sadd.s32 s4, s19  }
0x9c: {  	s7 =	simm.s32 $0x0;
	s20 =	sshll.u32 s5, $0x1;
	s5 =	sadd.s32 s21, s3  }
0x9d: {  	[timem:s7], [sflag:s22] =	dma.local [hbm:s5], s20  }
0x9e: {  	_ =	swait.ge [sflag:s22], s20  }
0x9f: {  	s4 =	ssub.s32 $0x0, s20;
	[sflag:s22] =	ssyncset.done $0x0  }
0xa0: {  	[sflag:s22] =	ssyncadd.s32 s4;
	_ =	sdelay $0x1  }
0xa1: {  	s23 =	simm.s32 $0x1B8B  }
0xa2: {  	_ =	swait.ge [sflag:s23], $0x1  }
0xa3: {  	[sflag:s23] =	ssyncset.done $0x0  }
0xa4: {  	s25 =	simm.s32 $0x1B8E;
	s24 =	sld [smem:$0x3FFE];
	[sflag:s23] =	ssyncadd.s32 $0xFFFFFFFF  }
0xa5: {  	s26 =	simm.s32 $execute0_lowered;
	[smem:$0x3FD2] =	sst s25  }
0xa6: {  	s5 =	sshll.u32 s26, $0x1;
	_ =	strace $0x8000004C;
	[dreg:$0x1] =	wrdreg $0xFFFFFFFF  }
0xa7: {  	s28 =	simm.s32 $_size_execute0_lowered;
	s3 =	sadd.s32 s3, s5;
	[dreg:$0x0] =	wrdreg $0x0  }
0xa8: {  	s5 =	sshll.u32 s28, $0x1;
	[dreg:$0x2] =	wrdreg s3  }
0xa9: {  	[dreg:$0x3] =	wrdreg s5  }
0xaa: {  	[dreg:$0x4] =	wrdreg $0xC0  }
0xab: {  	_ =	task [dreg:s7], $0x5FFFF  }
0xac: {  	[dreg:$0x1] =	wrdreg $0xFFFFFFFF  }
0xad: {  	[dreg:$0x0] =	wrdreg $0x60  }
0xae: {  	[dreg:$0x2] =	wrdreg s24  }
0xaf: {  	[dreg:$0x3] =	wrdreg s2  }
0xb0: {  	[dreg:$0x4] =	wrdreg $0xA0000  }
0xb1: {  	[dreg:$0x5] =	wrdreg $0x9  }
0xb2: {  	_ =	task.clear_ibuf [dreg:s7], $0x6FFFF;
	_ =	strace $0x9000004C  }
0xb3: {  	s29 =	simm.s32 $0x9;
	_ =	strace $0x8000004E  }
0xb4: {  	_ =	swait.ge [sflag:s29], $0x1  }
0xb5: {  	[sflag:s29] =	ssyncadd.s32 $0xFFFFFFFF  }
0xb6: {  	_ =	strace $0x9000004E  }
0xb7: {  	_ =	sfence  }
0xb8: {  	s30 =	sld [smem:$0x0];
	_ =	sdelay $0x2  }
0xb9: {  	s31 =	sshll.u32 s1, $0xD;
	s1 =	sshrl.u32 s1, $0x2  }
0xba: {  	s3 =	sand.u32 $0x4000, s31;
	s1 =	sadd.s32 s1, s30  }
0xbb: {  	s0 =	sor.u32 s3, s0;
	s1 =	sshll.u32 s1, $0x11  }
0xbc: {  	s0 =	sor.u32 s1, s0  }
0xbd: {  	s0 =	sadd.s32 $0x8F2B, s0  }
0xbe: {  	[sflag:s0] =	ssyncadd.remote.s32 $0x1  }
0xbf: {  	_ =	sfence.sel $0xFFFF  }
0xc0: {  	[dreg:$0x0] =	wrdreg $0xFFFFFFFF;
	(pc) =	sbr.abs _section_cstart, $3  }
0xc1: {  	[dreg:$0x1] =	wrdreg $0xFFFFFFFF  }
0xc2: {  	_ =	task.clear_ibuf [dreg:s7], $0x2FFFF;
	_ =	strace $0x9FFFFFFF  }
0xc3: {  	(tm) =	ssettm $0x7FFFFFFF  }
tec
execute0_lowered:
.L_overlay_start_1:
0x0: {  	(tag) =	ssettag $0x1  }
0x1: {  	s0 =	rddreg [dreg:$0x0]  }
0x2: {  	s9 =	rddreg [dreg:$0x1]  }
0x3: {  	s2 =	rddreg [dreg:$0x2];
	s1 =	stileid.u32  }
0x4: {  	s4 =	srdreg.scid;
	s3 =	simm.s32 $0x0;
	s15 =	simm.s32 $0x1400  }
0x5: {  	s16 =	simm.s32 $0x50;
	s17 =	simm.s32 $0x2800;
	s28 =	simm.s32 $0x2760  }
0x6: {  	s29 =	simm.s32 $0x27B0;
	s30 =	simm.s32 $0x0;
	s5 =	smul.u32 $0x13C00, s1  }
0x7: {  	s6 =	sand.u32 $0x1, s4;
	[smem:$0x7FF] =	sst s3;
	s4 =	sadd.s32 $0xD800, s0  }
0x8: {  	s10 =	sadd.s32 $0x3800, s0;
	s11 =	sshll.u32 s1, $0x1;
	s12 =	smul.u32 $0x4F000, s1  }
0x9: {  	s23 =	sshll.u32 s1, $0x6;
	s7 =	smul.u32 $0x13C000, s6;
	_ =	strace $0x8000004D  }
0xa: {  	s19 =	ssub.s32 $0x2, s6;
	s6 =	sor.u32 s6, s11;
	s8 =	sshrl.u32 s5, $0x3  }
0xb: {  	s20 =	sshrl.u32 s19, $0x1;
	s21 =	sshrl.u32 s12, $0x2;
	s22 =	smul.u32 $0x2800, s6  }
0xc: {  	s24 =	smul.u32 $0x500, s6;
	s6 =	sor.u32 $0x1C04, s23;
	s23 =	simm.s32 $0x1360  }
0xd: {  	s5 =	sadd.s32 s5, s7;
	s18 =	sadd.s32 s8, s0;
	s13 =	ssub.s32 s19, s20  }
0xe: {  	s14 =	sadd.s32 s21, s2;
	s19 =	simm.s32 $0x7800;
	s20 =	simm.s32 $0x1  }
0xf: {  	s21 =	simm.s32 $0x2;
	s5 =	sshrl.u32 s5, $0x3;
	s25 =	sadd.s32 $0x31AC00, s18  }
0x10: {  	s26 =	sshrl.u32 s22, $0x3;
	s31 =	sadd.s32 s9, s24;
	s8 =	sadd.s32 s10, s24  }
0x11: {  	s12 =	smax.u32 s13, $0x1;
	s13 =	sshrl.u32 s14, $0x3;
	s14 =	simm.s32 $0x4  }
0x12: {  	s18 =	simm.s32 $0x5000;
	s22 =	simm.s32 $0x3;
	[dreg:$0x4] =	wrdreg s25  }
0x13: {  	s24 =	simm.s32 $0x26C0;
	s0 =	sadd.s32 s5, s0;
	[dreg:$0x5] =	wrdreg s31  }
0x14: {  	s11 =	sadd.s32 $0x280, s26;
	s25 =	simm.s32 $0x13B0;
	s26 =	simm.s32 $0x2710  }
0x15: {  	s9 =	sadd.s32 s9, s11;
	s10 =	sadd.s32 s10, s11;
	s11 =	sadd.s32 $0x342400, s0  }
.LBB2_1:
0x16: {  	s0 =	rddreg [dreg:$0x4]  }
0x17: {  	[spmem:s13], [sflag:s6] =	dma.local [hbm:s0], $0x2780  }
0x18: {  	_ =	swait.ge [sflag:s14], $0x2780  }
0x19: {  	[sflag:s14] =	ssyncset.done $0x0  }
0x1a: {  	[sflag:s14] =	ssyncadd.s32 $0xFFFFD880  }
0x1b: {  	[bflag:$0x0] =	sbarrier.arrive $0xFFFF  }
0x1c: {  	s7 =	rddreg [dreg:$0x5]  }
0x1d: {  	[tilespmem:s3], [sflag:$0x4] =	stream.linear.gather [hbm4b:s7+s3], $0x1400, $0x38;
	[tilespmem:$0x1DC00] =	vst v63  }
0x1e: {  	_ =	swait.ge [sflag:s14], $0x1400  }
0x1f: {  	[sflag:s14] =	ssyncset.done $0x0  }
0x20: {  	[sflag:s14] =	ssyncadd.s32 $0xFFFFEC00  }
0x21: {  	[tilespmem:s15], [sflag:$0x4] =	stream.linear.gather [hbm4b:s8+s3], $0x1400, $0x38;
	[tilespmem:$0x1DC00] =	vst v63  }
0x22: {  	_ =	swait.ge [sflag:s14], $0x1400  }
0x23: {  	[sflag:s14] =	ssyncset.done $0x0  }
0x24: {  	[sflag:s14] =	ssyncadd.s32 $0xFFFFEC00  }
0x25: {  	[tilespmem:s17], [sflag:$0x1] =	stream.indirect.gather [hbm4b:s4+s16], $0x80, s3, s16, $0xb8;
	[tilespmem:$0x1DC00] =	vst v63  }
0x26: {  	_ = 	snop  }
0x27: {  	[tilespmem:s18], [sflag:$0x2] =	stream.indirect.gather [hbm4b:s4+s16], $0x80, s16, s16, $0xb8;
	[tilespmem:$0x1DC00] =	vst v63  }
0x28: {  	s1 =	simm.s32 $0xA0  }
0x29: {  	[tilespmem:s19], [sflag:$0x3] =	stream.indirect.gather [hbm4b:s4+s16], $0x80, s1, s16, $0xb8;
	[tilespmem:$0x1DC00] =	vst v63  }
0x2a: {  	_ =	swait.ge [sflag:s20], $0x2800  }
0x2b: {  	[sflag:s20] =	ssyncset.done $0x0  }
0x2c: {  	s5 =	simm.s32 $0x1400;
	[sflag:s20] =	ssyncadd.s32 $0xFFFFD800  }
0x2d: {  	[spmem:s2] =	stream.indirect.scatter.add.f32 [tilespmem:s17], [sflag:$0x4], $0x80, s5, s16, $0xb8;
	[tilespmem:$0x1DC00] =	vst v63  }
0x2e: {  	_ =	swait.ge [sflag:s14], $0x2800  }
0x2f: {  	[sflag:s14] =	ssyncset.done $0x0  }
0x30: {  	s7 =	simm.s32 $0xF0;
	[sflag:s14] =	ssyncadd.s32 $0xFFFFD800  }
0x31: {  	[tilespmem:s17], [sflag:$0x1] =	stream.indirect.gather [hbm4b:s4+s16], $0x80, s7, s16, $0xb8;
	[tilespmem:$0x1DC00] =	vst v63  }
0x32: {  	_ =	swait.ge [sflag:s21], $0x2800  }
0x33: {  	[sflag:s21] =	ssyncset.done $0x0  }
0x34: {  	s1 =	simm.s32 $0x1450;
	[sflag:s21] =	ssyncadd.s32 $0xFFFFD800  }
0x35: {  	[spmem:s2] =	stream.indirect.scatter.add.f32 [tilespmem:s18], [sflag:$0x4], $0x80, s1, s16, $0xb8;
	[tilespmem:$0x1DC00] =	vst v63  }
0x36: {  	_ =	swait.ge [sflag:s14], $0x2800  }
0x37: {  	[sflag:s14] =	ssyncset.done $0x0  }
0x38: {  	s5 =	simm.s32 $0x140;
	[sflag:s14] =	ssyncadd.s32 $0xFFFFD800  }
0x39: {  	[tilespmem:s18], [sflag:$0x2] =	stream.indirect.gather [hbm4b:s4+s16], $0x80, s5, s16, $0xb8;
	[tilespmem:$0x1DC00] =	vst v63  }
0x3a: {  	_ =	swait.ge [sflag:s22], $0x2800  }
0x3b: {  	[sflag:s22] =	ssyncset.done $0x0  }
0x3c: {  	s7 =	simm.s32 $0x14A0;
	[sflag:s22] =	ssyncadd.s32 $0xFFFFD800  }
0x3d: {  	[spmem:s2] =	stream.indirect.scatter.add.f32 [tilespmem:s19], [sflag:$0x4], $0x80, s7, s16, $0xb8;
	[tilespmem:$0x1DC00] =	vst v63  }
0x3e: {  	_ =	swait.ge [sflag:s14], $0x2800  }
0x3f: {  	s31 =	simm.s32 $0xF0;
	s0 =	simm.s32 $0x780;
	[sflag:s14] =	ssyncset.done $0x0  }
.LBB2_2:
0x40: {  	s1 =	sadd.s32 $0xA0, s31  }
0x41: {  	[sflag:s14] =	ssyncadd.s32 $0xFFFFD800;
	s5 =	smov.u32 s0;
	s7 =	sadd.s32 $0x3C0, s0  }
0x42: {  	[tilespmem:s19], [sflag:$0x3] =	stream.indirect.gather [hbm4b:s4+s16], $0x80, s1, s16, $0xb8;
	[tilespmem:$0x1DC00] =	vst v63  }
0x43: {  	p0 =	sne.s32 s0, $0x4740;
	_ =	swait.ge [sflag:s20], $0x2800  }
0x44: {  	[sflag:s20] =	ssyncset.done $0x0  }
0x45: {  	s0 =	sadd.s32 $0x1400, s31;
	[sflag:s20] =	ssyncadd.s32 $0xFFFFD800  }
0x46: {  	[spmem:s2] =	stream.indirect.scatter.add.f32 [tilespmem:s17], [sflag:$0x4], $0x80, s0, s16, $0xb8;
	[tilespmem:$0x1DC00] =	vst v63  }
0x47: {  	_ =	swait.ge [sflag:s14], $0x2800  }
0x48: {  	[sflag:s14] =	ssyncset.done $0x0  }
0x49: {  	s0 =	sadd.s32 $0xF0, s31;
	[sflag:s14] =	ssyncadd.s32 $0xFFFFD800  }
0x4a: {  	[tilespmem:s17], [sflag:$0x1] =	stream.indirect.gather [hbm4b:s4+s16], $0x80, s0, s16, $0xb8;
	[tilespmem:$0x1DC00] =	vst v63  }
0x4b: {  	_ =	swait.ge [sflag:s21], $0x2800  }
0x4c: {  	[sflag:s21] =	ssyncset.done $0x0  }
0x4d: {  	s0 =	sadd.s32 $0x1450, s31;
	[sflag:s21] =	ssyncadd.s32 $0xFFFFD800  }
0x4e: {  	[spmem:s2] =	stream.indirect.scatter.add.f32 [tilespmem:s18], [sflag:$0x4], $0x80, s0, s16, $0xb8;
	[tilespmem:$0x1DC00] =	vst v63  }
0x4f: {  	_ =	swait.ge [sflag:s14], $0x2800  }
0x50: {  	[sflag:s14] =	ssyncset.done $0x0  }
0x51: {  	s0 =	sadd.s32 $0x140, s31;
	[sflag:s14] =	ssyncadd.s32 $0xFFFFD800  }
0x52: {  	[tilespmem:s18], [sflag:$0x2] =	stream.indirect.gather [hbm4b:s4+s16], $0x80, s0, s16, $0xb8;
	[tilespmem:$0x1DC00] =	vst v63  }
0x53: {  	_ =	swait.ge [sflag:s22], $0x2800  }
.Ltmp0:
0x54: {  	[sflag:s22] =	ssyncset.done $0x0;
	(pc) =	sbr.rel @p0 .LBB2_2-.Ltmp0, $4  }
0x55: {  	s0 =	sadd.s32 $0x14A0, s31;
	[sflag:s22] =	ssyncadd.s32 $0xFFFFD800  }
0x56: {  	[spmem:s2] =	stream.indirect.scatter.add.f32 [tilespmem:s19], [sflag:$0x4], $0x80, s0, s16, $0xb8;
	[tilespmem:$0x1DC00] =	vst v63  }
0x57: {  	_ =	swait.ge [sflag:s14], $0x2800  }
0x58: {  	s31 =	sshra.s32 s5, $0x2;
	s0 =	smov.u32 s7;
	[sflag:s14] =	ssyncset.done $0x0  }
0x59: {  	s0 =	sadd.s32 $0xA0, s31;
	[sflag:s14] =	ssyncadd.s32 $0xFFFFD800  }
0x5a: {  	[tilespmem:s19], [sflag:$0x3] =	stream.indirect.gather [hbm4b:s4+s16], $0x80, s0, s16, $0xb8;
	[tilespmem:$0x1DC00] =	vst v63  }
0x5b: {  	_ =	swait.ge [sflag:s20], $0x2800  }
0x5c: {  	[sflag:s20] =	ssyncset.done $0x0  }
0x5d: {  	s1 =	sadd.s32 $0x1400, s31;
	[sflag:s20] =	ssyncadd.s32 $0xFFFFD800  }
0x5e: {  	[spmem:s2] =	stream.indirect.scatter.add.f32 [tilespmem:s17], [sflag:$0x4], $0x80, s1, s16, $0xb8;
	[tilespmem:$0x1DC00] =	vst v63  }
0x5f: {  	_ =	swait.ge [sflag:s14], $0x2800  }
0x60: {  	[sflag:s14] =	ssyncset.done $0x0  }
0x61: {  	s5 =	sadd.s32 $0xF0, s31;
	[sflag:s14] =	ssyncadd.s32 $0xFFFFD800  }
0x62: {  	[tilespmem:s17], [sflag:$0x1] =	stream.indirect.gather [hbm4b:s4+s16], $0x80, s5, s16, $0xb8;
	[tilespmem:$0x1DC00] =	vst v63  }
0x63: {  	_ =	swait.ge [sflag:s21], $0x2800  }
0x64: {  	[sflag:s21] =	ssyncset.done $0x0  }
0x65: {  	s7 =	sadd.s32 $0x1450, s31;
	[sflag:s21] =	ssyncadd.s32 $0xFFFFD800  }
0x66: {  	[spmem:s2] =	stream.indirect.scatter.add.f32 [tilespmem:s18], [sflag:$0x4], $0x80, s7, s16, $0xb8;
	[tilespmem:$0x1DC00] =	vst v63  }
0x67: {  	_ =	swait.ge [sflag:s14], $0x2800  }
0x68: {  	[sflag:s14] =	ssyncset.done $0x0  }
0x69: {  	s1 =	sadd.s32 $0x140, s31;
	[sflag:s14] =	ssyncadd.s32 $0xFFFFD800  }
0x6a: {  	[tilespmem:s18], [sflag:$0x2] =	stream.indirect.gather [hbm4b:s4+s16], $0x80, s1, s16, $0xb8;
	[tilespmem:$0x1DC00] =	vst v63  }
0x6b: {  	_ =	swait.ge [sflag:s22], $0x2800  }
0x6c: {  	[sflag:s22] =	ssyncset.done $0x0  }
0x6d: {  	s5 =	sadd.s32 $0x14A0, s31;
	[sflag:s22] =	ssyncadd.s32 $0xFFFFD800  }
0x6e: {  	[spmem:s2] =	stream.indirect.scatter.add.f32 [tilespmem:s19], [sflag:$0x4], $0x80, s5, s16, $0xb8;
	[tilespmem:$0x1DC00] =	vst v63  }
0x6f: {  	_ =	swait.ge [sflag:s14], $0x2800  }
0x70: {  	[sflag:s14] =	ssyncset.done $0x0  }
0x71: {  	[sflag:s14] =	ssyncadd.s32 $0xFFFFD800  }
0x72: {  	[tilespmem:s19], [sflag:$0x3] =	stream.indirect.gather [hbm4b:s4+s16], $0x80, s23, s16, $0xb8;
	[tilespmem:$0x1DC00] =	vst v63  }
0x73: {  	_ =	swait.ge [sflag:s20], $0x2800  }
0x74: {  	[sflag:s20] =	ssyncset.done $0x0  }
0x75: {  	[sflag:s20] =	ssyncadd.s32 $0xFFFFD800  }
0x76: {  	[spmem:s2] =	stream.indirect.scatter.add.f32 [tilespmem:s17], [sflag:$0x4], $0x80, s24, s16, $0xb8;
	[tilespmem:$0x1DC00] =	vst v63  }
0x77: {  	_ =	swait.ge [sflag:s14], $0x2800  }
0x78: {  	[sflag:s14] =	ssyncset.done $0x0  }
0x79: {  	[sflag:s14] =	ssyncadd.s32 $0xFFFFD800  }
0x7a: {  	[tilespmem:s17], [sflag:$0x1] =	stream.indirect.gather [hbm4b:s4+s16], $0x80, s25, s16, $0xb8;
	[tilespmem:$0x1DC00] =	vst v63  }
0x7b: {  	_ =	swait.ge [sflag:s21], $0x2800  }
0x7c: {  	[sflag:s21] =	ssyncset.done $0x0  }
0x7d: {  	[sflag:s21] =	ssyncadd.s32 $0xFFFFD800  }
0x7e: {  	[spmem:s2] =	stream.indirect.scatter.add.f32 [tilespmem:s18], [sflag:$0x4], $0x80, s26, s16, $0xb8;
	[tilespmem:$0x1DC00] =	vst v63  }
0x7f: {  	_ =	swait.ge [sflag:s14], $0x2800  }
0x80: {  	[sflag:s14] =	ssyncset.done $0x0  }
0x81: {  	[sflag:s14] =	ssyncadd.s32 $0xFFFFD800  }
0x82: {  	_ =	swait.ge [sflag:s22], $0x2800  }
0x83: {  	[sflag:s22] =	ssyncset.done $0x0  }
0x84: {  	[sflag:s22] =	ssyncadd.s32 $0xFFFFD800  }
0x85: {  	[spmem:s2] =	stream.indirect.scatter.add.f32 [tilespmem:s19], [sflag:$0x4], $0x80, s28, s16, $0xb8;
	[tilespmem:$0x1DC00] =	vst v63  }
0x86: {  	_ =	swait.ge [sflag:s14], $0x2800  }
0x87: {  	[sflag:s14] =	ssyncset.done $0x0  }
0x88: {  	[sflag:s14] =	ssyncadd.s32 $0xFFFFD800  }
0x89: {  	_ =	swait.ge [sflag:s20], $0x2800  }
0x8a: {  	[sflag:s20] =	ssyncset.done $0x0  }
0x8b: {  	[sflag:s20] =	ssyncadd.s32 $0xFFFFD800  }
0x8c: {  	[spmem:s2] =	stream.indirect.scatter.add.f32 [tilespmem:s17], [sflag:$0x4], $0x80, s29, s16, $0xb8;
	[tilespmem:$0x1DC00] =	vst v63  }
0x8d: {  	_ =	swait.ge [sflag:s14], $0x2800  }
0x8e: {  	[sflag:s14] =	ssyncset.done $0x0  }
0x8f: {  	s7 =	simm.s32 $0x0;
	[sflag:s14] =	ssyncadd.s32 $0xFFFFD800  }
0x90: {  	[tilespmem:s7], [sflag:$0x4] =	stream.linear.gather [hbm4b:s9+s7], $0x1400, $0x38;
	[tilespmem:$0x1DC00] =	vst v63  }
0x91: {  	_ =	swait.ge [sflag:s14], $0x1400  }
0x92: {  	[sflag:s14] =	ssyncset.done $0x0  }
0x93: {  	[sflag:s14] =	ssyncadd.s32 $0xFFFFEC00  }
0x94: {  	[tilespmem:s15], [sflag:$0x4] =	stream.linear.gather [hbm4b:s10+s7], $0x1400, $0x38;
	[tilespmem:$0x1DC00] =	vst v63  }
0x95: {  	_ =	swait.ge [sflag:s14], $0x1400  }
0x96: {  	[sflag:s14] =	ssyncset.done $0x0  }
0x97: {  	[sflag:s14] =	ssyncadd.s32 $0xFFFFEC00  }
0x98: {  	[tilespmem:s17], [sflag:$0x1] =	stream.indirect.gather [hbm4b:s4+s16], $0x80, s7, s16, $0xb8;
	[tilespmem:$0x1DC00] =	vst v63  }
0x99: {  	_ = 	snop  }
0x9a: {  	[tilespmem:s18], [sflag:$0x2] =	stream.indirect.gather [hbm4b:s4+s16], $0x80, s16, s16, $0xb8;
	[tilespmem:$0x1DC00] =	vst v63  }
0x9b: {  	s1 =	simm.s32 $0xA0  }
0x9c: {  	[tilespmem:s19], [sflag:$0x3] =	stream.indirect.gather [hbm4b:s4+s16], $0x80, s1, s16, $0xb8;
	[tilespmem:$0x1DC00] =	vst v63  }
0x9d: {  	_ =	swait.ge [sflag:s20], $0x2800  }
0x9e: {  	[sflag:s20] =	ssyncset.done $0x0  }
0x9f: {  	s5 =	simm.s32 $0x1400;
	[sflag:s20] =	ssyncadd.s32 $0xFFFFD800  }
0xa0: {  	[spmem:s2] =	stream.indirect.scatter.add.f32 [tilespmem:s17], [sflag:$0x4], $0x80, s5, s16, $0xb8;
	[tilespmem:$0x1DC00] =	vst v63  }
0xa1: {  	_ =	swait.ge [sflag:s14], $0x2800  }
0xa2: {  	[sflag:s14] =	ssyncset.done $0x0  }
0xa3: {  	s7 =	simm.s32 $0xF0;
	[sflag:s14] =	ssyncadd.s32 $0xFFFFD800  }
0xa4: {  	[tilespmem:s17], [sflag:$0x1] =	stream.indirect.gather [hbm4b:s4+s16], $0x80, s7, s16, $0xb8;
	[tilespmem:$0x1DC00] =	vst v63  }
0xa5: {  	_ =	swait.ge [sflag:s21], $0x2800  }
0xa6: {  	[sflag:s21] =	ssyncset.done $0x0  }
0xa7: {  	s1 =	simm.s32 $0x1450;
	[sflag:s21] =	ssyncadd.s32 $0xFFFFD800  }
0xa8: {  	[spmem:s2] =	stream.indirect.scatter.add.f32 [tilespmem:s18], [sflag:$0x4], $0x80, s1, s16, $0xb8;
	[tilespmem:$0x1DC00] =	vst v63  }
0xa9: {  	_ =	swait.ge [sflag:s14], $0x2800  }
0xaa: {  	[sflag:s14] =	ssyncset.done $0x0  }
0xab: {  	s5 =	simm.s32 $0x140;
	[sflag:s14] =	ssyncadd.s32 $0xFFFFD800  }
0xac: {  	[tilespmem:s18], [sflag:$0x2] =	stream.indirect.gather [hbm4b:s4+s16], $0x80, s5, s16, $0xb8;
	[tilespmem:$0x1DC00] =	vst v63  }
0xad: {  	_ =	swait.ge [sflag:s22], $0x2800  }
0xae: {  	[sflag:s22] =	ssyncset.done $0x0  }
0xaf: {  	s7 =	simm.s32 $0x14A0;
	[sflag:s22] =	ssyncadd.s32 $0xFFFFD800  }
0xb0: {  	[spmem:s2] =	stream.indirect.scatter.add.f32 [tilespmem:s19], [sflag:$0x4], $0x80, s7, s16, $0xb8;
	[tilespmem:$0x1DC00] =	vst v63  }
0xb1: {  	_ =	swait.ge [sflag:s14], $0x2800  }
0xb2: {  	s0 =	simm.s32 $0x780;
	s31 =	simm.s32 $0xF0;
	[sflag:s14] =	ssyncset.done $0x0  }
.LBB2_4:
0xb3: {  	s1 =	sadd.s32 $0xA0, s31  }
0xb4: {  	[sflag:s14] =	ssyncadd.s32 $0xFFFFD800;
	s5 =	smov.u32 s0;
	s7 =	sadd.s32 $0x3C0, s0  }
0xb5: {  	[tilespmem:s19], [sflag:$0x3] =	stream.indirect.gather [hbm4b:s4+s16], $0x80, s1, s16, $0xb8;
	[tilespmem:$0x1DC00] =	vst v63  }
0xb6: {  	p0 =	sne.s32 s0, $0x4740;
	_ =	swait.ge [sflag:s20], $0x2800  }
0xb7: {  	[sflag:s20] =	ssyncset.done $0x0  }
0xb8: {  	s0 =	sadd.s32 $0x1400, s31;
	[sflag:s20] =	ssyncadd.s32 $0xFFFFD800  }
0xb9: {  	[spmem:s2] =	stream.indirect.scatter.add.f32 [tilespmem:s17], [sflag:$0x4], $0x80, s0, s16, $0xb8;
	[tilespmem:$0x1DC00] =	vst v63  }
0xba: {  	_ =	swait.ge [sflag:s14], $0x2800  }
0xbb: {  	[sflag:s14] =	ssyncset.done $0x0  }
0xbc: {  	s0 =	sadd.s32 $0xF0, s31;
	[sflag:s14] =	ssyncadd.s32 $0xFFFFD800  }
0xbd: {  	[tilespmem:s17], [sflag:$0x1] =	stream.indirect.gather [hbm4b:s4+s16], $0x80, s0, s16, $0xb8;
	[tilespmem:$0x1DC00] =	vst v63  }
0xbe: {  	_ =	swait.ge [sflag:s21], $0x2800  }
0xbf: {  	[sflag:s21] =	ssyncset.done $0x0  }
0xc0: {  	s0 =	sadd.s32 $0x1450, s31;
	[sflag:s21] =	ssyncadd.s32 $0xFFFFD800  }
0xc1: {  	[spmem:s2] =	stream.indirect.scatter.add.f32 [tilespmem:s18], [sflag:$0x4], $0x80, s0, s16, $0xb8;
	[tilespmem:$0x1DC00] =	vst v63  }
0xc2: {  	_ =	swait.ge [sflag:s14], $0x2800  }
0xc3: {  	[sflag:s14] =	ssyncset.done $0x0  }
0xc4: {  	s0 =	sadd.s32 $0x140, s31;
	[sflag:s14] =	ssyncadd.s32 $0xFFFFD800  }
0xc5: {  	[tilespmem:s18], [sflag:$0x2] =	stream.indirect.gather [hbm4b:s4+s16], $0x80, s0, s16, $0xb8;
	[tilespmem:$0x1DC00] =	vst v63  }
0xc6: {  	_ =	swait.ge [sflag:s22], $0x2800  }
.Ltmp1:
0xc7: {  	[sflag:s22] =	ssyncset.done $0x0;
	(pc) =	sbr.rel @p0 .LBB2_4-.Ltmp1, $4  }
0xc8: {  	s0 =	sadd.s32 $0x14A0, s31;
	[sflag:s22] =	ssyncadd.s32 $0xFFFFD800  }
0xc9: {  	[spmem:s2] =	stream.indirect.scatter.add.f32 [tilespmem:s19], [sflag:$0x4], $0x80, s0, s16, $0xb8;
	[tilespmem:$0x1DC00] =	vst v63  }
0xca: {  	_ =	swait.ge [sflag:s14], $0x2800  }
0xcb: {  	s31 =	sshra.s32 s5, $0x2;
	s0 =	smov.u32 s7;
	[sflag:s14] =	ssyncset.done $0x0  }
0xcc: {  	s0 =	sadd.s32 $0xA0, s31;
	[sflag:s14] =	ssyncadd.s32 $0xFFFFD800  }
0xcd: {  	[tilespmem:s19], [sflag:$0x3] =	stream.indirect.gather [hbm4b:s4+s16], $0x80, s0, s16, $0xb8;
	[tilespmem:$0x1DC00] =	vst v63  }
0xce: {  	_ =	swait.ge [sflag:s20], $0x2800  }
0xcf: {  	[sflag:s20] =	ssyncset.done $0x0  }
0xd0: {  	s7 =	sadd.s32 $0x1400, s31;
	[sflag:s20] =	ssyncadd.s32 $0xFFFFD800  }
0xd1: {  	[spmem:s2] =	stream.indirect.scatter.add.f32 [tilespmem:s17], [sflag:$0x4], $0x80, s7, s16, $0xb8;
	[tilespmem:$0x1DC00] =	vst v63  }
0xd2: {  	_ =	swait.ge [sflag:s14], $0x2800  }
0xd3: {  	[sflag:s14] =	ssyncset.done $0x0  }
0xd4: {  	s1 =	sadd.s32 $0xF0, s31;
	[sflag:s14] =	ssyncadd.s32 $0xFFFFD800  }
0xd5: {  	[tilespmem:s17], [sflag:$0x1] =	stream.indirect.gather [hbm4b:s4+s16], $0x80, s1, s16, $0xb8;
	[tilespmem:$0x1DC00] =	vst v63  }
0xd6: {  	_ =	swait.ge [sflag:s21], $0x2800  }
0xd7: {  	[sflag:s21] =	ssyncset.done $0x0  }
0xd8: {  	s5 =	sadd.s32 $0x1450, s31;
	[sflag:s21] =	ssyncadd.s32 $0xFFFFD800  }
0xd9: {  	[spmem:s2] =	stream.indirect.scatter.add.f32 [tilespmem:s18], [sflag:$0x4], $0x80, s5, s16, $0xb8;
	[tilespmem:$0x1DC00] =	vst v63  }
0xda: {  	_ =	swait.ge [sflag:s14], $0x2800  }
0xdb: {  	[sflag:s14] =	ssyncset.done $0x0  }
0xdc: {  	s7 =	sadd.s32 $0x140, s31;
	[sflag:s14] =	ssyncadd.s32 $0xFFFFD800  }
0xdd: {  	[tilespmem:s18], [sflag:$0x2] =	stream.indirect.gather [hbm4b:s4+s16], $0x80, s7, s16, $0xb8;
	[tilespmem:$0x1DC00] =	vst v63  }
0xde: {  	_ =	swait.ge [sflag:s22], $0x2800  }
0xdf: {  	[sflag:s22] =	ssyncset.done $0x0  }
0xe0: {  	s31 =	sadd.s32 $0x14A0, s31;
	[sflag:s22] =	ssyncadd.s32 $0xFFFFD800  }
0xe1: {  	[spmem:s2] =	stream.indirect.scatter.add.f32 [tilespmem:s19], [sflag:$0x4], $0x80, s31, s16, $0xb8;
	[tilespmem:$0x1DC00] =	vst v63  }
0xe2: {  	_ =	swait.ge [sflag:s14], $0x2800  }
0xe3: {  	[sflag:s14] =	ssyncset.done $0x0  }
0xe4: {  	[sflag:s14] =	ssyncadd.s32 $0xFFFFD800  }
0xe5: {  	[tilespmem:s19], [sflag:$0x3] =	stream.indirect.gather [hbm4b:s4+s16], $0x80, s23, s16, $0xb8;
	[tilespmem:$0x1DC00] =	vst v63  }
0xe6: {  	_ =	swait.ge [sflag:s20], $0x2800  }
0xe7: {  	[sflag:s20] =	ssyncset.done $0x0  }
0xe8: {  	[sflag:s20] =	ssyncadd.s32 $0xFFFFD800  }
0xe9: {  	[spmem:s2] =	stream.indirect.scatter.add.f32 [tilespmem:s17], [sflag:$0x4], $0x80, s24, s16, $0xb8;
	[tilespmem:$0x1DC00] =	vst v63  }
0xea: {  	_ =	swait.ge [sflag:s14], $0x2800  }
0xeb: {  	[sflag:s14] =	ssyncset.done $0x0  }
0xec: {  	[sflag:s14] =	ssyncadd.s32 $0xFFFFD800  }
0xed: {  	[tilespmem:s17], [sflag:$0x1] =	stream.indirect.gather [hbm4b:s4+s16], $0x80, s25, s16, $0xb8;
	[tilespmem:$0x1DC00] =	vst v63  }
0xee: {  	_ =	swait.ge [sflag:s21], $0x2800  }
0xef: {  	[sflag:s21] =	ssyncset.done $0x0  }
0xf0: {  	[sflag:s21] =	ssyncadd.s32 $0xFFFFD800  }
0xf1: {  	[spmem:s2] =	stream.indirect.scatter.add.f32 [tilespmem:s18], [sflag:$0x4], $0x80, s26, s16, $0xb8;
	[tilespmem:$0x1DC00] =	vst v63  }
0xf2: {  	_ =	swait.ge [sflag:s14], $0x2800  }
0xf3: {  	[sflag:s14] =	ssyncset.done $0x0  }
0xf4: {  	[sflag:s14] =	ssyncadd.s32 $0xFFFFD800  }
0xf5: {  	_ =	swait.ge [sflag:s22], $0x2800  }
0xf6: {  	[sflag:s22] =	ssyncset.done $0x0  }
0xf7: {  	[sflag:s22] =	ssyncadd.s32 $0xFFFFD800  }
0xf8: {  	[spmem:s2] =	stream.indirect.scatter.add.f32 [tilespmem:s19], [sflag:$0x4], $0x80, s28, s16, $0xb8;
	[tilespmem:$0x1DC00] =	vst v63  }
0xf9: {  	_ =	swait.ge [sflag:s14], $0x2800  }
0xfa: {  	[sflag:s14] =	ssyncset.done $0x0  }
0xfb: {  	[sflag:s14] =	ssyncadd.s32 $0xFFFFD800  }
0xfc: {  	_ =	swait.ge [sflag:s20], $0x2800  }
0xfd: {  	[sflag:s20] =	ssyncset.done $0x0  }
0xfe: {  	[sflag:s20] =	ssyncadd.s32 $0xFFFFD800  }
0xff: {  	[spmem:s2] =	stream.indirect.scatter.add.f32 [tilespmem:s17], [sflag:$0x4], $0x80, s29, s16, $0xb8;
	[tilespmem:$0x1DC00] =	vst v63  }
0x100: {  	_ =	swait.ge [sflag:s14], $0x2800  }
0x101: {  	s30 =	sadd.s32 $0x1, s30;
	[sflag:s14] =	ssyncset.done $0x0  }
0x102: {  	p0 =	sne.s32 s30, s12;
	[sflag:s14] =	ssyncadd.s32 $0xFFFFD800  }
.Ltmp2:
0x103: {  	[bflag:$0x0] =	sbarrier.arrive $0xFFFF;
	(pc) =	sbr.rel @p0 .LBB2_1-.Ltmp2, $4  }
0x104: {  	[hbm:s11], [sflag:s6] =	dma.local [spmem:s13], $0x2780  }
0x105: {  	_ =	swait.ge [sflag:s14], $0x2780  }
0x106: {  	[sflag:s14] =	ssyncset.done $0x0  }
0x107: {  	[sflag:s14] =	ssyncadd.s32 $0xFFFFD880  }
0x108: {  	_ =	sfence.sel $0x180000  }
0x109: {  	[bflag:$0x0] =	sbarrier.arrive $0xFFFF  }
0x10a: {  	_ =	strace $0x9000004D  }
0x10b: {  	s0 =	stileid.u32;
	[bflag:$0x2] =	sbarrier.arrive $0xFFFF  }
0x10c: {  	p0 =	sne.s32 s0, $0x0;
	s0 =	rddreg [dreg:$0x3]  }
0x10d: {  	s0 =	sadd.s32 @!p0 $0x100000, s0  }
0x10e: {  	[sflag:s0] =	ssyncadd.tile.s32 @!p0 $0x1;
	_ =	shalt  }
.Lfunc_end2:
_tile_overlayer_lowered:
.L_overlay_start_2:
0x10f: {  	(tag) =	ssettag $0x2  }
0x110: {  	s0 =	rddreg [dreg:$0x0];
	s2 =	stileid.u32  }
0x111: {  	s1 =	rddreg [dreg:$0x1];
	p0 =	sne.s32 s2, $0x0  }
0x112: {  	s3 =	rddreg [dreg:$0x2];
	[bflag:$0x3] =	sbarrier.arrive $0xFFFF;
	s2 =	simm.s32 @!p0 $0x1C04  }
0x113: {  	[timem:s3], [sflag:s2] =	dma.local @!p0 [hbm:s0], s1  }
0x114: {  	s0 =	simm.s32 @!p0 $0x4  }
0x115: {  	_ =	swait.ge @!p0 [sflag:s0], s1  }
0x116: {  	s1 =	ssub.s32 @!p0 $0x0, s1;
	[sflag:s0] =	ssyncset.done @!p0 $0x0  }
0x117: {  	[sflag:s0] =	ssyncadd.s32 @!p0 s1  }
0x118: {  	[bflag:$0x3] =	sbarrier.arrive $0xFFFF  }
0x119: {  	_ =	shalt  }

</sc_bundles>
